<compile_context>
chip_gen: v7x
topology: tpu7x:2x2x1
jax: 0.10.2.dev20260603
libtpu: 0.0.44.dev20260713+nightly
codegen_flags: <defaults>
</compile_context>

<pallas_src>
import numpy as np
import jax
import jax.numpy as jnp
from jax import lax
from jax.experimental import pallas as pl
from jax.experimental.pallas import tpu as pltpu
from jax.experimental.pallas import tpu_sc as plsc

_N = 512

_rng = np.random.default_rng(0)
_off = _rng.integers(-2, 0, size=2)
_CY = _N // 2 + int(_off[0])
_CX = _N // 2 + int(_off[1])
_MAXR = int((_N // 2 - 1) * 0.6)
_MINR = int((_N // 2 - 1) * 0.1)
_L = int(_rng.integers(_MINR, _MAXR))
_S = int(_rng.integers(0, _L))
_L2 = _L * _L
_S2 = _S * _S

_R0 = ((_CY - _L + 1) // 8) * 8
_R1 = -((-(_CY + _L)) // 8) * 8
_C0 = ((_CX - _L + 1) // 128) * 128
_C1 = -((-(_CX + _L)) // 128) * 128
_BBR = _R1 - _R0
_BBC = _C1 - _C0

_NIMG = 96
_NW = 32
_IPW = _NIMG // _NW

_ZR = 96
_LANES = 16


def _sc_body(x_hbm, out_hbm, zero_v, band_v, cd_v, zsem):
    wid = lax.axis_index("s") * 2 + lax.axis_index("c")

    zv = jnp.zeros((_LANES,), jnp.float32)
    for k in range(_BBC // _LANES):
        c = _C0 + k * _LANES + lax.iota(jnp.int32, _LANES)
        cd = c - _CX
        cd_v[pl.ds(k * _LANES, _LANES)] = cd * cd

    def _zrow(i, carry):
        for k in range(_N // _LANES):
            zero_v[i, pl.ds(k * _LANES, _LANES)] = zv
        return carry

    lax.fori_loop(0, _ZR, _zrow, 0)

    for t in range(_IPW):
        img = wid * _IPW + t
        zcopies = [
            pltpu.async_copy(zero_v.at[:, :], out_hbm.at[img, pl.ds(0, _ZR), :], zsem),
            pltpu.async_copy(zero_v.at[pl.ds(0, _R0 - _ZR), :],
                             out_hbm.at[img, pl.ds(_ZR, _R0 - _ZR), :], zsem),
            pltpu.async_copy(zero_v.at[:, :], out_hbm.at[img, pl.ds(_R1, _ZR), :], zsem),
            pltpu.async_copy(zero_v.at[pl.ds(0, _N - _R1 - _ZR), :],
                             out_hbm.at[img, pl.ds(_R1 + _ZR, _N - _R1 - _ZR), :], zsem),
            pltpu.async_copy(zero_v.at[:, pl.ds(0, _C0)],
                             out_hbm.at[img, pl.ds(_R0, _ZR), pl.ds(0, _C0)], zsem),
            pltpu.async_copy(zero_v.at[pl.ds(0, _BBR - _ZR), pl.ds(0, _C0)],
                             out_hbm.at[img, pl.ds(_R0 + _ZR, _BBR - _ZR), pl.ds(0, _C0)], zsem),
            pltpu.async_copy(zero_v.at[:, pl.ds(0, _N - _C1)],
                             out_hbm.at[img, pl.ds(_R0, _ZR), pl.ds(_C1, _N - _C1)], zsem),
            pltpu.async_copy(zero_v.at[pl.ds(0, _BBR - _ZR), pl.ds(0, _N - _C1)],
                             out_hbm.at[img, pl.ds(_R0 + _ZR, _BBR - _ZR), pl.ds(_C1, _N - _C1)], zsem),
        ]

        pltpu.sync_copy(x_hbm.at[img, pl.ds(_R0, _BBR), pl.ds(_C0, _BBC)], band_v)

        def _row(i, carry):
            dr = _R0 + i - _CY
            dr2 = dr * dr
            for k in range(_BBC // _LANES):
                sl = pl.ds(k * _LANES, _LANES)
                d2 = dr2 + cd_v[sl]
                m = (d2 < _L2) & (d2 >= _S2)
                band_v[i, sl] = jnp.where(m, band_v[i, sl], 0.0)
            return carry

        lax.fori_loop(0, _BBR, _row, 0)

        pltpu.sync_copy(band_v, out_hbm.at[img, pl.ds(_R0, _BBR), pl.ds(_C0, _BBC)])
        for h in zcopies:
            h.wait()


def _make_sc_call(interpret=False):
    return pl.kernel(
        _sc_body,
        out_type=jax.ShapeDtypeStruct((_NIMG, _N, _N), jnp.float32),
        mesh=plsc.VectorSubcoreMesh(core_axis_name="c", subcore_axis_name="s",
                                    num_cores=2, num_subcores=16),
        scratch_types=[
            pltpu.VMEM((_ZR, _N), jnp.float32),
            pltpu.VMEM((_BBR, _BBC), jnp.float32),
            pltpu.VMEM((_BBC,), jnp.int32),
            pltpu.SemaphoreType.DMA,
        ],
        interpret=interpret,
    )


_sc_call = _make_sc_call()


def kernel(x):
    xr = x.reshape(_NIMG, _N, _N)
    return _sc_call(xr).reshape(x.shape)

# --- scband reference (transcript-rebuilt; emitter-appended) ---
"""Pipeline reference for scband-annulus-occlusion-9448928051616 (READ-ONLY COPY).

The authoritative reference and input builder live on the scoring server;
editing this copy changes nothing except your own understanding.
"""

import jax, jax.numpy as jnp
import numpy as np

N_PIXELS = 512
INVERT = False


def _disk_coords(center, radius, shape):
    # Equivalent of skimage.draw.disk: pixel coords strictly inside the circle.
    rr, cc = np.mgrid[0:shape[0], 0:shape[1]]
    d2 = (rr - center[0]) ** 2 + (cc - center[1]) ** 2
    sel = d2 < float(radius) ** 2
    return rr[sel].astype(np.int32), cc[sel].astype(np.int32)


def _build_mask():
    # Deterministic stand-in for the torch.randint calls in the original module.
    rng = np.random.default_rng(0)
    off = rng.integers(-2, 0, size=2)
    center = (N_PIXELS // 2 + int(off[0]), N_PIXELS // 2 + int(off[1]))
    max_radius = int((N_PIXELS // 2 - 1) * 0.6)
    min_radius = int((N_PIXELS // 2 - 1) * 0.1)
    large_radius = int(rng.integers(min_radius, max_radius))
    small_radius = int(rng.integers(0, large_radius))
    lrr, lcc = _disk_coords(center, large_radius, (N_PIXELS, N_PIXELS))
    srr, scc = _disk_coords(center, small_radius, (N_PIXELS, N_PIXELS))
    mask = jnp.zeros((N_PIXELS, N_PIXELS), dtype=jnp.float32)
    # scatter-overwrite, mirroring mask[rr, cc] = 1 / = 0
    mask = mask.at[lrr, lcc].set(1.0)
    mask = mask.at[srr, scc].set(0.0)
    return mask


def setup_inputs(seed: int = 0) -> dict:
    key = jax.random.key(seed)
    x = jax.random.normal(key, (32, 3, N_PIXELS, N_PIXELS), dtype=jnp.float32)
    return {"x": x}


def reference(x):
    mask = _build_mask()
    if INVERT:
        y = (1.0 - mask) * x
    else:
        y = mask * x
    return y.reshape(x.shape)

if __name__ == "__main__":
    import jax
    _d = setup_inputs()
    print(jax.jit(kernel)(*tuple(_d.values())))

</pallas_src>

<mosaic_0001>
#map = affine_map<(d0, d1) -> (0, 0, 0)>
module attributes {stable_mosaic.version = 14 : i64} {
  func.func @_sc_body(%arg0: i32, %arg1: i32, %arg2: memref<96x512x512xf32, #tpu.memory_space<hbm>>, %arg3: memref<96x512x512xf32, #tpu.memory_space<hbm>>, %arg4: memref<96x512xf32, #tpu.memory_space<vmem>>, %arg5: memref<192x256xf32, #tpu.memory_space<vmem>>, %arg6: memref<256xi32, #tpu.memory_space<vmem>>, %arg7: memref<!tpu.dma_semaphore, #tpu.memory_space<semaphore_mem>>) attributes {dimension_semantics = [#tpu.dimension_semantics<core_parallel>, #tpu.dimension_semantics<subcore_parallel>], iteration_bounds = array<i64: 2, 16>, scalar_prefetch = 0 : i64, scratch_operands = 4 : i64, tpu.core_type = #tpu.core_type<sc_vector_subcore>, window_params = [{transform_indices = #map}, {transform_indices = #map}]} {
    %mul3A = arith.constant 2 : i32
    %mul3A_0 = arith.muli %arg1, %mul3A : i32
    %add3A = arith.addi %mul3A_0, %arg0 : i32
    %broadcast_in_dim3A = arith.constant 0.000000e+00 : f32
    %broadcast_in_dim3A_1 = vector.broadcast %broadcast_in_dim3A : f32 to vector<16xf32>
    %iota3A = tpu.iota {dimensions = array<i32: 0>} : vector<16xi32>
    %add3A_2 = arith.constant 128 : i32
    %add3A_3 = vector.broadcast %add3A_2 : i32 to vector<16xi32>
    %add3A_4 = arith.addi %add3A_3, %iota3A : vector<16xi32>
    %sub3A = arith.constant 255 : i32
    %sub3A_5 = vector.broadcast %sub3A : i32 to vector<16xi32>
    %sub3A_6 = arith.subi %add3A_4, %sub3A_5 : vector<16xi32>
    %mul3A_7 = arith.muli %sub3A_6, %sub3A_6 : vector<16xi32>
    %swap3A = arith.constant 0 : index
    %swap3A_8 = tpu.vector_load %arg6[%swap3A] {strides = array<i32>} : memref<256xi32, #tpu.memory_space<vmem>>, vector<16xi32>,
    %swap3A_9 = vector.shape_cast %swap3A_8 : vector<16xi32> to vector<16xi32>
    %swap3A_10 = vector.shape_cast %mul3A_7 : vector<16xi32> to vector<16xi32>
    tpu.vector_store %arg6[%swap3A], %swap3A_10 {strides = array<i32>} : memref<256xi32, #tpu.memory_space<vmem>>, vector<16xi32>,
    %iota3A_11 = tpu.iota {dimensions = array<i32: 0>} : vector<16xi32>
    %add3A_12 = arith.constant 144 : i32
    %add3A_13 = vector.broadcast %add3A_12 : i32 to vector<16xi32>
    %add3A_14 = arith.addi %add3A_13, %iota3A_11 : vector<16xi32>
    %sub3A_15 = arith.constant 255 : i32
    %sub3A_16 = vector.broadcast %sub3A_15 : i32 to vector<16xi32>
    %sub3A_17 = arith.subi %add3A_14, %sub3A_16 : vector<16xi32>
    %mul3A_18 = arith.muli %sub3A_17, %sub3A_17 : vector<16xi32>
    %swap3A_19 = arith.constant 16 : index
    %swap3A_20 = tpu.vector_load %arg6[%swap3A_19] {strides = array<i32>} : memref<256xi32, #tpu.memory_space<vmem>>, vector<16xi32>,
    %swap3A_21 = vector.shape_cast %swap3A_20 : vector<16xi32> to vector<16xi32>
    %swap3A_22 = vector.shape_cast %mul3A_18 : vector<16xi32> to vector<16xi32>
    tpu.vector_store %arg6[%swap3A_19], %swap3A_22 {strides = array<i32>} : memref<256xi32, #tpu.memory_space<vmem>>, vector<16xi32>,
    %iota3A_23 = tpu.iota {dimensions = array<i32: 0>} : vector<16xi32>
    %add3A_24 = arith.constant 160 : i32
    %add3A_25 = vector.broadcast %add3A_24 : i32 to vector<16xi32>
    %add3A_26 = arith.addi %add3A_25, %iota3A_23 : vector<16xi32>
    %sub3A_27 = arith.constant 255 : i32
    %sub3A_28 = vector.broadcast %sub3A_27 : i32 to vector<16xi32>
    %sub3A_29 = arith.subi %add3A_26, %sub3A_28 : vector<16xi32>
    %mul3A_30 = arith.muli %sub3A_29, %sub3A_29 : vector<16xi32>
    %swap3A_31 = arith.constant 32 : index
    %swap3A_32 = tpu.vector_load %arg6[%swap3A_31] {strides = array<i32>} : memref<256xi32, #tpu.memory_space<vmem>>, vector<16xi32>,
    %swap3A_33 = vector.shape_cast %swap3A_32 : vector<16xi32> to vector<16xi32>
    %swap3A_34 = vector.shape_cast %mul3A_30 : vector<16xi32> to vector<16xi32>
    tpu.vector_store %arg6[%swap3A_31], %swap3A_34 {strides = array<i32>} : memref<256xi32, #tpu.memory_space<vmem>>, vector<16xi32>,
    %iota3A_35 = tpu.iota {dimensions = array<i32: 0>} : vector<16xi32>
    %add3A_36 = arith.constant 176 : i32
    %add3A_37 = vector.broadcast %add3A_36 : i32 to vector<16xi32>
    %add3A_38 = arith.addi %add3A_37, %iota3A_35 : vector<16xi32>
    %sub3A_39 = arith.constant 255 : i32
    %sub3A_40 = vector.broadcast %sub3A_39 : i32 to vector<16xi32>
    %sub3A_41 = arith.subi %add3A_38, %sub3A_40 : vector<16xi32>
    %mul3A_42 = arith.muli %sub3A_41, %sub3A_41 : vector<16xi32>
    %swap3A_43 = arith.constant 48 : index
    %swap3A_44 = tpu.vector_load %arg6[%swap3A_43] {strides = array<i32>} : memref<256xi32, #tpu.memory_space<vmem>>, vector<16xi32>,
    %swap3A_45 = vector.shape_cast %swap3A_44 : vector<16xi32> to vector<16xi32>
    %swap3A_46 = vector.shape_cast %mul3A_42 : vector<16xi32> to vector<16xi32>
    tpu.vector_store %arg6[%swap3A_43], %swap3A_46 {strides = array<i32>} : memref<256xi32, #tpu.memory_space<vmem>>, vector<16xi32>,
    %iota3A_47 = tpu.iota {dimensions = array<i32: 0>} : vector<16xi32>
    %add3A_48 = arith.constant 192 : i32
    %add3A_49 = vector.broadcast %add3A_48 : i32 to vector<16xi32>
    %add3A_50 = arith.addi %add3A_49, %iota3A_47 : vector<16xi32>
    %sub3A_51 = arith.constant 255 : i32
    %sub3A_52 = vector.broadcast %sub3A_51 : i32 to vector<16xi32>
    %sub3A_53 = arith.subi %add3A_50, %sub3A_52 : vector<16xi32>
    %mul3A_54 = arith.muli %sub3A_53, %sub3A_53 : vector<16xi32>
    %swap3A_55 = arith.constant 64 : index
    %swap3A_56 = tpu.vector_load %arg6[%swap3A_55] {strides = array<i32>} : memref<256xi32, #tpu.memory_space<vmem>>, vector<16xi32>,
    %swap3A_57 = vector.shape_cast %swap3A_56 : vector<16xi32> to vector<16xi32>
    %swap3A_58 = vector.shape_cast %mul3A_54 : vector<16xi32> to vector<16xi32>
    tpu.vector_store %arg6[%swap3A_55], %swap3A_58 {strides = array<i32>} : memref<256xi32, #tpu.memory_space<vmem>>, vector<16xi32>,
    %iota3A_59 = tpu.iota {dimensions = array<i32: 0>} : vector<16xi32>
    %add3A_60 = arith.constant 208 : i32
    %add3A_61 = vector.broadcast %add3A_60 : i32 to vector<16xi32>
    %add3A_62 = arith.addi %add3A_61, %iota3A_59 : vector<16xi32>
    %sub3A_63 = arith.constant 255 : i32
    %sub3A_64 = vector.broadcast %sub3A_63 : i32 to vector<16xi32>
    %sub3A_65 = arith.subi %add3A_62, %sub3A_64 : vector<16xi32>
    %mul3A_66 = arith.muli %sub3A_65, %sub3A_65 : vector<16xi32>
    %swap3A_67 = arith.constant 80 : index
    %swap3A_68 = tpu.vector_load %arg6[%swap3A_67] {strides = array<i32>} : memref<256xi32, #tpu.memory_space<vmem>>, vector<16xi32>,
    %swap3A_69 = vector.shape_cast %swap3A_68 : vector<16xi32> to vector<16xi32>
    %swap3A_70 = vector.shape_cast %mul3A_66 : vector<16xi32> to vector<16xi32>
    tpu.vector_store %arg6[%swap3A_67], %swap3A_70 {strides = array<i32>} : memref<256xi32, #tpu.memory_space<vmem>>, vector<16xi32>,
    %iota3A_71 = tpu.iota {dimensions = array<i32: 0>} : vector<16xi32>
    %add3A_72 = arith.constant 224 : i32
    %add3A_73 = vector.broadcast %add3A_72 : i32 to vector<16xi32>
    %add3A_74 = arith.addi %add3A_73, %iota3A_71 : vector<16xi32>
    %sub3A_75 = arith.constant 255 : i32
    %sub3A_76 = vector.broadcast %sub3A_75 : i32 to vector<16xi32>
    %sub3A_77 = arith.subi %add3A_74, %sub3A_76 : vector<16xi32>
    %mul3A_78 = arith.muli %sub3A_77, %sub3A_77 : vector<16xi32>
    %swap3A_79 = arith.constant 96 : index
    %swap3A_80 = tpu.vector_load %arg6[%swap3A_79] {strides = array<i32>} : memref<256xi32, #tpu.memory_space<vmem>>, vector<16xi32>,
    %swap3A_81 = vector.shape_cast %swap3A_80 : vector<16xi32> to vector<16xi32>
    %swap3A_82 = vector.shape_cast %mul3A_78 : vector<16xi32> to vector<16xi32>
    tpu.vector_store %arg6[%swap3A_79], %swap3A_82 {strides = array<i32>} : memref<256xi32, #tpu.memory_space<vmem>>, vector<16xi32>,
    %iota3A_83 = tpu.iota {dimensions = array<i32: 0>} : vector<16xi32>
    %add3A_84 = arith.constant 240 : i32
    %add3A_85 = vector.broadcast %add3A_84 : i32 to vector<16xi32>
    %add3A_86 = arith.addi %add3A_85, %iota3A_83 : vector<16xi32>
    %sub3A_87 = arith.constant 255 : i32
    %sub3A_88 = vector.broadcast %sub3A_87 : i32 to vector<16xi32>
    %sub3A_89 = arith.subi %add3A_86, %sub3A_88 : vector<16xi32>
    %mul3A_90 = arith.muli %sub3A_89, %sub3A_89 : vector<16xi32>
    %swap3A_91 = arith.constant 112 : index
    %swap3A_92 = tpu.vector_load %arg6[%swap3A_91] {strides = array<i32>} : memref<256xi32, #tpu.memory_space<vmem>>, vector<16xi32>,
    %swap3A_93 = vector.shape_cast %swap3A_92 : vector<16xi32> to vector<16xi32>
    %swap3A_94 = vector.shape_cast %mul3A_90 : vector<16xi32> to vector<16xi32>
    tpu.vector_store %arg6[%swap3A_91], %swap3A_94 {strides = array<i32>} : memref<256xi32, #tpu.memory_space<vmem>>, vector<16xi32>,
    %iota3A_95 = tpu.iota {dimensions = array<i32: 0>} : vector<16xi32>
    %add3A_96 = arith.constant 256 : i32
    %add3A_97 = vector.broadcast %add3A_96 : i32 to vector<16xi32>
    %add3A_98 = arith.addi %add3A_97, %iota3A_95 : vector<16xi32>
    %sub3A_99 = arith.constant 255 : i32
    %sub3A_100 = vector.broadcast %sub3A_99 : i32 to vector<16xi32>
    %sub3A_101 = arith.subi %add3A_98, %sub3A_100 : vector<16xi32>
    %mul3A_102 = arith.muli %sub3A_101, %sub3A_101 : vector<16xi32>
    %swap3A_103 = arith.constant 128 : index
    %swap3A_104 = tpu.vector_load %arg6[%swap3A_103] {strides = array<i32>} : memref<256xi32, #tpu.memory_space<vmem>>, vector<16xi32>,
    %swap3A_105 = vector.shape_cast %swap3A_104 : vector<16xi32> to vector<16xi32>
    %swap3A_106 = vector.shape_cast %mul3A_102 : vector<16xi32> to vector<16xi32>
    tpu.vector_store %arg6[%swap3A_103], %swap3A_106 {strides = array<i32>} : memref<256xi32, #tpu.memory_space<vmem>>, vector<16xi32>,
    %iota3A_107 = tpu.iota {dimensions = array<i32: 0>} : vector<16xi32>
    %add3A_108 = arith.constant 272 : i32
    %add3A_109 = vector.broadcast %add3A_108 : i32 to vector<16xi32>
    %add3A_110 = arith.addi %add3A_109, %iota3A_107 : vector<16xi32>
    %sub3A_111 = arith.constant 255 : i32
    %sub3A_112 = vector.broadcast %sub3A_111 : i32 to vector<16xi32>
    %sub3A_113 = arith.subi %add3A_110, %sub3A_112 : vector<16xi32>
    %mul3A_114 = arith.muli %sub3A_113, %sub3A_113 : vector<16xi32>
    %swap3A_115 = arith.constant 144 : index
    %swap3A_116 = tpu.vector_load %arg6[%swap3A_115] {strides = array<i32>} : memref<256xi32, #tpu.memory_space<vmem>>, vector<16xi32>,
    %swap3A_117 = vector.shape_cast %swap3A_116 : vector<16xi32> to vector<16xi32>
    %swap3A_118 = vector.shape_cast %mul3A_114 : vector<16xi32> to vector<16xi32>
    tpu.vector_store %arg6[%swap3A_115], %swap3A_118 {strides = array<i32>} : memref<256xi32, #tpu.memory_space<vmem>>, vector<16xi32>,
    %iota3A_119 = tpu.iota {dimensions = array<i32: 0>} : vector<16xi32>
    %add3A_120 = arith.constant 288 : i32
    %add3A_121 = vector.broadcast %add3A_120 : i32 to vector<16xi32>
    %add3A_122 = arith.addi %add3A_121, %iota3A_119 : vector<16xi32>
    %sub3A_123 = arith.constant 255 : i32
    %sub3A_124 = vector.broadcast %sub3A_123 : i32 to vector<16xi32>
    %sub3A_125 = arith.subi %add3A_122, %sub3A_124 : vector<16xi32>
    %mul3A_126 = arith.muli %sub3A_125, %sub3A_125 : vector<16xi32>
    %swap3A_127 = arith.constant 160 : index
    %swap3A_128 = tpu.vector_load %arg6[%swap3A_127] {strides = array<i32>} : memref<256xi32, #tpu.memory_space<vmem>>, vector<16xi32>,
    %swap3A_129 = vector.shape_cast %swap3A_128 : vector<16xi32> to vector<16xi32>
    %swap3A_130 = vector.shape_cast %mul3A_126 : vector<16xi32> to vector<16xi32>
    tpu.vector_store %arg6[%swap3A_127], %swap3A_130 {strides = array<i32>} : memref<256xi32, #tpu.memory_space<vmem>>, vector<16xi32>,
    %iota3A_131 = tpu.iota {dimensions = array<i32: 0>} : vector<16xi32>
    %add3A_132 = arith.constant 304 : i32
    %add3A_133 = vector.broadcast %add3A_132 : i32 to vector<16xi32>
    %add3A_134 = arith.addi %add3A_133, %iota3A_131 : vector<16xi32>
    %sub3A_135 = arith.constant 255 : i32
    %sub3A_136 = vector.broadcast %sub3A_135 : i32 to vector<16xi32>
    %sub3A_137 = arith.subi %add3A_134, %sub3A_136 : vector<16xi32>
    %mul3A_138 = arith.muli %sub3A_137, %sub3A_137 : vector<16xi32>
    %swap3A_139 = arith.constant 176 : index
    %swap3A_140 = tpu.vector_load %arg6[%swap3A_139] {strides = array<i32>} : memref<256xi32, #tpu.memory_space<vmem>>, vector<16xi32>,
    %swap3A_141 = vector.shape_cast %swap3A_140 : vector<16xi32> to vector<16xi32>
    %swap3A_142 = vector.shape_cast %mul3A_138 : vector<16xi32> to vector<16xi32>
    tpu.vector_store %arg6[%swap3A_139], %swap3A_142 {strides = array<i32>} : memref<256xi32, #tpu.memory_space<vmem>>, vector<16xi32>,
    %iota3A_143 = tpu.iota {dimensions = array<i32: 0>} : vector<16xi32>
    %add3A_144 = arith.constant 320 : i32
    %add3A_145 = vector.broadcast %add3A_144 : i32 to vector<16xi32>
    %add3A_146 = arith.addi %add3A_145, %iota3A_143 : vector<16xi32>
    %sub3A_147 = arith.constant 255 : i32
    %sub3A_148 = vector.broadcast %sub3A_147 : i32 to vector<16xi32>
    %sub3A_149 = arith.subi %add3A_146, %sub3A_148 : vector<16xi32>
    %mul3A_150 = arith.muli %sub3A_149, %sub3A_149 : vector<16xi32>
    %swap3A_151 = arith.constant 192 : index
    %swap3A_152 = tpu.vector_load %arg6[%swap3A_151] {strides = array<i32>} : memref<256xi32, #tpu.memory_space<vmem>>, vector<16xi32>,
    %swap3A_153 = vector.shape_cast %swap3A_152 : vector<16xi32> to vector<16xi32>
    %swap3A_154 = vector.shape_cast %mul3A_150 : vector<16xi32> to vector<16xi32>
    tpu.vector_store %arg6[%swap3A_151], %swap3A_154 {strides = array<i32>} : memref<256xi32, #tpu.memory_space<vmem>>, vector<16xi32>,
    %iota3A_155 = tpu.iota {dimensions = array<i32: 0>} : vector<16xi32>
    %add3A_156 = arith.constant 336 : i32
    %add3A_157 = vector.broadcast %add3A_156 : i32 to vector<16xi32>
    %add3A_158 = arith.addi %add3A_157, %iota3A_155 : vector<16xi32>
    %sub3A_159 = arith.constant 255 : i32
    %sub3A_160 = vector.broadcast %sub3A_159 : i32 to vector<16xi32>
    %sub3A_161 = arith.subi %add3A_158, %sub3A_160 : vector<16xi32>
    %mul3A_162 = arith.muli %sub3A_161, %sub3A_161 : vector<16xi32>
    %swap3A_163 = arith.constant 208 : index
    %swap3A_164 = tpu.vector_load %arg6[%swap3A_163] {strides = array<i32>} : memref<256xi32, #tpu.memory_space<vmem>>, vector<16xi32>,
    %swap3A_165 = vector.shape_cast %swap3A_164 : vector<16xi32> to vector<16xi32>
    %swap3A_166 = vector.shape_cast %mul3A_162 : vector<16xi32> to vector<16xi32>
    tpu.vector_store %arg6[%swap3A_163], %swap3A_166 {strides = array<i32>} : memref<256xi32, #tpu.memory_space<vmem>>, vector<16xi32>,
    %iota3A_167 = tpu.iota {dimensions = array<i32: 0>} : vector<16xi32>
    %add3A_168 = arith.constant 352 : i32
    %add3A_169 = vector.broadcast %add3A_168 : i32 to vector<16xi32>
    %add3A_170 = arith.addi %add3A_169, %iota3A_167 : vector<16xi32>
    %sub3A_171 = arith.constant 255 : i32
    %sub3A_172 = vector.broadcast %sub3A_171 : i32 to vector<16xi32>
    %sub3A_173 = arith.subi %add3A_170, %sub3A_172 : vector<16xi32>
    %mul3A_174 = arith.muli %sub3A_173, %sub3A_173 : vector<16xi32>
    %swap3A_175 = arith.constant 224 : index
    %swap3A_176 = tpu.vector_load %arg6[%swap3A_175] {strides = array<i32>} : memref<256xi32, #tpu.memory_space<vmem>>, vector<16xi32>,
    %swap3A_177 = vector.shape_cast %swap3A_176 : vector<16xi32> to vector<16xi32>
    %swap3A_178 = vector.shape_cast %mul3A_174 : vector<16xi32> to vector<16xi32>
    tpu.vector_store %arg6[%swap3A_175], %swap3A_178 {strides = array<i32>} : memref<256xi32, #tpu.memory_space<vmem>>, vector<16xi32>,
    %iota3A_179 = tpu.iota {dimensions = array<i32: 0>} : vector<16xi32>
    %add3A_180 = arith.constant 368 : i32
    %add3A_181 = vector.broadcast %add3A_180 : i32 to vector<16xi32>
    %add3A_182 = arith.addi %add3A_181, %iota3A_179 : vector<16xi32>
    %sub3A_183 = arith.constant 255 : i32
    %sub3A_184 = vector.broadcast %sub3A_183 : i32 to vector<16xi32>
    %sub3A_185 = arith.subi %add3A_182, %sub3A_184 : vector<16xi32>
    %mul3A_186 = arith.muli %sub3A_185, %sub3A_185 : vector<16xi32>
    %swap3A_187 = arith.constant 240 : index
    %swap3A_188 = tpu.vector_load %arg6[%swap3A_187] {strides = array<i32>} : memref<256xi32, #tpu.memory_space<vmem>>, vector<16xi32>,
    %swap3A_189 = vector.shape_cast %swap3A_188 : vector<16xi32> to vector<16xi32>
    %swap3A_190 = vector.shape_cast %mul3A_186 : vector<16xi32> to vector<16xi32>
    tpu.vector_store %arg6[%swap3A_187], %swap3A_190 {strides = array<i32>} : memref<256xi32, #tpu.memory_space<vmem>>, vector<16xi32>,
    %scan3A = arith.constant 0 : i32
    %scan3A_191 = arith.constant 0 : i32
    %scan3A_192 = arith.constant 96 : i32
    %scan3A_193 = arith.addi %scan3A_191, %scan3A_192 : i32
    %scan3A_194 = arith.constant 1 : i32
    scf.for %scan3A_896 = %scan3A_191 to %scan3A_193 step %scan3A_194  : i32 {
      %swap3A_897 = arith.index_cast %scan3A_896 : i32 to index
      %swap3A_898 = arith.constant 0 : index
      %swap3A_899 = tpu.vector_load %arg4[%swap3A_897, %swap3A_898] {strides = array<i32>} : memref<96x512xf32, #tpu.memory_space<vmem>>, vector<1x16xf32>,
      %swap3A_900 = vector.shape_cast %swap3A_899 : vector<1x16xf32> to vector<16xf32>
      %swap3A_901 = vector.shape_cast %broadcast_in_dim3A_1 : vector<16xf32> to vector<1x16xf32>
      tpu.vector_store %arg4[%swap3A_897, %swap3A_898], %swap3A_901 {strides = array<i32>} : memref<96x512xf32, #tpu.memory_space<vmem>>, vector<1x16xf32>,
      %swap3A_902 = arith.index_cast %scan3A_896 : i32 to index
      %swap3A_903 = arith.constant 16 : index
      %swap3A_904 = tpu.vector_load %arg4[%swap3A_902, %swap3A_903] {strides = array<i32>} : memref<96x512xf32, #tpu.memory_space<vmem>>, vector<1x16xf32>,
      %swap3A_905 = vector.shape_cast %swap3A_904 : vector<1x16xf32> to vector<16xf32>
      %swap3A_906 = vector.shape_cast %broadcast_in_dim3A_1 : vector<16xf32> to vector<1x16xf32>
      tpu.vector_store %arg4[%swap3A_902, %swap3A_903], %swap3A_906 {strides = array<i32>} : memref<96x512xf32, #tpu.memory_space<vmem>>, vector<1x16xf32>,
      %swap3A_907 = arith.index_cast %scan3A_896 : i32 to index
      %swap3A_908 = arith.constant 32 : index
      %swap3A_909 = tpu.vector_load %arg4[%swap3A_907, %swap3A_908] {strides = array<i32>} : memref<96x512xf32, #tpu.memory_space<vmem>>, vector<1x16xf32>,
      %swap3A_910 = vector.shape_cast %swap3A_909 : vector<1x16xf32> to vector<16xf32>
      %swap3A_911 = vector.shape_cast %broadcast_in_dim3A_1 : vector<16xf32> to vector<1x16xf32>
      tpu.vector_store %arg4[%swap3A_907, %swap3A_908], %swap3A_911 {strides = array<i32>} : memref<96x512xf32, #tpu.memory_space<vmem>>, vector<1x16xf32>,
      %swap3A_912 = arith.index_cast %scan3A_896 : i32 to index
      %swap3A_913 = arith.constant 48 : index
      %swap3A_914 = tpu.vector_load %arg4[%swap3A_912, %swap3A_913] {strides = array<i32>} : memref<96x512xf32, #tpu.memory_space<vmem>>, vector<1x16xf32>,
      %swap3A_915 = vector.shape_cast %swap3A_914 : vector<1x16xf32> to vector<16xf32>
      %swap3A_916 = vector.shape_cast %broadcast_in_dim3A_1 : vector<16xf32> to vector<1x16xf32>
      tpu.vector_store %arg4[%swap3A_912, %swap3A_913], %swap3A_916 {strides = array<i32>} : memref<96x512xf32, #tpu.memory_space<vmem>>, vector<1x16xf32>,
      %swap3A_917 = arith.index_cast %scan3A_896 : i32 to index
      %swap3A_918 = arith.constant 64 : index
      %swap3A_919 = tpu.vector_load %arg4[%swap3A_917, %swap3A_918] {strides = array<i32>} : memref<96x512xf32, #tpu.memory_space<vmem>>, vector<1x16xf32>,
      %swap3A_920 = vector.shape_cast %swap3A_919 : vector<1x16xf32> to vector<16xf32>
      %swap3A_921 = vector.shape_cast %broadcast_in_dim3A_1 : vector<16xf32> to vector<1x16xf32>
      tpu.vector_store %arg4[%swap3A_917, %swap3A_918], %swap3A_921 {strides = array<i32>} : memref<96x512xf32, #tpu.memory_space<vmem>>, vector<1x16xf32>,
      %swap3A_922 = arith.index_cast %scan3A_896 : i32 to index
      %swap3A_923 = arith.constant 80 : index
      %swap3A_924 = tpu.vector_load %arg4[%swap3A_922, %swap3A_923] {strides = array<i32>} : memref<96x512xf32, #tpu.memory_space<vmem>>, vector<1x16xf32>,
      %swap3A_925 = vector.shape_cast %swap3A_924 : vector<1x16xf32> to vector<16xf32>
      %swap3A_926 = vector.shape_cast %broadcast_in_dim3A_1 : vector<16xf32> to vector<1x16xf32>
      tpu.vector_store %arg4[%swap3A_922, %swap3A_923], %swap3A_926 {strides = array<i32>} : memref<96x512xf32, #tpu.memory_space<vmem>>, vector<1x16xf32>,
      %swap3A_927 = arith.index_cast %scan3A_896 : i32 to index
      %swap3A_928 = arith.constant 96 : index
      %swap3A_929 = tpu.vector_load %arg4[%swap3A_927, %swap3A_928] {strides = array<i32>} : memref<96x512xf32, #tpu.memory_space<vmem>>, vector<1x16xf32>,
      %swap3A_930 = vector.shape_cast %swap3A_929 : vector<1x16xf32> to vector<16xf32>
      %swap3A_931 = vector.shape_cast %broadcast_in_dim3A_1 : vector<16xf32> to vector<1x16xf32>
      tpu.vector_store %arg4[%swap3A_927, %swap3A_928], %swap3A_931 {strides = array<i32>} : memref<96x512xf32, #tpu.memory_space<vmem>>, vector<1x16xf32>,
      %swap3A_932 = arith.index_cast %scan3A_896 : i32 to index
      %swap3A_933 = arith.constant 112 : index
      %swap3A_934 = tpu.vector_load %arg4[%swap3A_932, %swap3A_933] {strides = array<i32>} : memref<96x512xf32, #tpu.memory_space<vmem>>, vector<1x16xf32>,
      %swap3A_935 = vector.shape_cast %swap3A_934 : vector<1x16xf32> to vector<16xf32>
      %swap3A_936 = vector.shape_cast %broadcast_in_dim3A_1 : vector<16xf32> to vector<1x16xf32>
      tpu.vector_store %arg4[%swap3A_932, %swap3A_933], %swap3A_936 {strides = array<i32>} : memref<96x512xf32, #tpu.memory_space<vmem>>, vector<1x16xf32>,
      %swap3A_937 = arith.index_cast %scan3A_896 : i32 to index
      %swap3A_938 = arith.constant 128 : index
      %swap3A_939 = tpu.vector_load %arg4[%swap3A_937, %swap3A_938] {strides = array<i32>} : memref<96x512xf32, #tpu.memory_space<vmem>>, vector<1x16xf32>,
      %swap3A_940 = vector.shape_cast %swap3A_939 : vector<1x16xf32> to vector<16xf32>
      %swap3A_941 = vector.shape_cast %broadcast_in_dim3A_1 : vector<16xf32> to vector<1x16xf32>
      tpu.vector_store %arg4[%swap3A_937, %swap3A_938], %swap3A_941 {strides = array<i32>} : memref<96x512xf32, #tpu.memory_space<vmem>>, vector<1x16xf32>,
      %swap3A_942 = arith.index_cast %scan3A_896 : i32 to index
      %swap3A_943 = arith.constant 144 : index
      %swap3A_944 = tpu.vector_load %arg4[%swap3A_942, %swap3A_943] {strides = array<i32>} : memref<96x512xf32, #tpu.memory_space<vmem>>, vector<1x16xf32>,
      %swap3A_945 = vector.shape_cast %swap3A_944 : vector<1x16xf32> to vector<16xf32>
      %swap3A_946 = vector.shape_cast %broadcast_in_dim3A_1 : vector<16xf32> to vector<1x16xf32>
      tpu.vector_store %arg4[%swap3A_942, %swap3A_943], %swap3A_946 {strides = array<i32>} : memref<96x512xf32, #tpu.memory_space<vmem>>, vector<1x16xf32>,
      %swap3A_947 = arith.index_cast %scan3A_896 : i32 to index
      %swap3A_948 = arith.constant 160 : index
      %swap3A_949 = tpu.vector_load %arg4[%swap3A_947, %swap3A_948] {strides = array<i32>} : memref<96x512xf32, #tpu.memory_space<vmem>>, vector<1x16xf32>,
      %swap3A_950 = vector.shape_cast %swap3A_949 : vector<1x16xf32> to vector<16xf32>
      %swap3A_951 = vector.shape_cast %broadcast_in_dim3A_1 : vector<16xf32> to vector<1x16xf32>
      tpu.vector_store %arg4[%swap3A_947, %swap3A_948], %swap3A_951 {strides = array<i32>} : memref<96x512xf32, #tpu.memory_space<vmem>>, vector<1x16xf32>,
      %swap3A_952 = arith.index_cast %scan3A_896 : i32 to index
      %swap3A_953 = arith.constant 176 : index
      %swap3A_954 = tpu.vector_load %arg4[%swap3A_952, %swap3A_953] {strides = array<i32>} : memref<96x512xf32, #tpu.memory_space<vmem>>, vector<1x16xf32>,
      %swap3A_955 = vector.shape_cast %swap3A_954 : vector<1x16xf32> to vector<16xf32>
      %swap3A_956 = vector.shape_cast %broadcast_in_dim3A_1 : vector<16xf32> to vector<1x16xf32>
      tpu.vector_store %arg4[%swap3A_952, %swap3A_953], %swap3A_956 {strides = array<i32>} : memref<96x512xf32, #tpu.memory_space<vmem>>, vector<1x16xf32>,
      %swap3A_957 = arith.index_cast %scan3A_896 : i32 to index
      %swap3A_958 = arith.constant 192 : index
      %swap3A_959 = tpu.vector_load %arg4[%swap3A_957, %swap3A_958] {strides = array<i32>} : memref<96x512xf32, #tpu.memory_space<vmem>>, vector<1x16xf32>,
      %swap3A_960 = vector.shape_cast %swap3A_959 : vector<1x16xf32> to vector<16xf32>
      %swap3A_961 = vector.shape_cast %broadcast_in_dim3A_1 : vector<16xf32> to vector<1x16xf32>
      tpu.vector_store %arg4[%swap3A_957, %swap3A_958], %swap3A_961 {strides = array<i32>} : memref<96x512xf32, #tpu.memory_space<vmem>>, vector<1x16xf32>,
      %swap3A_962 = arith.index_cast %scan3A_896 : i32 to index
      %swap3A_963 = arith.constant 208 : index
      %swap3A_964 = tpu.vector_load %arg4[%swap3A_962, %swap3A_963] {strides = array<i32>} : memref<96x512xf32, #tpu.memory_space<vmem>>, vector<1x16xf32>,
      %swap3A_965 = vector.shape_cast %swap3A_964 : vector<1x16xf32> to vector<16xf32>
      %swap3A_966 = vector.shape_cast %broadcast_in_dim3A_1 : vector<16xf32> to vector<1x16xf32>
      tpu.vector_store %arg4[%swap3A_962, %swap3A_963], %swap3A_966 {strides = array<i32>} : memref<96x512xf32, #tpu.memory_space<vmem>>, vector<1x16xf32>,
      %swap3A_967 = arith.index_cast %scan3A_896 : i32 to index
      %swap3A_968 = arith.constant 224 : index
      %swap3A_969 = tpu.vector_load %arg4[%swap3A_967, %swap3A_968] {strides = array<i32>} : memref<96x512xf32, #tpu.memory_space<vmem>>, vector<1x16xf32>,
      %swap3A_970 = vector.shape_cast %swap3A_969 : vector<1x16xf32> to vector<16xf32>
      %swap3A_971 = vector.shape_cast %broadcast_in_dim3A_1 : vector<16xf32> to vector<1x16xf32>
      tpu.vector_store %arg4[%swap3A_967, %swap3A_968], %swap3A_971 {strides = array<i32>} : memref<96x512xf32, #tpu.memory_space<vmem>>, vector<1x16xf32>,
      %swap3A_972 = arith.index_cast %scan3A_896 : i32 to index
      %swap3A_973 = arith.constant 240 : index
      %swap3A_974 = tpu.vector_load %arg4[%swap3A_972, %swap3A_973] {strides = array<i32>} : memref<96x512xf32, #tpu.memory_space<vmem>>, vector<1x16xf32>,
      %swap3A_975 = vector.shape_cast %swap3A_974 : vector<1x16xf32> to vector<16xf32>
      %swap3A_976 = vector.shape_cast %broadcast_in_dim3A_1 : vector<16xf32> to vector<1x16xf32>
      tpu.vector_store %arg4[%swap3A_972, %swap3A_973], %swap3A_976 {strides = array<i32>} : memref<96x512xf32, #tpu.memory_space<vmem>>, vector<1x16xf32>,
      %swap3A_977 = arith.index_cast %scan3A_896 : i32 to index
      %swap3A_978 = arith.constant 256 : index
      %swap3A_979 = tpu.vector_load %arg4[%swap3A_977, %swap3A_978] {strides = array<i32>} : memref<96x512xf32, #tpu.memory_space<vmem>>, vector<1x16xf32>,
      %swap3A_980 = vector.shape_cast %swap3A_979 : vector<1x16xf32> to vector<16xf32>
      %swap3A_981 = vector.shape_cast %broadcast_in_dim3A_1 : vector<16xf32> to vector<1x16xf32>
      tpu.vector_store %arg4[%swap3A_977, %swap3A_978], %swap3A_981 {strides = array<i32>} : memref<96x512xf32, #tpu.memory_space<vmem>>, vector<1x16xf32>,
      %swap3A_982 = arith.index_cast %scan3A_896 : i32 to index
      %swap3A_983 = arith.constant 272 : index
      %swap3A_984 = tpu.vector_load %arg4[%swap3A_982, %swap3A_983] {strides = array<i32>} : memref<96x512xf32, #tpu.memory_space<vmem>>, vector<1x16xf32>,
      %swap3A_985 = vector.shape_cast %swap3A_984 : vector<1x16xf32> to vector<16xf32>
      %swap3A_986 = vector.shape_cast %broadcast_in_dim3A_1 : vector<16xf32> to vector<1x16xf32>
      tpu.vector_store %arg4[%swap3A_982, %swap3A_983], %swap3A_986 {strides = array<i32>} : memref<96x512xf32, #tpu.memory_space<vmem>>, vector<1x16xf32>,
      %swap3A_987 = arith.index_cast %scan3A_896 : i32 to index
      %swap3A_988 = arith.constant 288 : index
      %swap3A_989 = tpu.vector_load %arg4[%swap3A_987, %swap3A_988] {strides = array<i32>} : memref<96x512xf32, #tpu.memory_space<vmem>>, vector<1x16xf32>,
      %swap3A_990 = vector.shape_cast %swap3A_989 : vector<1x16xf32> to vector<16xf32>
      %swap3A_991 = vector.shape_cast %broadcast_in_dim3A_1 : vector<16xf32> to vector<1x16xf32>
      tpu.vector_store %arg4[%swap3A_987, %swap3A_988], %swap3A_991 {strides = array<i32>} : memref<96x512xf32, #tpu.memory_space<vmem>>, vector<1x16xf32>,
      %swap3A_992 = arith.index_cast %scan3A_896 : i32 to index
      %swap3A_993 = arith.constant 304 : index
      %swap3A_994 = tpu.vector_load %arg4[%swap3A_992, %swap3A_993] {strides = array<i32>} : memref<96x512xf32, #tpu.memory_space<vmem>>, vector<1x16xf32>,
      %swap3A_995 = vector.shape_cast %swap3A_994 : vector<1x16xf32> to vector<16xf32>
      %swap3A_996 = vector.shape_cast %broadcast_in_dim3A_1 : vector<16xf32> to vector<1x16xf32>
      tpu.vector_store %arg4[%swap3A_992, %swap3A_993], %swap3A_996 {strides = array<i32>} : memref<96x512xf32, #tpu.memory_space<vmem>>, vector<1x16xf32>,
      %swap3A_997 = arith.index_cast %scan3A_896 : i32 to index
      %swap3A_998 = arith.constant 320 : index
      %swap3A_999 = tpu.vector_load %arg4[%swap3A_997, %swap3A_998] {strides = array<i32>} : memref<96x512xf32, #tpu.memory_space<vmem>>, vector<1x16xf32>,
      %swap3A_1000 = vector.shape_cast %swap3A_999 : vector<1x16xf32> to vector<16xf32>
      %swap3A_1001 = vector.shape_cast %broadcast_in_dim3A_1 : vector<16xf32> to vector<1x16xf32>
      tpu.vector_store %arg4[%swap3A_997, %swap3A_998], %swap3A_1001 {strides = array<i32>} : memref<96x512xf32, #tpu.memory_space<vmem>>, vector<1x16xf32>,
      %swap3A_1002 = arith.index_cast %scan3A_896 : i32 to index
      %swap3A_1003 = arith.constant 336 : index
      %swap3A_1004 = tpu.vector_load %arg4[%swap3A_1002, %swap3A_1003] {strides = array<i32>} : memref<96x512xf32, #tpu.memory_space<vmem>>, vector<1x16xf32>,
      %swap3A_1005 = vector.shape_cast %swap3A_1004 : vector<1x16xf32> to vector<16xf32>
      %swap3A_1006 = vector.shape_cast %broadcast_in_dim3A_1 : vector<16xf32> to vector<1x16xf32>
      tpu.vector_store %arg4[%swap3A_1002, %swap3A_1003], %swap3A_1006 {strides = array<i32>} : memref<96x512xf32, #tpu.memory_space<vmem>>, vector<1x16xf32>,
      %swap3A_1007 = arith.index_cast %scan3A_896 : i32 to index
      %swap3A_1008 = arith.constant 352 : index
      %swap3A_1009 = tpu.vector_load %arg4[%swap3A_1007, %swap3A_1008] {strides = array<i32>} : memref<96x512xf32, #tpu.memory_space<vmem>>, vector<1x16xf32>,
      %swap3A_1010 = vector.shape_cast %swap3A_1009 : vector<1x16xf32> to vector<16xf32>
      %swap3A_1011 = vector.shape_cast %broadcast_in_dim3A_1 : vector<16xf32> to vector<1x16xf32>
      tpu.vector_store %arg4[%swap3A_1007, %swap3A_1008], %swap3A_1011 {strides = array<i32>} : memref<96x512xf32, #tpu.memory_space<vmem>>, vector<1x16xf32>,
      %swap3A_1012 = arith.index_cast %scan3A_896 : i32 to index
      %swap3A_1013 = arith.constant 368 : index
      %swap3A_1014 = tpu.vector_load %arg4[%swap3A_1012, %swap3A_1013] {strides = array<i32>} : memref<96x512xf32, #tpu.memory_space<vmem>>, vector<1x16xf32>,
      %swap3A_1015 = vector.shape_cast %swap3A_1014 : vector<1x16xf32> to vector<16xf32>
      %swap3A_1016 = vector.shape_cast %broadcast_in_dim3A_1 : vector<16xf32> to vector<1x16xf32>
      tpu.vector_store %arg4[%swap3A_1012, %swap3A_1013], %swap3A_1016 {strides = array<i32>} : memref<96x512xf32, #tpu.memory_space<vmem>>, vector<1x16xf32>,
      %swap3A_1017 = arith.index_cast %scan3A_896 : i32 to index
      %swap3A_1018 = arith.constant 384 : index
      %swap3A_1019 = tpu.vector_load %arg4[%swap3A_1017, %swap3A_1018] {strides = array<i32>} : memref<96x512xf32, #tpu.memory_space<vmem>>, vector<1x16xf32>,
      %swap3A_1020 = vector.shape_cast %swap3A_1019 : vector<1x16xf32> to vector<16xf32>
      %swap3A_1021 = vector.shape_cast %broadcast_in_dim3A_1 : vector<16xf32> to vector<1x16xf32>
      tpu.vector_store %arg4[%swap3A_1017, %swap3A_1018], %swap3A_1021 {strides = array<i32>} : memref<96x512xf32, #tpu.memory_space<vmem>>, vector<1x16xf32>,
      %swap3A_1022 = arith.index_cast %scan3A_896 : i32 to index
      %swap3A_1023 = arith.constant 400 : index
      %swap3A_1024 = tpu.vector_load %arg4[%swap3A_1022, %swap3A_1023] {strides = array<i32>} : memref<96x512xf32, #tpu.memory_space<vmem>>, vector<1x16xf32>,
      %swap3A_1025 = vector.shape_cast %swap3A_1024 : vector<1x16xf32> to vector<16xf32>
      %swap3A_1026 = vector.shape_cast %broadcast_in_dim3A_1 : vector<16xf32> to vector<1x16xf32>
      tpu.vector_store %arg4[%swap3A_1022, %swap3A_1023], %swap3A_1026 {strides = array<i32>} : memref<96x512xf32, #tpu.memory_space<vmem>>, vector<1x16xf32>,
      %swap3A_1027 = arith.index_cast %scan3A_896 : i32 to index
      %swap3A_1028 = arith.constant 416 : index
      %swap3A_1029 = tpu.vector_load %arg4[%swap3A_1027, %swap3A_1028] {strides = array<i32>} : memref<96x512xf32, #tpu.memory_space<vmem>>, vector<1x16xf32>,
      %swap3A_1030 = vector.shape_cast %swap3A_1029 : vector<1x16xf32> to vector<16xf32>
      %swap3A_1031 = vector.shape_cast %broadcast_in_dim3A_1 : vector<16xf32> to vector<1x16xf32>
      tpu.vector_store %arg4[%swap3A_1027, %swap3A_1028], %swap3A_1031 {strides = array<i32>} : memref<96x512xf32, #tpu.memory_space<vmem>>, vector<1x16xf32>,
      %swap3A_1032 = arith.index_cast %scan3A_896 : i32 to index
      %swap3A_1033 = arith.constant 432 : index
      %swap3A_1034 = tpu.vector_load %arg4[%swap3A_1032, %swap3A_1033] {strides = array<i32>} : memref<96x512xf32, #tpu.memory_space<vmem>>, vector<1x16xf32>,
      %swap3A_1035 = vector.shape_cast %swap3A_1034 : vector<1x16xf32> to vector<16xf32>
      %swap3A_1036 = vector.shape_cast %broadcast_in_dim3A_1 : vector<16xf32> to vector<1x16xf32>
      tpu.vector_store %arg4[%swap3A_1032, %swap3A_1033], %swap3A_1036 {strides = array<i32>} : memref<96x512xf32, #tpu.memory_space<vmem>>, vector<1x16xf32>,
      %swap3A_1037 = arith.index_cast %scan3A_896 : i32 to index
      %swap3A_1038 = arith.constant 448 : index
      %swap3A_1039 = tpu.vector_load %arg4[%swap3A_1037, %swap3A_1038] {strides = array<i32>} : memref<96x512xf32, #tpu.memory_space<vmem>>, vector<1x16xf32>,
      %swap3A_1040 = vector.shape_cast %swap3A_1039 : vector<1x16xf32> to vector<16xf32>
      %swap3A_1041 = vector.shape_cast %broadcast_in_dim3A_1 : vector<16xf32> to vector<1x16xf32>
      tpu.vector_store %arg4[%swap3A_1037, %swap3A_1038], %swap3A_1041 {strides = array<i32>} : memref<96x512xf32, #tpu.memory_space<vmem>>, vector<1x16xf32>,
      %swap3A_1042 = arith.index_cast %scan3A_896 : i32 to index
      %swap3A_1043 = arith.constant 464 : index
      %swap3A_1044 = tpu.vector_load %arg4[%swap3A_1042, %swap3A_1043] {strides = array<i32>} : memref<96x512xf32, #tpu.memory_space<vmem>>, vector<1x16xf32>,
      %swap3A_1045 = vector.shape_cast %swap3A_1044 : vector<1x16xf32> to vector<16xf32>
      %swap3A_1046 = vector.shape_cast %broadcast_in_dim3A_1 : vector<16xf32> to vector<1x16xf32>
      tpu.vector_store %arg4[%swap3A_1042, %swap3A_1043], %swap3A_1046 {strides = array<i32>} : memref<96x512xf32, #tpu.memory_space<vmem>>, vector<1x16xf32>,
      %swap3A_1047 = arith.index_cast %scan3A_896 : i32 to index
      %swap3A_1048 = arith.constant 480 : index
      %swap3A_1049 = tpu.vector_load %arg4[%swap3A_1047, %swap3A_1048] {strides = array<i32>} : memref<96x512xf32, #tpu.memory_space<vmem>>, vector<1x16xf32>,
      %swap3A_1050 = vector.shape_cast %swap3A_1049 : vector<1x16xf32> to vector<16xf32>
      %swap3A_1051 = vector.shape_cast %broadcast_in_dim3A_1 : vector<16xf32> to vector<1x16xf32>
      tpu.vector_store %arg4[%swap3A_1047, %swap3A_1048], %swap3A_1051 {strides = array<i32>} : memref<96x512xf32, #tpu.memory_space<vmem>>, vector<1x16xf32>,
      %swap3A_1052 = arith.index_cast %scan3A_896 : i32 to index
      %swap3A_1053 = arith.constant 496 : index
      %swap3A_1054 = tpu.vector_load %arg4[%swap3A_1052, %swap3A_1053] {strides = array<i32>} : memref<96x512xf32, #tpu.memory_space<vmem>>, vector<1x16xf32>,
      %swap3A_1055 = vector.shape_cast %swap3A_1054 : vector<1x16xf32> to vector<16xf32>
      %swap3A_1056 = vector.shape_cast %broadcast_in_dim3A_1 : vector<16xf32> to vector<1x16xf32>
      tpu.vector_store %arg4[%swap3A_1052, %swap3A_1053], %swap3A_1056 {strides = array<i32>} : memref<96x512xf32, #tpu.memory_space<vmem>>, vector<1x16xf32>,
    }
    %scan3A_195 = arith.constant 96 : i32
    %mul3A_196 = arith.constant 3 : i32
    %mul3A_197 = arith.muli %add3A, %mul3A_196 : i32
    %add3A_198 = arith.constant 0 : i32
    %add3A_199 = arith.addi %mul3A_197, %add3A_198 : i32
    %dma_start3A = arith.constant 0 : i32
    %dma_start3A_200 = arith.constant 0 : i32
    %dma_start3A_201 = tpu.memref_slice %arg4[%dma_start3A, %dma_start3A_200] : memref<96x512xf32, #tpu.memory_space<vmem>> -> memref<96x512xf32, #tpu.memory_space<vmem>>
    %dma_start3A_202 = arith.constant 0 : i32
    %dma_start3A_203 = arith.constant 0 : i32
    %dma_start3A_204 = tpu.memref_slice %arg3[%add3A_199, %dma_start3A_202, %dma_start3A_203] : memref<96x512x512xf32, #tpu.memory_space<hbm>> -> memref<1x96x512xf32, #tpu.memory_space<hbm>>
    %dma_start3A_205 = tpu.memref_squeeze %dma_start3A_204 : memref<1x96x512xf32, #tpu.memory_space<hbm>> -> memref<96x512xf32, #tpu.memory_space<hbm>>
    %dma_start3A_206 = arith.constant 0 : i32
    %dma_start3A_207 = arith.constant 0 : i32
    %dma_start3A_208 = tpu.memref_slice %arg3[%add3A_199, %dma_start3A_206, %dma_start3A_207] : memref<96x512x512xf32, #tpu.memory_space<hbm>> -> memref<1x96x512xf32, #tpu.memory_space<hbm>>
    %dma_start3A_209 = tpu.memref_squeeze %dma_start3A_208 : memref<1x96x512xf32, #tpu.memory_space<hbm>> -> memref<96x512xf32, #tpu.memory_space<hbm>>
    %dma_start3A_210 = arith.constant 0 : i32
    %dma_start3A_211 = arith.constant 0 : i32
    %dma_start3A_212 = tpu.memref_slice %arg4[%dma_start3A_210, %dma_start3A_211] : memref<96x512xf32, #tpu.memory_space<vmem>> -> memref<96x512xf32, #tpu.memory_space<vmem>>
    tpu.enqueue_dma source(%dma_start3A_212 : memref<96x512xf32, #tpu.memory_space<vmem>>) target(%dma_start3A_209 : memref<96x512xf32, #tpu.memory_space<hbm>>) target_semaphore(%arg7 : memref<!tpu.dma_semaphore, #tpu.memory_space<semaphore_mem>>)
    %dma_start3A_213 = arith.constant 0 : i32
    %dma_start3A_214 = arith.constant 0 : i32
    %dma_start3A_215 = tpu.memref_slice %arg4[%dma_start3A_213, %dma_start3A_214] : memref<96x512xf32, #tpu.memory_space<vmem>> -> memref<64x512xf32, #tpu.memory_space<vmem>>
    %dma_start3A_216 = arith.constant 96 : i32
    %dma_start3A_217 = arith.constant 0 : i32
    %dma_start3A_218 = tpu.memref_slice %arg3[%add3A_199, %dma_start3A_216, %dma_start3A_217] : memref<96x512x512xf32, #tpu.memory_space<hbm>> -> memref<1x64x512xf32, #tpu.memory_space<hbm>>
    %dma_start3A_219 = tpu.memref_squeeze %dma_start3A_218 : memref<1x64x512xf32, #tpu.memory_space<hbm>> -> memref<64x512xf32, #tpu.memory_space<hbm>>
    %dma_start3A_220 = arith.constant 96 : i32
    %dma_start3A_221 = arith.constant 0 : i32
    %dma_start3A_222 = tpu.memref_slice %arg3[%add3A_199, %dma_start3A_220, %dma_start3A_221] : memref<96x512x512xf32, #tpu.memory_space<hbm>> -> memref<1x64x512xf32, #tpu.memory_space<hbm>>
    %dma_start3A_223 = tpu.memref_squeeze %dma_start3A_222 : memref<1x64x512xf32, #tpu.memory_space<hbm>> -> memref<64x512xf32, #tpu.memory_space<hbm>>
    %dma_start3A_224 = arith.constant 0 : i32
    %dma_start3A_225 = arith.constant 0 : i32
    %dma_start3A_226 = tpu.memref_slice %arg4[%dma_start3A_224, %dma_start3A_225] : memref<96x512xf32, #tpu.memory_space<vmem>> -> memref<64x512xf32, #tpu.memory_space<vmem>>
    tpu.enqueue_dma source(%dma_start3A_226 : memref<64x512xf32, #tpu.memory_space<vmem>>) target(%dma_start3A_223 : memref<64x512xf32, #tpu.memory_space<hbm>>) target_semaphore(%arg7 : memref<!tpu.dma_semaphore, #tpu.memory_space<semaphore_mem>>)
    %dma_start3A_227 = arith.constant 0 : i32
    %dma_start3A_228 = arith.constant 0 : i32
    %dma_start3A_229 = tpu.memref_slice %arg4[%dma_start3A_227, %dma_start3A_228] : memref<96x512xf32, #tpu.memory_space<vmem>> -> memref<96x512xf32, #tpu.memory_space<vmem>>
    %dma_start3A_230 = arith.constant 352 : i32
    %dma_start3A_231 = arith.constant 0 : i32
    %dma_start3A_232 = tpu.memref_slice %arg3[%add3A_199, %dma_start3A_230, %dma_start3A_231] : memref<96x512x512xf32, #tpu.memory_space<hbm>> -> memref<1x96x512xf32, #tpu.memory_space<hbm>>
    %dma_start3A_233 = tpu.memref_squeeze %dma_start3A_232 : memref<1x96x512xf32, #tpu.memory_space<hbm>> -> memref<96x512xf32, #tpu.memory_space<hbm>>
    %dma_start3A_234 = arith.constant 352 : i32
    %dma_start3A_235 = arith.constant 0 : i32
    %dma_start3A_236 = tpu.memref_slice %arg3[%add3A_199, %dma_start3A_234, %dma_start3A_235] : memref<96x512x512xf32, #tpu.memory_space<hbm>> -> memref<1x96x512xf32, #tpu.memory_space<hbm>>
    %dma_start3A_237 = tpu.memref_squeeze %dma_start3A_236 : memref<1x96x512xf32, #tpu.memory_space<hbm>> -> memref<96x512xf32, #tpu.memory_space<hbm>>
    %dma_start3A_238 = arith.constant 0 : i32
    %dma_start3A_239 = arith.constant 0 : i32
    %dma_start3A_240 = tpu.memref_slice %arg4[%dma_start3A_238, %dma_start3A_239] : memref<96x512xf32, #tpu.memory_space<vmem>> -> memref<96x512xf32, #tpu.memory_space<vmem>>
    tpu.enqueue_dma source(%dma_start3A_240 : memref<96x512xf32, #tpu.memory_space<vmem>>) target(%dma_start3A_237 : memref<96x512xf32, #tpu.memory_space<hbm>>) target_semaphore(%arg7 : memref<!tpu.dma_semaphore, #tpu.memory_space<semaphore_mem>>)
    %dma_start3A_241 = arith.constant 0 : i32
    %dma_start3A_242 = arith.constant 0 : i32
    %dma_start3A_243 = tpu.memref_slice %arg4[%dma_start3A_241, %dma_start3A_242] : memref<96x512xf32, #tpu.memory_space<vmem>> -> memref<64x512xf32, #tpu.memory_space<vmem>>
    %dma_start3A_244 = arith.constant 448 : i32
    %dma_start3A_245 = arith.constant 0 : i32
    %dma_start3A_246 = tpu.memref_slice %arg3[%add3A_199, %dma_start3A_244, %dma_start3A_245] : memref<96x512x512xf32, #tpu.memory_space<hbm>> -> memref<1x64x512xf32, #tpu.memory_space<hbm>>
    %dma_start3A_247 = tpu.memref_squeeze %dma_start3A_246 : memref<1x64x512xf32, #tpu.memory_space<hbm>> -> memref<64x512xf32, #tpu.memory_space<hbm>>
    %dma_start3A_248 = arith.constant 448 : i32
    %dma_start3A_249 = arith.constant 0 : i32
    %dma_start3A_250 = tpu.memref_slice %arg3[%add3A_199, %dma_start3A_248, %dma_start3A_249] : memref<96x512x512xf32, #tpu.memory_space<hbm>> -> memref<1x64x512xf32, #tpu.memory_space<hbm>>
    %dma_start3A_251 = tpu.memref_squeeze %dma_start3A_250 : memref<1x64x512xf32, #tpu.memory_space<hbm>> -> memref<64x512xf32, #tpu.memory_space<hbm>>
    %dma_start3A_252 = arith.constant 0 : i32
    %dma_start3A_253 = arith.constant 0 : i32
    %dma_start3A_254 = tpu.memref_slice %arg4[%dma_start3A_252, %dma_start3A_253] : memref<96x512xf32, #tpu.memory_space<vmem>> -> memref<64x512xf32, #tpu.memory_space<vmem>>
    tpu.enqueue_dma source(%dma_start3A_254 : memref<64x512xf32, #tpu.memory_space<vmem>>) target(%dma_start3A_251 : memref<64x512xf32, #tpu.memory_space<hbm>>) target_semaphore(%arg7 : memref<!tpu.dma_semaphore, #tpu.memory_space<semaphore_mem>>)
    %dma_start3A_255 = arith.constant 0 : i32
    %dma_start3A_256 = arith.constant 0 : i32
    %dma_start3A_257 = tpu.memref_slice %arg4[%dma_start3A_255, %dma_start3A_256] : memref<96x512xf32, #tpu.memory_space<vmem>> -> memref<96x128xf32, #tpu.memory_space<vmem>>
    %dma_start3A_258 = arith.constant 160 : i32
    %dma_start3A_259 = arith.constant 0 : i32
    %dma_start3A_260 = tpu.memref_slice %arg3[%add3A_199, %dma_start3A_258, %dma_start3A_259] : memref<96x512x512xf32, #tpu.memory_space<hbm>> -> memref<1x96x128xf32, #tpu.memory_space<hbm>>
    %dma_start3A_261 = tpu.memref_squeeze %dma_start3A_260 : memref<1x96x128xf32, #tpu.memory_space<hbm>> -> memref<96x128xf32, #tpu.memory_space<hbm>>
    %dma_start3A_262 = arith.constant 160 : i32
    %dma_start3A_263 = arith.constant 0 : i32
    %dma_start3A_264 = tpu.memref_slice %arg3[%add3A_199, %dma_start3A_262, %dma_start3A_263] : memref<96x512x512xf32, #tpu.memory_space<hbm>> -> memref<1x96x128xf32, #tpu.memory_space<hbm>>
    %dma_start3A_265 = tpu.memref_squeeze %dma_start3A_264 : memref<1x96x128xf32, #tpu.memory_space<hbm>> -> memref<96x128xf32, #tpu.memory_space<hbm>>
    %dma_start3A_266 = arith.constant 0 : i32
    %dma_start3A_267 = arith.constant 0 : i32
    %dma_start3A_268 = tpu.memref_slice %arg4[%dma_start3A_266, %dma_start3A_267] : memref<96x512xf32, #tpu.memory_space<vmem>> -> memref<96x128xf32, #tpu.memory_space<vmem>>
    tpu.enqueue_dma source(%dma_start3A_268 : memref<96x128xf32, #tpu.memory_space<vmem>>) target(%dma_start3A_265 : memref<96x128xf32, #tpu.memory_space<hbm>>) target_semaphore(%arg7 : memref<!tpu.dma_semaphore, #tpu.memory_space<semaphore_mem>>)
    %dma_start3A_269 = arith.constant 0 : i32
    %dma_start3A_270 = arith.constant 0 : i32
    %dma_start3A_271 = tpu.memref_slice %arg4[%dma_start3A_269, %dma_start3A_270] : memref<96x512xf32, #tpu.memory_space<vmem>> -> memref<96x128xf32, #tpu.memory_space<vmem>>
    %dma_start3A_272 = arith.constant 256 : i32
    %dma_start3A_273 = arith.constant 0 : i32
    %dma_start3A_274 = tpu.memref_slice %arg3[%add3A_199, %dma_start3A_272, %dma_start3A_273] : memref<96x512x512xf32, #tpu.memory_space<hbm>> -> memref<1x96x128xf32, #tpu.memory_space<hbm>>
    %dma_start3A_275 = tpu.memref_squeeze %dma_start3A_274 : memref<1x96x128xf32, #tpu.memory_space<hbm>> -> memref<96x128xf32, #tpu.memory_space<hbm>>
    %dma_start3A_276 = arith.constant 256 : i32
    %dma_start3A_277 = arith.constant 0 : i32
    %dma_start3A_278 = tpu.memref_slice %arg3[%add3A_199, %dma_start3A_276, %dma_start3A_277] : memref<96x512x512xf32, #tpu.memory_space<hbm>> -> memref<1x96x128xf32, #tpu.memory_space<hbm>>
    %dma_start3A_279 = tpu.memref_squeeze %dma_start3A_278 : memref<1x96x128xf32, #tpu.memory_space<hbm>> -> memref<96x128xf32, #tpu.memory_space<hbm>>
    %dma_start3A_280 = arith.constant 0 : i32
    %dma_start3A_281 = arith.constant 0 : i32
    %dma_start3A_282 = tpu.memref_slice %arg4[%dma_start3A_280, %dma_start3A_281] : memref<96x512xf32, #tpu.memory_space<vmem>> -> memref<96x128xf32, #tpu.memory_space<vmem>>
    tpu.enqueue_dma source(%dma_start3A_282 : memref<96x128xf32, #tpu.memory_space<vmem>>) target(%dma_start3A_279 : memref<96x128xf32, #tpu.memory_space<hbm>>) target_semaphore(%arg7 : memref<!tpu.dma_semaphore, #tpu.memory_space<semaphore_mem>>)
    %dma_start3A_283 = arith.constant 0 : i32
    %dma_start3A_284 = arith.constant 0 : i32
    %dma_start3A_285 = tpu.memref_slice %arg4[%dma_start3A_283, %dma_start3A_284] : memref<96x512xf32, #tpu.memory_space<vmem>> -> memref<96x128xf32, #tpu.memory_space<vmem>>
    %dma_start3A_286 = arith.constant 160 : i32
    %dma_start3A_287 = arith.constant 384 : i32
    %dma_start3A_288 = tpu.memref_slice %arg3[%add3A_199, %dma_start3A_286, %dma_start3A_287] : memref<96x512x512xf32, #tpu.memory_space<hbm>> -> memref<1x96x128xf32, #tpu.memory_space<hbm>>
    %dma_start3A_289 = tpu.memref_squeeze %dma_start3A_288 : memref<1x96x128xf32, #tpu.memory_space<hbm>> -> memref<96x128xf32, #tpu.memory_space<hbm>>
    %dma_start3A_290 = arith.constant 160 : i32
    %dma_start3A_291 = arith.constant 384 : i32
    %dma_start3A_292 = tpu.memref_slice %arg3[%add3A_199, %dma_start3A_290, %dma_start3A_291] : memref<96x512x512xf32, #tpu.memory_space<hbm>> -> memref<1x96x128xf32, #tpu.memory_space<hbm>>
    %dma_start3A_293 = tpu.memref_squeeze %dma_start3A_292 : memref<1x96x128xf32, #tpu.memory_space<hbm>> -> memref<96x128xf32, #tpu.memory_space<hbm>>
    %dma_start3A_294 = arith.constant 0 : i32
    %dma_start3A_295 = arith.constant 0 : i32
    %dma_start3A_296 = tpu.memref_slice %arg4[%dma_start3A_294, %dma_start3A_295] : memref<96x512xf32, #tpu.memory_space<vmem>> -> memref<96x128xf32, #tpu.memory_space<vmem>>
    tpu.enqueue_dma source(%dma_start3A_296 : memref<96x128xf32, #tpu.memory_space<vmem>>) target(%dma_start3A_293 : memref<96x128xf32, #tpu.memory_space<hbm>>) target_semaphore(%arg7 : memref<!tpu.dma_semaphore, #tpu.memory_space<semaphore_mem>>)
    %dma_start3A_297 = arith.constant 0 : i32
    %dma_start3A_298 = arith.constant 0 : i32
    %dma_start3A_299 = tpu.memref_slice %arg4[%dma_start3A_297, %dma_start3A_298] : memref<96x512xf32, #tpu.memory_space<vmem>> -> memref<96x128xf32, #tpu.memory_space<vmem>>
    %dma_start3A_300 = arith.constant 256 : i32
    %dma_start3A_301 = arith.constant 384 : i32
    %dma_start3A_302 = tpu.memref_slice %arg3[%add3A_199, %dma_start3A_300, %dma_start3A_301] : memref<96x512x512xf32, #tpu.memory_space<hbm>> -> memref<1x96x128xf32, #tpu.memory_space<hbm>>
    %dma_start3A_303 = tpu.memref_squeeze %dma_start3A_302 : memref<1x96x128xf32, #tpu.memory_space<hbm>> -> memref<96x128xf32, #tpu.memory_space<hbm>>
    %dma_start3A_304 = arith.constant 256 : i32
    %dma_start3A_305 = arith.constant 384 : i32
    %dma_start3A_306 = tpu.memref_slice %arg3[%add3A_199, %dma_start3A_304, %dma_start3A_305] : memref<96x512x512xf32, #tpu.memory_space<hbm>> -> memref<1x96x128xf32, #tpu.memory_space<hbm>>
    %dma_start3A_307 = tpu.memref_squeeze %dma_start3A_306 : memref<1x96x128xf32, #tpu.memory_space<hbm>> -> memref<96x128xf32, #tpu.memory_space<hbm>>
    %dma_start3A_308 = arith.constant 0 : i32
    %dma_start3A_309 = arith.constant 0 : i32
    %dma_start3A_310 = tpu.memref_slice %arg4[%dma_start3A_308, %dma_start3A_309] : memref<96x512xf32, #tpu.memory_space<vmem>> -> memref<96x128xf32, #tpu.memory_space<vmem>>
    tpu.enqueue_dma source(%dma_start3A_310 : memref<96x128xf32, #tpu.memory_space<vmem>>) target(%dma_start3A_307 : memref<96x128xf32, #tpu.memory_space<hbm>>) target_semaphore(%arg7 : memref<!tpu.dma_semaphore, #tpu.memory_space<semaphore_mem>>)
    "tpu.region"() ({
      %run_scoped3A = tpu.sem_alloc : memref<!tpu.dma_semaphore, #tpu.memory_space<semaphore_mem>>
      %dma_start3A_896 = arith.constant 160 : i32
      %dma_start3A_897 = arith.constant 128 : i32
      %dma_start3A_898 = tpu.memref_slice %arg2[%add3A_199, %dma_start3A_896, %dma_start3A_897] : memref<96x512x512xf32, #tpu.memory_space<hbm>> -> memref<1x192x256xf32, #tpu.memory_space<hbm>>
      %dma_start3A_899 = tpu.memref_squeeze %dma_start3A_898 : memref<1x192x256xf32, #tpu.memory_space<hbm>> -> memref<192x256xf32, #tpu.memory_space<hbm>>
      %dma_start3A_900 = arith.constant 160 : i32
      %dma_start3A_901 = arith.constant 128 : i32
      %dma_start3A_902 = tpu.memref_slice %arg2[%add3A_199, %dma_start3A_900, %dma_start3A_901] : memref<96x512x512xf32, #tpu.memory_space<hbm>> -> memref<1x192x256xf32, #tpu.memory_space<hbm>>
      %dma_start3A_903 = tpu.memref_squeeze %dma_start3A_902 : memref<1x192x256xf32, #tpu.memory_space<hbm>> -> memref<192x256xf32, #tpu.memory_space<hbm>>
      tpu.enqueue_dma source(%dma_start3A_903 : memref<192x256xf32, #tpu.memory_space<hbm>>) target(%arg5 : memref<192x256xf32, #tpu.memory_space<vmem>>) target_semaphore(%run_scoped3A : memref<!tpu.dma_semaphore, #tpu.memory_space<semaphore_mem>>)
      %dma_wait3A_904 = arith.constant 160 : i32
      %dma_wait3A_905 = arith.constant 128 : i32
      %dma_wait3A_906 = tpu.memref_slice %arg2[%add3A_199, %dma_wait3A_904, %dma_wait3A_905] : memref<96x512x512xf32, #tpu.memory_space<hbm>> -> memref<1x192x256xf32, #tpu.memory_space<hbm>>
      %dma_wait3A_907 = tpu.memref_squeeze %dma_wait3A_906 : memref<1x192x256xf32, #tpu.memory_space<hbm>> -> memref<192x256xf32, #tpu.memory_space<hbm>>
      %dma_wait3A_908 = arith.constant 160 : i32
      %dma_wait3A_909 = arith.constant 128 : i32
      %dma_wait3A_910 = tpu.memref_slice %arg2[%add3A_199, %dma_wait3A_908, %dma_wait3A_909] : memref<96x512x512xf32, #tpu.memory_space<hbm>> -> memref<1x192x256xf32, #tpu.memory_space<hbm>>
      %dma_wait3A_911 = tpu.memref_squeeze %dma_wait3A_910 : memref<1x192x256xf32, #tpu.memory_space<hbm>> -> memref<192x256xf32, #tpu.memory_space<hbm>>
      tpu.wait_dma2 semaphore(%run_scoped3A : memref<!tpu.dma_semaphore, #tpu.memory_space<semaphore_mem>>) src(%dma_wait3A_911 : memref<192x256xf32, #tpu.memory_space<hbm>>) dst(%arg5 : memref<192x256xf32, #tpu.memory_space<vmem>>)
      tpu.yield
    }) : () -> ()
    %scan3A_311 = arith.constant 0 : i32
    %scan3A_312 = arith.constant 0 : i32
    %scan3A_313 = arith.constant 192 : i32
    %scan3A_314 = arith.addi %scan3A_312, %scan3A_313 : i32
    %scan3A_315 = arith.constant 1 : i32
    scf.for %scan3A_896 = %scan3A_312 to %scan3A_314 step %scan3A_315  : i32 {
      %add3A_897 = arith.constant 160 : i32
      %add3A_898 = arith.addi %add3A_897, %scan3A_896 : i32
      %sub3A_899 = arith.constant 255 : i32
      %sub3A_900 = arith.subi %add3A_898, %sub3A_899 : i32
      %mul3A_901 = arith.muli %sub3A_900, %sub3A_900 : i32
      %get3A = arith.constant 0 : index
      %get3A_902 = tpu.vector_load %arg6[%get3A] {strides = array<i32>} : memref<256xi32, #tpu.memory_space<vmem>>, vector<16xi32>,
      %get3A_903 = vector.shape_cast %get3A_902 : vector<16xi32> to vector<16xi32>
      %add3A_904 = vector.broadcast %mul3A_901 : i32 to vector<16xi32>
      %add3A_905 = arith.addi %add3A_904, %get3A_903 : vector<16xi32>
      %lt3A = arith.constant 8100 : i32
      %lt3A_906 = vector.broadcast %lt3A : i32 to vector<16xi32>
      %lt3A_907 = arith.cmpi slt, %add3A_905, %lt3A_906 : vector<16xi32>
      %ge3A = arith.constant 576 : i32
      %ge3A_908 = vector.broadcast %ge3A : i32 to vector<16xi32>
      %ge3A_909 = arith.cmpi sge, %add3A_905, %ge3A_908 : vector<16xi32>
      %and3A = arith.andi %lt3A_907, %ge3A_909 : vector<16xi1>
      %get3A_910 = arith.index_cast %scan3A_896 : i32 to index
      %get3A_911 = arith.constant 0 : index
      %get3A_912 = tpu.vector_load %arg5[%get3A_910, %get3A_911] {strides = array<i32>} : memref<192x256xf32, #tpu.memory_space<vmem>>, vector<1x16xf32>,
      %get3A_913 = vector.shape_cast %get3A_912 : vector<1x16xf32> to vector<16xf32>
      %jit3A = arith.constant 0.000000e+00 : f32
      %broadcast_in_dim3A_914 = vector.broadcast %jit3A : f32 to vector<16xf32>
      %select_n3A = arith.select %and3A, %get3A_913, %broadcast_in_dim3A_914 : vector<16xi1>, vector<16xf32>
      %swap3A_915 = arith.index_cast %scan3A_896 : i32 to index
      %swap3A_916 = arith.constant 0 : index
      %swap3A_917 = tpu.vector_load %arg5[%swap3A_915, %swap3A_916] {strides = array<i32>} : memref<192x256xf32, #tpu.memory_space<vmem>>, vector<1x16xf32>,
      %swap3A_918 = vector.shape_cast %swap3A_917 : vector<1x16xf32> to vector<16xf32>
      %swap3A_919 = vector.shape_cast %select_n3A : vector<16xf32> to vector<1x16xf32>
      tpu.vector_store %arg5[%swap3A_915, %swap3A_916], %swap3A_919 {strides = array<i32>} : memref<192x256xf32, #tpu.memory_space<vmem>>, vector<1x16xf32>,
      %get3A_920 = arith.constant 16 : index
      %get3A_921 = tpu.vector_load %arg6[%get3A_920] {strides = array<i32>} : memref<256xi32, #tpu.memory_space<vmem>>, vector<16xi32>,
      %get3A_922 = vector.shape_cast %get3A_921 : vector<16xi32> to vector<16xi32>
      %add3A_923 = vector.broadcast %mul3A_901 : i32 to vector<16xi32>
      %add3A_924 = arith.addi %add3A_923, %get3A_922 : vector<16xi32>
      %lt3A_925 = arith.constant 8100 : i32
      %lt3A_926 = vector.broadcast %lt3A_925 : i32 to vector<16xi32>
      %lt3A_927 = arith.cmpi slt, %add3A_924, %lt3A_926 : vector<16xi32>
      %ge3A_928 = arith.constant 576 : i32
      %ge3A_929 = vector.broadcast %ge3A_928 : i32 to vector<16xi32>
      %ge3A_930 = arith.cmpi sge, %add3A_924, %ge3A_929 : vector<16xi32>
      %and3A_931 = arith.andi %lt3A_927, %ge3A_930 : vector<16xi1>
      %get3A_932 = arith.index_cast %scan3A_896 : i32 to index
      %get3A_933 = arith.constant 16 : index
      %get3A_934 = tpu.vector_load %arg5[%get3A_932, %get3A_933] {strides = array<i32>} : memref<192x256xf32, #tpu.memory_space<vmem>>, vector<1x16xf32>,
      %get3A_935 = vector.shape_cast %get3A_934 : vector<1x16xf32> to vector<16xf32>
      %jit3A_936 = arith.constant 0.000000e+00 : f32
      %broadcast_in_dim3A_937 = vector.broadcast %jit3A_936 : f32 to vector<16xf32>
      %select_n3A_938 = arith.select %and3A_931, %get3A_935, %broadcast_in_dim3A_937 : vector<16xi1>, vector<16xf32>
      %swap3A_939 = arith.index_cast %scan3A_896 : i32 to index
      %swap3A_940 = arith.constant 16 : index
      %swap3A_941 = tpu.vector_load %arg5[%swap3A_939, %swap3A_940] {strides = array<i32>} : memref<192x256xf32, #tpu.memory_space<vmem>>, vector<1x16xf32>,
      %swap3A_942 = vector.shape_cast %swap3A_941 : vector<1x16xf32> to vector<16xf32>
      %swap3A_943 = vector.shape_cast %select_n3A_938 : vector<16xf32> to vector<1x16xf32>
      tpu.vector_store %arg5[%swap3A_939, %swap3A_940], %swap3A_943 {strides = array<i32>} : memref<192x256xf32, #tpu.memory_space<vmem>>, vector<1x16xf32>,
      %get3A_944 = arith.constant 32 : index
      %get3A_945 = tpu.vector_load %arg6[%get3A_944] {strides = array<i32>} : memref<256xi32, #tpu.memory_space<vmem>>, vector<16xi32>,
      %get3A_946 = vector.shape_cast %get3A_945 : vector<16xi32> to vector<16xi32>
      %add3A_947 = vector.broadcast %mul3A_901 : i32 to vector<16xi32>
      %add3A_948 = arith.addi %add3A_947, %get3A_946 : vector<16xi32>
      %lt3A_949 = arith.constant 8100 : i32
      %lt3A_950 = vector.broadcast %lt3A_949 : i32 to vector<16xi32>
      %lt3A_951 = arith.cmpi slt, %add3A_948, %lt3A_950 : vector<16xi32>
      %ge3A_952 = arith.constant 576 : i32
      %ge3A_953 = vector.broadcast %ge3A_952 : i32 to vector<16xi32>
      %ge3A_954 = arith.cmpi sge, %add3A_948, %ge3A_953 : vector<16xi32>
      %and3A_955 = arith.andi %lt3A_951, %ge3A_954 : vector<16xi1>
      %get3A_956 = arith.index_cast %scan3A_896 : i32 to index
      %get3A_957 = arith.constant 32 : index
      %get3A_958 = tpu.vector_load %arg5[%get3A_956, %get3A_957] {strides = array<i32>} : memref<192x256xf32, #tpu.memory_space<vmem>>, vector<1x16xf32>,
      %get3A_959 = vector.shape_cast %get3A_958 : vector<1x16xf32> to vector<16xf32>
      %jit3A_960 = arith.constant 0.000000e+00 : f32
      %broadcast_in_dim3A_961 = vector.broadcast %jit3A_960 : f32 to vector<16xf32>
      %select_n3A_962 = arith.select %and3A_955, %get3A_959, %broadcast_in_dim3A_961 : vector<16xi1>, vector<16xf32>
      %swap3A_963 = arith.index_cast %scan3A_896 : i32 to index
      %swap3A_964 = arith.constant 32 : index
      %swap3A_965 = tpu.vector_load %arg5[%swap3A_963, %swap3A_964] {strides = array<i32>} : memref<192x256xf32, #tpu.memory_space<vmem>>, vector<1x16xf32>,
      %swap3A_966 = vector.shape_cast %swap3A_965 : vector<1x16xf32> to vector<16xf32>
      %swap3A_967 = vector.shape_cast %select_n3A_962 : vector<16xf32> to vector<1x16xf32>
      tpu.vector_store %arg5[%swap3A_963, %swap3A_964], %swap3A_967 {strides = array<i32>} : memref<192x256xf32, #tpu.memory_space<vmem>>, vector<1x16xf32>,
      %get3A_968 = arith.constant 48 : index
      %get3A_969 = tpu.vector_load %arg6[%get3A_968] {strides = array<i32>} : memref<256xi32, #tpu.memory_space<vmem>>, vector<16xi32>,
      %get3A_970 = vector.shape_cast %get3A_969 : vector<16xi32> to vector<16xi32>
      %add3A_971 = vector.broadcast %mul3A_901 : i32 to vector<16xi32>
      %add3A_972 = arith.addi %add3A_971, %get3A_970 : vector<16xi32>
      %lt3A_973 = arith.constant 8100 : i32
      %lt3A_974 = vector.broadcast %lt3A_973 : i32 to vector<16xi32>
      %lt3A_975 = arith.cmpi slt, %add3A_972, %lt3A_974 : vector<16xi32>
      %ge3A_976 = arith.constant 576 : i32
      %ge3A_977 = vector.broadcast %ge3A_976 : i32 to vector<16xi32>
      %ge3A_978 = arith.cmpi sge, %add3A_972, %ge3A_977 : vector<16xi32>
      %and3A_979 = arith.andi %lt3A_975, %ge3A_978 : vector<16xi1>
      %get3A_980 = arith.index_cast %scan3A_896 : i32 to index
      %get3A_981 = arith.constant 48 : index
      %get3A_982 = tpu.vector_load %arg5[%get3A_980, %get3A_981] {strides = array<i32>} : memref<192x256xf32, #tpu.memory_space<vmem>>, vector<1x16xf32>,
      %get3A_983 = vector.shape_cast %get3A_982 : vector<1x16xf32> to vector<16xf32>
      %jit3A_984 = arith.constant 0.000000e+00 : f32
      %broadcast_in_dim3A_985 = vector.broadcast %jit3A_984 : f32 to vector<16xf32>
      %select_n3A_986 = arith.select %and3A_979, %get3A_983, %broadcast_in_dim3A_985 : vector<16xi1>, vector<16xf32>
      %swap3A_987 = arith.index_cast %scan3A_896 : i32 to index
      %swap3A_988 = arith.constant 48 : index
      %swap3A_989 = tpu.vector_load %arg5[%swap3A_987, %swap3A_988] {strides = array<i32>} : memref<192x256xf32, #tpu.memory_space<vmem>>, vector<1x16xf32>,
      %swap3A_990 = vector.shape_cast %swap3A_989 : vector<1x16xf32> to vector<16xf32>
      %swap3A_991 = vector.shape_cast %select_n3A_986 : vector<16xf32> to vector<1x16xf32>
      tpu.vector_store %arg5[%swap3A_987, %swap3A_988], %swap3A_991 {strides = array<i32>} : memref<192x256xf32, #tpu.memory_space<vmem>>, vector<1x16xf32>,
      %get3A_992 = arith.constant 64 : index
      %get3A_993 = tpu.vector_load %arg6[%get3A_992] {strides = array<i32>} : memref<256xi32, #tpu.memory_space<vmem>>, vector<16xi32>,
      %get3A_994 = vector.shape_cast %get3A_993 : vector<16xi32> to vector<16xi32>
      %add3A_995 = vector.broadcast %mul3A_901 : i32 to vector<16xi32>
      %add3A_996 = arith.addi %add3A_995, %get3A_994 : vector<16xi32>
      %lt3A_997 = arith.constant 8100 : i32
      %lt3A_998 = vector.broadcast %lt3A_997 : i32 to vector<16xi32>
      %lt3A_999 = arith.cmpi slt, %add3A_996, %lt3A_998 : vector<16xi32>
      %ge3A_1000 = arith.constant 576 : i32
      %ge3A_1001 = vector.broadcast %ge3A_1000 : i32 to vector<16xi32>
      %ge3A_1002 = arith.cmpi sge, %add3A_996, %ge3A_1001 : vector<16xi32>
      %and3A_1003 = arith.andi %lt3A_999, %ge3A_1002 : vector<16xi1>
      %get3A_1004 = arith.index_cast %scan3A_896 : i32 to index
      %get3A_1005 = arith.constant 64 : index
      %get3A_1006 = tpu.vector_load %arg5[%get3A_1004, %get3A_1005] {strides = array<i32>} : memref<192x256xf32, #tpu.memory_space<vmem>>, vector<1x16xf32>,
      %get3A_1007 = vector.shape_cast %get3A_1006 : vector<1x16xf32> to vector<16xf32>
      %jit3A_1008 = arith.constant 0.000000e+00 : f32
      %broadcast_in_dim3A_1009 = vector.broadcast %jit3A_1008 : f32 to vector<16xf32>
      %select_n3A_1010 = arith.select %and3A_1003, %get3A_1007, %broadcast_in_dim3A_1009 : vector<16xi1>, vector<16xf32>
      %swap3A_1011 = arith.index_cast %scan3A_896 : i32 to index
      %swap3A_1012 = arith.constant 64 : index
      %swap3A_1013 = tpu.vector_load %arg5[%swap3A_1011, %swap3A_1012] {strides = array<i32>} : memref<192x256xf32, #tpu.memory_space<vmem>>, vector<1x16xf32>,
      %swap3A_1014 = vector.shape_cast %swap3A_1013 : vector<1x16xf32> to vector<16xf32>
      %swap3A_1015 = vector.shape_cast %select_n3A_1010 : vector<16xf32> to vector<1x16xf32>
      tpu.vector_store %arg5[%swap3A_1011, %swap3A_1012], %swap3A_1015 {strides = array<i32>} : memref<192x256xf32, #tpu.memory_space<vmem>>, vector<1x16xf32>,
      %get3A_1016 = arith.constant 80 : index
      %get3A_1017 = tpu.vector_load %arg6[%get3A_1016] {strides = array<i32>} : memref<256xi32, #tpu.memory_space<vmem>>, vector<16xi32>,
      %get3A_1018 = vector.shape_cast %get3A_1017 : vector<16xi32> to vector<16xi32>
      %add3A_1019 = vector.broadcast %mul3A_901 : i32 to vector<16xi32>
      %add3A_1020 = arith.addi %add3A_1019, %get3A_1018 : vector<16xi32>
      %lt3A_1021 = arith.constant 8100 : i32
      %lt3A_1022 = vector.broadcast %lt3A_1021 : i32 to vector<16xi32>
      %lt3A_1023 = arith.cmpi slt, %add3A_1020, %lt3A_1022 : vector<16xi32>
      %ge3A_1024 = arith.constant 576 : i32
      %ge3A_1025 = vector.broadcast %ge3A_1024 : i32 to vector<16xi32>
      %ge3A_1026 = arith.cmpi sge, %add3A_1020, %ge3A_1025 : vector<16xi32>
      %and3A_1027 = arith.andi %lt3A_1023, %ge3A_1026 : vector<16xi1>
      %get3A_1028 = arith.index_cast %scan3A_896 : i32 to index
      %get3A_1029 = arith.constant 80 : index
      %get3A_1030 = tpu.vector_load %arg5[%get3A_1028, %get3A_1029] {strides = array<i32>} : memref<192x256xf32, #tpu.memory_space<vmem>>, vector<1x16xf32>,
      %get3A_1031 = vector.shape_cast %get3A_1030 : vector<1x16xf32> to vector<16xf32>
      %jit3A_1032 = arith.constant 0.000000e+00 : f32
      %broadcast_in_dim3A_1033 = vector.broadcast %jit3A_1032 : f32 to vector<16xf32>
      %select_n3A_1034 = arith.select %and3A_1027, %get3A_1031, %broadcast_in_dim3A_1033 : vector<16xi1>, vector<16xf32>
      %swap3A_1035 = arith.index_cast %scan3A_896 : i32 to index
      %swap3A_1036 = arith.constant 80 : index
      %swap3A_1037 = tpu.vector_load %arg5[%swap3A_1035, %swap3A_1036] {strides = array<i32>} : memref<192x256xf32, #tpu.memory_space<vmem>>, vector<1x16xf32>,
      %swap3A_1038 = vector.shape_cast %swap3A_1037 : vector<1x16xf32> to vector<16xf32>
      %swap3A_1039 = vector.shape_cast %select_n3A_1034 : vector<16xf32> to vector<1x16xf32>
      tpu.vector_store %arg5[%swap3A_1035, %swap3A_1036], %swap3A_1039 {strides = array<i32>} : memref<192x256xf32, #tpu.memory_space<vmem>>, vector<1x16xf32>,
      %get3A_1040 = arith.constant 96 : index
      %get3A_1041 = tpu.vector_load %arg6[%get3A_1040] {strides = array<i32>} : memref<256xi32, #tpu.memory_space<vmem>>, vector<16xi32>,
      %get3A_1042 = vector.shape_cast %get3A_1041 : vector<16xi32> to vector<16xi32>
      %add3A_1043 = vector.broadcast %mul3A_901 : i32 to vector<16xi32>
      %add3A_1044 = arith.addi %add3A_1043, %get3A_1042 : vector<16xi32>
      %lt3A_1045 = arith.constant 8100 : i32
      %lt3A_1046 = vector.broadcast %lt3A_1045 : i32 to vector<16xi32>
      %lt3A_1047 = arith.cmpi slt, %add3A_1044, %lt3A_1046 : vector<16xi32>
      %ge3A_1048 = arith.constant 576 : i32
      %ge3A_1049 = vector.broadcast %ge3A_1048 : i32 to vector<16xi32>
      %ge3A_1050 = arith.cmpi sge, %add3A_1044, %ge3A_1049 : vector<16xi32>
      %and3A_1051 = arith.andi %lt3A_1047, %ge3A_1050 : vector<16xi1>
      %get3A_1052 = arith.index_cast %scan3A_896 : i32 to index
      %get3A_1053 = arith.constant 96 : index
      %get3A_1054 = tpu.vector_load %arg5[%get3A_1052, %get3A_1053] {strides = array<i32>} : memref<192x256xf32, #tpu.memory_space<vmem>>, vector<1x16xf32>,
      %get3A_1055 = vector.shape_cast %get3A_1054 : vector<1x16xf32> to vector<16xf32>
      %jit3A_1056 = arith.constant 0.000000e+00 : f32
      %broadcast_in_dim3A_1057 = vector.broadcast %jit3A_1056 : f32 to vector<16xf32>
      %select_n3A_1058 = arith.select %and3A_1051, %get3A_1055, %broadcast_in_dim3A_1057 : vector<16xi1>, vector<16xf32>
      %swap3A_1059 = arith.index_cast %scan3A_896 : i32 to index
      %swap3A_1060 = arith.constant 96 : index
      %swap3A_1061 = tpu.vector_load %arg5[%swap3A_1059, %swap3A_1060] {strides = array<i32>} : memref<192x256xf32, #tpu.memory_space<vmem>>, vector<1x16xf32>,
      %swap3A_1062 = vector.shape_cast %swap3A_1061 : vector<1x16xf32> to vector<16xf32>
      %swap3A_1063 = vector.shape_cast %select_n3A_1058 : vector<16xf32> to vector<1x16xf32>
      tpu.vector_store %arg5[%swap3A_1059, %swap3A_1060], %swap3A_1063 {strides = array<i32>} : memref<192x256xf32, #tpu.memory_space<vmem>>, vector<1x16xf32>,
      %get3A_1064 = arith.constant 112 : index
      %get3A_1065 = tpu.vector_load %arg6[%get3A_1064] {strides = array<i32>} : memref<256xi32, #tpu.memory_space<vmem>>, vector<16xi32>,
      %get3A_1066 = vector.shape_cast %get3A_1065 : vector<16xi32> to vector<16xi32>
      %add3A_1067 = vector.broadcast %mul3A_901 : i32 to vector<16xi32>
      %add3A_1068 = arith.addi %add3A_1067, %get3A_1066 : vector<16xi32>
      %lt3A_1069 = arith.constant 8100 : i32
      %lt3A_1070 = vector.broadcast %lt3A_1069 : i32 to vector<16xi32>
      %lt3A_1071 = arith.cmpi slt, %add3A_1068, %lt3A_1070 : vector<16xi32>
      %ge3A_1072 = arith.constant 576 : i32
      %ge3A_1073 = vector.broadcast %ge3A_1072 : i32 to vector<16xi32>
      %ge3A_1074 = arith.cmpi sge, %add3A_1068, %ge3A_1073 : vector<16xi32>
      %and3A_1075 = arith.andi %lt3A_1071, %ge3A_1074 : vector<16xi1>
      %get3A_1076 = arith.index_cast %scan3A_896 : i32 to index
      %get3A_1077 = arith.constant 112 : index
      %get3A_1078 = tpu.vector_load %arg5[%get3A_1076, %get3A_1077] {strides = array<i32>} : memref<192x256xf32, #tpu.memory_space<vmem>>, vector<1x16xf32>,
      %get3A_1079 = vector.shape_cast %get3A_1078 : vector<1x16xf32> to vector<16xf32>
      %jit3A_1080 = arith.constant 0.000000e+00 : f32
      %broadcast_in_dim3A_1081 = vector.broadcast %jit3A_1080 : f32 to vector<16xf32>
      %select_n3A_1082 = arith.select %and3A_1075, %get3A_1079, %broadcast_in_dim3A_1081 : vector<16xi1>, vector<16xf32>
      %swap3A_1083 = arith.index_cast %scan3A_896 : i32 to index
      %swap3A_1084 = arith.constant 112 : index
      %swap3A_1085 = tpu.vector_load %arg5[%swap3A_1083, %swap3A_1084] {strides = array<i32>} : memref<192x256xf32, #tpu.memory_space<vmem>>, vector<1x16xf32>,
      %swap3A_1086 = vector.shape_cast %swap3A_1085 : vector<1x16xf32> to vector<16xf32>
      %swap3A_1087 = vector.shape_cast %select_n3A_1082 : vector<16xf32> to vector<1x16xf32>
      tpu.vector_store %arg5[%swap3A_1083, %swap3A_1084], %swap3A_1087 {strides = array<i32>} : memref<192x256xf32, #tpu.memory_space<vmem>>, vector<1x16xf32>,
      %get3A_1088 = arith.constant 128 : index
      %get3A_1089 = tpu.vector_load %arg6[%get3A_1088] {strides = array<i32>} : memref<256xi32, #tpu.memory_space<vmem>>, vector<16xi32>,
      %get3A_1090 = vector.shape_cast %get3A_1089 : vector<16xi32> to vector<16xi32>
      %add3A_1091 = vector.broadcast %mul3A_901 : i32 to vector<16xi32>
      %add3A_1092 = arith.addi %add3A_1091, %get3A_1090 : vector<16xi32>
      %lt3A_1093 = arith.constant 8100 : i32
      %lt3A_1094 = vector.broadcast %lt3A_1093 : i32 to vector<16xi32>
      %lt3A_1095 = arith.cmpi slt, %add3A_1092, %lt3A_1094 : vector<16xi32>
      %ge3A_1096 = arith.constant 576 : i32
      %ge3A_1097 = vector.broadcast %ge3A_1096 : i32 to vector<16xi32>
      %ge3A_1098 = arith.cmpi sge, %add3A_1092, %ge3A_1097 : vector<16xi32>
      %and3A_1099 = arith.andi %lt3A_1095, %ge3A_1098 : vector<16xi1>
      %get3A_1100 = arith.index_cast %scan3A_896 : i32 to index
      %get3A_1101 = arith.constant 128 : index
      %get3A_1102 = tpu.vector_load %arg5[%get3A_1100, %get3A_1101] {strides = array<i32>} : memref<192x256xf32, #tpu.memory_space<vmem>>, vector<1x16xf32>,
      %get3A_1103 = vector.shape_cast %get3A_1102 : vector<1x16xf32> to vector<16xf32>
      %jit3A_1104 = arith.constant 0.000000e+00 : f32
      %broadcast_in_dim3A_1105 = vector.broadcast %jit3A_1104 : f32 to vector<16xf32>
      %select_n3A_1106 = arith.select %and3A_1099, %get3A_1103, %broadcast_in_dim3A_1105 : vector<16xi1>, vector<16xf32>
      %swap3A_1107 = arith.index_cast %scan3A_896 : i32 to index
      %swap3A_1108 = arith.constant 128 : index
      %swap3A_1109 = tpu.vector_load %arg5[%swap3A_1107, %swap3A_1108] {strides = array<i32>} : memref<192x256xf32, #tpu.memory_space<vmem>>, vector<1x16xf32>,
      %swap3A_1110 = vector.shape_cast %swap3A_1109 : vector<1x16xf32> to vector<16xf32>
      %swap3A_1111 = vector.shape_cast %select_n3A_1106 : vector<16xf32> to vector<1x16xf32>
      tpu.vector_store %arg5[%swap3A_1107, %swap3A_1108], %swap3A_1111 {strides = array<i32>} : memref<192x256xf32, #tpu.memory_space<vmem>>, vector<1x16xf32>,
      %get3A_1112 = arith.constant 144 : index
      %get3A_1113 = tpu.vector_load %arg6[%get3A_1112] {strides = array<i32>} : memref<256xi32, #tpu.memory_space<vmem>>, vector<16xi32>,
      %get3A_1114 = vector.shape_cast %get3A_1113 : vector<16xi32> to vector<16xi32>
      %add3A_1115 = vector.broadcast %mul3A_901 : i32 to vector<16xi32>
      %add3A_1116 = arith.addi %add3A_1115, %get3A_1114 : vector<16xi32>
      %lt3A_1117 = arith.constant 8100 : i32
      %lt3A_1118 = vector.broadcast %lt3A_1117 : i32 to vector<16xi32>
      %lt3A_1119 = arith.cmpi slt, %add3A_1116, %lt3A_1118 : vector<16xi32>
      %ge3A_1120 = arith.constant 576 : i32
      %ge3A_1121 = vector.broadcast %ge3A_1120 : i32 to vector<16xi32>
      %ge3A_1122 = arith.cmpi sge, %add3A_1116, %ge3A_1121 : vector<16xi32>
      %and3A_1123 = arith.andi %lt3A_1119, %ge3A_1122 : vector<16xi1>
      %get3A_1124 = arith.index_cast %scan3A_896 : i32 to index
      %get3A_1125 = arith.constant 144 : index
      %get3A_1126 = tpu.vector_load %arg5[%get3A_1124, %get3A_1125] {strides = array<i32>} : memref<192x256xf32, #tpu.memory_space<vmem>>, vector<1x16xf32>,
      %get3A_1127 = vector.shape_cast %get3A_1126 : vector<1x16xf32> to vector<16xf32>
      %jit3A_1128 = arith.constant 0.000000e+00 : f32
      %broadcast_in_dim3A_1129 = vector.broadcast %jit3A_1128 : f32 to vector<16xf32>
      %select_n3A_1130 = arith.select %and3A_1123, %get3A_1127, %broadcast_in_dim3A_1129 : vector<16xi1>, vector<16xf32>
      %swap3A_1131 = arith.index_cast %scan3A_896 : i32 to index
      %swap3A_1132 = arith.constant 144 : index
      %swap3A_1133 = tpu.vector_load %arg5[%swap3A_1131, %swap3A_1132] {strides = array<i32>} : memref<192x256xf32, #tpu.memory_space<vmem>>, vector<1x16xf32>,
      %swap3A_1134 = vector.shape_cast %swap3A_1133 : vector<1x16xf32> to vector<16xf32>
      %swap3A_1135 = vector.shape_cast %select_n3A_1130 : vector<16xf32> to vector<1x16xf32>
      tpu.vector_store %arg5[%swap3A_1131, %swap3A_1132], %swap3A_1135 {strides = array<i32>} : memref<192x256xf32, #tpu.memory_space<vmem>>, vector<1x16xf32>,
      %get3A_1136 = arith.constant 160 : index
      %get3A_1137 = tpu.vector_load %arg6[%get3A_1136] {strides = array<i32>} : memref<256xi32, #tpu.memory_space<vmem>>, vector<16xi32>,
      %get3A_1138 = vector.shape_cast %get3A_1137 : vector<16xi32> to vector<16xi32>
      %add3A_1139 = vector.broadcast %mul3A_901 : i32 to vector<16xi32>
      %add3A_1140 = arith.addi %add3A_1139, %get3A_1138 : vector<16xi32>
      %lt3A_1141 = arith.constant 8100 : i32
      %lt3A_1142 = vector.broadcast %lt3A_1141 : i32 to vector<16xi32>
      %lt3A_1143 = arith.cmpi slt, %add3A_1140, %lt3A_1142 : vector<16xi32>
      %ge3A_1144 = arith.constant 576 : i32
      %ge3A_1145 = vector.broadcast %ge3A_1144 : i32 to vector<16xi32>
      %ge3A_1146 = arith.cmpi sge, %add3A_1140, %ge3A_1145 : vector<16xi32>
      %and3A_1147 = arith.andi %lt3A_1143, %ge3A_1146 : vector<16xi1>
      %get3A_1148 = arith.index_cast %scan3A_896 : i32 to index
      %get3A_1149 = arith.constant 160 : index
      %get3A_1150 = tpu.vector_load %arg5[%get3A_1148, %get3A_1149] {strides = array<i32>} : memref<192x256xf32, #tpu.memory_space<vmem>>, vector<1x16xf32>,
      %get3A_1151 = vector.shape_cast %get3A_1150 : vector<1x16xf32> to vector<16xf32>
      %jit3A_1152 = arith.constant 0.000000e+00 : f32
      %broadcast_in_dim3A_1153 = vector.broadcast %jit3A_1152 : f32 to vector<16xf32>
      %select_n3A_1154 = arith.select %and3A_1147, %get3A_1151, %broadcast_in_dim3A_1153 : vector<16xi1>, vector<16xf32>
      %swap3A_1155 = arith.index_cast %scan3A_896 : i32 to index
      %swap3A_1156 = arith.constant 160 : index
      %swap3A_1157 = tpu.vector_load %arg5[%swap3A_1155, %swap3A_1156] {strides = array<i32>} : memref<192x256xf32, #tpu.memory_space<vmem>>, vector<1x16xf32>,
      %swap3A_1158 = vector.shape_cast %swap3A_1157 : vector<1x16xf32> to vector<16xf32>
      %swap3A_1159 = vector.shape_cast %select_n3A_1154 : vector<16xf32> to vector<1x16xf32>
      tpu.vector_store %arg5[%swap3A_1155, %swap3A_1156], %swap3A_1159 {strides = array<i32>} : memref<192x256xf32, #tpu.memory_space<vmem>>, vector<1x16xf32>,
      %get3A_1160 = arith.constant 176 : index
      %get3A_1161 = tpu.vector_load %arg6[%get3A_1160] {strides = array<i32>} : memref<256xi32, #tpu.memory_space<vmem>>, vector<16xi32>,
      %get3A_1162 = vector.shape_cast %get3A_1161 : vector<16xi32> to vector<16xi32>
      %add3A_1163 = vector.broadcast %mul3A_901 : i32 to vector<16xi32>
      %add3A_1164 = arith.addi %add3A_1163, %get3A_1162 : vector<16xi32>
      %lt3A_1165 = arith.constant 8100 : i32
      %lt3A_1166 = vector.broadcast %lt3A_1165 : i32 to vector<16xi32>
      %lt3A_1167 = arith.cmpi slt, %add3A_1164, %lt3A_1166 : vector<16xi32>
      %ge3A_1168 = arith.constant 576 : i32
      %ge3A_1169 = vector.broadcast %ge3A_1168 : i32 to vector<16xi32>
      %ge3A_1170 = arith.cmpi sge, %add3A_1164, %ge3A_1169 : vector<16xi32>
      %and3A_1171 = arith.andi %lt3A_1167, %ge3A_1170 : vector<16xi1>
      %get3A_1172 = arith.index_cast %scan3A_896 : i32 to index
      %get3A_1173 = arith.constant 176 : index
      %get3A_1174 = tpu.vector_load %arg5[%get3A_1172, %get3A_1173] {strides = array<i32>} : memref<192x256xf32, #tpu.memory_space<vmem>>, vector<1x16xf32>,
      %get3A_1175 = vector.shape_cast %get3A_1174 : vector<1x16xf32> to vector<16xf32>
      %jit3A_1176 = arith.constant 0.000000e+00 : f32
      %broadcast_in_dim3A_1177 = vector.broadcast %jit3A_1176 : f32 to vector<16xf32>
      %select_n3A_1178 = arith.select %and3A_1171, %get3A_1175, %broadcast_in_dim3A_1177 : vector<16xi1>, vector<16xf32>
      %swap3A_1179 = arith.index_cast %scan3A_896 : i32 to index
      %swap3A_1180 = arith.constant 176 : index
      %swap3A_1181 = tpu.vector_load %arg5[%swap3A_1179, %swap3A_1180] {strides = array<i32>} : memref<192x256xf32, #tpu.memory_space<vmem>>, vector<1x16xf32>,
      %swap3A_1182 = vector.shape_cast %swap3A_1181 : vector<1x16xf32> to vector<16xf32>
      %swap3A_1183 = vector.shape_cast %select_n3A_1178 : vector<16xf32> to vector<1x16xf32>
      tpu.vector_store %arg5[%swap3A_1179, %swap3A_1180], %swap3A_1183 {strides = array<i32>} : memref<192x256xf32, #tpu.memory_space<vmem>>, vector<1x16xf32>,
      %get3A_1184 = arith.constant 192 : index
      %get3A_1185 = tpu.vector_load %arg6[%get3A_1184] {strides = array<i32>} : memref<256xi32, #tpu.memory_space<vmem>>, vector<16xi32>,
      %get3A_1186 = vector.shape_cast %get3A_1185 : vector<16xi32> to vector<16xi32>
      %add3A_1187 = vector.broadcast %mul3A_901 : i32 to vector<16xi32>
      %add3A_1188 = arith.addi %add3A_1187, %get3A_1186 : vector<16xi32>
      %lt3A_1189 = arith.constant 8100 : i32
      %lt3A_1190 = vector.broadcast %lt3A_1189 : i32 to vector<16xi32>
      %lt3A_1191 = arith.cmpi slt, %add3A_1188, %lt3A_1190 : vector<16xi32>
      %ge3A_1192 = arith.constant 576 : i32
      %ge3A_1193 = vector.broadcast %ge3A_1192 : i32 to vector<16xi32>
      %ge3A_1194 = arith.cmpi sge, %add3A_1188, %ge3A_1193 : vector<16xi32>
      %and3A_1195 = arith.andi %lt3A_1191, %ge3A_1194 : vector<16xi1>
      %get3A_1196 = arith.index_cast %scan3A_896 : i32 to index
      %get3A_1197 = arith.constant 192 : index
      %get3A_1198 = tpu.vector_load %arg5[%get3A_1196, %get3A_1197] {strides = array<i32>} : memref<192x256xf32, #tpu.memory_space<vmem>>, vector<1x16xf32>,
      %get3A_1199 = vector.shape_cast %get3A_1198 : vector<1x16xf32> to vector<16xf32>
      %jit3A_1200 = arith.constant 0.000000e+00 : f32
      %broadcast_in_dim3A_1201 = vector.broadcast %jit3A_1200 : f32 to vector<16xf32>
      %select_n3A_1202 = arith.select %and3A_1195, %get3A_1199, %broadcast_in_dim3A_1201 : vector<16xi1>, vector<16xf32>
      %swap3A_1203 = arith.index_cast %scan3A_896 : i32 to index
      %swap3A_1204 = arith.constant 192 : index
      %swap3A_1205 = tpu.vector_load %arg5[%swap3A_1203, %swap3A_1204] {strides = array<i32>} : memref<192x256xf32, #tpu.memory_space<vmem>>, vector<1x16xf32>,
      %swap3A_1206 = vector.shape_cast %swap3A_1205 : vector<1x16xf32> to vector<16xf32>
      %swap3A_1207 = vector.shape_cast %select_n3A_1202 : vector<16xf32> to vector<1x16xf32>
      tpu.vector_store %arg5[%swap3A_1203, %swap3A_1204], %swap3A_1207 {strides = array<i32>} : memref<192x256xf32, #tpu.memory_space<vmem>>, vector<1x16xf32>,
      %get3A_1208 = arith.constant 208 : index
      %get3A_1209 = tpu.vector_load %arg6[%get3A_1208] {strides = array<i32>} : memref<256xi32, #tpu.memory_space<vmem>>, vector<16xi32>,
      %get3A_1210 = vector.shape_cast %get3A_1209 : vector<16xi32> to vector<16xi32>
      %add3A_1211 = vector.broadcast %mul3A_901 : i32 to vector<16xi32>
      %add3A_1212 = arith.addi %add3A_1211, %get3A_1210 : vector<16xi32>
      %lt3A_1213 = arith.constant 8100 : i32
      %lt3A_1214 = vector.broadcast %lt3A_1213 : i32 to vector<16xi32>
      %lt3A_1215 = arith.cmpi slt, %add3A_1212, %lt3A_1214 : vector<16xi32>
      %ge3A_1216 = arith.constant 576 : i32
      %ge3A_1217 = vector.broadcast %ge3A_1216 : i32 to vector<16xi32>
      %ge3A_1218 = arith.cmpi sge, %add3A_1212, %ge3A_1217 : vector<16xi32>
      %and3A_1219 = arith.andi %lt3A_1215, %ge3A_1218 : vector<16xi1>
      %get3A_1220 = arith.index_cast %scan3A_896 : i32 to index
      %get3A_1221 = arith.constant 208 : index
      %get3A_1222 = tpu.vector_load %arg5[%get3A_1220, %get3A_1221] {strides = array<i32>} : memref<192x256xf32, #tpu.memory_space<vmem>>, vector<1x16xf32>,
      %get3A_1223 = vector.shape_cast %get3A_1222 : vector<1x16xf32> to vector<16xf32>
      %jit3A_1224 = arith.constant 0.000000e+00 : f32
      %broadcast_in_dim3A_1225 = vector.broadcast %jit3A_1224 : f32 to vector<16xf32>
      %select_n3A_1226 = arith.select %and3A_1219, %get3A_1223, %broadcast_in_dim3A_1225 : vector<16xi1>, vector<16xf32>
      %swap3A_1227 = arith.index_cast %scan3A_896 : i32 to index
      %swap3A_1228 = arith.constant 208 : index
      %swap3A_1229 = tpu.vector_load %arg5[%swap3A_1227, %swap3A_1228] {strides = array<i32>} : memref<192x256xf32, #tpu.memory_space<vmem>>, vector<1x16xf32>,
      %swap3A_1230 = vector.shape_cast %swap3A_1229 : vector<1x16xf32> to vector<16xf32>
      %swap3A_1231 = vector.shape_cast %select_n3A_1226 : vector<16xf32> to vector<1x16xf32>
      tpu.vector_store %arg5[%swap3A_1227, %swap3A_1228], %swap3A_1231 {strides = array<i32>} : memref<192x256xf32, #tpu.memory_space<vmem>>, vector<1x16xf32>,
      %get3A_1232 = arith.constant 224 : index
      %get3A_1233 = tpu.vector_load %arg6[%get3A_1232] {strides = array<i32>} : memref<256xi32, #tpu.memory_space<vmem>>, vector<16xi32>,
      %get3A_1234 = vector.shape_cast %get3A_1233 : vector<16xi32> to vector<16xi32>
      %add3A_1235 = vector.broadcast %mul3A_901 : i32 to vector<16xi32>
      %add3A_1236 = arith.addi %add3A_1235, %get3A_1234 : vector<16xi32>
      %lt3A_1237 = arith.constant 8100 : i32
      %lt3A_1238 = vector.broadcast %lt3A_1237 : i32 to vector<16xi32>
      %lt3A_1239 = arith.cmpi slt, %add3A_1236, %lt3A_1238 : vector<16xi32>
      %ge3A_1240 = arith.constant 576 : i32
      %ge3A_1241 = vector.broadcast %ge3A_1240 : i32 to vector<16xi32>
      %ge3A_1242 = arith.cmpi sge, %add3A_1236, %ge3A_1241 : vector<16xi32>
      %and3A_1243 = arith.andi %lt3A_1239, %ge3A_1242 : vector<16xi1>
      %get3A_1244 = arith.index_cast %scan3A_896 : i32 to index
      %get3A_1245 = arith.constant 224 : index
      %get3A_1246 = tpu.vector_load %arg5[%get3A_1244, %get3A_1245] {strides = array<i32>} : memref<192x256xf32, #tpu.memory_space<vmem>>, vector<1x16xf32>,
      %get3A_1247 = vector.shape_cast %get3A_1246 : vector<1x16xf32> to vector<16xf32>
      %jit3A_1248 = arith.constant 0.000000e+00 : f32
      %broadcast_in_dim3A_1249 = vector.broadcast %jit3A_1248 : f32 to vector<16xf32>
      %select_n3A_1250 = arith.select %and3A_1243, %get3A_1247, %broadcast_in_dim3A_1249 : vector<16xi1>, vector<16xf32>
      %swap3A_1251 = arith.index_cast %scan3A_896 : i32 to index
      %swap3A_1252 = arith.constant 224 : index
      %swap3A_1253 = tpu.vector_load %arg5[%swap3A_1251, %swap3A_1252] {strides = array<i32>} : memref<192x256xf32, #tpu.memory_space<vmem>>, vector<1x16xf32>,
      %swap3A_1254 = vector.shape_cast %swap3A_1253 : vector<1x16xf32> to vector<16xf32>
      %swap3A_1255 = vector.shape_cast %select_n3A_1250 : vector<16xf32> to vector<1x16xf32>
      tpu.vector_store %arg5[%swap3A_1251, %swap3A_1252], %swap3A_1255 {strides = array<i32>} : memref<192x256xf32, #tpu.memory_space<vmem>>, vector<1x16xf32>,
      %get3A_1256 = arith.constant 240 : index
      %get3A_1257 = tpu.vector_load %arg6[%get3A_1256] {strides = array<i32>} : memref<256xi32, #tpu.memory_space<vmem>>, vector<16xi32>,
      %get3A_1258 = vector.shape_cast %get3A_1257 : vector<16xi32> to vector<16xi32>
      %add3A_1259 = vector.broadcast %mul3A_901 : i32 to vector<16xi32>
      %add3A_1260 = arith.addi %add3A_1259, %get3A_1258 : vector<16xi32>
      %lt3A_1261 = arith.constant 8100 : i32
      %lt3A_1262 = vector.broadcast %lt3A_1261 : i32 to vector<16xi32>
      %lt3A_1263 = arith.cmpi slt, %add3A_1260, %lt3A_1262 : vector<16xi32>
      %ge3A_1264 = arith.constant 576 : i32
      %ge3A_1265 = vector.broadcast %ge3A_1264 : i32 to vector<16xi32>
      %ge3A_1266 = arith.cmpi sge, %add3A_1260, %ge3A_1265 : vector<16xi32>
      %and3A_1267 = arith.andi %lt3A_1263, %ge3A_1266 : vector<16xi1>
      %get3A_1268 = arith.index_cast %scan3A_896 : i32 to index
      %get3A_1269 = arith.constant 240 : index
      %get3A_1270 = tpu.vector_load %arg5[%get3A_1268, %get3A_1269] {strides = array<i32>} : memref<192x256xf32, #tpu.memory_space<vmem>>, vector<1x16xf32>,
      %get3A_1271 = vector.shape_cast %get3A_1270 : vector<1x16xf32> to vector<16xf32>
      %jit3A_1272 = arith.constant 0.000000e+00 : f32
      %broadcast_in_dim3A_1273 = vector.broadcast %jit3A_1272 : f32 to vector<16xf32>
      %select_n3A_1274 = arith.select %and3A_1267, %get3A_1271, %broadcast_in_dim3A_1273 : vector<16xi1>, vector<16xf32>
      %swap3A_1275 = arith.index_cast %scan3A_896 : i32 to index
      %swap3A_1276 = arith.constant 240 : index
      %swap3A_1277 = tpu.vector_load %arg5[%swap3A_1275, %swap3A_1276] {strides = array<i32>} : memref<192x256xf32, #tpu.memory_space<vmem>>, vector<1x16xf32>,
      %swap3A_1278 = vector.shape_cast %swap3A_1277 : vector<1x16xf32> to vector<16xf32>
      %swap3A_1279 = vector.shape_cast %select_n3A_1274 : vector<16xf32> to vector<1x16xf32>
      tpu.vector_store %arg5[%swap3A_1275, %swap3A_1276], %swap3A_1279 {strides = array<i32>} : memref<192x256xf32, #tpu.memory_space<vmem>>, vector<1x16xf32>,
    }
    %scan3A_316 = arith.constant 192 : i32
    "tpu.region"() ({
      %run_scoped3A = tpu.sem_alloc : memref<!tpu.dma_semaphore, #tpu.memory_space<semaphore_mem>>
      %dma_start3A_896 = arith.constant 160 : i32
      %dma_start3A_897 = arith.constant 128 : i32
      %dma_start3A_898 = tpu.memref_slice %arg3[%add3A_199, %dma_start3A_896, %dma_start3A_897] : memref<96x512x512xf32, #tpu.memory_space<hbm>> -> memref<1x192x256xf32, #tpu.memory_space<hbm>>
      %dma_start3A_899 = tpu.memref_squeeze %dma_start3A_898 : memref<1x192x256xf32, #tpu.memory_space<hbm>> -> memref<192x256xf32, #tpu.memory_space<hbm>>
      %dma_start3A_900 = arith.constant 160 : i32
      %dma_start3A_901 = arith.constant 128 : i32
      %dma_start3A_902 = tpu.memref_slice %arg3[%add3A_199, %dma_start3A_900, %dma_start3A_901] : memref<96x512x512xf32, #tpu.memory_space<hbm>> -> memref<1x192x256xf32, #tpu.memory_space<hbm>>
      %dma_start3A_903 = tpu.memref_squeeze %dma_start3A_902 : memref<1x192x256xf32, #tpu.memory_space<hbm>> -> memref<192x256xf32, #tpu.memory_space<hbm>>
      tpu.enqueue_dma source(%arg5 : memref<192x256xf32, #tpu.memory_space<vmem>>) target(%dma_start3A_903 : memref<192x256xf32, #tpu.memory_space<hbm>>) target_semaphore(%run_scoped3A : memref<!tpu.dma_semaphore, #tpu.memory_space<semaphore_mem>>)
      %dma_wait3A_904 = arith.constant 160 : i32
      %dma_wait3A_905 = arith.constant 128 : i32
      %dma_wait3A_906 = tpu.memref_slice %arg3[%add3A_199, %dma_wait3A_904, %dma_wait3A_905] : memref<96x512x512xf32, #tpu.memory_space<hbm>> -> memref<1x192x256xf32, #tpu.memory_space<hbm>>
      %dma_wait3A_907 = tpu.memref_squeeze %dma_wait3A_906 : memref<1x192x256xf32, #tpu.memory_space<hbm>> -> memref<192x256xf32, #tpu.memory_space<hbm>>
      %dma_wait3A_908 = arith.constant 160 : i32
      %dma_wait3A_909 = arith.constant 128 : i32
      %dma_wait3A_910 = tpu.memref_slice %arg3[%add3A_199, %dma_wait3A_908, %dma_wait3A_909] : memref<96x512x512xf32, #tpu.memory_space<hbm>> -> memref<1x192x256xf32, #tpu.memory_space<hbm>>
      %dma_wait3A_911 = tpu.memref_squeeze %dma_wait3A_910 : memref<1x192x256xf32, #tpu.memory_space<hbm>> -> memref<192x256xf32, #tpu.memory_space<hbm>>
      tpu.wait_dma2 semaphore(%run_scoped3A : memref<!tpu.dma_semaphore, #tpu.memory_space<semaphore_mem>>) src(%arg5 : memref<192x256xf32, #tpu.memory_space<vmem>>) dst(%dma_wait3A_911 : memref<192x256xf32, #tpu.memory_space<hbm>>)
      tpu.yield
    }) : () -> ()
    %dma_wait3A = arith.constant 0 : i32
    %dma_wait3A_317 = arith.constant 0 : i32
    %dma_wait3A_318 = tpu.memref_slice %arg4[%dma_wait3A, %dma_wait3A_317] : memref<96x512xf32, #tpu.memory_space<vmem>> -> memref<96x512xf32, #tpu.memory_space<vmem>>
    %dma_wait3A_319 = arith.constant 0 : i32
    %dma_wait3A_320 = arith.constant 0 : i32
    %dma_wait3A_321 = tpu.memref_slice %arg3[%add3A_199, %dma_wait3A_319, %dma_wait3A_320] : memref<96x512x512xf32, #tpu.memory_space<hbm>> -> memref<1x96x512xf32, #tpu.memory_space<hbm>>
    %dma_wait3A_322 = tpu.memref_squeeze %dma_wait3A_321 : memref<1x96x512xf32, #tpu.memory_space<hbm>> -> memref<96x512xf32, #tpu.memory_space<hbm>>
    %dma_wait3A_323 = arith.constant 0 : i32
    %dma_wait3A_324 = arith.constant 0 : i32
    %dma_wait3A_325 = tpu.memref_slice %arg3[%add3A_199, %dma_wait3A_323, %dma_wait3A_324] : memref<96x512x512xf32, #tpu.memory_space<hbm>> -> memref<1x96x512xf32, #tpu.memory_space<hbm>>
    %dma_wait3A_326 = tpu.memref_squeeze %dma_wait3A_325 : memref<1x96x512xf32, #tpu.memory_space<hbm>> -> memref<96x512xf32, #tpu.memory_space<hbm>>
    %dma_wait3A_327 = arith.constant 0 : i32
    %dma_wait3A_328 = arith.constant 0 : i32
    %dma_wait3A_329 = tpu.memref_slice %arg4[%dma_wait3A_327, %dma_wait3A_328] : memref<96x512xf32, #tpu.memory_space<vmem>> -> memref<96x512xf32, #tpu.memory_space<vmem>>
    tpu.wait_dma2 semaphore(%arg7 : memref<!tpu.dma_semaphore, #tpu.memory_space<semaphore_mem>>) src(%dma_wait3A_329 : memref<96x512xf32, #tpu.memory_space<vmem>>) dst(%dma_wait3A_326 : memref<96x512xf32, #tpu.memory_space<hbm>>)
    %dma_wait3A_330 = arith.constant 0 : i32
    %dma_wait3A_331 = arith.constant 0 : i32
    %dma_wait3A_332 = tpu.memref_slice %arg4[%dma_wait3A_330, %dma_wait3A_331] : memref<96x512xf32, #tpu.memory_space<vmem>> -> memref<64x512xf32, #tpu.memory_space<vmem>>
    %dma_wait3A_333 = arith.constant 96 : i32
    %dma_wait3A_334 = arith.constant 0 : i32
    %dma_wait3A_335 = tpu.memref_slice %arg3[%add3A_199, %dma_wait3A_333, %dma_wait3A_334] : memref<96x512x512xf32, #tpu.memory_space<hbm>> -> memref<1x64x512xf32, #tpu.memory_space<hbm>>
    %dma_wait3A_336 = tpu.memref_squeeze %dma_wait3A_335 : memref<1x64x512xf32, #tpu.memory_space<hbm>> -> memref<64x512xf32, #tpu.memory_space<hbm>>
    %dma_wait3A_337 = arith.constant 96 : i32
    %dma_wait3A_338 = arith.constant 0 : i32
    %dma_wait3A_339 = tpu.memref_slice %arg3[%add3A_199, %dma_wait3A_337, %dma_wait3A_338] : memref<96x512x512xf32, #tpu.memory_space<hbm>> -> memref<1x64x512xf32, #tpu.memory_space<hbm>>
    %dma_wait3A_340 = tpu.memref_squeeze %dma_wait3A_339 : memref<1x64x512xf32, #tpu.memory_space<hbm>> -> memref<64x512xf32, #tpu.memory_space<hbm>>
    %dma_wait3A_341 = arith.constant 0 : i32
    %dma_wait3A_342 = arith.constant 0 : i32
    %dma_wait3A_343 = tpu.memref_slice %arg4[%dma_wait3A_341, %dma_wait3A_342] : memref<96x512xf32, #tpu.memory_space<vmem>> -> memref<64x512xf32, #tpu.memory_space<vmem>>
    tpu.wait_dma2 semaphore(%arg7 : memref<!tpu.dma_semaphore, #tpu.memory_space<semaphore_mem>>) src(%dma_wait3A_343 : memref<64x512xf32, #tpu.memory_space<vmem>>) dst(%dma_wait3A_340 : memref<64x512xf32, #tpu.memory_space<hbm>>)
    %dma_wait3A_344 = arith.constant 0 : i32
    %dma_wait3A_345 = arith.constant 0 : i32
    %dma_wait3A_346 = tpu.memref_slice %arg4[%dma_wait3A_344, %dma_wait3A_345] : memref<96x512xf32, #tpu.memory_space<vmem>> -> memref<96x512xf32, #tpu.memory_space<vmem>>
    %dma_wait3A_347 = arith.constant 352 : i32
    %dma_wait3A_348 = arith.constant 0 : i32
    %dma_wait3A_349 = tpu.memref_slice %arg3[%add3A_199, %dma_wait3A_347, %dma_wait3A_348] : memref<96x512x512xf32, #tpu.memory_space<hbm>> -> memref<1x96x512xf32, #tpu.memory_space<hbm>>
    %dma_wait3A_350 = tpu.memref_squeeze %dma_wait3A_349 : memref<1x96x512xf32, #tpu.memory_space<hbm>> -> memref<96x512xf32, #tpu.memory_space<hbm>>
    %dma_wait3A_351 = arith.constant 352 : i32
    %dma_wait3A_352 = arith.constant 0 : i32
    %dma_wait3A_353 = tpu.memref_slice %arg3[%add3A_199, %dma_wait3A_351, %dma_wait3A_352] : memref<96x512x512xf32, #tpu.memory_space<hbm>> -> memref<1x96x512xf32, #tpu.memory_space<hbm>>
    %dma_wait3A_354 = tpu.memref_squeeze %dma_wait3A_353 : memref<1x96x512xf32, #tpu.memory_space<hbm>> -> memref<96x512xf32, #tpu.memory_space<hbm>>
    %dma_wait3A_355 = arith.constant 0 : i32
    %dma_wait3A_356 = arith.constant 0 : i32
    %dma_wait3A_357 = tpu.memref_slice %arg4[%dma_wait3A_355, %dma_wait3A_356] : memref<96x512xf32, #tpu.memory_space<vmem>> -> memref<96x512xf32, #tpu.memory_space<vmem>>
    tpu.wait_dma2 semaphore(%arg7 : memref<!tpu.dma_semaphore, #tpu.memory_space<semaphore_mem>>) src(%dma_wait3A_357 : memref<96x512xf32, #tpu.memory_space<vmem>>) dst(%dma_wait3A_354 : memref<96x512xf32, #tpu.memory_space<hbm>>)
    %dma_wait3A_358 = arith.constant 0 : i32
    %dma_wait3A_359 = arith.constant 0 : i32
    %dma_wait3A_360 = tpu.memref_slice %arg4[%dma_wait3A_358, %dma_wait3A_359] : memref<96x512xf32, #tpu.memory_space<vmem>> -> memref<64x512xf32, #tpu.memory_space<vmem>>
    %dma_wait3A_361 = arith.constant 448 : i32
    %dma_wait3A_362 = arith.constant 0 : i32
    %dma_wait3A_363 = tpu.memref_slice %arg3[%add3A_199, %dma_wait3A_361, %dma_wait3A_362] : memref<96x512x512xf32, #tpu.memory_space<hbm>> -> memref<1x64x512xf32, #tpu.memory_space<hbm>>
    %dma_wait3A_364 = tpu.memref_squeeze %dma_wait3A_363 : memref<1x64x512xf32, #tpu.memory_space<hbm>> -> memref<64x512xf32, #tpu.memory_space<hbm>>
    %dma_wait3A_365 = arith.constant 448 : i32
    %dma_wait3A_366 = arith.constant 0 : i32
    %dma_wait3A_367 = tpu.memref_slice %arg3[%add3A_199, %dma_wait3A_365, %dma_wait3A_366] : memref<96x512x512xf32, #tpu.memory_space<hbm>> -> memref<1x64x512xf32, #tpu.memory_space<hbm>>
    %dma_wait3A_368 = tpu.memref_squeeze %dma_wait3A_367 : memref<1x64x512xf32, #tpu.memory_space<hbm>> -> memref<64x512xf32, #tpu.memory_space<hbm>>
    %dma_wait3A_369 = arith.constant 0 : i32
    %dma_wait3A_370 = arith.constant 0 : i32
    %dma_wait3A_371 = tpu.memref_slice %arg4[%dma_wait3A_369, %dma_wait3A_370] : memref<96x512xf32, #tpu.memory_space<vmem>> -> memref<64x512xf32, #tpu.memory_space<vmem>>
    tpu.wait_dma2 semaphore(%arg7 : memref<!tpu.dma_semaphore, #tpu.memory_space<semaphore_mem>>) src(%dma_wait3A_371 : memref<64x512xf32, #tpu.memory_space<vmem>>) dst(%dma_wait3A_368 : memref<64x512xf32, #tpu.memory_space<hbm>>)
    %dma_wait3A_372 = arith.constant 0 : i32
    %dma_wait3A_373 = arith.constant 0 : i32
    %dma_wait3A_374 = tpu.memref_slice %arg4[%dma_wait3A_372, %dma_wait3A_373] : memref<96x512xf32, #tpu.memory_space<vmem>> -> memref<96x128xf32, #tpu.memory_space<vmem>>
    %dma_wait3A_375 = arith.constant 160 : i32
    %dma_wait3A_376 = arith.constant 0 : i32
    %dma_wait3A_377 = tpu.memref_slice %arg3[%add3A_199, %dma_wait3A_375, %dma_wait3A_376] : memref<96x512x512xf32, #tpu.memory_space<hbm>> -> memref<1x96x128xf32, #tpu.memory_space<hbm>>
    %dma_wait3A_378 = tpu.memref_squeeze %dma_wait3A_377 : memref<1x96x128xf32, #tpu.memory_space<hbm>> -> memref<96x128xf32, #tpu.memory_space<hbm>>
    %dma_wait3A_379 = arith.constant 160 : i32
    %dma_wait3A_380 = arith.constant 0 : i32
    %dma_wait3A_381 = tpu.memref_slice %arg3[%add3A_199, %dma_wait3A_379, %dma_wait3A_380] : memref<96x512x512xf32, #tpu.memory_space<hbm>> -> memref<1x96x128xf32, #tpu.memory_space<hbm>>
    %dma_wait3A_382 = tpu.memref_squeeze %dma_wait3A_381 : memref<1x96x128xf32, #tpu.memory_space<hbm>> -> memref<96x128xf32, #tpu.memory_space<hbm>>
    %dma_wait3A_383 = arith.constant 0 : i32
    %dma_wait3A_384 = arith.constant 0 : i32
    %dma_wait3A_385 = tpu.memref_slice %arg4[%dma_wait3A_383, %dma_wait3A_384] : memref<96x512xf32, #tpu.memory_space<vmem>> -> memref<96x128xf32, #tpu.memory_space<vmem>>
    tpu.wait_dma2 semaphore(%arg7 : memref<!tpu.dma_semaphore, #tpu.memory_space<semaphore_mem>>) src(%dma_wait3A_385 : memref<96x128xf32, #tpu.memory_space<vmem>>) dst(%dma_wait3A_382 : memref<96x128xf32, #tpu.memory_space<hbm>>)
    %dma_wait3A_386 = arith.constant 0 : i32
    %dma_wait3A_387 = arith.constant 0 : i32
    %dma_wait3A_388 = tpu.memref_slice %arg4[%dma_wait3A_386, %dma_wait3A_387] : memref<96x512xf32, #tpu.memory_space<vmem>> -> memref<96x128xf32, #tpu.memory_space<vmem>>
    %dma_wait3A_389 = arith.constant 256 : i32
    %dma_wait3A_390 = arith.constant 0 : i32
    %dma_wait3A_391 = tpu.memref_slice %arg3[%add3A_199, %dma_wait3A_389, %dma_wait3A_390] : memref<96x512x512xf32, #tpu.memory_space<hbm>> -> memref<1x96x128xf32, #tpu.memory_space<hbm>>
    %dma_wait3A_392 = tpu.memref_squeeze %dma_wait3A_391 : memref<1x96x128xf32, #tpu.memory_space<hbm>> -> memref<96x128xf32, #tpu.memory_space<hbm>>
    %dma_wait3A_393 = arith.constant 256 : i32
    %dma_wait3A_394 = arith.constant 0 : i32
    %dma_wait3A_395 = tpu.memref_slice %arg3[%add3A_199, %dma_wait3A_393, %dma_wait3A_394] : memref<96x512x512xf32, #tpu.memory_space<hbm>> -> memref<1x96x128xf32, #tpu.memory_space<hbm>>
    %dma_wait3A_396 = tpu.memref_squeeze %dma_wait3A_395 : memref<1x96x128xf32, #tpu.memory_space<hbm>> -> memref<96x128xf32, #tpu.memory_space<hbm>>
    %dma_wait3A_397 = arith.constant 0 : i32
    %dma_wait3A_398 = arith.constant 0 : i32
    %dma_wait3A_399 = tpu.memref_slice %arg4[%dma_wait3A_397, %dma_wait3A_398] : memref<96x512xf32, #tpu.memory_space<vmem>> -> memref<96x128xf32, #tpu.memory_space<vmem>>
    tpu.wait_dma2 semaphore(%arg7 : memref<!tpu.dma_semaphore, #tpu.memory_space<semaphore_mem>>) src(%dma_wait3A_399 : memref<96x128xf32, #tpu.memory_space<vmem>>) dst(%dma_wait3A_396 : memref<96x128xf32, #tpu.memory_space<hbm>>)
    %dma_wait3A_400 = arith.constant 0 : i32
    %dma_wait3A_401 = arith.constant 0 : i32
    %dma_wait3A_402 = tpu.memref_slice %arg4[%dma_wait3A_400, %dma_wait3A_401] : memref<96x512xf32, #tpu.memory_space<vmem>> -> memref<96x128xf32, #tpu.memory_space<vmem>>
    %dma_wait3A_403 = arith.constant 160 : i32
    %dma_wait3A_404 = arith.constant 384 : i32
    %dma_wait3A_405 = tpu.memref_slice %arg3[%add3A_199, %dma_wait3A_403, %dma_wait3A_404] : memref<96x512x512xf32, #tpu.memory_space<hbm>> -> memref<1x96x128xf32, #tpu.memory_space<hbm>>
    %dma_wait3A_406 = tpu.memref_squeeze %dma_wait3A_405 : memref<1x96x128xf32, #tpu.memory_space<hbm>> -> memref<96x128xf32, #tpu.memory_space<hbm>>
    %dma_wait3A_407 = arith.constant 160 : i32
    %dma_wait3A_408 = arith.constant 384 : i32
    %dma_wait3A_409 = tpu.memref_slice %arg3[%add3A_199, %dma_wait3A_407, %dma_wait3A_408] : memref<96x512x512xf32, #tpu.memory_space<hbm>> -> memref<1x96x128xf32, #tpu.memory_space<hbm>>
    %dma_wait3A_410 = tpu.memref_squeeze %dma_wait3A_409 : memref<1x96x128xf32, #tpu.memory_space<hbm>> -> memref<96x128xf32, #tpu.memory_space<hbm>>
    %dma_wait3A_411 = arith.constant 0 : i32
    %dma_wait3A_412 = arith.constant 0 : i32
    %dma_wait3A_413 = tpu.memref_slice %arg4[%dma_wait3A_411, %dma_wait3A_412] : memref<96x512xf32, #tpu.memory_space<vmem>> -> memref<96x128xf32, #tpu.memory_space<vmem>>
    tpu.wait_dma2 semaphore(%arg7 : memref<!tpu.dma_semaphore, #tpu.memory_space<semaphore_mem>>) src(%dma_wait3A_413 : memref<96x128xf32, #tpu.memory_space<vmem>>) dst(%dma_wait3A_410 : memref<96x128xf32, #tpu.memory_space<hbm>>)
    %dma_wait3A_414 = arith.constant 0 : i32
    %dma_wait3A_415 = arith.constant 0 : i32
    %dma_wait3A_416 = tpu.memref_slice %arg4[%dma_wait3A_414, %dma_wait3A_415] : memref<96x512xf32, #tpu.memory_space<vmem>> -> memref<96x128xf32, #tpu.memory_space<vmem>>
    %dma_wait3A_417 = arith.constant 256 : i32
    %dma_wait3A_418 = arith.constant 384 : i32
    %dma_wait3A_419 = tpu.memref_slice %arg3[%add3A_199, %dma_wait3A_417, %dma_wait3A_418] : memref<96x512x512xf32, #tpu.memory_space<hbm>> -> memref<1x96x128xf32, #tpu.memory_space<hbm>>
    %dma_wait3A_420 = tpu.memref_squeeze %dma_wait3A_419 : memref<1x96x128xf32, #tpu.memory_space<hbm>> -> memref<96x128xf32, #tpu.memory_space<hbm>>
    %dma_wait3A_421 = arith.constant 256 : i32
    %dma_wait3A_422 = arith.constant 384 : i32
    %dma_wait3A_423 = tpu.memref_slice %arg3[%add3A_199, %dma_wait3A_421, %dma_wait3A_422] : memref<96x512x512xf32, #tpu.memory_space<hbm>> -> memref<1x96x128xf32, #tpu.memory_space<hbm>>
    %dma_wait3A_424 = tpu.memref_squeeze %dma_wait3A_423 : memref<1x96x128xf32, #tpu.memory_space<hbm>> -> memref<96x128xf32, #tpu.memory_space<hbm>>
    %dma_wait3A_425 = arith.constant 0 : i32
    %dma_wait3A_426 = arith.constant 0 : i32
    %dma_wait3A_427 = tpu.memref_slice %arg4[%dma_wait3A_425, %dma_wait3A_426] : memref<96x512xf32, #tpu.memory_space<vmem>> -> memref<96x128xf32, #tpu.memory_space<vmem>>
    tpu.wait_dma2 semaphore(%arg7 : memref<!tpu.dma_semaphore, #tpu.memory_space<semaphore_mem>>) src(%dma_wait3A_427 : memref<96x128xf32, #tpu.memory_space<vmem>>) dst(%dma_wait3A_424 : memref<96x128xf32, #tpu.memory_space<hbm>>)
    %mul3A_428 = arith.constant 3 : i32
    %mul3A_429 = arith.muli %add3A, %mul3A_428 : i32
    %add3A_430 = arith.constant 1 : i32
    %add3A_431 = arith.addi %mul3A_429, %add3A_430 : i32
    %dma_start3A_432 = arith.constant 0 : i32
    %dma_start3A_433 = arith.constant 0 : i32
    %dma_start3A_434 = tpu.memref_slice %arg4[%dma_start3A_432, %dma_start3A_433] : memref<96x512xf32, #tpu.memory_space<vmem>> -> memref<96x512xf32, #tpu.memory_space<vmem>>
    %dma_start3A_435 = arith.constant 0 : i32
    %dma_start3A_436 = arith.constant 0 : i32
    %dma_start3A_437 = tpu.memref_slice %arg3[%add3A_431, %dma_start3A_435, %dma_start3A_436] : memref<96x512x512xf32, #tpu.memory_space<hbm>> -> memref<1x96x512xf32, #tpu.memory_space<hbm>>
    %dma_start3A_438 = tpu.memref_squeeze %dma_start3A_437 : memref<1x96x512xf32, #tpu.memory_space<hbm>> -> memref<96x512xf32, #tpu.memory_space<hbm>>
    %dma_start3A_439 = arith.constant 0 : i32
    %dma_start3A_440 = arith.constant 0 : i32
    %dma_start3A_441 = tpu.memref_slice %arg3[%add3A_431, %dma_start3A_439, %dma_start3A_440] : memref<96x512x512xf32, #tpu.memory_space<hbm>> -> memref<1x96x512xf32, #tpu.memory_space<hbm>>
    %dma_start3A_442 = tpu.memref_squeeze %dma_start3A_441 : memref<1x96x512xf32, #tpu.memory_space<hbm>> -> memref<96x512xf32, #tpu.memory_space<hbm>>
    %dma_start3A_443 = arith.constant 0 : i32
    %dma_start3A_444 = arith.constant 0 : i32
    %dma_start3A_445 = tpu.memref_slice %arg4[%dma_start3A_443, %dma_start3A_444] : memref<96x512xf32, #tpu.memory_space<vmem>> -> memref<96x512xf32, #tpu.memory_space<vmem>>
    tpu.enqueue_dma source(%dma_start3A_445 : memref<96x512xf32, #tpu.memory_space<vmem>>) target(%dma_start3A_442 : memref<96x512xf32, #tpu.memory_space<hbm>>) target_semaphore(%arg7 : memref<!tpu.dma_semaphore, #tpu.memory_space<semaphore_mem>>)
    %dma_start3A_446 = arith.constant 0 : i32
    %dma_start3A_447 = arith.constant 0 : i32
    %dma_start3A_448 = tpu.memref_slice %arg4[%dma_start3A_446, %dma_start3A_447] : memref<96x512xf32, #tpu.memory_space<vmem>> -> memref<64x512xf32, #tpu.memory_space<vmem>>
    %dma_start3A_449 = arith.constant 96 : i32
    %dma_start3A_450 = arith.constant 0 : i32
    %dma_start3A_451 = tpu.memref_slice %arg3[%add3A_431, %dma_start3A_449, %dma_start3A_450] : memref<96x512x512xf32, #tpu.memory_space<hbm>> -> memref<1x64x512xf32, #tpu.memory_space<hbm>>
    %dma_start3A_452 = tpu.memref_squeeze %dma_start3A_451 : memref<1x64x512xf32, #tpu.memory_space<hbm>> -> memref<64x512xf32, #tpu.memory_space<hbm>>
    %dma_start3A_453 = arith.constant 96 : i32
    %dma_start3A_454 = arith.constant 0 : i32
    %dma_start3A_455 = tpu.memref_slice %arg3[%add3A_431, %dma_start3A_453, %dma_start3A_454] : memref<96x512x512xf32, #tpu.memory_space<hbm>> -> memref<1x64x512xf32, #tpu.memory_space<hbm>>
    %dma_start3A_456 = tpu.memref_squeeze %dma_start3A_455 : memref<1x64x512xf32, #tpu.memory_space<hbm>> -> memref<64x512xf32, #tpu.memory_space<hbm>>
    %dma_start3A_457 = arith.constant 0 : i32
    %dma_start3A_458 = arith.constant 0 : i32
    %dma_start3A_459 = tpu.memref_slice %arg4[%dma_start3A_457, %dma_start3A_458] : memref<96x512xf32, #tpu.memory_space<vmem>> -> memref<64x512xf32, #tpu.memory_space<vmem>>
    tpu.enqueue_dma source(%dma_start3A_459 : memref<64x512xf32, #tpu.memory_space<vmem>>) target(%dma_start3A_456 : memref<64x512xf32, #tpu.memory_space<hbm>>) target_semaphore(%arg7 : memref<!tpu.dma_semaphore, #tpu.memory_space<semaphore_mem>>)
    %dma_start3A_460 = arith.constant 0 : i32
    %dma_start3A_461 = arith.constant 0 : i32
    %dma_start3A_462 = tpu.memref_slice %arg4[%dma_start3A_460, %dma_start3A_461] : memref<96x512xf32, #tpu.memory_space<vmem>> -> memref<96x512xf32, #tpu.memory_space<vmem>>
    %dma_start3A_463 = arith.constant 352 : i32
    %dma_start3A_464 = arith.constant 0 : i32
    %dma_start3A_465 = tpu.memref_slice %arg3[%add3A_431, %dma_start3A_463, %dma_start3A_464] : memref<96x512x512xf32, #tpu.memory_space<hbm>> -> memref<1x96x512xf32, #tpu.memory_space<hbm>>
    %dma_start3A_466 = tpu.memref_squeeze %dma_start3A_465 : memref<1x96x512xf32, #tpu.memory_space<hbm>> -> memref<96x512xf32, #tpu.memory_space<hbm>>
    %dma_start3A_467 = arith.constant 352 : i32
    %dma_start3A_468 = arith.constant 0 : i32
    %dma_start3A_469 = tpu.memref_slice %arg3[%add3A_431, %dma_start3A_467, %dma_start3A_468] : memref<96x512x512xf32, #tpu.memory_space<hbm>> -> memref<1x96x512xf32, #tpu.memory_space<hbm>>
    %dma_start3A_470 = tpu.memref_squeeze %dma_start3A_469 : memref<1x96x512xf32, #tpu.memory_space<hbm>> -> memref<96x512xf32, #tpu.memory_space<hbm>>
    %dma_start3A_471 = arith.constant 0 : i32
    %dma_start3A_472 = arith.constant 0 : i32
    %dma_start3A_473 = tpu.memref_slice %arg4[%dma_start3A_471, %dma_start3A_472] : memref<96x512xf32, #tpu.memory_space<vmem>> -> memref<96x512xf32, #tpu.memory_space<vmem>>
    tpu.enqueue_dma source(%dma_start3A_473 : memref<96x512xf32, #tpu.memory_space<vmem>>) target(%dma_start3A_470 : memref<96x512xf32, #tpu.memory_space<hbm>>) target_semaphore(%arg7 : memref<!tpu.dma_semaphore, #tpu.memory_space<semaphore_mem>>)
    %dma_start3A_474 = arith.constant 0 : i32
    %dma_start3A_475 = arith.constant 0 : i32
    %dma_start3A_476 = tpu.memref_slice %arg4[%dma_start3A_474, %dma_start3A_475] : memref<96x512xf32, #tpu.memory_space<vmem>> -> memref<64x512xf32, #tpu.memory_space<vmem>>
    %dma_start3A_477 = arith.constant 448 : i32
    %dma_start3A_478 = arith.constant 0 : i32
    %dma_start3A_479 = tpu.memref_slice %arg3[%add3A_431, %dma_start3A_477, %dma_start3A_478] : memref<96x512x512xf32, #tpu.memory_space<hbm>> -> memref<1x64x512xf32, #tpu.memory_space<hbm>>
    %dma_start3A_480 = tpu.memref_squeeze %dma_start3A_479 : memref<1x64x512xf32, #tpu.memory_space<hbm>> -> memref<64x512xf32, #tpu.memory_space<hbm>>
    %dma_start3A_481 = arith.constant 448 : i32
    %dma_start3A_482 = arith.constant 0 : i32
    %dma_start3A_483 = tpu.memref_slice %arg3[%add3A_431, %dma_start3A_481, %dma_start3A_482] : memref<96x512x512xf32, #tpu.memory_space<hbm>> -> memref<1x64x512xf32, #tpu.memory_space<hbm>>
    %dma_start3A_484 = tpu.memref_squeeze %dma_start3A_483 : memref<1x64x512xf32, #tpu.memory_space<hbm>> -> memref<64x512xf32, #tpu.memory_space<hbm>>
    %dma_start3A_485 = arith.constant 0 : i32
    %dma_start3A_486 = arith.constant 0 : i32
    %dma_start3A_487 = tpu.memref_slice %arg4[%dma_start3A_485, %dma_start3A_486] : memref<96x512xf32, #tpu.memory_space<vmem>> -> memref<64x512xf32, #tpu.memory_space<vmem>>
    tpu.enqueue_dma source(%dma_start3A_487 : memref<64x512xf32, #tpu.memory_space<vmem>>) target(%dma_start3A_484 : memref<64x512xf32, #tpu.memory_space<hbm>>) target_semaphore(%arg7 : memref<!tpu.dma_semaphore, #tpu.memory_space<semaphore_mem>>)
    %dma_start3A_488 = arith.constant 0 : i32
    %dma_start3A_489 = arith.constant 0 : i32
    %dma_start3A_490 = tpu.memref_slice %arg4[%dma_start3A_488, %dma_start3A_489] : memref<96x512xf32, #tpu.memory_space<vmem>> -> memref<96x128xf32, #tpu.memory_space<vmem>>
    %dma_start3A_491 = arith.constant 160 : i32
    %dma_start3A_492 = arith.constant 0 : i32
    %dma_start3A_493 = tpu.memref_slice %arg3[%add3A_431, %dma_start3A_491, %dma_start3A_492] : memref<96x512x512xf32, #tpu.memory_space<hbm>> -> memref<1x96x128xf32, #tpu.memory_space<hbm>>
    %dma_start3A_494 = tpu.memref_squeeze %dma_start3A_493 : memref<1x96x128xf32, #tpu.memory_space<hbm>> -> memref<96x128xf32, #tpu.memory_space<hbm>>
    %dma_start3A_495 = arith.constant 160 : i32
    %dma_start3A_496 = arith.constant 0 : i32
    %dma_start3A_497 = tpu.memref_slice %arg3[%add3A_431, %dma_start3A_495, %dma_start3A_496] : memref<96x512x512xf32, #tpu.memory_space<hbm>> -> memref<1x96x128xf32, #tpu.memory_space<hbm>>
    %dma_start3A_498 = tpu.memref_squeeze %dma_start3A_497 : memref<1x96x128xf32, #tpu.memory_space<hbm>> -> memref<96x128xf32, #tpu.memory_space<hbm>>
    %dma_start3A_499 = arith.constant 0 : i32
    %dma_start3A_500 = arith.constant 0 : i32
    %dma_start3A_501 = tpu.memref_slice %arg4[%dma_start3A_499, %dma_start3A_500] : memref<96x512xf32, #tpu.memory_space<vmem>> -> memref<96x128xf32, #tpu.memory_space<vmem>>
    tpu.enqueue_dma source(%dma_start3A_501 : memref<96x128xf32, #tpu.memory_space<vmem>>) target(%dma_start3A_498 : memref<96x128xf32, #tpu.memory_space<hbm>>) target_semaphore(%arg7 : memref<!tpu.dma_semaphore, #tpu.memory_space<semaphore_mem>>)
    %dma_start3A_502 = arith.constant 0 : i32
    %dma_start3A_503 = arith.constant 0 : i32
    %dma_start3A_504 = tpu.memref_slice %arg4[%dma_start3A_502, %dma_start3A_503] : memref<96x512xf32, #tpu.memory_space<vmem>> -> memref<96x128xf32, #tpu.memory_space<vmem>>
    %dma_start3A_505 = arith.constant 256 : i32
    %dma_start3A_506 = arith.constant 0 : i32
    %dma_start3A_507 = tpu.memref_slice %arg3[%add3A_431, %dma_start3A_505, %dma_start3A_506] : memref<96x512x512xf32, #tpu.memory_space<hbm>> -> memref<1x96x128xf32, #tpu.memory_space<hbm>>
    %dma_start3A_508 = tpu.memref_squeeze %dma_start3A_507 : memref<1x96x128xf32, #tpu.memory_space<hbm>> -> memref<96x128xf32, #tpu.memory_space<hbm>>
    %dma_start3A_509 = arith.constant 256 : i32
    %dma_start3A_510 = arith.constant 0 : i32
    %dma_start3A_511 = tpu.memref_slice %arg3[%add3A_431, %dma_start3A_509, %dma_start3A_510] : memref<96x512x512xf32, #tpu.memory_space<hbm>> -> memref<1x96x128xf32, #tpu.memory_space<hbm>>
    %dma_start3A_512 = tpu.memref_squeeze %dma_start3A_511 : memref<1x96x128xf32, #tpu.memory_space<hbm>> -> memref<96x128xf32, #tpu.memory_space<hbm>>
    %dma_start3A_513 = arith.constant 0 : i32
    %dma_start3A_514 = arith.constant 0 : i32
    %dma_start3A_515 = tpu.memref_slice %arg4[%dma_start3A_513, %dma_start3A_514] : memref<96x512xf32, #tpu.memory_space<vmem>> -> memref<96x128xf32, #tpu.memory_space<vmem>>
    tpu.enqueue_dma source(%dma_start3A_515 : memref<96x128xf32, #tpu.memory_space<vmem>>) target(%dma_start3A_512 : memref<96x128xf32, #tpu.memory_space<hbm>>) target_semaphore(%arg7 : memref<!tpu.dma_semaphore, #tpu.memory_space<semaphore_mem>>)
    %dma_start3A_516 = arith.constant 0 : i32
    %dma_start3A_517 = arith.constant 0 : i32
    %dma_start3A_518 = tpu.memref_slice %arg4[%dma_start3A_516, %dma_start3A_517] : memref<96x512xf32, #tpu.memory_space<vmem>> -> memref<96x128xf32, #tpu.memory_space<vmem>>
    %dma_start3A_519 = arith.constant 160 : i32
    %dma_start3A_520 = arith.constant 384 : i32
    %dma_start3A_521 = tpu.memref_slice %arg3[%add3A_431, %dma_start3A_519, %dma_start3A_520] : memref<96x512x512xf32, #tpu.memory_space<hbm>> -> memref<1x96x128xf32, #tpu.memory_space<hbm>>
    %dma_start3A_522 = tpu.memref_squeeze %dma_start3A_521 : memref<1x96x128xf32, #tpu.memory_space<hbm>> -> memref<96x128xf32, #tpu.memory_space<hbm>>
    %dma_start3A_523 = arith.constant 160 : i32
    %dma_start3A_524 = arith.constant 384 : i32
    %dma_start3A_525 = tpu.memref_slice %arg3[%add3A_431, %dma_start3A_523, %dma_start3A_524] : memref<96x512x512xf32, #tpu.memory_space<hbm>> -> memref<1x96x128xf32, #tpu.memory_space<hbm>>
    %dma_start3A_526 = tpu.memref_squeeze %dma_start3A_525 : memref<1x96x128xf32, #tpu.memory_space<hbm>> -> memref<96x128xf32, #tpu.memory_space<hbm>>
    %dma_start3A_527 = arith.constant 0 : i32
    %dma_start3A_528 = arith.constant 0 : i32
    %dma_start3A_529 = tpu.memref_slice %arg4[%dma_start3A_527, %dma_start3A_528] : memref<96x512xf32, #tpu.memory_space<vmem>> -> memref<96x128xf32, #tpu.memory_space<vmem>>
    tpu.enqueue_dma source(%dma_start3A_529 : memref<96x128xf32, #tpu.memory_space<vmem>>) target(%dma_start3A_526 : memref<96x128xf32, #tpu.memory_space<hbm>>) target_semaphore(%arg7 : memref<!tpu.dma_semaphore, #tpu.memory_space<semaphore_mem>>)
    %dma_start3A_530 = arith.constant 0 : i32
    %dma_start3A_531 = arith.constant 0 : i32
    %dma_start3A_532 = tpu.memref_slice %arg4[%dma_start3A_530, %dma_start3A_531] : memref<96x512xf32, #tpu.memory_space<vmem>> -> memref<96x128xf32, #tpu.memory_space<vmem>>
    %dma_start3A_533 = arith.constant 256 : i32
    %dma_start3A_534 = arith.constant 384 : i32
    %dma_start3A_535 = tpu.memref_slice %arg3[%add3A_431, %dma_start3A_533, %dma_start3A_534] : memref<96x512x512xf32, #tpu.memory_space<hbm>> -> memref<1x96x128xf32, #tpu.memory_space<hbm>>
    %dma_start3A_536 = tpu.memref_squeeze %dma_start3A_535 : memref<1x96x128xf32, #tpu.memory_space<hbm>> -> memref<96x128xf32, #tpu.memory_space<hbm>>
    %dma_start3A_537 = arith.constant 256 : i32
    %dma_start3A_538 = arith.constant 384 : i32
    %dma_start3A_539 = tpu.memref_slice %arg3[%add3A_431, %dma_start3A_537, %dma_start3A_538] : memref<96x512x512xf32, #tpu.memory_space<hbm>> -> memref<1x96x128xf32, #tpu.memory_space<hbm>>
    %dma_start3A_540 = tpu.memref_squeeze %dma_start3A_539 : memref<1x96x128xf32, #tpu.memory_space<hbm>> -> memref<96x128xf32, #tpu.memory_space<hbm>>
    %dma_start3A_541 = arith.constant 0 : i32
    %dma_start3A_542 = arith.constant 0 : i32
    %dma_start3A_543 = tpu.memref_slice %arg4[%dma_start3A_541, %dma_start3A_542] : memref<96x512xf32, #tpu.memory_space<vmem>> -> memref<96x128xf32, #tpu.memory_space<vmem>>
    tpu.enqueue_dma source(%dma_start3A_543 : memref<96x128xf32, #tpu.memory_space<vmem>>) target(%dma_start3A_540 : memref<96x128xf32, #tpu.memory_space<hbm>>) target_semaphore(%arg7 : memref<!tpu.dma_semaphore, #tpu.memory_space<semaphore_mem>>)
    "tpu.region"() ({
      %run_scoped3A = tpu.sem_alloc : memref<!tpu.dma_semaphore, #tpu.memory_space<semaphore_mem>>
      %dma_start3A_896 = arith.constant 160 : i32
      %dma_start3A_897 = arith.constant 128 : i32
      %dma_start3A_898 = tpu.memref_slice %arg2[%add3A_431, %dma_start3A_896, %dma_start3A_897] : memref<96x512x512xf32, #tpu.memory_space<hbm>> -> memref<1x192x256xf32, #tpu.memory_space<hbm>>
      %dma_start3A_899 = tpu.memref_squeeze %dma_start3A_898 : memref<1x192x256xf32, #tpu.memory_space<hbm>> -> memref<192x256xf32, #tpu.memory_space<hbm>>
      %dma_start3A_900 = arith.constant 160 : i32
      %dma_start3A_901 = arith.constant 128 : i32
      %dma_start3A_902 = tpu.memref_slice %arg2[%add3A_431, %dma_start3A_900, %dma_start3A_901] : memref<96x512x512xf32, #tpu.memory_space<hbm>> -> memref<1x192x256xf32, #tpu.memory_space<hbm>>
      %dma_start3A_903 = tpu.memref_squeeze %dma_start3A_902 : memref<1x192x256xf32, #tpu.memory_space<hbm>> -> memref<192x256xf32, #tpu.memory_space<hbm>>
      tpu.enqueue_dma source(%dma_start3A_903 : memref<192x256xf32, #tpu.memory_space<hbm>>) target(%arg5 : memref<192x256xf32, #tpu.memory_space<vmem>>) target_semaphore(%run_scoped3A : memref<!tpu.dma_semaphore, #tpu.memory_space<semaphore_mem>>)
      %dma_wait3A_904 = arith.constant 160 : i32
      %dma_wait3A_905 = arith.constant 128 : i32
      %dma_wait3A_906 = tpu.memref_slice %arg2[%add3A_431, %dma_wait3A_904, %dma_wait3A_905] : memref<96x512x512xf32, #tpu.memory_space<hbm>> -> memref<1x192x256xf32, #tpu.memory_space<hbm>>
      %dma_wait3A_907 = tpu.memref_squeeze %dma_wait3A_906 : memref<1x192x256xf32, #tpu.memory_space<hbm>> -> memref<192x256xf32, #tpu.memory_space<hbm>>
      %dma_wait3A_908 = arith.constant 160 : i32
      %dma_wait3A_909 = arith.constant 128 : i32
      %dma_wait3A_910 = tpu.memref_slice %arg2[%add3A_431, %dma_wait3A_908, %dma_wait3A_909] : memref<96x512x512xf32, #tpu.memory_space<hbm>> -> memref<1x192x256xf32, #tpu.memory_space<hbm>>
      %dma_wait3A_911 = tpu.memref_squeeze %dma_wait3A_910 : memref<1x192x256xf32, #tpu.memory_space<hbm>> -> memref<192x256xf32, #tpu.memory_space<hbm>>
      tpu.wait_dma2 semaphore(%run_scoped3A : memref<!tpu.dma_semaphore, #tpu.memory_space<semaphore_mem>>) src(%dma_wait3A_911 : memref<192x256xf32, #tpu.memory_space<hbm>>) dst(%arg5 : memref<192x256xf32, #tpu.memory_space<vmem>>)
      tpu.yield
    }) : () -> ()
    %scan3A_544 = arith.constant 0 : i32
    %scan3A_545 = arith.constant 0 : i32
    %scan3A_546 = arith.constant 192 : i32
    %scan3A_547 = arith.addi %scan3A_545, %scan3A_546 : i32
    %scan3A_548 = arith.constant 1 : i32
    scf.for %scan3A_896 = %scan3A_545 to %scan3A_547 step %scan3A_548  : i32 {
      %add3A_897 = arith.constant 160 : i32
      %add3A_898 = arith.addi %add3A_897, %scan3A_896 : i32
      %sub3A_899 = arith.constant 255 : i32
      %sub3A_900 = arith.subi %add3A_898, %sub3A_899 : i32
      %mul3A_901 = arith.muli %sub3A_900, %sub3A_900 : i32
      %get3A = arith.constant 0 : index
      %get3A_902 = tpu.vector_load %arg6[%get3A] {strides = array<i32>} : memref<256xi32, #tpu.memory_space<vmem>>, vector<16xi32>,
      %get3A_903 = vector.shape_cast %get3A_902 : vector<16xi32> to vector<16xi32>
      %add3A_904 = vector.broadcast %mul3A_901 : i32 to vector<16xi32>
      %add3A_905 = arith.addi %add3A_904, %get3A_903 : vector<16xi32>
      %lt3A = arith.constant 8100 : i32
      %lt3A_906 = vector.broadcast %lt3A : i32 to vector<16xi32>
      %lt3A_907 = arith.cmpi slt, %add3A_905, %lt3A_906 : vector<16xi32>
      %ge3A = arith.constant 576 : i32
      %ge3A_908 = vector.broadcast %ge3A : i32 to vector<16xi32>
      %ge3A_909 = arith.cmpi sge, %add3A_905, %ge3A_908 : vector<16xi32>
      %and3A = arith.andi %lt3A_907, %ge3A_909 : vector<16xi1>
      %get3A_910 = arith.index_cast %scan3A_896 : i32 to index
      %get3A_911 = arith.constant 0 : index
      %get3A_912 = tpu.vector_load %arg5[%get3A_910, %get3A_911] {strides = array<i32>} : memref<192x256xf32, #tpu.memory_space<vmem>>, vector<1x16xf32>,
      %get3A_913 = vector.shape_cast %get3A_912 : vector<1x16xf32> to vector<16xf32>
      %jit3A = arith.constant 0.000000e+00 : f32
      %broadcast_in_dim3A_914 = vector.broadcast %jit3A : f32 to vector<16xf32>
      %select_n3A = arith.select %and3A, %get3A_913, %broadcast_in_dim3A_914 : vector<16xi1>, vector<16xf32>
      %swap3A_915 = arith.index_cast %scan3A_896 : i32 to index
      %swap3A_916 = arith.constant 0 : index
      %swap3A_917 = tpu.vector_load %arg5[%swap3A_915, %swap3A_916] {strides = array<i32>} : memref<192x256xf32, #tpu.memory_space<vmem>>, vector<1x16xf32>,
      %swap3A_918 = vector.shape_cast %swap3A_917 : vector<1x16xf32> to vector<16xf32>
      %swap3A_919 = vector.shape_cast %select_n3A : vector<16xf32> to vector<1x16xf32>
      tpu.vector_store %arg5[%swap3A_915, %swap3A_916], %swap3A_919 {strides = array<i32>} : memref<192x256xf32, #tpu.memory_space<vmem>>, vector<1x16xf32>,
      %get3A_920 = arith.constant 16 : index
      %get3A_921 = tpu.vector_load %arg6[%get3A_920] {strides = array<i32>} : memref<256xi32, #tpu.memory_space<vmem>>, vector<16xi32>,
      %get3A_922 = vector.shape_cast %get3A_921 : vector<16xi32> to vector<16xi32>
      %add3A_923 = vector.broadcast %mul3A_901 : i32 to vector<16xi32>
      %add3A_924 = arith.addi %add3A_923, %get3A_922 : vector<16xi32>
      %lt3A_925 = arith.constant 8100 : i32
      %lt3A_926 = vector.broadcast %lt3A_925 : i32 to vector<16xi32>
      %lt3A_927 = arith.cmpi slt, %add3A_924, %lt3A_926 : vector<16xi32>
      %ge3A_928 = arith.constant 576 : i32
      %ge3A_929 = vector.broadcast %ge3A_928 : i32 to vector<16xi32>
      %ge3A_930 = arith.cmpi sge, %add3A_924, %ge3A_929 : vector<16xi32>
      %and3A_931 = arith.andi %lt3A_927, %ge3A_930 : vector<16xi1>
      %get3A_932 = arith.index_cast %scan3A_896 : i32 to index
      %get3A_933 = arith.constant 16 : index
      %get3A_934 = tpu.vector_load %arg5[%get3A_932, %get3A_933] {strides = array<i32>} : memref<192x256xf32, #tpu.memory_space<vmem>>, vector<1x16xf32>,
      %get3A_935 = vector.shape_cast %get3A_934 : vector<1x16xf32> to vector<16xf32>
      %jit3A_936 = arith.constant 0.000000e+00 : f32
      %broadcast_in_dim3A_937 = vector.broadcast %jit3A_936 : f32 to vector<16xf32>
      %select_n3A_938 = arith.select %and3A_931, %get3A_935, %broadcast_in_dim3A_937 : vector<16xi1>, vector<16xf32>
      %swap3A_939 = arith.index_cast %scan3A_896 : i32 to index
      %swap3A_940 = arith.constant 16 : index
      %swap3A_941 = tpu.vector_load %arg5[%swap3A_939, %swap3A_940] {strides = array<i32>} : memref<192x256xf32, #tpu.memory_space<vmem>>, vector<1x16xf32>,
      %swap3A_942 = vector.shape_cast %swap3A_941 : vector<1x16xf32> to vector<16xf32>
      %swap3A_943 = vector.shape_cast %select_n3A_938 : vector<16xf32> to vector<1x16xf32>
      tpu.vector_store %arg5[%swap3A_939, %swap3A_940], %swap3A_943 {strides = array<i32>} : memref<192x256xf32, #tpu.memory_space<vmem>>, vector<1x16xf32>,
      %get3A_944 = arith.constant 32 : index
      %get3A_945 = tpu.vector_load %arg6[%get3A_944] {strides = array<i32>} : memref<256xi32, #tpu.memory_space<vmem>>, vector<16xi32>,
      %get3A_946 = vector.shape_cast %get3A_945 : vector<16xi32> to vector<16xi32>
      %add3A_947 = vector.broadcast %mul3A_901 : i32 to vector<16xi32>
      %add3A_948 = arith.addi %add3A_947, %get3A_946 : vector<16xi32>
      %lt3A_949 = arith.constant 8100 : i32
      %lt3A_950 = vector.broadcast %lt3A_949 : i32 to vector<16xi32>
      %lt3A_951 = arith.cmpi slt, %add3A_948, %lt3A_950 : vector<16xi32>
      %ge3A_952 = arith.constant 576 : i32
      %ge3A_953 = vector.broadcast %ge3A_952 : i32 to vector<16xi32>
      %ge3A_954 = arith.cmpi sge, %add3A_948, %ge3A_953 : vector<16xi32>
      %and3A_955 = arith.andi %lt3A_951, %ge3A_954 : vector<16xi1>
      %get3A_956 = arith.index_cast %scan3A_896 : i32 to index
      %get3A_957 = arith.constant 32 : index
      %get3A_958 = tpu.vector_load %arg5[%get3A_956, %get3A_957] {strides = array<i32>} : memref<192x256xf32, #tpu.memory_space<vmem>>, vector<1x16xf32>,
      %get3A_959 = vector.shape_cast %get3A_958 : vector<1x16xf32> to vector<16xf32>
      %jit3A_960 = arith.constant 0.000000e+00 : f32
      %broadcast_in_dim3A_961 = vector.broadcast %jit3A_960 : f32 to vector<16xf32>
      %select_n3A_962 = arith.select %and3A_955, %get3A_959, %broadcast_in_dim3A_961 : vector<16xi1>, vector<16xf32>
      %swap3A_963 = arith.index_cast %scan3A_896 : i32 to index
      %swap3A_964 = arith.constant 32 : index
      %swap3A_965 = tpu.vector_load %arg5[%swap3A_963, %swap3A_964] {strides = array<i32>} : memref<192x256xf32, #tpu.memory_space<vmem>>, vector<1x16xf32>,
      %swap3A_966 = vector.shape_cast %swap3A_965 : vector<1x16xf32> to vector<16xf32>
      %swap3A_967 = vector.shape_cast %select_n3A_962 : vector<16xf32> to vector<1x16xf32>
      tpu.vector_store %arg5[%swap3A_963, %swap3A_964], %swap3A_967 {strides = array<i32>} : memref<192x256xf32, #tpu.memory_space<vmem>>, vector<1x16xf32>,
      %get3A_968 = arith.constant 48 : index
      %get3A_969 = tpu.vector_load %arg6[%get3A_968] {strides = array<i32>} : memref<256xi32, #tpu.memory_space<vmem>>, vector<16xi32>,
      %get3A_970 = vector.shape_cast %get3A_969 : vector<16xi32> to vector<16xi32>
      %add3A_971 = vector.broadcast %mul3A_901 : i32 to vector<16xi32>
      %add3A_972 = arith.addi %add3A_971, %get3A_970 : vector<16xi32>
      %lt3A_973 = arith.constant 8100 : i32
      %lt3A_974 = vector.broadcast %lt3A_973 : i32 to vector<16xi32>
      %lt3A_975 = arith.cmpi slt, %add3A_972, %lt3A_974 : vector<16xi32>
      %ge3A_976 = arith.constant 576 : i32
      %ge3A_977 = vector.broadcast %ge3A_976 : i32 to vector<16xi32>
      %ge3A_978 = arith.cmpi sge, %add3A_972, %ge3A_977 : vector<16xi32>
      %and3A_979 = arith.andi %lt3A_975, %ge3A_978 : vector<16xi1>
      %get3A_980 = arith.index_cast %scan3A_896 : i32 to index
      %get3A_981 = arith.constant 48 : index
      %get3A_982 = tpu.vector_load %arg5[%get3A_980, %get3A_981] {strides = array<i32>} : memref<192x256xf32, #tpu.memory_space<vmem>>, vector<1x16xf32>,
      %get3A_983 = vector.shape_cast %get3A_982 : vector<1x16xf32> to vector<16xf32>
      %jit3A_984 = arith.constant 0.000000e+00 : f32
      %broadcast_in_dim3A_985 = vector.broadcast %jit3A_984 : f32 to vector<16xf32>
      %select_n3A_986 = arith.select %and3A_979, %get3A_983, %broadcast_in_dim3A_985 : vector<16xi1>, vector<16xf32>
      %swap3A_987 = arith.index_cast %scan3A_896 : i32 to index
      %swap3A_988 = arith.constant 48 : index
      %swap3A_989 = tpu.vector_load %arg5[%swap3A_987, %swap3A_988] {strides = array<i32>} : memref<192x256xf32, #tpu.memory_space<vmem>>, vector<1x16xf32>,
      %swap3A_990 = vector.shape_cast %swap3A_989 : vector<1x16xf32> to vector<16xf32>
      %swap3A_991 = vector.shape_cast %select_n3A_986 : vector<16xf32> to vector<1x16xf32>
      tpu.vector_store %arg5[%swap3A_987, %swap3A_988], %swap3A_991 {strides = array<i32>} : memref<192x256xf32, #tpu.memory_space<vmem>>, vector<1x16xf32>,
      %get3A_992 = arith.constant 64 : index
      %get3A_993 = tpu.vector_load %arg6[%get3A_992] {strides = array<i32>} : memref<256xi32, #tpu.memory_space<vmem>>, vector<16xi32>,
      %get3A_994 = vector.shape_cast %get3A_993 : vector<16xi32> to vector<16xi32>
      %add3A_995 = vector.broadcast %mul3A_901 : i32 to vector<16xi32>
      %add3A_996 = arith.addi %add3A_995, %get3A_994 : vector<16xi32>
      %lt3A_997 = arith.constant 8100 : i32
      %lt3A_998 = vector.broadcast %lt3A_997 : i32 to vector<16xi32>
      %lt3A_999 = arith.cmpi slt, %add3A_996, %lt3A_998 : vector<16xi32>
      %ge3A_1000 = arith.constant 576 : i32
      %ge3A_1001 = vector.broadcast %ge3A_1000 : i32 to vector<16xi32>
      %ge3A_1002 = arith.cmpi sge, %add3A_996, %ge3A_1001 : vector<16xi32>
      %and3A_1003 = arith.andi %lt3A_999, %ge3A_1002 : vector<16xi1>
      %get3A_1004 = arith.index_cast %scan3A_896 : i32 to index
      %get3A_1005 = arith.constant 64 : index
      %get3A_1006 = tpu.vector_load %arg5[%get3A_1004, %get3A_1005] {strides = array<i32>} : memref<192x256xf32, #tpu.memory_space<vmem>>, vector<1x16xf32>,
      %get3A_1007 = vector.shape_cast %get3A_1006 : vector<1x16xf32> to vector<16xf32>
      %jit3A_1008 = arith.constant 0.000000e+00 : f32
      %broadcast_in_dim3A_1009 = vector.broadcast %jit3A_1008 : f32 to vector<16xf32>
      %select_n3A_1010 = arith.select %and3A_1003, %get3A_1007, %broadcast_in_dim3A_1009 : vector<16xi1>, vector<16xf32>
      %swap3A_1011 = arith.index_cast %scan3A_896 : i32 to index
      %swap3A_1012 = arith.constant 64 : index
      %swap3A_1013 = tpu.vector_load %arg5[%swap3A_1011, %swap3A_1012] {strides = array<i32>} : memref<192x256xf32, #tpu.memory_space<vmem>>, vector<1x16xf32>,
      %swap3A_1014 = vector.shape_cast %swap3A_1013 : vector<1x16xf32> to vector<16xf32>
      %swap3A_1015 = vector.shape_cast %select_n3A_1010 : vector<16xf32> to vector<1x16xf32>
      tpu.vector_store %arg5[%swap3A_1011, %swap3A_1012], %swap3A_1015 {strides = array<i32>} : memref<192x256xf32, #tpu.memory_space<vmem>>, vector<1x16xf32>,
      %get3A_1016 = arith.constant 80 : index
      %get3A_1017 = tpu.vector_load %arg6[%get3A_1016] {strides = array<i32>} : memref<256xi32, #tpu.memory_space<vmem>>, vector<16xi32>,
      %get3A_1018 = vector.shape_cast %get3A_1017 : vector<16xi32> to vector<16xi32>
      %add3A_1019 = vector.broadcast %mul3A_901 : i32 to vector<16xi32>
      %add3A_1020 = arith.addi %add3A_1019, %get3A_1018 : vector<16xi32>
      %lt3A_1021 = arith.constant 8100 : i32
      %lt3A_1022 = vector.broadcast %lt3A_1021 : i32 to vector<16xi32>
      %lt3A_1023 = arith.cmpi slt, %add3A_1020, %lt3A_1022 : vector<16xi32>
      %ge3A_1024 = arith.constant 576 : i32
      %ge3A_1025 = vector.broadcast %ge3A_1024 : i32 to vector<16xi32>
      %ge3A_1026 = arith.cmpi sge, %add3A_1020, %ge3A_1025 : vector<16xi32>
      %and3A_1027 = arith.andi %lt3A_1023, %ge3A_1026 : vector<16xi1>
      %get3A_1028 = arith.index_cast %scan3A_896 : i32 to index
      %get3A_1029 = arith.constant 80 : index
      %get3A_1030 = tpu.vector_load %arg5[%get3A_1028, %get3A_1029] {strides = array<i32>} : memref<192x256xf32, #tpu.memory_space<vmem>>, vector<1x16xf32>,
      %get3A_1031 = vector.shape_cast %get3A_1030 : vector<1x16xf32> to vector<16xf32>
      %jit3A_1032 = arith.constant 0.000000e+00 : f32
      %broadcast_in_dim3A_1033 = vector.broadcast %jit3A_1032 : f32 to vector<16xf32>
      %select_n3A_1034 = arith.select %and3A_1027, %get3A_1031, %broadcast_in_dim3A_1033 : vector<16xi1>, vector<16xf32>
      %swap3A_1035 = arith.index_cast %scan3A_896 : i32 to index
      %swap3A_1036 = arith.constant 80 : index
      %swap3A_1037 = tpu.vector_load %arg5[%swap3A_1035, %swap3A_1036] {strides = array<i32>} : memref<192x256xf32, #tpu.memory_space<vmem>>, vector<1x16xf32>,
      %swap3A_1038 = vector.shape_cast %swap3A_1037 : vector<1x16xf32> to vector<16xf32>
      %swap3A_1039 = vector.shape_cast %select_n3A_1034 : vector<16xf32> to vector<1x16xf32>
      tpu.vector_store %arg5[%swap3A_1035, %swap3A_1036], %swap3A_1039 {strides = array<i32>} : memref<192x256xf32, #tpu.memory_space<vmem>>, vector<1x16xf32>,
      %get3A_1040 = arith.constant 96 : index
      %get3A_1041 = tpu.vector_load %arg6[%get3A_1040] {strides = array<i32>} : memref<256xi32, #tpu.memory_space<vmem>>, vector<16xi32>,
      %get3A_1042 = vector.shape_cast %get3A_1041 : vector<16xi32> to vector<16xi32>
      %add3A_1043 = vector.broadcast %mul3A_901 : i32 to vector<16xi32>
      %add3A_1044 = arith.addi %add3A_1043, %get3A_1042 : vector<16xi32>
      %lt3A_1045 = arith.constant 8100 : i32
      %lt3A_1046 = vector.broadcast %lt3A_1045 : i32 to vector<16xi32>
      %lt3A_1047 = arith.cmpi slt, %add3A_1044, %lt3A_1046 : vector<16xi32>
      %ge3A_1048 = arith.constant 576 : i32
      %ge3A_1049 = vector.broadcast %ge3A_1048 : i32 to vector<16xi32>
      %ge3A_1050 = arith.cmpi sge, %add3A_1044, %ge3A_1049 : vector<16xi32>
      %and3A_1051 = arith.andi %lt3A_1047, %ge3A_1050 : vector<16xi1>
      %get3A_1052 = arith.index_cast %scan3A_896 : i32 to index
      %get3A_1053 = arith.constant 96 : index
      %get3A_1054 = tpu.vector_load %arg5[%get3A_1052, %get3A_1053] {strides = array<i32>} : memref<192x256xf32, #tpu.memory_space<vmem>>, vector<1x16xf32>,
      %get3A_1055 = vector.shape_cast %get3A_1054 : vector<1x16xf32> to vector<16xf32>
      %jit3A_1056 = arith.constant 0.000000e+00 : f32
      %broadcast_in_dim3A_1057 = vector.broadcast %jit3A_1056 : f32 to vector<16xf32>
      %select_n3A_1058 = arith.select %and3A_1051, %get3A_1055, %broadcast_in_dim3A_1057 : vector<16xi1>, vector<16xf32>
      %swap3A_1059 = arith.index_cast %scan3A_896 : i32 to index
      %swap3A_1060 = arith.constant 96 : index
      %swap3A_1061 = tpu.vector_load %arg5[%swap3A_1059, %swap3A_1060] {strides = array<i32>} : memref<192x256xf32, #tpu.memory_space<vmem>>, vector<1x16xf32>,
      %swap3A_1062 = vector.shape_cast %swap3A_1061 : vector<1x16xf32> to vector<16xf32>
      %swap3A_1063 = vector.shape_cast %select_n3A_1058 : vector<16xf32> to vector<1x16xf32>
      tpu.vector_store %arg5[%swap3A_1059, %swap3A_1060], %swap3A_1063 {strides = array<i32>} : memref<192x256xf32, #tpu.memory_space<vmem>>, vector<1x16xf32>,
      %get3A_1064 = arith.constant 112 : index
      %get3A_1065 = tpu.vector_load %arg6[%get3A_1064] {strides = array<i32>} : memref<256xi32, #tpu.memory_space<vmem>>, vector<16xi32>,
      %get3A_1066 = vector.shape_cast %get3A_1065 : vector<16xi32> to vector<16xi32>
      %add3A_1067 = vector.broadcast %mul3A_901 : i32 to vector<16xi32>
      %add3A_1068 = arith.addi %add3A_1067, %get3A_1066 : vector<16xi32>
      %lt3A_1069 = arith.constant 8100 : i32
      %lt3A_1070 = vector.broadcast %lt3A_1069 : i32 to vector<16xi32>
      %lt3A_1071 = arith.cmpi slt, %add3A_1068, %lt3A_1070 : vector<16xi32>
      %ge3A_1072 = arith.constant 576 : i32
      %ge3A_1073 = vector.broadcast %ge3A_1072 : i32 to vector<16xi32>
      %ge3A_1074 = arith.cmpi sge, %add3A_1068, %ge3A_1073 : vector<16xi32>
      %and3A_1075 = arith.andi %lt3A_1071, %ge3A_1074 : vector<16xi1>
      %get3A_1076 = arith.index_cast %scan3A_896 : i32 to index
      %get3A_1077 = arith.constant 112 : index
      %get3A_1078 = tpu.vector_load %arg5[%get3A_1076, %get3A_1077] {strides = array<i32>} : memref<192x256xf32, #tpu.memory_space<vmem>>, vector<1x16xf32>,
      %get3A_1079 = vector.shape_cast %get3A_1078 : vector<1x16xf32> to vector<16xf32>
      %jit3A_1080 = arith.constant 0.000000e+00 : f32
      %broadcast_in_dim3A_1081 = vector.broadcast %jit3A_1080 : f32 to vector<16xf32>
      %select_n3A_1082 = arith.select %and3A_1075, %get3A_1079, %broadcast_in_dim3A_1081 : vector<16xi1>, vector<16xf32>
      %swap3A_1083 = arith.index_cast %scan3A_896 : i32 to index
      %swap3A_1084 = arith.constant 112 : index
      %swap3A_1085 = tpu.vector_load %arg5[%swap3A_1083, %swap3A_1084] {strides = array<i32>} : memref<192x256xf32, #tpu.memory_space<vmem>>, vector<1x16xf32>,
      %swap3A_1086 = vector.shape_cast %swap3A_1085 : vector<1x16xf32> to vector<16xf32>
      %swap3A_1087 = vector.shape_cast %select_n3A_1082 : vector<16xf32> to vector<1x16xf32>
      tpu.vector_store %arg5[%swap3A_1083, %swap3A_1084], %swap3A_1087 {strides = array<i32>} : memref<192x256xf32, #tpu.memory_space<vmem>>, vector<1x16xf32>,
      %get3A_1088 = arith.constant 128 : index
      %get3A_1089 = tpu.vector_load %arg6[%get3A_1088] {strides = array<i32>} : memref<256xi32, #tpu.memory_space<vmem>>, vector<16xi32>,
      %get3A_1090 = vector.shape_cast %get3A_1089 : vector<16xi32> to vector<16xi32>
      %add3A_1091 = vector.broadcast %mul3A_901 : i32 to vector<16xi32>
      %add3A_1092 = arith.addi %add3A_1091, %get3A_1090 : vector<16xi32>
      %lt3A_1093 = arith.constant 8100 : i32
      %lt3A_1094 = vector.broadcast %lt3A_1093 : i32 to vector<16xi32>
      %lt3A_1095 = arith.cmpi slt, %add3A_1092, %lt3A_1094 : vector<16xi32>
      %ge3A_1096 = arith.constant 576 : i32
      %ge3A_1097 = vector.broadcast %ge3A_1096 : i32 to vector<16xi32>
      %ge3A_1098 = arith.cmpi sge, %add3A_1092, %ge3A_1097 : vector<16xi32>
      %and3A_1099 = arith.andi %lt3A_1095, %ge3A_1098 : vector<16xi1>
      %get3A_1100 = arith.index_cast %scan3A_896 : i32 to index
      %get3A_1101 = arith.constant 128 : index
      %get3A_1102 = tpu.vector_load %arg5[%get3A_1100, %get3A_1101] {strides = array<i32>} : memref<192x256xf32, #tpu.memory_space<vmem>>, vector<1x16xf32>,
      %get3A_1103 = vector.shape_cast %get3A_1102 : vector<1x16xf32> to vector<16xf32>
      %jit3A_1104 = arith.constant 0.000000e+00 : f32
      %broadcast_in_dim3A_1105 = vector.broadcast %jit3A_1104 : f32 to vector<16xf32>
      %select_n3A_1106 = arith.select %and3A_1099, %get3A_1103, %broadcast_in_dim3A_1105 : vector<16xi1>, vector<16xf32>
      %swap3A_1107 = arith.index_cast %scan3A_896 : i32 to index
      %swap3A_1108 = arith.constant 128 : index
      %swap3A_1109 = tpu.vector_load %arg5[%swap3A_1107, %swap3A_1108] {strides = array<i32>} : memref<192x256xf32, #tpu.memory_space<vmem>>, vector<1x16xf32>,
      %swap3A_1110 = vector.shape_cast %swap3A_1109 : vector<1x16xf32> to vector<16xf32>
      %swap3A_1111 = vector.shape_cast %select_n3A_1106 : vector<16xf32> to vector<1x16xf32>
      tpu.vector_store %arg5[%swap3A_1107, %swap3A_1108], %swap3A_1111 {strides = array<i32>} : memref<192x256xf32, #tpu.memory_space<vmem>>, vector<1x16xf32>,
      %get3A_1112 = arith.constant 144 : index
      %get3A_1113 = tpu.vector_load %arg6[%get3A_1112] {strides = array<i32>} : memref<256xi32, #tpu.memory_space<vmem>>, vector<16xi32>,
      %get3A_1114 = vector.shape_cast %get3A_1113 : vector<16xi32> to vector<16xi32>
      %add3A_1115 = vector.broadcast %mul3A_901 : i32 to vector<16xi32>
      %add3A_1116 = arith.addi %add3A_1115, %get3A_1114 : vector<16xi32>
      %lt3A_1117 = arith.constant 8100 : i32
      %lt3A_1118 = vector.broadcast %lt3A_1117 : i32 to vector<16xi32>
      %lt3A_1119 = arith.cmpi slt, %add3A_1116, %lt3A_1118 : vector<16xi32>
      %ge3A_1120 = arith.constant 576 : i32
      %ge3A_1121 = vector.broadcast %ge3A_1120 : i32 to vector<16xi32>
      %ge3A_1122 = arith.cmpi sge, %add3A_1116, %ge3A_1121 : vector<16xi32>
      %and3A_1123 = arith.andi %lt3A_1119, %ge3A_1122 : vector<16xi1>
      %get3A_1124 = arith.index_cast %scan3A_896 : i32 to index
      %get3A_1125 = arith.constant 144 : index
      %get3A_1126 = tpu.vector_load %arg5[%get3A_1124, %get3A_1125] {strides = array<i32>} : memref<192x256xf32, #tpu.memory_space<vmem>>, vector<1x16xf32>,
      %get3A_1127 = vector.shape_cast %get3A_1126 : vector<1x16xf32> to vector<16xf32>
      %jit3A_1128 = arith.constant 0.000000e+00 : f32
      %broadcast_in_dim3A_1129 = vector.broadcast %jit3A_1128 : f32 to vector<16xf32>
      %select_n3A_1130 = arith.select %and3A_1123, %get3A_1127, %broadcast_in_dim3A_1129 : vector<16xi1>, vector<16xf32>
      %swap3A_1131 = arith.index_cast %scan3A_896 : i32 to index
      %swap3A_1132 = arith.constant 144 : index
      %swap3A_1133 = tpu.vector_load %arg5[%swap3A_1131, %swap3A_1132] {strides = array<i32>} : memref<192x256xf32, #tpu.memory_space<vmem>>, vector<1x16xf32>,
      %swap3A_1134 = vector.shape_cast %swap3A_1133 : vector<1x16xf32> to vector<16xf32>
      %swap3A_1135 = vector.shape_cast %select_n3A_1130 : vector<16xf32> to vector<1x16xf32>
      tpu.vector_store %arg5[%swap3A_1131, %swap3A_1132], %swap3A_1135 {strides = array<i32>} : memref<192x256xf32, #tpu.memory_space<vmem>>, vector<1x16xf32>,
      %get3A_1136 = arith.constant 160 : index
      %get3A_1137 = tpu.vector_load %arg6[%get3A_1136] {strides = array<i32>} : memref<256xi32, #tpu.memory_space<vmem>>, vector<16xi32>,
      %get3A_1138 = vector.shape_cast %get3A_1137 : vector<16xi32> to vector<16xi32>
      %add3A_1139 = vector.broadcast %mul3A_901 : i32 to vector<16xi32>
      %add3A_1140 = arith.addi %add3A_1139, %get3A_1138 : vector<16xi32>
      %lt3A_1141 = arith.constant 8100 : i32
      %lt3A_1142 = vector.broadcast %lt3A_1141 : i32 to vector<16xi32>
      %lt3A_1143 = arith.cmpi slt, %add3A_1140, %lt3A_1142 : vector<16xi32>
      %ge3A_1144 = arith.constant 576 : i32
      %ge3A_1145 = vector.broadcast %ge3A_1144 : i32 to vector<16xi32>
      %ge3A_1146 = arith.cmpi sge, %add3A_1140, %ge3A_1145 : vector<16xi32>
      %and3A_1147 = arith.andi %lt3A_1143, %ge3A_1146 : vector<16xi1>
      %get3A_1148 = arith.index_cast %scan3A_896 : i32 to index
      %get3A_1149 = arith.constant 160 : index
      %get3A_1150 = tpu.vector_load %arg5[%get3A_1148, %get3A_1149] {strides = array<i32>} : memref<192x256xf32, #tpu.memory_space<vmem>>, vector<1x16xf32>,
      %get3A_1151 = vector.shape_cast %get3A_1150 : vector<1x16xf32> to vector<16xf32>
      %jit3A_1152 = arith.constant 0.000000e+00 : f32
      %broadcast_in_dim3A_1153 = vector.broadcast %jit3A_1152 : f32 to vector<16xf32>
      %select_n3A_1154 = arith.select %and3A_1147, %get3A_1151, %broadcast_in_dim3A_1153 : vector<16xi1>, vector<16xf32>
      %swap3A_1155 = arith.index_cast %scan3A_896 : i32 to index
      %swap3A_1156 = arith.constant 160 : index
      %swap3A_1157 = tpu.vector_load %arg5[%swap3A_1155, %swap3A_1156] {strides = array<i32>} : memref<192x256xf32, #tpu.memory_space<vmem>>, vector<1x16xf32>,
      %swap3A_1158 = vector.shape_cast %swap3A_1157 : vector<1x16xf32> to vector<16xf32>
      %swap3A_1159 = vector.shape_cast %select_n3A_1154 : vector<16xf32> to vector<1x16xf32>
      tpu.vector_store %arg5[%swap3A_1155, %swap3A_1156], %swap3A_1159 {strides = array<i32>} : memref<192x256xf32, #tpu.memory_space<vmem>>, vector<1x16xf32>,
      %get3A_1160 = arith.constant 176 : index
      %get3A_1161 = tpu.vector_load %arg6[%get3A_1160] {strides = array<i32>} : memref<256xi32, #tpu.memory_space<vmem>>, vector<16xi32>,
      %get3A_1162 = vector.shape_cast %get3A_1161 : vector<16xi32> to vector<16xi32>
      %add3A_1163 = vector.broadcast %mul3A_901 : i32 to vector<16xi32>
      %add3A_1164 = arith.addi %add3A_1163, %get3A_1162 : vector<16xi32>
      %lt3A_1165 = arith.constant 8100 : i32
      %lt3A_1166 = vector.broadcast %lt3A_1165 : i32 to vector<16xi32>
      %lt3A_1167 = arith.cmpi slt, %add3A_1164, %lt3A_1166 : vector<16xi32>
      %ge3A_1168 = arith.constant 576 : i32
      %ge3A_1169 = vector.broadcast %ge3A_1168 : i32 to vector<16xi32>
      %ge3A_1170 = arith.cmpi sge, %add3A_1164, %ge3A_1169 : vector<16xi32>
      %and3A_1171 = arith.andi %lt3A_1167, %ge3A_1170 : vector<16xi1>
      %get3A_1172 = arith.index_cast %scan3A_896 : i32 to index
      %get3A_1173 = arith.constant 176 : index
      %get3A_1174 = tpu.vector_load %arg5[%get3A_1172, %get3A_1173] {strides = array<i32>} : memref<192x256xf32, #tpu.memory_space<vmem>>, vector<1x16xf32>,
      %get3A_1175 = vector.shape_cast %get3A_1174 : vector<1x16xf32> to vector<16xf32>
      %jit3A_1176 = arith.constant 0.000000e+00 : f32
      %broadcast_in_dim3A_1177 = vector.broadcast %jit3A_1176 : f32 to vector<16xf32>
      %select_n3A_1178 = arith.select %and3A_1171, %get3A_1175, %broadcast_in_dim3A_1177 : vector<16xi1>, vector<16xf32>
      %swap3A_1179 = arith.index_cast %scan3A_896 : i32 to index
      %swap3A_1180 = arith.constant 176 : index
      %swap3A_1181 = tpu.vector_load %arg5[%swap3A_1179, %swap3A_1180] {strides = array<i32>} : memref<192x256xf32, #tpu.memory_space<vmem>>, vector<1x16xf32>,
      %swap3A_1182 = vector.shape_cast %swap3A_1181 : vector<1x16xf32> to vector<16xf32>
      %swap3A_1183 = vector.shape_cast %select_n3A_1178 : vector<16xf32> to vector<1x16xf32>
      tpu.vector_store %arg5[%swap3A_1179, %swap3A_1180], %swap3A_1183 {strides = array<i32>} : memref<192x256xf32, #tpu.memory_space<vmem>>, vector<1x16xf32>,
      %get3A_1184 = arith.constant 192 : index
      %get3A_1185 = tpu.vector_load %arg6[%get3A_1184] {strides = array<i32>} : memref<256xi32, #tpu.memory_space<vmem>>, vector<16xi32>,
      %get3A_1186 = vector.shape_cast %get3A_1185 : vector<16xi32> to vector<16xi32>
      %add3A_1187 = vector.broadcast %mul3A_901 : i32 to vector<16xi32>
      %add3A_1188 = arith.addi %add3A_1187, %get3A_1186 : vector<16xi32>
      %lt3A_1189 = arith.constant 8100 : i32
      %lt3A_1190 = vector.broadcast %lt3A_1189 : i32 to vector<16xi32>
      %lt3A_1191 = arith.cmpi slt, %add3A_1188, %lt3A_1190 : vector<16xi32>
      %ge3A_1192 = arith.constant 576 : i32
      %ge3A_1193 = vector.broadcast %ge3A_1192 : i32 to vector<16xi32>
      %ge3A_1194 = arith.cmpi sge, %add3A_1188, %ge3A_1193 : vector<16xi32>
      %and3A_1195 = arith.andi %lt3A_1191, %ge3A_1194 : vector<16xi1>
      %get3A_1196 = arith.index_cast %scan3A_896 : i32 to index
      %get3A_1197 = arith.constant 192 : index
      %get3A_1198 = tpu.vector_load %arg5[%get3A_1196, %get3A_1197] {strides = array<i32>} : memref<192x256xf32, #tpu.memory_space<vmem>>, vector<1x16xf32>,
      %get3A_1199 = vector.shape_cast %get3A_1198 : vector<1x16xf32> to vector<16xf32>
      %jit3A_1200 = arith.constant 0.000000e+00 : f32
      %broadcast_in_dim3A_1201 = vector.broadcast %jit3A_1200 : f32 to vector<16xf32>
      %select_n3A_1202 = arith.select %and3A_1195, %get3A_1199, %broadcast_in_dim3A_1201 : vector<16xi1>, vector<16xf32>
      %swap3A_1203 = arith.index_cast %scan3A_896 : i32 to index
      %swap3A_1204 = arith.constant 192 : index
      %swap3A_1205 = tpu.vector_load %arg5[%swap3A_1203, %swap3A_1204] {strides = array<i32>} : memref<192x256xf32, #tpu.memory_space<vmem>>, vector<1x16xf32>,
      %swap3A_1206 = vector.shape_cast %swap3A_1205 : vector<1x16xf32> to vector<16xf32>
      %swap3A_1207 = vector.shape_cast %select_n3A_1202 : vector<16xf32> to vector<1x16xf32>
      tpu.vector_store %arg5[%swap3A_1203, %swap3A_1204], %swap3A_1207 {strides = array<i32>} : memref<192x256xf32, #tpu.memory_space<vmem>>, vector<1x16xf32>,
      %get3A_1208 = arith.constant 208 : index
      %get3A_1209 = tpu.vector_load %arg6[%get3A_1208] {strides = array<i32>} : memref<256xi32, #tpu.memory_space<vmem>>, vector<16xi32>,
      %get3A_1210 = vector.shape_cast %get3A_1209 : vector<16xi32> to vector<16xi32>
      %add3A_1211 = vector.broadcast %mul3A_901 : i32 to vector<16xi32>
      %add3A_1212 = arith.addi %add3A_1211, %get3A_1210 : vector<16xi32>
      %lt3A_1213 = arith.constant 8100 : i32
      %lt3A_1214 = vector.broadcast %lt3A_1213 : i32 to vector<16xi32>
      %lt3A_1215 = arith.cmpi slt, %add3A_1212, %lt3A_1214 : vector<16xi32>
      %ge3A_1216 = arith.constant 576 : i32
      %ge3A_1217 = vector.broadcast %ge3A_1216 : i32 to vector<16xi32>
      %ge3A_1218 = arith.cmpi sge, %add3A_1212, %ge3A_1217 : vector<16xi32>
      %and3A_1219 = arith.andi %lt3A_1215, %ge3A_1218 : vector<16xi1>
      %get3A_1220 = arith.index_cast %scan3A_896 : i32 to index
      %get3A_1221 = arith.constant 208 : index
      %get3A_1222 = tpu.vector_load %arg5[%get3A_1220, %get3A_1221] {strides = array<i32>} : memref<192x256xf32, #tpu.memory_space<vmem>>, vector<1x16xf32>,
      %get3A_1223 = vector.shape_cast %get3A_1222 : vector<1x16xf32> to vector<16xf32>
      %jit3A_1224 = arith.constant 0.000000e+00 : f32
      %broadcast_in_dim3A_1225 = vector.broadcast %jit3A_1224 : f32 to vector<16xf32>
      %select_n3A_1226 = arith.select %and3A_1219, %get3A_1223, %broadcast_in_dim3A_1225 : vector<16xi1>, vector<16xf32>
      %swap3A_1227 = arith.index_cast %scan3A_896 : i32 to index
      %swap3A_1228 = arith.constant 208 : index
      %swap3A_1229 = tpu.vector_load %arg5[%swap3A_1227, %swap3A_1228] {strides = array<i32>} : memref<192x256xf32, #tpu.memory_space<vmem>>, vector<1x16xf32>,
      %swap3A_1230 = vector.shape_cast %swap3A_1229 : vector<1x16xf32> to vector<16xf32>
      %swap3A_1231 = vector.shape_cast %select_n3A_1226 : vector<16xf32> to vector<1x16xf32>
      tpu.vector_store %arg5[%swap3A_1227, %swap3A_1228], %swap3A_1231 {strides = array<i32>} : memref<192x256xf32, #tpu.memory_space<vmem>>, vector<1x16xf32>,
      %get3A_1232 = arith.constant 224 : index
      %get3A_1233 = tpu.vector_load %arg6[%get3A_1232] {strides = array<i32>} : memref<256xi32, #tpu.memory_space<vmem>>, vector<16xi32>,
      %get3A_1234 = vector.shape_cast %get3A_1233 : vector<16xi32> to vector<16xi32>
      %add3A_1235 = vector.broadcast %mul3A_901 : i32 to vector<16xi32>
      %add3A_1236 = arith.addi %add3A_1235, %get3A_1234 : vector<16xi32>
      %lt3A_1237 = arith.constant 8100 : i32
      %lt3A_1238 = vector.broadcast %lt3A_1237 : i32 to vector<16xi32>
      %lt3A_1239 = arith.cmpi slt, %add3A_1236, %lt3A_1238 : vector<16xi32>
      %ge3A_1240 = arith.constant 576 : i32
      %ge3A_1241 = vector.broadcast %ge3A_1240 : i32 to vector<16xi32>
      %ge3A_1242 = arith.cmpi sge, %add3A_1236, %ge3A_1241 : vector<16xi32>
      %and3A_1243 = arith.andi %lt3A_1239, %ge3A_1242 : vector<16xi1>
      %get3A_1244 = arith.index_cast %scan3A_896 : i32 to index
      %get3A_1245 = arith.constant 224 : index
      %get3A_1246 = tpu.vector_load %arg5[%get3A_1244, %get3A_1245] {strides = array<i32>} : memref<192x256xf32, #tpu.memory_space<vmem>>, vector<1x16xf32>,
      %get3A_1247 = vector.shape_cast %get3A_1246 : vector<1x16xf32> to vector<16xf32>
      %jit3A_1248 = arith.constant 0.000000e+00 : f32
      %broadcast_in_dim3A_1249 = vector.broadcast %jit3A_1248 : f32 to vector<16xf32>
      %select_n3A_1250 = arith.select %and3A_1243, %get3A_1247, %broadcast_in_dim3A_1249 : vector<16xi1>, vector<16xf32>
      %swap3A_1251 = arith.index_cast %scan3A_896 : i32 to index
      %swap3A_1252 = arith.constant 224 : index
      %swap3A_1253 = tpu.vector_load %arg5[%swap3A_1251, %swap3A_1252] {strides = array<i32>} : memref<192x256xf32, #tpu.memory_space<vmem>>, vector<1x16xf32>,
      %swap3A_1254 = vector.shape_cast %swap3A_1253 : vector<1x16xf32> to vector<16xf32>
      %swap3A_1255 = vector.shape_cast %select_n3A_1250 : vector<16xf32> to vector<1x16xf32>
      tpu.vector_store %arg5[%swap3A_1251, %swap3A_1252], %swap3A_1255 {strides = array<i32>} : memref<192x256xf32, #tpu.memory_space<vmem>>, vector<1x16xf32>,
      %get3A_1256 = arith.constant 240 : index
      %get3A_1257 = tpu.vector_load %arg6[%get3A_1256] {strides = array<i32>} : memref<256xi32, #tpu.memory_space<vmem>>, vector<16xi32>,
      %get3A_1258 = vector.shape_cast %get3A_1257 : vector<16xi32> to vector<16xi32>
      %add3A_1259 = vector.broadcast %mul3A_901 : i32 to vector<16xi32>
      %add3A_1260 = arith.addi %add3A_1259, %get3A_1258 : vector<16xi32>
      %lt3A_1261 = arith.constant 8100 : i32
      %lt3A_1262 = vector.broadcast %lt3A_1261 : i32 to vector<16xi32>
      %lt3A_1263 = arith.cmpi slt, %add3A_1260, %lt3A_1262 : vector<16xi32>
      %ge3A_1264 = arith.constant 576 : i32
      %ge3A_1265 = vector.broadcast %ge3A_1264 : i32 to vector<16xi32>
      %ge3A_1266 = arith.cmpi sge, %add3A_1260, %ge3A_1265 : vector<16xi32>
      %and3A_1267 = arith.andi %lt3A_1263, %ge3A_1266 : vector<16xi1>
      %get3A_1268 = arith.index_cast %scan3A_896 : i32 to index
      %get3A_1269 = arith.constant 240 : index
      %get3A_1270 = tpu.vector_load %arg5[%get3A_1268, %get3A_1269] {strides = array<i32>} : memref<192x256xf32, #tpu.memory_space<vmem>>, vector<1x16xf32>,
      %get3A_1271 = vector.shape_cast %get3A_1270 : vector<1x16xf32> to vector<16xf32>
      %jit3A_1272 = arith.constant 0.000000e+00 : f32
      %broadcast_in_dim3A_1273 = vector.broadcast %jit3A_1272 : f32 to vector<16xf32>
      %select_n3A_1274 = arith.select %and3A_1267, %get3A_1271, %broadcast_in_dim3A_1273 : vector<16xi1>, vector<16xf32>
      %swap3A_1275 = arith.index_cast %scan3A_896 : i32 to index
      %swap3A_1276 = arith.constant 240 : index
      %swap3A_1277 = tpu.vector_load %arg5[%swap3A_1275, %swap3A_1276] {strides = array<i32>} : memref<192x256xf32, #tpu.memory_space<vmem>>, vector<1x16xf32>,
      %swap3A_1278 = vector.shape_cast %swap3A_1277 : vector<1x16xf32> to vector<16xf32>
      %swap3A_1279 = vector.shape_cast %select_n3A_1274 : vector<16xf32> to vector<1x16xf32>
      tpu.vector_store %arg5[%swap3A_1275, %swap3A_1276], %swap3A_1279 {strides = array<i32>} : memref<192x256xf32, #tpu.memory_space<vmem>>, vector<1x16xf32>,
    }
    %scan3A_549 = arith.constant 192 : i32
    "tpu.region"() ({
      %run_scoped3A = tpu.sem_alloc : memref<!tpu.dma_semaphore, #tpu.memory_space<semaphore_mem>>
      %dma_start3A_896 = arith.constant 160 : i32
      %dma_start3A_897 = arith.constant 128 : i32
      %dma_start3A_898 = tpu.memref_slice %arg3[%add3A_431, %dma_start3A_896, %dma_start3A_897] : memref<96x512x512xf32, #tpu.memory_space<hbm>> -> memref<1x192x256xf32, #tpu.memory_space<hbm>>
      %dma_start3A_899 = tpu.memref_squeeze %dma_start3A_898 : memref<1x192x256xf32, #tpu.memory_space<hbm>> -> memref<192x256xf32, #tpu.memory_space<hbm>>
      %dma_start3A_900 = arith.constant 160 : i32
      %dma_start3A_901 = arith.constant 128 : i32
      %dma_start3A_902 = tpu.memref_slice %arg3[%add3A_431, %dma_start3A_900, %dma_start3A_901] : memref<96x512x512xf32, #tpu.memory_space<hbm>> -> memref<1x192x256xf32, #tpu.memory_space<hbm>>
      %dma_start3A_903 = tpu.memref_squeeze %dma_start3A_902 : memref<1x192x256xf32, #tpu.memory_space<hbm>> -> memref<192x256xf32, #tpu.memory_space<hbm>>
      tpu.enqueue_dma source(%arg5 : memref<192x256xf32, #tpu.memory_space<vmem>>) target(%dma_start3A_903 : memref<192x256xf32, #tpu.memory_space<hbm>>) target_semaphore(%run_scoped3A : memref<!tpu.dma_semaphore, #tpu.memory_space<semaphore_mem>>)
      %dma_wait3A_904 = arith.constant 160 : i32
      %dma_wait3A_905 = arith.constant 128 : i32
      %dma_wait3A_906 = tpu.memref_slice %arg3[%add3A_431, %dma_wait3A_904, %dma_wait3A_905] : memref<96x512x512xf32, #tpu.memory_space<hbm>> -> memref<1x192x256xf32, #tpu.memory_space<hbm>>
      %dma_wait3A_907 = tpu.memref_squeeze %dma_wait3A_906 : memref<1x192x256xf32, #tpu.memory_space<hbm>> -> memref<192x256xf32, #tpu.memory_space<hbm>>
      %dma_wait3A_908 = arith.constant 160 : i32
      %dma_wait3A_909 = arith.constant 128 : i32
      %dma_wait3A_910 = tpu.memref_slice %arg3[%add3A_431, %dma_wait3A_908, %dma_wait3A_909] : memref<96x512x512xf32, #tpu.memory_space<hbm>> -> memref<1x192x256xf32, #tpu.memory_space<hbm>>
      %dma_wait3A_911 = tpu.memref_squeeze %dma_wait3A_910 : memref<1x192x256xf32, #tpu.memory_space<hbm>> -> memref<192x256xf32, #tpu.memory_space<hbm>>
      tpu.wait_dma2 semaphore(%run_scoped3A : memref<!tpu.dma_semaphore, #tpu.memory_space<semaphore_mem>>) src(%arg5 : memref<192x256xf32, #tpu.memory_space<vmem>>) dst(%dma_wait3A_911 : memref<192x256xf32, #tpu.memory_space<hbm>>)
      tpu.yield
    }) : () -> ()
    %dma_wait3A_550 = arith.constant 0 : i32
    %dma_wait3A_551 = arith.constant 0 : i32
    %dma_wait3A_552 = tpu.memref_slice %arg4[%dma_wait3A_550, %dma_wait3A_551] : memref<96x512xf32, #tpu.memory_space<vmem>> -> memref<96x512xf32, #tpu.memory_space<vmem>>
    %dma_wait3A_553 = arith.constant 0 : i32
    %dma_wait3A_554 = arith.constant 0 : i32
    %dma_wait3A_555 = tpu.memref_slice %arg3[%add3A_431, %dma_wait3A_553, %dma_wait3A_554] : memref<96x512x512xf32, #tpu.memory_space<hbm>> -> memref<1x96x512xf32, #tpu.memory_space<hbm>>
    %dma_wait3A_556 = tpu.memref_squeeze %dma_wait3A_555 : memref<1x96x512xf32, #tpu.memory_space<hbm>> -> memref<96x512xf32, #tpu.memory_space<hbm>>
    %dma_wait3A_557 = arith.constant 0 : i32
    %dma_wait3A_558 = arith.constant 0 : i32
    %dma_wait3A_559 = tpu.memref_slice %arg3[%add3A_431, %dma_wait3A_557, %dma_wait3A_558] : memref<96x512x512xf32, #tpu.memory_space<hbm>> -> memref<1x96x512xf32, #tpu.memory_space<hbm>>
    %dma_wait3A_560 = tpu.memref_squeeze %dma_wait3A_559 : memref<1x96x512xf32, #tpu.memory_space<hbm>> -> memref<96x512xf32, #tpu.memory_space<hbm>>
    %dma_wait3A_561 = arith.constant 0 : i32
    %dma_wait3A_562 = arith.constant 0 : i32
    %dma_wait3A_563 = tpu.memref_slice %arg4[%dma_wait3A_561, %dma_wait3A_562] : memref<96x512xf32, #tpu.memory_space<vmem>> -> memref<96x512xf32, #tpu.memory_space<vmem>>
    tpu.wait_dma2 semaphore(%arg7 : memref<!tpu.dma_semaphore, #tpu.memory_space<semaphore_mem>>) src(%dma_wait3A_563 : memref<96x512xf32, #tpu.memory_space<vmem>>) dst(%dma_wait3A_560 : memref<96x512xf32, #tpu.memory_space<hbm>>)
    %dma_wait3A_564 = arith.constant 0 : i32
    %dma_wait3A_565 = arith.constant 0 : i32
    %dma_wait3A_566 = tpu.memref_slice %arg4[%dma_wait3A_564, %dma_wait3A_565] : memref<96x512xf32, #tpu.memory_space<vmem>> -> memref<64x512xf32, #tpu.memory_space<vmem>>
    %dma_wait3A_567 = arith.constant 96 : i32
    %dma_wait3A_568 = arith.constant 0 : i32
    %dma_wait3A_569 = tpu.memref_slice %arg3[%add3A_431, %dma_wait3A_567, %dma_wait3A_568] : memref<96x512x512xf32, #tpu.memory_space<hbm>> -> memref<1x64x512xf32, #tpu.memory_space<hbm>>
    %dma_wait3A_570 = tpu.memref_squeeze %dma_wait3A_569 : memref<1x64x512xf32, #tpu.memory_space<hbm>> -> memref<64x512xf32, #tpu.memory_space<hbm>>
    %dma_wait3A_571 = arith.constant 96 : i32
    %dma_wait3A_572 = arith.constant 0 : i32
    %dma_wait3A_573 = tpu.memref_slice %arg3[%add3A_431, %dma_wait3A_571, %dma_wait3A_572] : memref<96x512x512xf32, #tpu.memory_space<hbm>> -> memref<1x64x512xf32, #tpu.memory_space<hbm>>
    %dma_wait3A_574 = tpu.memref_squeeze %dma_wait3A_573 : memref<1x64x512xf32, #tpu.memory_space<hbm>> -> memref<64x512xf32, #tpu.memory_space<hbm>>
    %dma_wait3A_575 = arith.constant 0 : i32
    %dma_wait3A_576 = arith.constant 0 : i32
    %dma_wait3A_577 = tpu.memref_slice %arg4[%dma_wait3A_575, %dma_wait3A_576] : memref<96x512xf32, #tpu.memory_space<vmem>> -> memref<64x512xf32, #tpu.memory_space<vmem>>
    tpu.wait_dma2 semaphore(%arg7 : memref<!tpu.dma_semaphore, #tpu.memory_space<semaphore_mem>>) src(%dma_wait3A_577 : memref<64x512xf32, #tpu.memory_space<vmem>>) dst(%dma_wait3A_574 : memref<64x512xf32, #tpu.memory_space<hbm>>)
    %dma_wait3A_578 = arith.constant 0 : i32
    %dma_wait3A_579 = arith.constant 0 : i32
    %dma_wait3A_580 = tpu.memref_slice %arg4[%dma_wait3A_578, %dma_wait3A_579] : memref<96x512xf32, #tpu.memory_space<vmem>> -> memref<96x512xf32, #tpu.memory_space<vmem>>
    %dma_wait3A_581 = arith.constant 352 : i32
    %dma_wait3A_582 = arith.constant 0 : i32
    %dma_wait3A_583 = tpu.memref_slice %arg3[%add3A_431, %dma_wait3A_581, %dma_wait3A_582] : memref<96x512x512xf32, #tpu.memory_space<hbm>> -> memref<1x96x512xf32, #tpu.memory_space<hbm>>
    %dma_wait3A_584 = tpu.memref_squeeze %dma_wait3A_583 : memref<1x96x512xf32, #tpu.memory_space<hbm>> -> memref<96x512xf32, #tpu.memory_space<hbm>>
    %dma_wait3A_585 = arith.constant 352 : i32
    %dma_wait3A_586 = arith.constant 0 : i32
    %dma_wait3A_587 = tpu.memref_slice %arg3[%add3A_431, %dma_wait3A_585, %dma_wait3A_586] : memref<96x512x512xf32, #tpu.memory_space<hbm>> -> memref<1x96x512xf32, #tpu.memory_space<hbm>>
    %dma_wait3A_588 = tpu.memref_squeeze %dma_wait3A_587 : memref<1x96x512xf32, #tpu.memory_space<hbm>> -> memref<96x512xf32, #tpu.memory_space<hbm>>
    %dma_wait3A_589 = arith.constant 0 : i32
    %dma_wait3A_590 = arith.constant 0 : i32
    %dma_wait3A_591 = tpu.memref_slice %arg4[%dma_wait3A_589, %dma_wait3A_590] : memref<96x512xf32, #tpu.memory_space<vmem>> -> memref<96x512xf32, #tpu.memory_space<vmem>>
    tpu.wait_dma2 semaphore(%arg7 : memref<!tpu.dma_semaphore, #tpu.memory_space<semaphore_mem>>) src(%dma_wait3A_591 : memref<96x512xf32, #tpu.memory_space<vmem>>) dst(%dma_wait3A_588 : memref<96x512xf32, #tpu.memory_space<hbm>>)
    %dma_wait3A_592 = arith.constant 0 : i32
    %dma_wait3A_593 = arith.constant 0 : i32
    %dma_wait3A_594 = tpu.memref_slice %arg4[%dma_wait3A_592, %dma_wait3A_593] : memref<96x512xf32, #tpu.memory_space<vmem>> -> memref<64x512xf32, #tpu.memory_space<vmem>>
    %dma_wait3A_595 = arith.constant 448 : i32
    %dma_wait3A_596 = arith.constant 0 : i32
    %dma_wait3A_597 = tpu.memref_slice %arg3[%add3A_431, %dma_wait3A_595, %dma_wait3A_596] : memref<96x512x512xf32, #tpu.memory_space<hbm>> -> memref<1x64x512xf32, #tpu.memory_space<hbm>>
    %dma_wait3A_598 = tpu.memref_squeeze %dma_wait3A_597 : memref<1x64x512xf32, #tpu.memory_space<hbm>> -> memref<64x512xf32, #tpu.memory_space<hbm>>
    %dma_wait3A_599 = arith.constant 448 : i32
    %dma_wait3A_600 = arith.constant 0 : i32
    %dma_wait3A_601 = tpu.memref_slice %arg3[%add3A_431, %dma_wait3A_599, %dma_wait3A_600] : memref<96x512x512xf32, #tpu.memory_space<hbm>> -> memref<1x64x512xf32, #tpu.memory_space<hbm>>
    %dma_wait3A_602 = tpu.memref_squeeze %dma_wait3A_601 : memref<1x64x512xf32, #tpu.memory_space<hbm>> -> memref<64x512xf32, #tpu.memory_space<hbm>>
    %dma_wait3A_603 = arith.constant 0 : i32
    %dma_wait3A_604 = arith.constant 0 : i32
    %dma_wait3A_605 = tpu.memref_slice %arg4[%dma_wait3A_603, %dma_wait3A_604] : memref<96x512xf32, #tpu.memory_space<vmem>> -> memref<64x512xf32, #tpu.memory_space<vmem>>
    tpu.wait_dma2 semaphore(%arg7 : memref<!tpu.dma_semaphore, #tpu.memory_space<semaphore_mem>>) src(%dma_wait3A_605 : memref<64x512xf32, #tpu.memory_space<vmem>>) dst(%dma_wait3A_602 : memref<64x512xf32, #tpu.memory_space<hbm>>)
    %dma_wait3A_606 = arith.constant 0 : i32
    %dma_wait3A_607 = arith.constant 0 : i32
    %dma_wait3A_608 = tpu.memref_slice %arg4[%dma_wait3A_606, %dma_wait3A_607] : memref<96x512xf32, #tpu.memory_space<vmem>> -> memref<96x128xf32, #tpu.memory_space<vmem>>
    %dma_wait3A_609 = arith.constant 160 : i32
    %dma_wait3A_610 = arith.constant 0 : i32
    %dma_wait3A_611 = tpu.memref_slice %arg3[%add3A_431, %dma_wait3A_609, %dma_wait3A_610] : memref<96x512x512xf32, #tpu.memory_space<hbm>> -> memref<1x96x128xf32, #tpu.memory_space<hbm>>
    %dma_wait3A_612 = tpu.memref_squeeze %dma_wait3A_611 : memref<1x96x128xf32, #tpu.memory_space<hbm>> -> memref<96x128xf32, #tpu.memory_space<hbm>>
    %dma_wait3A_613 = arith.constant 160 : i32
    %dma_wait3A_614 = arith.constant 0 : i32
    %dma_wait3A_615 = tpu.memref_slice %arg3[%add3A_431, %dma_wait3A_613, %dma_wait3A_614] : memref<96x512x512xf32, #tpu.memory_space<hbm>> -> memref<1x96x128xf32, #tpu.memory_space<hbm>>
    %dma_wait3A_616 = tpu.memref_squeeze %dma_wait3A_615 : memref<1x96x128xf32, #tpu.memory_space<hbm>> -> memref<96x128xf32, #tpu.memory_space<hbm>>
    %dma_wait3A_617 = arith.constant 0 : i32
    %dma_wait3A_618 = arith.constant 0 : i32
    %dma_wait3A_619 = tpu.memref_slice %arg4[%dma_wait3A_617, %dma_wait3A_618] : memref<96x512xf32, #tpu.memory_space<vmem>> -> memref<96x128xf32, #tpu.memory_space<vmem>>
    tpu.wait_dma2 semaphore(%arg7 : memref<!tpu.dma_semaphore, #tpu.memory_space<semaphore_mem>>) src(%dma_wait3A_619 : memref<96x128xf32, #tpu.memory_space<vmem>>) dst(%dma_wait3A_616 : memref<96x128xf32, #tpu.memory_space<hbm>>)
    %dma_wait3A_620 = arith.constant 0 : i32
    %dma_wait3A_621 = arith.constant 0 : i32
    %dma_wait3A_622 = tpu.memref_slice %arg4[%dma_wait3A_620, %dma_wait3A_621] : memref<96x512xf32, #tpu.memory_space<vmem>> -> memref<96x128xf32, #tpu.memory_space<vmem>>
    %dma_wait3A_623 = arith.constant 256 : i32
    %dma_wait3A_624 = arith.constant 0 : i32
    %dma_wait3A_625 = tpu.memref_slice %arg3[%add3A_431, %dma_wait3A_623, %dma_wait3A_624] : memref<96x512x512xf32, #tpu.memory_space<hbm>> -> memref<1x96x128xf32, #tpu.memory_space<hbm>>
    %dma_wait3A_626 = tpu.memref_squeeze %dma_wait3A_625 : memref<1x96x128xf32, #tpu.memory_space<hbm>> -> memref<96x128xf32, #tpu.memory_space<hbm>>
    %dma_wait3A_627 = arith.constant 256 : i32
    %dma_wait3A_628 = arith.constant 0 : i32
    %dma_wait3A_629 = tpu.memref_slice %arg3[%add3A_431, %dma_wait3A_627, %dma_wait3A_628] : memref<96x512x512xf32, #tpu.memory_space<hbm>> -> memref<1x96x128xf32, #tpu.memory_space<hbm>>
    %dma_wait3A_630 = tpu.memref_squeeze %dma_wait3A_629 : memref<1x96x128xf32, #tpu.memory_space<hbm>> -> memref<96x128xf32, #tpu.memory_space<hbm>>
    %dma_wait3A_631 = arith.constant 0 : i32
    %dma_wait3A_632 = arith.constant 0 : i32
    %dma_wait3A_633 = tpu.memref_slice %arg4[%dma_wait3A_631, %dma_wait3A_632] : memref<96x512xf32, #tpu.memory_space<vmem>> -> memref<96x128xf32, #tpu.memory_space<vmem>>
    tpu.wait_dma2 semaphore(%arg7 : memref<!tpu.dma_semaphore, #tpu.memory_space<semaphore_mem>>) src(%dma_wait3A_633 : memref<96x128xf32, #tpu.memory_space<vmem>>) dst(%dma_wait3A_630 : memref<96x128xf32, #tpu.memory_space<hbm>>)
    %dma_wait3A_634 = arith.constant 0 : i32
    %dma_wait3A_635 = arith.constant 0 : i32
    %dma_wait3A_636 = tpu.memref_slice %arg4[%dma_wait3A_634, %dma_wait3A_635] : memref<96x512xf32, #tpu.memory_space<vmem>> -> memref<96x128xf32, #tpu.memory_space<vmem>>
    %dma_wait3A_637 = arith.constant 160 : i32
    %dma_wait3A_638 = arith.constant 384 : i32
    %dma_wait3A_639 = tpu.memref_slice %arg3[%add3A_431, %dma_wait3A_637, %dma_wait3A_638] : memref<96x512x512xf32, #tpu.memory_space<hbm>> -> memref<1x96x128xf32, #tpu.memory_space<hbm>>
    %dma_wait3A_640 = tpu.memref_squeeze %dma_wait3A_639 : memref<1x96x128xf32, #tpu.memory_space<hbm>> -> memref<96x128xf32, #tpu.memory_space<hbm>>
    %dma_wait3A_641 = arith.constant 160 : i32
    %dma_wait3A_642 = arith.constant 384 : i32
    %dma_wait3A_643 = tpu.memref_slice %arg3[%add3A_431, %dma_wait3A_641, %dma_wait3A_642] : memref<96x512x512xf32, #tpu.memory_space<hbm>> -> memref<1x96x128xf32, #tpu.memory_space<hbm>>
    %dma_wait3A_644 = tpu.memref_squeeze %dma_wait3A_643 : memref<1x96x128xf32, #tpu.memory_space<hbm>> -> memref<96x128xf32, #tpu.memory_space<hbm>>
    %dma_wait3A_645 = arith.constant 0 : i32
    %dma_wait3A_646 = arith.constant 0 : i32
    %dma_wait3A_647 = tpu.memref_slice %arg4[%dma_wait3A_645, %dma_wait3A_646] : memref<96x512xf32, #tpu.memory_space<vmem>> -> memref<96x128xf32, #tpu.memory_space<vmem>>
    tpu.wait_dma2 semaphore(%arg7 : memref<!tpu.dma_semaphore, #tpu.memory_space<semaphore_mem>>) src(%dma_wait3A_647 : memref<96x128xf32, #tpu.memory_space<vmem>>) dst(%dma_wait3A_644 : memref<96x128xf32, #tpu.memory_space<hbm>>)
    %dma_wait3A_648 = arith.constant 0 : i32
    %dma_wait3A_649 = arith.constant 0 : i32
    %dma_wait3A_650 = tpu.memref_slice %arg4[%dma_wait3A_648, %dma_wait3A_649] : memref<96x512xf32, #tpu.memory_space<vmem>> -> memref<96x128xf32, #tpu.memory_space<vmem>>
    %dma_wait3A_651 = arith.constant 256 : i32
    %dma_wait3A_652 = arith.constant 384 : i32
    %dma_wait3A_653 = tpu.memref_slice %arg3[%add3A_431, %dma_wait3A_651, %dma_wait3A_652] : memref<96x512x512xf32, #tpu.memory_space<hbm>> -> memref<1x96x128xf32, #tpu.memory_space<hbm>>
    %dma_wait3A_654 = tpu.memref_squeeze %dma_wait3A_653 : memref<1x96x128xf32, #tpu.memory_space<hbm>> -> memref<96x128xf32, #tpu.memory_space<hbm>>
    %dma_wait3A_655 = arith.constant 256 : i32
    %dma_wait3A_656 = arith.constant 384 : i32
    %dma_wait3A_657 = tpu.memref_slice %arg3[%add3A_431, %dma_wait3A_655, %dma_wait3A_656] : memref<96x512x512xf32, #tpu.memory_space<hbm>> -> memref<1x96x128xf32, #tpu.memory_space<hbm>>
    %dma_wait3A_658 = tpu.memref_squeeze %dma_wait3A_657 : memref<1x96x128xf32, #tpu.memory_space<hbm>> -> memref<96x128xf32, #tpu.memory_space<hbm>>
    %dma_wait3A_659 = arith.constant 0 : i32
    %dma_wait3A_660 = arith.constant 0 : i32
    %dma_wait3A_661 = tpu.memref_slice %arg4[%dma_wait3A_659, %dma_wait3A_660] : memref<96x512xf32, #tpu.memory_space<vmem>> -> memref<96x128xf32, #tpu.memory_space<vmem>>
    tpu.wait_dma2 semaphore(%arg7 : memref<!tpu.dma_semaphore, #tpu.memory_space<semaphore_mem>>) src(%dma_wait3A_661 : memref<96x128xf32, #tpu.memory_space<vmem>>) dst(%dma_wait3A_658 : memref<96x128xf32, #tpu.memory_space<hbm>>)
    %mul3A_662 = arith.constant 3 : i32
    %mul3A_663 = arith.muli %add3A, %mul3A_662 : i32
    %add3A_664 = arith.constant 2 : i32
    %add3A_665 = arith.addi %mul3A_663, %add3A_664 : i32
    %dma_start3A_666 = arith.constant 0 : i32
    %dma_start3A_667 = arith.constant 0 : i32
    %dma_start3A_668 = tpu.memref_slice %arg4[%dma_start3A_666, %dma_start3A_667] : memref<96x512xf32, #tpu.memory_space<vmem>> -> memref<96x512xf32, #tpu.memory_space<vmem>>
    %dma_start3A_669 = arith.constant 0 : i32
    %dma_start3A_670 = arith.constant 0 : i32
    %dma_start3A_671 = tpu.memref_slice %arg3[%add3A_665, %dma_start3A_669, %dma_start3A_670] : memref<96x512x512xf32, #tpu.memory_space<hbm>> -> memref<1x96x512xf32, #tpu.memory_space<hbm>>
    %dma_start3A_672 = tpu.memref_squeeze %dma_start3A_671 : memref<1x96x512xf32, #tpu.memory_space<hbm>> -> memref<96x512xf32, #tpu.memory_space<hbm>>
    %dma_start3A_673 = arith.constant 0 : i32
    %dma_start3A_674 = arith.constant 0 : i32
    %dma_start3A_675 = tpu.memref_slice %arg3[%add3A_665, %dma_start3A_673, %dma_start3A_674] : memref<96x512x512xf32, #tpu.memory_space<hbm>> -> memref<1x96x512xf32, #tpu.memory_space<hbm>>
    %dma_start3A_676 = tpu.memref_squeeze %dma_start3A_675 : memref<1x96x512xf32, #tpu.memory_space<hbm>> -> memref<96x512xf32, #tpu.memory_space<hbm>>
    %dma_start3A_677 = arith.constant 0 : i32
    %dma_start3A_678 = arith.constant 0 : i32
    %dma_start3A_679 = tpu.memref_slice %arg4[%dma_start3A_677, %dma_start3A_678] : memref<96x512xf32, #tpu.memory_space<vmem>> -> memref<96x512xf32, #tpu.memory_space<vmem>>
    tpu.enqueue_dma source(%dma_start3A_679 : memref<96x512xf32, #tpu.memory_space<vmem>>) target(%dma_start3A_676 : memref<96x512xf32, #tpu.memory_space<hbm>>) target_semaphore(%arg7 : memref<!tpu.dma_semaphore, #tpu.memory_space<semaphore_mem>>)
    %dma_start3A_680 = arith.constant 0 : i32
    %dma_start3A_681 = arith.constant 0 : i32
    %dma_start3A_682 = tpu.memref_slice %arg4[%dma_start3A_680, %dma_start3A_681] : memref<96x512xf32, #tpu.memory_space<vmem>> -> memref<64x512xf32, #tpu.memory_space<vmem>>
    %dma_start3A_683 = arith.constant 96 : i32
    %dma_start3A_684 = arith.constant 0 : i32
    %dma_start3A_685 = tpu.memref_slice %arg3[%add3A_665, %dma_start3A_683, %dma_start3A_684] : memref<96x512x512xf32, #tpu.memory_space<hbm>> -> memref<1x64x512xf32, #tpu.memory_space<hbm>>
    %dma_start3A_686 = tpu.memref_squeeze %dma_start3A_685 : memref<1x64x512xf32, #tpu.memory_space<hbm>> -> memref<64x512xf32, #tpu.memory_space<hbm>>
    %dma_start3A_687 = arith.constant 96 : i32
    %dma_start3A_688 = arith.constant 0 : i32
    %dma_start3A_689 = tpu.memref_slice %arg3[%add3A_665, %dma_start3A_687, %dma_start3A_688] : memref<96x512x512xf32, #tpu.memory_space<hbm>> -> memref<1x64x512xf32, #tpu.memory_space<hbm>>
    %dma_start3A_690 = tpu.memref_squeeze %dma_start3A_689 : memref<1x64x512xf32, #tpu.memory_space<hbm>> -> memref<64x512xf32, #tpu.memory_space<hbm>>
    %dma_start3A_691 = arith.constant 0 : i32
    %dma_start3A_692 = arith.constant 0 : i32
    %dma_start3A_693 = tpu.memref_slice %arg4[%dma_start3A_691, %dma_start3A_692] : memref<96x512xf32, #tpu.memory_space<vmem>> -> memref<64x512xf32, #tpu.memory_space<vmem>>
    tpu.enqueue_dma source(%dma_start3A_693 : memref<64x512xf32, #tpu.memory_space<vmem>>) target(%dma_start3A_690 : memref<64x512xf32, #tpu.memory_space<hbm>>) target_semaphore(%arg7 : memref<!tpu.dma_semaphore, #tpu.memory_space<semaphore_mem>>)
    %dma_start3A_694 = arith.constant 0 : i32
    %dma_start3A_695 = arith.constant 0 : i32
    %dma_start3A_696 = tpu.memref_slice %arg4[%dma_start3A_694, %dma_start3A_695] : memref<96x512xf32, #tpu.memory_space<vmem>> -> memref<96x512xf32, #tpu.memory_space<vmem>>
    %dma_start3A_697 = arith.constant 352 : i32
    %dma_start3A_698 = arith.constant 0 : i32
    %dma_start3A_699 = tpu.memref_slice %arg3[%add3A_665, %dma_start3A_697, %dma_start3A_698] : memref<96x512x512xf32, #tpu.memory_space<hbm>> -> memref<1x96x512xf32, #tpu.memory_space<hbm>>
    %dma_start3A_700 = tpu.memref_squeeze %dma_start3A_699 : memref<1x96x512xf32, #tpu.memory_space<hbm>> -> memref<96x512xf32, #tpu.memory_space<hbm>>
    %dma_start3A_701 = arith.constant 352 : i32
    %dma_start3A_702 = arith.constant 0 : i32
    %dma_start3A_703 = tpu.memref_slice %arg3[%add3A_665, %dma_start3A_701, %dma_start3A_702] : memref<96x512x512xf32, #tpu.memory_space<hbm>> -> memref<1x96x512xf32, #tpu.memory_space<hbm>>
    %dma_start3A_704 = tpu.memref_squeeze %dma_start3A_703 : memref<1x96x512xf32, #tpu.memory_space<hbm>> -> memref<96x512xf32, #tpu.memory_space<hbm>>
    %dma_start3A_705 = arith.constant 0 : i32
    %dma_start3A_706 = arith.constant 0 : i32
    %dma_start3A_707 = tpu.memref_slice %arg4[%dma_start3A_705, %dma_start3A_706] : memref<96x512xf32, #tpu.memory_space<vmem>> -> memref<96x512xf32, #tpu.memory_space<vmem>>
    tpu.enqueue_dma source(%dma_start3A_707 : memref<96x512xf32, #tpu.memory_space<vmem>>) target(%dma_start3A_704 : memref<96x512xf32, #tpu.memory_space<hbm>>) target_semaphore(%arg7 : memref<!tpu.dma_semaphore, #tpu.memory_space<semaphore_mem>>)
    %dma_start3A_708 = arith.constant 0 : i32
    %dma_start3A_709 = arith.constant 0 : i32
    %dma_start3A_710 = tpu.memref_slice %arg4[%dma_start3A_708, %dma_start3A_709] : memref<96x512xf32, #tpu.memory_space<vmem>> -> memref<64x512xf32, #tpu.memory_space<vmem>>
    %dma_start3A_711 = arith.constant 448 : i32
    %dma_start3A_712 = arith.constant 0 : i32
    %dma_start3A_713 = tpu.memref_slice %arg3[%add3A_665, %dma_start3A_711, %dma_start3A_712] : memref<96x512x512xf32, #tpu.memory_space<hbm>> -> memref<1x64x512xf32, #tpu.memory_space<hbm>>
    %dma_start3A_714 = tpu.memref_squeeze %dma_start3A_713 : memref<1x64x512xf32, #tpu.memory_space<hbm>> -> memref<64x512xf32, #tpu.memory_space<hbm>>
    %dma_start3A_715 = arith.constant 448 : i32
    %dma_start3A_716 = arith.constant 0 : i32
    %dma_start3A_717 = tpu.memref_slice %arg3[%add3A_665, %dma_start3A_715, %dma_start3A_716] : memref<96x512x512xf32, #tpu.memory_space<hbm>> -> memref<1x64x512xf32, #tpu.memory_space<hbm>>
    %dma_start3A_718 = tpu.memref_squeeze %dma_start3A_717 : memref<1x64x512xf32, #tpu.memory_space<hbm>> -> memref<64x512xf32, #tpu.memory_space<hbm>>
    %dma_start3A_719 = arith.constant 0 : i32
    %dma_start3A_720 = arith.constant 0 : i32
    %dma_start3A_721 = tpu.memref_slice %arg4[%dma_start3A_719, %dma_start3A_720] : memref<96x512xf32, #tpu.memory_space<vmem>> -> memref<64x512xf32, #tpu.memory_space<vmem>>
    tpu.enqueue_dma source(%dma_start3A_721 : memref<64x512xf32, #tpu.memory_space<vmem>>) target(%dma_start3A_718 : memref<64x512xf32, #tpu.memory_space<hbm>>) target_semaphore(%arg7 : memref<!tpu.dma_semaphore, #tpu.memory_space<semaphore_mem>>)
    %dma_start3A_722 = arith.constant 0 : i32
    %dma_start3A_723 = arith.constant 0 : i32
    %dma_start3A_724 = tpu.memref_slice %arg4[%dma_start3A_722, %dma_start3A_723] : memref<96x512xf32, #tpu.memory_space<vmem>> -> memref<96x128xf32, #tpu.memory_space<vmem>>
    %dma_start3A_725 = arith.constant 160 : i32
    %dma_start3A_726 = arith.constant 0 : i32
    %dma_start3A_727 = tpu.memref_slice %arg3[%add3A_665, %dma_start3A_725, %dma_start3A_726] : memref<96x512x512xf32, #tpu.memory_space<hbm>> -> memref<1x96x128xf32, #tpu.memory_space<hbm>>
    %dma_start3A_728 = tpu.memref_squeeze %dma_start3A_727 : memref<1x96x128xf32, #tpu.memory_space<hbm>> -> memref<96x128xf32, #tpu.memory_space<hbm>>
    %dma_start3A_729 = arith.constant 160 : i32
    %dma_start3A_730 = arith.constant 0 : i32
    %dma_start3A_731 = tpu.memref_slice %arg3[%add3A_665, %dma_start3A_729, %dma_start3A_730] : memref<96x512x512xf32, #tpu.memory_space<hbm>> -> memref<1x96x128xf32, #tpu.memory_space<hbm>>
    %dma_start3A_732 = tpu.memref_squeeze %dma_start3A_731 : memref<1x96x128xf32, #tpu.memory_space<hbm>> -> memref<96x128xf32, #tpu.memory_space<hbm>>
    %dma_start3A_733 = arith.constant 0 : i32
    %dma_start3A_734 = arith.constant 0 : i32
    %dma_start3A_735 = tpu.memref_slice %arg4[%dma_start3A_733, %dma_start3A_734] : memref<96x512xf32, #tpu.memory_space<vmem>> -> memref<96x128xf32, #tpu.memory_space<vmem>>
    tpu.enqueue_dma source(%dma_start3A_735 : memref<96x128xf32, #tpu.memory_space<vmem>>) target(%dma_start3A_732 : memref<96x128xf32, #tpu.memory_space<hbm>>) target_semaphore(%arg7 : memref<!tpu.dma_semaphore, #tpu.memory_space<semaphore_mem>>)
    %dma_start3A_736 = arith.constant 0 : i32
    %dma_start3A_737 = arith.constant 0 : i32
    %dma_start3A_738 = tpu.memref_slice %arg4[%dma_start3A_736, %dma_start3A_737] : memref<96x512xf32, #tpu.memory_space<vmem>> -> memref<96x128xf32, #tpu.memory_space<vmem>>
    %dma_start3A_739 = arith.constant 256 : i32
    %dma_start3A_740 = arith.constant 0 : i32
    %dma_start3A_741 = tpu.memref_slice %arg3[%add3A_665, %dma_start3A_739, %dma_start3A_740] : memref<96x512x512xf32, #tpu.memory_space<hbm>> -> memref<1x96x128xf32, #tpu.memory_space<hbm>>
    %dma_start3A_742 = tpu.memref_squeeze %dma_start3A_741 : memref<1x96x128xf32, #tpu.memory_space<hbm>> -> memref<96x128xf32, #tpu.memory_space<hbm>>
    %dma_start3A_743 = arith.constant 256 : i32
    %dma_start3A_744 = arith.constant 0 : i32
    %dma_start3A_745 = tpu.memref_slice %arg3[%add3A_665, %dma_start3A_743, %dma_start3A_744] : memref<96x512x512xf32, #tpu.memory_space<hbm>> -> memref<1x96x128xf32, #tpu.memory_space<hbm>>
    %dma_start3A_746 = tpu.memref_squeeze %dma_start3A_745 : memref<1x96x128xf32, #tpu.memory_space<hbm>> -> memref<96x128xf32, #tpu.memory_space<hbm>>
    %dma_start3A_747 = arith.constant 0 : i32
    %dma_start3A_748 = arith.constant 0 : i32
    %dma_start3A_749 = tpu.memref_slice %arg4[%dma_start3A_747, %dma_start3A_748] : memref<96x512xf32, #tpu.memory_space<vmem>> -> memref<96x128xf32, #tpu.memory_space<vmem>>
    tpu.enqueue_dma source(%dma_start3A_749 : memref<96x128xf32, #tpu.memory_space<vmem>>) target(%dma_start3A_746 : memref<96x128xf32, #tpu.memory_space<hbm>>) target_semaphore(%arg7 : memref<!tpu.dma_semaphore, #tpu.memory_space<semaphore_mem>>)
    %dma_start3A_750 = arith.constant 0 : i32
    %dma_start3A_751 = arith.constant 0 : i32
    %dma_start3A_752 = tpu.memref_slice %arg4[%dma_start3A_750, %dma_start3A_751] : memref<96x512xf32, #tpu.memory_space<vmem>> -> memref<96x128xf32, #tpu.memory_space<vmem>>
    %dma_start3A_753 = arith.constant 160 : i32
    %dma_start3A_754 = arith.constant 384 : i32
    %dma_start3A_755 = tpu.memref_slice %arg3[%add3A_665, %dma_start3A_753, %dma_start3A_754] : memref<96x512x512xf32, #tpu.memory_space<hbm>> -> memref<1x96x128xf32, #tpu.memory_space<hbm>>
    %dma_start3A_756 = tpu.memref_squeeze %dma_start3A_755 : memref<1x96x128xf32, #tpu.memory_space<hbm>> -> memref<96x128xf32, #tpu.memory_space<hbm>>
    %dma_start3A_757 = arith.constant 160 : i32
    %dma_start3A_758 = arith.constant 384 : i32
    %dma_start3A_759 = tpu.memref_slice %arg3[%add3A_665, %dma_start3A_757, %dma_start3A_758] : memref<96x512x512xf32, #tpu.memory_space<hbm>> -> memref<1x96x128xf32, #tpu.memory_space<hbm>>
    %dma_start3A_760 = tpu.memref_squeeze %dma_start3A_759 : memref<1x96x128xf32, #tpu.memory_space<hbm>> -> memref<96x128xf32, #tpu.memory_space<hbm>>
    %dma_start3A_761 = arith.constant 0 : i32
    %dma_start3A_762 = arith.constant 0 : i32
    %dma_start3A_763 = tpu.memref_slice %arg4[%dma_start3A_761, %dma_start3A_762] : memref<96x512xf32, #tpu.memory_space<vmem>> -> memref<96x128xf32, #tpu.memory_space<vmem>>
    tpu.enqueue_dma source(%dma_start3A_763 : memref<96x128xf32, #tpu.memory_space<vmem>>) target(%dma_start3A_760 : memref<96x128xf32, #tpu.memory_space<hbm>>) target_semaphore(%arg7 : memref<!tpu.dma_semaphore, #tpu.memory_space<semaphore_mem>>)
    %dma_start3A_764 = arith.constant 0 : i32
    %dma_start3A_765 = arith.constant 0 : i32
    %dma_start3A_766 = tpu.memref_slice %arg4[%dma_start3A_764, %dma_start3A_765] : memref<96x512xf32, #tpu.memory_space<vmem>> -> memref<96x128xf32, #tpu.memory_space<vmem>>
    %dma_start3A_767 = arith.constant 256 : i32
    %dma_start3A_768 = arith.constant 384 : i32
    %dma_start3A_769 = tpu.memref_slice %arg3[%add3A_665, %dma_start3A_767, %dma_start3A_768] : memref<96x512x512xf32, #tpu.memory_space<hbm>> -> memref<1x96x128xf32, #tpu.memory_space<hbm>>
    %dma_start3A_770 = tpu.memref_squeeze %dma_start3A_769 : memref<1x96x128xf32, #tpu.memory_space<hbm>> -> memref<96x128xf32, #tpu.memory_space<hbm>>
    %dma_start3A_771 = arith.constant 256 : i32
    %dma_start3A_772 = arith.constant 384 : i32
    %dma_start3A_773 = tpu.memref_slice %arg3[%add3A_665, %dma_start3A_771, %dma_start3A_772] : memref<96x512x512xf32, #tpu.memory_space<hbm>> -> memref<1x96x128xf32, #tpu.memory_space<hbm>>
    %dma_start3A_774 = tpu.memref_squeeze %dma_start3A_773 : memref<1x96x128xf32, #tpu.memory_space<hbm>> -> memref<96x128xf32, #tpu.memory_space<hbm>>
    %dma_start3A_775 = arith.constant 0 : i32
    %dma_start3A_776 = arith.constant 0 : i32
    %dma_start3A_777 = tpu.memref_slice %arg4[%dma_start3A_775, %dma_start3A_776] : memref<96x512xf32, #tpu.memory_space<vmem>> -> memref<96x128xf32, #tpu.memory_space<vmem>>
    tpu.enqueue_dma source(%dma_start3A_777 : memref<96x128xf32, #tpu.memory_space<vmem>>) target(%dma_start3A_774 : memref<96x128xf32, #tpu.memory_space<hbm>>) target_semaphore(%arg7 : memref<!tpu.dma_semaphore, #tpu.memory_space<semaphore_mem>>)
    "tpu.region"() ({
      %run_scoped3A = tpu.sem_alloc : memref<!tpu.dma_semaphore, #tpu.memory_space<semaphore_mem>>
      %dma_start3A_896 = arith.constant 160 : i32
      %dma_start3A_897 = arith.constant 128 : i32
      %dma_start3A_898 = tpu.memref_slice %arg2[%add3A_665, %dma_start3A_896, %dma_start3A_897] : memref<96x512x512xf32, #tpu.memory_space<hbm>> -> memref<1x192x256xf32, #tpu.memory_space<hbm>>
      %dma_start3A_899 = tpu.memref_squeeze %dma_start3A_898 : memref<1x192x256xf32, #tpu.memory_space<hbm>> -> memref<192x256xf32, #tpu.memory_space<hbm>>
      %dma_start3A_900 = arith.constant 160 : i32
      %dma_start3A_901 = arith.constant 128 : i32
      %dma_start3A_902 = tpu.memref_slice %arg2[%add3A_665, %dma_start3A_900, %dma_start3A_901] : memref<96x512x512xf32, #tpu.memory_space<hbm>> -> memref<1x192x256xf32, #tpu.memory_space<hbm>>
      %dma_start3A_903 = tpu.memref_squeeze %dma_start3A_902 : memref<1x192x256xf32, #tpu.memory_space<hbm>> -> memref<192x256xf32, #tpu.memory_space<hbm>>
      tpu.enqueue_dma source(%dma_start3A_903 : memref<192x256xf32, #tpu.memory_space<hbm>>) target(%arg5 : memref<192x256xf32, #tpu.memory_space<vmem>>) target_semaphore(%run_scoped3A : memref<!tpu.dma_semaphore, #tpu.memory_space<semaphore_mem>>)
      %dma_wait3A_904 = arith.constant 160 : i32
      %dma_wait3A_905 = arith.constant 128 : i32
      %dma_wait3A_906 = tpu.memref_slice %arg2[%add3A_665, %dma_wait3A_904, %dma_wait3A_905] : memref<96x512x512xf32, #tpu.memory_space<hbm>> -> memref<1x192x256xf32, #tpu.memory_space<hbm>>
      %dma_wait3A_907 = tpu.memref_squeeze %dma_wait3A_906 : memref<1x192x256xf32, #tpu.memory_space<hbm>> -> memref<192x256xf32, #tpu.memory_space<hbm>>
      %dma_wait3A_908 = arith.constant 160 : i32
      %dma_wait3A_909 = arith.constant 128 : i32
      %dma_wait3A_910 = tpu.memref_slice %arg2[%add3A_665, %dma_wait3A_908, %dma_wait3A_909] : memref<96x512x512xf32, #tpu.memory_space<hbm>> -> memref<1x192x256xf32, #tpu.memory_space<hbm>>
      %dma_wait3A_911 = tpu.memref_squeeze %dma_wait3A_910 : memref<1x192x256xf32, #tpu.memory_space<hbm>> -> memref<192x256xf32, #tpu.memory_space<hbm>>
      tpu.wait_dma2 semaphore(%run_scoped3A : memref<!tpu.dma_semaphore, #tpu.memory_space<semaphore_mem>>) src(%dma_wait3A_911 : memref<192x256xf32, #tpu.memory_space<hbm>>) dst(%arg5 : memref<192x256xf32, #tpu.memory_space<vmem>>)
      tpu.yield
    }) : () -> ()
    %scan3A_778 = arith.constant 0 : i32
    %scan3A_779 = arith.constant 0 : i32
    %scan3A_780 = arith.constant 192 : i32
    %scan3A_781 = arith.addi %scan3A_779, %scan3A_780 : i32
    %scan3A_782 = arith.constant 1 : i32
    scf.for %scan3A_896 = %scan3A_779 to %scan3A_781 step %scan3A_782  : i32 {
      %add3A_897 = arith.constant 160 : i32
      %add3A_898 = arith.addi %add3A_897, %scan3A_896 : i32
      %sub3A_899 = arith.constant 255 : i32
      %sub3A_900 = arith.subi %add3A_898, %sub3A_899 : i32
      %mul3A_901 = arith.muli %sub3A_900, %sub3A_900 : i32
      %get3A = arith.constant 0 : index
      %get3A_902 = tpu.vector_load %arg6[%get3A] {strides = array<i32>} : memref<256xi32, #tpu.memory_space<vmem>>, vector<16xi32>,
      %get3A_903 = vector.shape_cast %get3A_902 : vector<16xi32> to vector<16xi32>
      %add3A_904 = vector.broadcast %mul3A_901 : i32 to vector<16xi32>
      %add3A_905 = arith.addi %add3A_904, %get3A_903 : vector<16xi32>
      %lt3A = arith.constant 8100 : i32
      %lt3A_906 = vector.broadcast %lt3A : i32 to vector<16xi32>
      %lt3A_907 = arith.cmpi slt, %add3A_905, %lt3A_906 : vector<16xi32>
      %ge3A = arith.constant 576 : i32
      %ge3A_908 = vector.broadcast %ge3A : i32 to vector<16xi32>
      %ge3A_909 = arith.cmpi sge, %add3A_905, %ge3A_908 : vector<16xi32>
      %and3A = arith.andi %lt3A_907, %ge3A_909 : vector<16xi1>
      %get3A_910 = arith.index_cast %scan3A_896 : i32 to index
      %get3A_911 = arith.constant 0 : index
      %get3A_912 = tpu.vector_load %arg5[%get3A_910, %get3A_911] {strides = array<i32>} : memref<192x256xf32, #tpu.memory_space<vmem>>, vector<1x16xf32>,
      %get3A_913 = vector.shape_cast %get3A_912 : vector<1x16xf32> to vector<16xf32>
      %jit3A = arith.constant 0.000000e+00 : f32
      %broadcast_in_dim3A_914 = vector.broadcast %jit3A : f32 to vector<16xf32>
      %select_n3A = arith.select %and3A, %get3A_913, %broadcast_in_dim3A_914 : vector<16xi1>, vector<16xf32>
      %swap3A_915 = arith.index_cast %scan3A_896 : i32 to index
      %swap3A_916 = arith.constant 0 : index
      %swap3A_917 = tpu.vector_load %arg5[%swap3A_915, %swap3A_916] {strides = array<i32>} : memref<192x256xf32, #tpu.memory_space<vmem>>, vector<1x16xf32>,
      %swap3A_918 = vector.shape_cast %swap3A_917 : vector<1x16xf32> to vector<16xf32>
      %swap3A_919 = vector.shape_cast %select_n3A : vector<16xf32> to vector<1x16xf32>
      tpu.vector_store %arg5[%swap3A_915, %swap3A_916], %swap3A_919 {strides = array<i32>} : memref<192x256xf32, #tpu.memory_space<vmem>>, vector<1x16xf32>,
      %get3A_920 = arith.constant 16 : index
      %get3A_921 = tpu.vector_load %arg6[%get3A_920] {strides = array<i32>} : memref<256xi32, #tpu.memory_space<vmem>>, vector<16xi32>,
      %get3A_922 = vector.shape_cast %get3A_921 : vector<16xi32> to vector<16xi32>
      %add3A_923 = vector.broadcast %mul3A_901 : i32 to vector<16xi32>
      %add3A_924 = arith.addi %add3A_923, %get3A_922 : vector<16xi32>
      %lt3A_925 = arith.constant 8100 : i32
      %lt3A_926 = vector.broadcast %lt3A_925 : i32 to vector<16xi32>
      %lt3A_927 = arith.cmpi slt, %add3A_924, %lt3A_926 : vector<16xi32>
      %ge3A_928 = arith.constant 576 : i32
      %ge3A_929 = vector.broadcast %ge3A_928 : i32 to vector<16xi32>
      %ge3A_930 = arith.cmpi sge, %add3A_924, %ge3A_929 : vector<16xi32>
      %and3A_931 = arith.andi %lt3A_927, %ge3A_930 : vector<16xi1>
      %get3A_932 = arith.index_cast %scan3A_896 : i32 to index
      %get3A_933 = arith.constant 16 : index
      %get3A_934 = tpu.vector_load %arg5[%get3A_932, %get3A_933] {strides = array<i32>} : memref<192x256xf32, #tpu.memory_space<vmem>>, vector<1x16xf32>,
      %get3A_935 = vector.shape_cast %get3A_934 : vector<1x16xf32> to vector<16xf32>
      %jit3A_936 = arith.constant 0.000000e+00 : f32
      %broadcast_in_dim3A_937 = vector.broadcast %jit3A_936 : f32 to vector<16xf32>
      %select_n3A_938 = arith.select %and3A_931, %get3A_935, %broadcast_in_dim3A_937 : vector<16xi1>, vector<16xf32>
      %swap3A_939 = arith.index_cast %scan3A_896 : i32 to index
      %swap3A_940 = arith.constant 16 : index
      %swap3A_941 = tpu.vector_load %arg5[%swap3A_939, %swap3A_940] {strides = array<i32>} : memref<192x256xf32, #tpu.memory_space<vmem>>, vector<1x16xf32>,
      %swap3A_942 = vector.shape_cast %swap3A_941 : vector<1x16xf32> to vector<16xf32>
      %swap3A_943 = vector.shape_cast %select_n3A_938 : vector<16xf32> to vector<1x16xf32>
      tpu.vector_store %arg5[%swap3A_939, %swap3A_940], %swap3A_943 {strides = array<i32>} : memref<192x256xf32, #tpu.memory_space<vmem>>, vector<1x16xf32>,
      %get3A_944 = arith.constant 32 : index
      %get3A_945 = tpu.vector_load %arg6[%get3A_944] {strides = array<i32>} : memref<256xi32, #tpu.memory_space<vmem>>, vector<16xi32>,
      %get3A_946 = vector.shape_cast %get3A_945 : vector<16xi32> to vector<16xi32>
      %add3A_947 = vector.broadcast %mul3A_901 : i32 to vector<16xi32>
      %add3A_948 = arith.addi %add3A_947, %get3A_946 : vector<16xi32>
      %lt3A_949 = arith.constant 8100 : i32
      %lt3A_950 = vector.broadcast %lt3A_949 : i32 to vector<16xi32>
      %lt3A_951 = arith.cmpi slt, %add3A_948, %lt3A_950 : vector<16xi32>
      %ge3A_952 = arith.constant 576 : i32
      %ge3A_953 = vector.broadcast %ge3A_952 : i32 to vector<16xi32>
      %ge3A_954 = arith.cmpi sge, %add3A_948, %ge3A_953 : vector<16xi32>
      %and3A_955 = arith.andi %lt3A_951, %ge3A_954 : vector<16xi1>
      %get3A_956 = arith.index_cast %scan3A_896 : i32 to index
      %get3A_957 = arith.constant 32 : index
      %get3A_958 = tpu.vector_load %arg5[%get3A_956, %get3A_957] {strides = array<i32>} : memref<192x256xf32, #tpu.memory_space<vmem>>, vector<1x16xf32>,
      %get3A_959 = vector.shape_cast %get3A_958 : vector<1x16xf32> to vector<16xf32>
      %jit3A_960 = arith.constant 0.000000e+00 : f32
      %broadcast_in_dim3A_961 = vector.broadcast %jit3A_960 : f32 to vector<16xf32>
      %select_n3A_962 = arith.select %and3A_955, %get3A_959, %broadcast_in_dim3A_961 : vector<16xi1>, vector<16xf32>
      %swap3A_963 = arith.index_cast %scan3A_896 : i32 to index
      %swap3A_964 = arith.constant 32 : index
      %swap3A_965 = tpu.vector_load %arg5[%swap3A_963, %swap3A_964] {strides = array<i32>} : memref<192x256xf32, #tpu.memory_space<vmem>>, vector<1x16xf32>,
      %swap3A_966 = vector.shape_cast %swap3A_965 : vector<1x16xf32> to vector<16xf32>
      %swap3A_967 = vector.shape_cast %select_n3A_962 : vector<16xf32> to vector<1x16xf32>
      tpu.vector_store %arg5[%swap3A_963, %swap3A_964], %swap3A_967 {strides = array<i32>} : memref<192x256xf32, #tpu.memory_space<vmem>>, vector<1x16xf32>,
      %get3A_968 = arith.constant 48 : index
      %get3A_969 = tpu.vector_load %arg6[%get3A_968] {strides = array<i32>} : memref<256xi32, #tpu.memory_space<vmem>>, vector<16xi32>,
      %get3A_970 = vector.shape_cast %get3A_969 : vector<16xi32> to vector<16xi32>
      %add3A_971 = vector.broadcast %mul3A_901 : i32 to vector<16xi32>
      %add3A_972 = arith.addi %add3A_971, %get3A_970 : vector<16xi32>
      %lt3A_973 = arith.constant 8100 : i32
      %lt3A_974 = vector.broadcast %lt3A_973 : i32 to vector<16xi32>
      %lt3A_975 = arith.cmpi slt, %add3A_972, %lt3A_974 : vector<16xi32>
      %ge3A_976 = arith.constant 576 : i32
      %ge3A_977 = vector.broadcast %ge3A_976 : i32 to vector<16xi32>
      %ge3A_978 = arith.cmpi sge, %add3A_972, %ge3A_977 : vector<16xi32>
      %and3A_979 = arith.andi %lt3A_975, %ge3A_978 : vector<16xi1>
      %get3A_980 = arith.index_cast %scan3A_896 : i32 to index
      %get3A_981 = arith.constant 48 : index
      %get3A_982 = tpu.vector_load %arg5[%get3A_980, %get3A_981] {strides = array<i32>} : memref<192x256xf32, #tpu.memory_space<vmem>>, vector<1x16xf32>,
      %get3A_983 = vector.shape_cast %get3A_982 : vector<1x16xf32> to vector<16xf32>
      %jit3A_984 = arith.constant 0.000000e+00 : f32
      %broadcast_in_dim3A_985 = vector.broadcast %jit3A_984 : f32 to vector<16xf32>
      %select_n3A_986 = arith.select %and3A_979, %get3A_983, %broadcast_in_dim3A_985 : vector<16xi1>, vector<16xf32>
      %swap3A_987 = arith.index_cast %scan3A_896 : i32 to index
      %swap3A_988 = arith.constant 48 : index
      %swap3A_989 = tpu.vector_load %arg5[%swap3A_987, %swap3A_988] {strides = array<i32>} : memref<192x256xf32, #tpu.memory_space<vmem>>, vector<1x16xf32>,
      %swap3A_990 = vector.shape_cast %swap3A_989 : vector<1x16xf32> to vector<16xf32>
      %swap3A_991 = vector.shape_cast %select_n3A_986 : vector<16xf32> to vector<1x16xf32>
      tpu.vector_store %arg5[%swap3A_987, %swap3A_988], %swap3A_991 {strides = array<i32>} : memref<192x256xf32, #tpu.memory_space<vmem>>, vector<1x16xf32>,
      %get3A_992 = arith.constant 64 : index
      %get3A_993 = tpu.vector_load %arg6[%get3A_992] {strides = array<i32>} : memref<256xi32, #tpu.memory_space<vmem>>, vector<16xi32>,
      %get3A_994 = vector.shape_cast %get3A_993 : vector<16xi32> to vector<16xi32>
      %add3A_995 = vector.broadcast %mul3A_901 : i32 to vector<16xi32>
      %add3A_996 = arith.addi %add3A_995, %get3A_994 : vector<16xi32>
      %lt3A_997 = arith.constant 8100 : i32
      %lt3A_998 = vector.broadcast %lt3A_997 : i32 to vector<16xi32>
      %lt3A_999 = arith.cmpi slt, %add3A_996, %lt3A_998 : vector<16xi32>
      %ge3A_1000 = arith.constant 576 : i32
      %ge3A_1001 = vector.broadcast %ge3A_1000 : i32 to vector<16xi32>
      %ge3A_1002 = arith.cmpi sge, %add3A_996, %ge3A_1001 : vector<16xi32>
      %and3A_1003 = arith.andi %lt3A_999, %ge3A_1002 : vector<16xi1>
      %get3A_1004 = arith.index_cast %scan3A_896 : i32 to index
      %get3A_1005 = arith.constant 64 : index
      %get3A_1006 = tpu.vector_load %arg5[%get3A_1004, %get3A_1005] {strides = array<i32>} : memref<192x256xf32, #tpu.memory_space<vmem>>, vector<1x16xf32>,
      %get3A_1007 = vector.shape_cast %get3A_1006 : vector<1x16xf32> to vector<16xf32>
      %jit3A_1008 = arith.constant 0.000000e+00 : f32
      %broadcast_in_dim3A_1009 = vector.broadcast %jit3A_1008 : f32 to vector<16xf32>
      %select_n3A_1010 = arith.select %and3A_1003, %get3A_1007, %broadcast_in_dim3A_1009 : vector<16xi1>, vector<16xf32>
      %swap3A_1011 = arith.index_cast %scan3A_896 : i32 to index
      %swap3A_1012 = arith.constant 64 : index
      %swap3A_1013 = tpu.vector_load %arg5[%swap3A_1011, %swap3A_1012] {strides = array<i32>} : memref<192x256xf32, #tpu.memory_space<vmem>>, vector<1x16xf32>,
      %swap3A_1014 = vector.shape_cast %swap3A_1013 : vector<1x16xf32> to vector<16xf32>
      %swap3A_1015 = vector.shape_cast %select_n3A_1010 : vector<16xf32> to vector<1x16xf32>
      tpu.vector_store %arg5[%swap3A_1011, %swap3A_1012], %swap3A_1015 {strides = array<i32>} : memref<192x256xf32, #tpu.memory_space<vmem>>, vector<1x16xf32>,
      %get3A_1016 = arith.constant 80 : index
      %get3A_1017 = tpu.vector_load %arg6[%get3A_1016] {strides = array<i32>} : memref<256xi32, #tpu.memory_space<vmem>>, vector<16xi32>,
      %get3A_1018 = vector.shape_cast %get3A_1017 : vector<16xi32> to vector<16xi32>
      %add3A_1019 = vector.broadcast %mul3A_901 : i32 to vector<16xi32>
      %add3A_1020 = arith.addi %add3A_1019, %get3A_1018 : vector<16xi32>
      %lt3A_1021 = arith.constant 8100 : i32
      %lt3A_1022 = vector.broadcast %lt3A_1021 : i32 to vector<16xi32>
      %lt3A_1023 = arith.cmpi slt, %add3A_1020, %lt3A_1022 : vector<16xi32>
      %ge3A_1024 = arith.constant 576 : i32
      %ge3A_1025 = vector.broadcast %ge3A_1024 : i32 to vector<16xi32>
      %ge3A_1026 = arith.cmpi sge, %add3A_1020, %ge3A_1025 : vector<16xi32>
      %and3A_1027 = arith.andi %lt3A_1023, %ge3A_1026 : vector<16xi1>
      %get3A_1028 = arith.index_cast %scan3A_896 : i32 to index
      %get3A_1029 = arith.constant 80 : index
      %get3A_1030 = tpu.vector_load %arg5[%get3A_1028, %get3A_1029] {strides = array<i32>} : memref<192x256xf32, #tpu.memory_space<vmem>>, vector<1x16xf32>,
      %get3A_1031 = vector.shape_cast %get3A_1030 : vector<1x16xf32> to vector<16xf32>
      %jit3A_1032 = arith.constant 0.000000e+00 : f32
      %broadcast_in_dim3A_1033 = vector.broadcast %jit3A_1032 : f32 to vector<16xf32>
      %select_n3A_1034 = arith.select %and3A_1027, %get3A_1031, %broadcast_in_dim3A_1033 : vector<16xi1>, vector<16xf32>
      %swap3A_1035 = arith.index_cast %scan3A_896 : i32 to index
      %swap3A_1036 = arith.constant 80 : index
      %swap3A_1037 = tpu.vector_load %arg5[%swap3A_1035, %swap3A_1036] {strides = array<i32>} : memref<192x256xf32, #tpu.memory_space<vmem>>, vector<1x16xf32>,
      %swap3A_1038 = vector.shape_cast %swap3A_1037 : vector<1x16xf32> to vector<16xf32>
      %swap3A_1039 = vector.shape_cast %select_n3A_1034 : vector<16xf32> to vector<1x16xf32>
      tpu.vector_store %arg5[%swap3A_1035, %swap3A_1036], %swap3A_1039 {strides = array<i32>} : memref<192x256xf32, #tpu.memory_space<vmem>>, vector<1x16xf32>,
      %get3A_1040 = arith.constant 96 : index
      %get3A_1041 = tpu.vector_load %arg6[%get3A_1040] {strides = array<i32>} : memref<256xi32, #tpu.memory_space<vmem>>, vector<16xi32>,
      %get3A_1042 = vector.shape_cast %get3A_1041 : vector<16xi32> to vector<16xi32>
      %add3A_1043 = vector.broadcast %mul3A_901 : i32 to vector<16xi32>
      %add3A_1044 = arith.addi %add3A_1043, %get3A_1042 : vector<16xi32>
      %lt3A_1045 = arith.constant 8100 : i32
      %lt3A_1046 = vector.broadcast %lt3A_1045 : i32 to vector<16xi32>
      %lt3A_1047 = arith.cmpi slt, %add3A_1044, %lt3A_1046 : vector<16xi32>
      %ge3A_1048 = arith.constant 576 : i32
      %ge3A_1049 = vector.broadcast %ge3A_1048 : i32 to vector<16xi32>
      %ge3A_1050 = arith.cmpi sge, %add3A_1044, %ge3A_1049 : vector<16xi32>
      %and3A_1051 = arith.andi %lt3A_1047, %ge3A_1050 : vector<16xi1>
      %get3A_1052 = arith.index_cast %scan3A_896 : i32 to index
      %get3A_1053 = arith.constant 96 : index
      %get3A_1054 = tpu.vector_load %arg5[%get3A_1052, %get3A_1053] {strides = array<i32>} : memref<192x256xf32, #tpu.memory_space<vmem>>, vector<1x16xf32>,
      %get3A_1055 = vector.shape_cast %get3A_1054 : vector<1x16xf32> to vector<16xf32>
      %jit3A_1056 = arith.constant 0.000000e+00 : f32
      %broadcast_in_dim3A_1057 = vector.broadcast %jit3A_1056 : f32 to vector<16xf32>
      %select_n3A_1058 = arith.select %and3A_1051, %get3A_1055, %broadcast_in_dim3A_1057 : vector<16xi1>, vector<16xf32>
      %swap3A_1059 = arith.index_cast %scan3A_896 : i32 to index
      %swap3A_1060 = arith.constant 96 : index
      %swap3A_1061 = tpu.vector_load %arg5[%swap3A_1059, %swap3A_1060] {strides = array<i32>} : memref<192x256xf32, #tpu.memory_space<vmem>>, vector<1x16xf32>,
      %swap3A_1062 = vector.shape_cast %swap3A_1061 : vector<1x16xf32> to vector<16xf32>
      %swap3A_1063 = vector.shape_cast %select_n3A_1058 : vector<16xf32> to vector<1x16xf32>
      tpu.vector_store %arg5[%swap3A_1059, %swap3A_1060], %swap3A_1063 {strides = array<i32>} : memref<192x256xf32, #tpu.memory_space<vmem>>, vector<1x16xf32>,
      %get3A_1064 = arith.constant 112 : index
      %get3A_1065 = tpu.vector_load %arg6[%get3A_1064] {strides = array<i32>} : memref<256xi32, #tpu.memory_space<vmem>>, vector<16xi32>,
      %get3A_1066 = vector.shape_cast %get3A_1065 : vector<16xi32> to vector<16xi32>
      %add3A_1067 = vector.broadcast %mul3A_901 : i32 to vector<16xi32>
      %add3A_1068 = arith.addi %add3A_1067, %get3A_1066 : vector<16xi32>
      %lt3A_1069 = arith.constant 8100 : i32
      %lt3A_1070 = vector.broadcast %lt3A_1069 : i32 to vector<16xi32>
      %lt3A_1071 = arith.cmpi slt, %add3A_1068, %lt3A_1070 : vector<16xi32>
      %ge3A_1072 = arith.constant 576 : i32
      %ge3A_1073 = vector.broadcast %ge3A_1072 : i32 to vector<16xi32>
      %ge3A_1074 = arith.cmpi sge, %add3A_1068, %ge3A_1073 : vector<16xi32>
      %and3A_1075 = arith.andi %lt3A_1071, %ge3A_1074 : vector<16xi1>
      %get3A_1076 = arith.index_cast %scan3A_896 : i32 to index
      %get3A_1077 = arith.constant 112 : index
      %get3A_1078 = tpu.vector_load %arg5[%get3A_1076, %get3A_1077] {strides = array<i32>} : memref<192x256xf32, #tpu.memory_space<vmem>>, vector<1x16xf32>,
      %get3A_1079 = vector.shape_cast %get3A_1078 : vector<1x16xf32> to vector<16xf32>
      %jit3A_1080 = arith.constant 0.000000e+00 : f32
      %broadcast_in_dim3A_1081 = vector.broadcast %jit3A_1080 : f32 to vector<16xf32>
      %select_n3A_1082 = arith.select %and3A_1075, %get3A_1079, %broadcast_in_dim3A_1081 : vector<16xi1>, vector<16xf32>
      %swap3A_1083 = arith.index_cast %scan3A_896 : i32 to index
      %swap3A_1084 = arith.constant 112 : index
      %swap3A_1085 = tpu.vector_load %arg5[%swap3A_1083, %swap3A_1084] {strides = array<i32>} : memref<192x256xf32, #tpu.memory_space<vmem>>, vector<1x16xf32>,
      %swap3A_1086 = vector.shape_cast %swap3A_1085 : vector<1x16xf32> to vector<16xf32>
      %swap3A_1087 = vector.shape_cast %select_n3A_1082 : vector<16xf32> to vector<1x16xf32>
      tpu.vector_store %arg5[%swap3A_1083, %swap3A_1084], %swap3A_1087 {strides = array<i32>} : memref<192x256xf32, #tpu.memory_space<vmem>>, vector<1x16xf32>,
      %get3A_1088 = arith.constant 128 : index
      %get3A_1089 = tpu.vector_load %arg6[%get3A_1088] {strides = array<i32>} : memref<256xi32, #tpu.memory_space<vmem>>, vector<16xi32>,
      %get3A_1090 = vector.shape_cast %get3A_1089 : vector<16xi32> to vector<16xi32>
      %add3A_1091 = vector.broadcast %mul3A_901 : i32 to vector<16xi32>
      %add3A_1092 = arith.addi %add3A_1091, %get3A_1090 : vector<16xi32>
      %lt3A_1093 = arith.constant 8100 : i32
      %lt3A_1094 = vector.broadcast %lt3A_1093 : i32 to vector<16xi32>
      %lt3A_1095 = arith.cmpi slt, %add3A_1092, %lt3A_1094 : vector<16xi32>
      %ge3A_1096 = arith.constant 576 : i32
      %ge3A_1097 = vector.broadcast %ge3A_1096 : i32 to vector<16xi32>
      %ge3A_1098 = arith.cmpi sge, %add3A_1092, %ge3A_1097 : vector<16xi32>
      %and3A_1099 = arith.andi %lt3A_1095, %ge3A_1098 : vector<16xi1>
      %get3A_1100 = arith.index_cast %scan3A_896 : i32 to index
      %get3A_1101 = arith.constant 128 : index
      %get3A_1102 = tpu.vector_load %arg5[%get3A_1100, %get3A_1101] {strides = array<i32>} : memref<192x256xf32, #tpu.memory_space<vmem>>, vector<1x16xf32>,
      %get3A_1103 = vector.shape_cast %get3A_1102 : vector<1x16xf32> to vector<16xf32>
      %jit3A_1104 = arith.constant 0.000000e+00 : f32
      %broadcast_in_dim3A_1105 = vector.broadcast %jit3A_1104 : f32 to vector<16xf32>
      %select_n3A_1106 = arith.select %and3A_1099, %get3A_1103, %broadcast_in_dim3A_1105 : vector<16xi1>, vector<16xf32>
      %swap3A_1107 = arith.index_cast %scan3A_896 : i32 to index
      %swap3A_1108 = arith.constant 128 : index
      %swap3A_1109 = tpu.vector_load %arg5[%swap3A_1107, %swap3A_1108] {strides = array<i32>} : memref<192x256xf32, #tpu.memory_space<vmem>>, vector<1x16xf32>,
      %swap3A_1110 = vector.shape_cast %swap3A_1109 : vector<1x16xf32> to vector<16xf32>
      %swap3A_1111 = vector.shape_cast %select_n3A_1106 : vector<16xf32> to vector<1x16xf32>
      tpu.vector_store %arg5[%swap3A_1107, %swap3A_1108], %swap3A_1111 {strides = array<i32>} : memref<192x256xf32, #tpu.memory_space<vmem>>, vector<1x16xf32>,
      %get3A_1112 = arith.constant 144 : index
      %get3A_1113 = tpu.vector_load %arg6[%get3A_1112] {strides = array<i32>} : memref<256xi32, #tpu.memory_space<vmem>>, vector<16xi32>,
      %get3A_1114 = vector.shape_cast %get3A_1113 : vector<16xi32> to vector<16xi32>
      %add3A_1115 = vector.broadcast %mul3A_901 : i32 to vector<16xi32>
      %add3A_1116 = arith.addi %add3A_1115, %get3A_1114 : vector<16xi32>
      %lt3A_1117 = arith.constant 8100 : i32
      %lt3A_1118 = vector.broadcast %lt3A_1117 : i32 to vector<16xi32>
      %lt3A_1119 = arith.cmpi slt, %add3A_1116, %lt3A_1118 : vector<16xi32>
      %ge3A_1120 = arith.constant 576 : i32
      %ge3A_1121 = vector.broadcast %ge3A_1120 : i32 to vector<16xi32>
      %ge3A_1122 = arith.cmpi sge, %add3A_1116, %ge3A_1121 : vector<16xi32>
      %and3A_1123 = arith.andi %lt3A_1119, %ge3A_1122 : vector<16xi1>
      %get3A_1124 = arith.index_cast %scan3A_896 : i32 to index
      %get3A_1125 = arith.constant 144 : index
      %get3A_1126 = tpu.vector_load %arg5[%get3A_1124, %get3A_1125] {strides = array<i32>} : memref<192x256xf32, #tpu.memory_space<vmem>>, vector<1x16xf32>,
      %get3A_1127 = vector.shape_cast %get3A_1126 : vector<1x16xf32> to vector<16xf32>
      %jit3A_1128 = arith.constant 0.000000e+00 : f32
      %broadcast_in_dim3A_1129 = vector.broadcast %jit3A_1128 : f32 to vector<16xf32>
      %select_n3A_1130 = arith.select %and3A_1123, %get3A_1127, %broadcast_in_dim3A_1129 : vector<16xi1>, vector<16xf32>
      %swap3A_1131 = arith.index_cast %scan3A_896 : i32 to index
      %swap3A_1132 = arith.constant 144 : index
      %swap3A_1133 = tpu.vector_load %arg5[%swap3A_1131, %swap3A_1132] {strides = array<i32>} : memref<192x256xf32, #tpu.memory_space<vmem>>, vector<1x16xf32>,
      %swap3A_1134 = vector.shape_cast %swap3A_1133 : vector<1x16xf32> to vector<16xf32>
      %swap3A_1135 = vector.shape_cast %select_n3A_1130 : vector<16xf32> to vector<1x16xf32>
      tpu.vector_store %arg5[%swap3A_1131, %swap3A_1132], %swap3A_1135 {strides = array<i32>} : memref<192x256xf32, #tpu.memory_space<vmem>>, vector<1x16xf32>,
      %get3A_1136 = arith.constant 160 : index
      %get3A_1137 = tpu.vector_load %arg6[%get3A_1136] {strides = array<i32>} : memref<256xi32, #tpu.memory_space<vmem>>, vector<16xi32>,
      %get3A_1138 = vector.shape_cast %get3A_1137 : vector<16xi32> to vector<16xi32>
      %add3A_1139 = vector.broadcast %mul3A_901 : i32 to vector<16xi32>
      %add3A_1140 = arith.addi %add3A_1139, %get3A_1138 : vector<16xi32>
      %lt3A_1141 = arith.constant 8100 : i32
      %lt3A_1142 = vector.broadcast %lt3A_1141 : i32 to vector<16xi32>
      %lt3A_1143 = arith.cmpi slt, %add3A_1140, %lt3A_1142 : vector<16xi32>
      %ge3A_1144 = arith.constant 576 : i32
      %ge3A_1145 = vector.broadcast %ge3A_1144 : i32 to vector<16xi32>
      %ge3A_1146 = arith.cmpi sge, %add3A_1140, %ge3A_1145 : vector<16xi32>
      %and3A_1147 = arith.andi %lt3A_1143, %ge3A_1146 : vector<16xi1>
      %get3A_1148 = arith.index_cast %scan3A_896 : i32 to index
      %get3A_1149 = arith.constant 160 : index
      %get3A_1150 = tpu.vector_load %arg5[%get3A_1148, %get3A_1149] {strides = array<i32>} : memref<192x256xf32, #tpu.memory_space<vmem>>, vector<1x16xf32>,
      %get3A_1151 = vector.shape_cast %get3A_1150 : vector<1x16xf32> to vector<16xf32>
      %jit3A_1152 = arith.constant 0.000000e+00 : f32
      %broadcast_in_dim3A_1153 = vector.broadcast %jit3A_1152 : f32 to vector<16xf32>
      %select_n3A_1154 = arith.select %and3A_1147, %get3A_1151, %broadcast_in_dim3A_1153 : vector<16xi1>, vector<16xf32>
      %swap3A_1155 = arith.index_cast %scan3A_896 : i32 to index
      %swap3A_1156 = arith.constant 160 : index
      %swap3A_1157 = tpu.vector_load %arg5[%swap3A_1155, %swap3A_1156] {strides = array<i32>} : memref<192x256xf32, #tpu.memory_space<vmem>>, vector<1x16xf32>,
      %swap3A_1158 = vector.shape_cast %swap3A_1157 : vector<1x16xf32> to vector<16xf32>
      %swap3A_1159 = vector.shape_cast %select_n3A_1154 : vector<16xf32> to vector<1x16xf32>
      tpu.vector_store %arg5[%swap3A_1155, %swap3A_1156], %swap3A_1159 {strides = array<i32>} : memref<192x256xf32, #tpu.memory_space<vmem>>, vector<1x16xf32>,
      %get3A_1160 = arith.constant 176 : index
      %get3A_1161 = tpu.vector_load %arg6[%get3A_1160] {strides = array<i32>} : memref<256xi32, #tpu.memory_space<vmem>>, vector<16xi32>,
      %get3A_1162 = vector.shape_cast %get3A_1161 : vector<16xi32> to vector<16xi32>
      %add3A_1163 = vector.broadcast %mul3A_901 : i32 to vector<16xi32>
      %add3A_1164 = arith.addi %add3A_1163, %get3A_1162 : vector<16xi32>
      %lt3A_1165 = arith.constant 8100 : i32
      %lt3A_1166 = vector.broadcast %lt3A_1165 : i32 to vector<16xi32>
      %lt3A_1167 = arith.cmpi slt, %add3A_1164, %lt3A_1166 : vector<16xi32>
      %ge3A_1168 = arith.constant 576 : i32
      %ge3A_1169 = vector.broadcast %ge3A_1168 : i32 to vector<16xi32>
      %ge3A_1170 = arith.cmpi sge, %add3A_1164, %ge3A_1169 : vector<16xi32>
      %and3A_1171 = arith.andi %lt3A_1167, %ge3A_1170 : vector<16xi1>
      %get3A_1172 = arith.index_cast %scan3A_896 : i32 to index
      %get3A_1173 = arith.constant 176 : index
      %get3A_1174 = tpu.vector_load %arg5[%get3A_1172, %get3A_1173] {strides = array<i32>} : memref<192x256xf32, #tpu.memory_space<vmem>>, vector<1x16xf32>,
      %get3A_1175 = vector.shape_cast %get3A_1174 : vector<1x16xf32> to vector<16xf32>
      %jit3A_1176 = arith.constant 0.000000e+00 : f32
      %broadcast_in_dim3A_1177 = vector.broadcast %jit3A_1176 : f32 to vector<16xf32>
      %select_n3A_1178 = arith.select %and3A_1171, %get3A_1175, %broadcast_in_dim3A_1177 : vector<16xi1>, vector<16xf32>
      %swap3A_1179 = arith.index_cast %scan3A_896 : i32 to index
      %swap3A_1180 = arith.constant 176 : index
      %swap3A_1181 = tpu.vector_load %arg5[%swap3A_1179, %swap3A_1180] {strides = array<i32>} : memref<192x256xf32, #tpu.memory_space<vmem>>, vector<1x16xf32>,
      %swap3A_1182 = vector.shape_cast %swap3A_1181 : vector<1x16xf32> to vector<16xf32>
      %swap3A_1183 = vector.shape_cast %select_n3A_1178 : vector<16xf32> to vector<1x16xf32>
      tpu.vector_store %arg5[%swap3A_1179, %swap3A_1180], %swap3A_1183 {strides = array<i32>} : memref<192x256xf32, #tpu.memory_space<vmem>>, vector<1x16xf32>,
      %get3A_1184 = arith.constant 192 : index
      %get3A_1185 = tpu.vector_load %arg6[%get3A_1184] {strides = array<i32>} : memref<256xi32, #tpu.memory_space<vmem>>, vector<16xi32>,
      %get3A_1186 = vector.shape_cast %get3A_1185 : vector<16xi32> to vector<16xi32>
      %add3A_1187 = vector.broadcast %mul3A_901 : i32 to vector<16xi32>
      %add3A_1188 = arith.addi %add3A_1187, %get3A_1186 : vector<16xi32>
      %lt3A_1189 = arith.constant 8100 : i32
      %lt3A_1190 = vector.broadcast %lt3A_1189 : i32 to vector<16xi32>
      %lt3A_1191 = arith.cmpi slt, %add3A_1188, %lt3A_1190 : vector<16xi32>
      %ge3A_1192 = arith.constant 576 : i32
      %ge3A_1193 = vector.broadcast %ge3A_1192 : i32 to vector<16xi32>
      %ge3A_1194 = arith.cmpi sge, %add3A_1188, %ge3A_1193 : vector<16xi32>
      %and3A_1195 = arith.andi %lt3A_1191, %ge3A_1194 : vector<16xi1>
      %get3A_1196 = arith.index_cast %scan3A_896 : i32 to index
      %get3A_1197 = arith.constant 192 : index
      %get3A_1198 = tpu.vector_load %arg5[%get3A_1196, %get3A_1197] {strides = array<i32>} : memref<192x256xf32, #tpu.memory_space<vmem>>, vector<1x16xf32>,
      %get3A_1199 = vector.shape_cast %get3A_1198 : vector<1x16xf32> to vector<16xf32>
      %jit3A_1200 = arith.constant 0.000000e+00 : f32
      %broadcast_in_dim3A_1201 = vector.broadcast %jit3A_1200 : f32 to vector<16xf32>
      %select_n3A_1202 = arith.select %and3A_1195, %get3A_1199, %broadcast_in_dim3A_1201 : vector<16xi1>, vector<16xf32>
      %swap3A_1203 = arith.index_cast %scan3A_896 : i32 to index
      %swap3A_1204 = arith.constant 192 : index
      %swap3A_1205 = tpu.vector_load %arg5[%swap3A_1203, %swap3A_1204] {strides = array<i32>} : memref<192x256xf32, #tpu.memory_space<vmem>>, vector<1x16xf32>,
      %swap3A_1206 = vector.shape_cast %swap3A_1205 : vector<1x16xf32> to vector<16xf32>
      %swap3A_1207 = vector.shape_cast %select_n3A_1202 : vector<16xf32> to vector<1x16xf32>
      tpu.vector_store %arg5[%swap3A_1203, %swap3A_1204], %swap3A_1207 {strides = array<i32>} : memref<192x256xf32, #tpu.memory_space<vmem>>, vector<1x16xf32>,
      %get3A_1208 = arith.constant 208 : index
      %get3A_1209 = tpu.vector_load %arg6[%get3A_1208] {strides = array<i32>} : memref<256xi32, #tpu.memory_space<vmem>>, vector<16xi32>,
      %get3A_1210 = vector.shape_cast %get3A_1209 : vector<16xi32> to vector<16xi32>
      %add3A_1211 = vector.broadcast %mul3A_901 : i32 to vector<16xi32>
      %add3A_1212 = arith.addi %add3A_1211, %get3A_1210 : vector<16xi32>
      %lt3A_1213 = arith.constant 8100 : i32
      %lt3A_1214 = vector.broadcast %lt3A_1213 : i32 to vector<16xi32>
      %lt3A_1215 = arith.cmpi slt, %add3A_1212, %lt3A_1214 : vector<16xi32>
      %ge3A_1216 = arith.constant 576 : i32
      %ge3A_1217 = vector.broadcast %ge3A_1216 : i32 to vector<16xi32>
      %ge3A_1218 = arith.cmpi sge, %add3A_1212, %ge3A_1217 : vector<16xi32>
      %and3A_1219 = arith.andi %lt3A_1215, %ge3A_1218 : vector<16xi1>
      %get3A_1220 = arith.index_cast %scan3A_896 : i32 to index
      %get3A_1221 = arith.constant 208 : index
      %get3A_1222 = tpu.vector_load %arg5[%get3A_1220, %get3A_1221] {strides = array<i32>} : memref<192x256xf32, #tpu.memory_space<vmem>>, vector<1x16xf32>,
      %get3A_1223 = vector.shape_cast %get3A_1222 : vector<1x16xf32> to vector<16xf32>
      %jit3A_1224 = arith.constant 0.000000e+00 : f32
      %broadcast_in_dim3A_1225 = vector.broadcast %jit3A_1224 : f32 to vector<16xf32>
      %select_n3A_1226 = arith.select %and3A_1219, %get3A_1223, %broadcast_in_dim3A_1225 : vector<16xi1>, vector<16xf32>
      %swap3A_1227 = arith.index_cast %scan3A_896 : i32 to index
      %swap3A_1228 = arith.constant 208 : index
      %swap3A_1229 = tpu.vector_load %arg5[%swap3A_1227, %swap3A_1228] {strides = array<i32>} : memref<192x256xf32, #tpu.memory_space<vmem>>, vector<1x16xf32>,
      %swap3A_1230 = vector.shape_cast %swap3A_1229 : vector<1x16xf32> to vector<16xf32>
      %swap3A_1231 = vector.shape_cast %select_n3A_1226 : vector<16xf32> to vector<1x16xf32>
      tpu.vector_store %arg5[%swap3A_1227, %swap3A_1228], %swap3A_1231 {strides = array<i32>} : memref<192x256xf32, #tpu.memory_space<vmem>>, vector<1x16xf32>,
      %get3A_1232 = arith.constant 224 : index
      %get3A_1233 = tpu.vector_load %arg6[%get3A_1232] {strides = array<i32>} : memref<256xi32, #tpu.memory_space<vmem>>, vector<16xi32>,
      %get3A_1234 = vector.shape_cast %get3A_1233 : vector<16xi32> to vector<16xi32>
      %add3A_1235 = vector.broadcast %mul3A_901 : i32 to vector<16xi32>
      %add3A_1236 = arith.addi %add3A_1235, %get3A_1234 : vector<16xi32>
      %lt3A_1237 = arith.constant 8100 : i32
      %lt3A_1238 = vector.broadcast %lt3A_1237 : i32 to vector<16xi32>
      %lt3A_1239 = arith.cmpi slt, %add3A_1236, %lt3A_1238 : vector<16xi32>
      %ge3A_1240 = arith.constant 576 : i32
      %ge3A_1241 = vector.broadcast %ge3A_1240 : i32 to vector<16xi32>
      %ge3A_1242 = arith.cmpi sge, %add3A_1236, %ge3A_1241 : vector<16xi32>
      %and3A_1243 = arith.andi %lt3A_1239, %ge3A_1242 : vector<16xi1>
      %get3A_1244 = arith.index_cast %scan3A_896 : i32 to index
      %get3A_1245 = arith.constant 224 : index
      %get3A_1246 = tpu.vector_load %arg5[%get3A_1244, %get3A_1245] {strides = array<i32>} : memref<192x256xf32, #tpu.memory_space<vmem>>, vector<1x16xf32>,
      %get3A_1247 = vector.shape_cast %get3A_1246 : vector<1x16xf32> to vector<16xf32>
      %jit3A_1248 = arith.constant 0.000000e+00 : f32
      %broadcast_in_dim3A_1249 = vector.broadcast %jit3A_1248 : f32 to vector<16xf32>
      %select_n3A_1250 = arith.select %and3A_1243, %get3A_1247, %broadcast_in_dim3A_1249 : vector<16xi1>, vector<16xf32>
      %swap3A_1251 = arith.index_cast %scan3A_896 : i32 to index
      %swap3A_1252 = arith.constant 224 : index
      %swap3A_1253 = tpu.vector_load %arg5[%swap3A_1251, %swap3A_1252] {strides = array<i32>} : memref<192x256xf32, #tpu.memory_space<vmem>>, vector<1x16xf32>,
      %swap3A_1254 = vector.shape_cast %swap3A_1253 : vector<1x16xf32> to vector<16xf32>
      %swap3A_1255 = vector.shape_cast %select_n3A_1250 : vector<16xf32> to vector<1x16xf32>
      tpu.vector_store %arg5[%swap3A_1251, %swap3A_1252], %swap3A_1255 {strides = array<i32>} : memref<192x256xf32, #tpu.memory_space<vmem>>, vector<1x16xf32>,
      %get3A_1256 = arith.constant 240 : index
      %get3A_1257 = tpu.vector_load %arg6[%get3A_1256] {strides = array<i32>} : memref<256xi32, #tpu.memory_space<vmem>>, vector<16xi32>,
      %get3A_1258 = vector.shape_cast %get3A_1257 : vector<16xi32> to vector<16xi32>
      %add3A_1259 = vector.broadcast %mul3A_901 : i32 to vector<16xi32>
      %add3A_1260 = arith.addi %add3A_1259, %get3A_1258 : vector<16xi32>
      %lt3A_1261 = arith.constant 8100 : i32
      %lt3A_1262 = vector.broadcast %lt3A_1261 : i32 to vector<16xi32>
      %lt3A_1263 = arith.cmpi slt, %add3A_1260, %lt3A_1262 : vector<16xi32>
      %ge3A_1264 = arith.constant 576 : i32
      %ge3A_1265 = vector.broadcast %ge3A_1264 : i32 to vector<16xi32>
      %ge3A_1266 = arith.cmpi sge, %add3A_1260, %ge3A_1265 : vector<16xi32>
      %and3A_1267 = arith.andi %lt3A_1263, %ge3A_1266 : vector<16xi1>
      %get3A_1268 = arith.index_cast %scan3A_896 : i32 to index
      %get3A_1269 = arith.constant 240 : index
      %get3A_1270 = tpu.vector_load %arg5[%get3A_1268, %get3A_1269] {strides = array<i32>} : memref<192x256xf32, #tpu.memory_space<vmem>>, vector<1x16xf32>,
      %get3A_1271 = vector.shape_cast %get3A_1270 : vector<1x16xf32> to vector<16xf32>
      %jit3A_1272 = arith.constant 0.000000e+00 : f32
      %broadcast_in_dim3A_1273 = vector.broadcast %jit3A_1272 : f32 to vector<16xf32>
      %select_n3A_1274 = arith.select %and3A_1267, %get3A_1271, %broadcast_in_dim3A_1273 : vector<16xi1>, vector<16xf32>
      %swap3A_1275 = arith.index_cast %scan3A_896 : i32 to index
      %swap3A_1276 = arith.constant 240 : index
      %swap3A_1277 = tpu.vector_load %arg5[%swap3A_1275, %swap3A_1276] {strides = array<i32>} : memref<192x256xf32, #tpu.memory_space<vmem>>, vector<1x16xf32>,
      %swap3A_1278 = vector.shape_cast %swap3A_1277 : vector<1x16xf32> to vector<16xf32>
      %swap3A_1279 = vector.shape_cast %select_n3A_1274 : vector<16xf32> to vector<1x16xf32>
      tpu.vector_store %arg5[%swap3A_1275, %swap3A_1276], %swap3A_1279 {strides = array<i32>} : memref<192x256xf32, #tpu.memory_space<vmem>>, vector<1x16xf32>,
    }
    %scan3A_783 = arith.constant 192 : i32
    "tpu.region"() ({
      %run_scoped3A = tpu.sem_alloc : memref<!tpu.dma_semaphore, #tpu.memory_space<semaphore_mem>>
      %dma_start3A_896 = arith.constant 160 : i32
      %dma_start3A_897 = arith.constant 128 : i32
      %dma_start3A_898 = tpu.memref_slice %arg3[%add3A_665, %dma_start3A_896, %dma_start3A_897] : memref<96x512x512xf32, #tpu.memory_space<hbm>> -> memref<1x192x256xf32, #tpu.memory_space<hbm>>
      %dma_start3A_899 = tpu.memref_squeeze %dma_start3A_898 : memref<1x192x256xf32, #tpu.memory_space<hbm>> -> memref<192x256xf32, #tpu.memory_space<hbm>>
      %dma_start3A_900 = arith.constant 160 : i32
      %dma_start3A_901 = arith.constant 128 : i32
      %dma_start3A_902 = tpu.memref_slice %arg3[%add3A_665, %dma_start3A_900, %dma_start3A_901] : memref<96x512x512xf32, #tpu.memory_space<hbm>> -> memref<1x192x256xf32, #tpu.memory_space<hbm>>
      %dma_start3A_903 = tpu.memref_squeeze %dma_start3A_902 : memref<1x192x256xf32, #tpu.memory_space<hbm>> -> memref<192x256xf32, #tpu.memory_space<hbm>>
      tpu.enqueue_dma source(%arg5 : memref<192x256xf32, #tpu.memory_space<vmem>>) target(%dma_start3A_903 : memref<192x256xf32, #tpu.memory_space<hbm>>) target_semaphore(%run_scoped3A : memref<!tpu.dma_semaphore, #tpu.memory_space<semaphore_mem>>)
      %dma_wait3A_904 = arith.constant 160 : i32
      %dma_wait3A_905 = arith.constant 128 : i32
      %dma_wait3A_906 = tpu.memref_slice %arg3[%add3A_665, %dma_wait3A_904, %dma_wait3A_905] : memref<96x512x512xf32, #tpu.memory_space<hbm>> -> memref<1x192x256xf32, #tpu.memory_space<hbm>>
      %dma_wait3A_907 = tpu.memref_squeeze %dma_wait3A_906 : memref<1x192x256xf32, #tpu.memory_space<hbm>> -> memref<192x256xf32, #tpu.memory_space<hbm>>
      %dma_wait3A_908 = arith.constant 160 : i32
      %dma_wait3A_909 = arith.constant 128 : i32
      %dma_wait3A_910 = tpu.memref_slice %arg3[%add3A_665, %dma_wait3A_908, %dma_wait3A_909] : memref<96x512x512xf32, #tpu.memory_space<hbm>> -> memref<1x192x256xf32, #tpu.memory_space<hbm>>
      %dma_wait3A_911 = tpu.memref_squeeze %dma_wait3A_910 : memref<1x192x256xf32, #tpu.memory_space<hbm>> -> memref<192x256xf32, #tpu.memory_space<hbm>>
      tpu.wait_dma2 semaphore(%run_scoped3A : memref<!tpu.dma_semaphore, #tpu.memory_space<semaphore_mem>>) src(%arg5 : memref<192x256xf32, #tpu.memory_space<vmem>>) dst(%dma_wait3A_911 : memref<192x256xf32, #tpu.memory_space<hbm>>)
      tpu.yield
    }) : () -> ()
    %dma_wait3A_784 = arith.constant 0 : i32
    %dma_wait3A_785 = arith.constant 0 : i32
    %dma_wait3A_786 = tpu.memref_slice %arg4[%dma_wait3A_784, %dma_wait3A_785] : memref<96x512xf32, #tpu.memory_space<vmem>> -> memref<96x512xf32, #tpu.memory_space<vmem>>
    %dma_wait3A_787 = arith.constant 0 : i32
    %dma_wait3A_788 = arith.constant 0 : i32
    %dma_wait3A_789 = tpu.memref_slice %arg3[%add3A_665, %dma_wait3A_787, %dma_wait3A_788] : memref<96x512x512xf32, #tpu.memory_space<hbm>> -> memref<1x96x512xf32, #tpu.memory_space<hbm>>
    %dma_wait3A_790 = tpu.memref_squeeze %dma_wait3A_789 : memref<1x96x512xf32, #tpu.memory_space<hbm>> -> memref<96x512xf32, #tpu.memory_space<hbm>>
    %dma_wait3A_791 = arith.constant 0 : i32
    %dma_wait3A_792 = arith.constant 0 : i32
    %dma_wait3A_793 = tpu.memref_slice %arg3[%add3A_665, %dma_wait3A_791, %dma_wait3A_792] : memref<96x512x512xf32, #tpu.memory_space<hbm>> -> memref<1x96x512xf32, #tpu.memory_space<hbm>>
    %dma_wait3A_794 = tpu.memref_squeeze %dma_wait3A_793 : memref<1x96x512xf32, #tpu.memory_space<hbm>> -> memref<96x512xf32, #tpu.memory_space<hbm>>
    %dma_wait3A_795 = arith.constant 0 : i32
    %dma_wait3A_796 = arith.constant 0 : i32
    %dma_wait3A_797 = tpu.memref_slice %arg4[%dma_wait3A_795, %dma_wait3A_796] : memref<96x512xf32, #tpu.memory_space<vmem>> -> memref<96x512xf32, #tpu.memory_space<vmem>>
    tpu.wait_dma2 semaphore(%arg7 : memref<!tpu.dma_semaphore, #tpu.memory_space<semaphore_mem>>) src(%dma_wait3A_797 : memref<96x512xf32, #tpu.memory_space<vmem>>) dst(%dma_wait3A_794 : memref<96x512xf32, #tpu.memory_space<hbm>>)
    %dma_wait3A_798 = arith.constant 0 : i32
    %dma_wait3A_799 = arith.constant 0 : i32
    %dma_wait3A_800 = tpu.memref_slice %arg4[%dma_wait3A_798, %dma_wait3A_799] : memref<96x512xf32, #tpu.memory_space<vmem>> -> memref<64x512xf32, #tpu.memory_space<vmem>>
    %dma_wait3A_801 = arith.constant 96 : i32
    %dma_wait3A_802 = arith.constant 0 : i32
    %dma_wait3A_803 = tpu.memref_slice %arg3[%add3A_665, %dma_wait3A_801, %dma_wait3A_802] : memref<96x512x512xf32, #tpu.memory_space<hbm>> -> memref<1x64x512xf32, #tpu.memory_space<hbm>>
    %dma_wait3A_804 = tpu.memref_squeeze %dma_wait3A_803 : memref<1x64x512xf32, #tpu.memory_space<hbm>> -> memref<64x512xf32, #tpu.memory_space<hbm>>
    %dma_wait3A_805 = arith.constant 96 : i32
    %dma_wait3A_806 = arith.constant 0 : i32
    %dma_wait3A_807 = tpu.memref_slice %arg3[%add3A_665, %dma_wait3A_805, %dma_wait3A_806] : memref<96x512x512xf32, #tpu.memory_space<hbm>> -> memref<1x64x512xf32, #tpu.memory_space<hbm>>
    %dma_wait3A_808 = tpu.memref_squeeze %dma_wait3A_807 : memref<1x64x512xf32, #tpu.memory_space<hbm>> -> memref<64x512xf32, #tpu.memory_space<hbm>>
    %dma_wait3A_809 = arith.constant 0 : i32
    %dma_wait3A_810 = arith.constant 0 : i32
    %dma_wait3A_811 = tpu.memref_slice %arg4[%dma_wait3A_809, %dma_wait3A_810] : memref<96x512xf32, #tpu.memory_space<vmem>> -> memref<64x512xf32, #tpu.memory_space<vmem>>
    tpu.wait_dma2 semaphore(%arg7 : memref<!tpu.dma_semaphore, #tpu.memory_space<semaphore_mem>>) src(%dma_wait3A_811 : memref<64x512xf32, #tpu.memory_space<vmem>>) dst(%dma_wait3A_808 : memref<64x512xf32, #tpu.memory_space<hbm>>)
    %dma_wait3A_812 = arith.constant 0 : i32
    %dma_wait3A_813 = arith.constant 0 : i32
    %dma_wait3A_814 = tpu.memref_slice %arg4[%dma_wait3A_812, %dma_wait3A_813] : memref<96x512xf32, #tpu.memory_space<vmem>> -> memref<96x512xf32, #tpu.memory_space<vmem>>
    %dma_wait3A_815 = arith.constant 352 : i32
    %dma_wait3A_816 = arith.constant 0 : i32
    %dma_wait3A_817 = tpu.memref_slice %arg3[%add3A_665, %dma_wait3A_815, %dma_wait3A_816] : memref<96x512x512xf32, #tpu.memory_space<hbm>> -> memref<1x96x512xf32, #tpu.memory_space<hbm>>
    %dma_wait3A_818 = tpu.memref_squeeze %dma_wait3A_817 : memref<1x96x512xf32, #tpu.memory_space<hbm>> -> memref<96x512xf32, #tpu.memory_space<hbm>>
    %dma_wait3A_819 = arith.constant 352 : i32
    %dma_wait3A_820 = arith.constant 0 : i32
    %dma_wait3A_821 = tpu.memref_slice %arg3[%add3A_665, %dma_wait3A_819, %dma_wait3A_820] : memref<96x512x512xf32, #tpu.memory_space<hbm>> -> memref<1x96x512xf32, #tpu.memory_space<hbm>>
    %dma_wait3A_822 = tpu.memref_squeeze %dma_wait3A_821 : memref<1x96x512xf32, #tpu.memory_space<hbm>> -> memref<96x512xf32, #tpu.memory_space<hbm>>
    %dma_wait3A_823 = arith.constant 0 : i32
    %dma_wait3A_824 = arith.constant 0 : i32
    %dma_wait3A_825 = tpu.memref_slice %arg4[%dma_wait3A_823, %dma_wait3A_824] : memref<96x512xf32, #tpu.memory_space<vmem>> -> memref<96x512xf32, #tpu.memory_space<vmem>>
    tpu.wait_dma2 semaphore(%arg7 : memref<!tpu.dma_semaphore, #tpu.memory_space<semaphore_mem>>) src(%dma_wait3A_825 : memref<96x512xf32, #tpu.memory_space<vmem>>) dst(%dma_wait3A_822 : memref<96x512xf32, #tpu.memory_space<hbm>>)
    %dma_wait3A_826 = arith.constant 0 : i32
    %dma_wait3A_827 = arith.constant 0 : i32
    %dma_wait3A_828 = tpu.memref_slice %arg4[%dma_wait3A_826, %dma_wait3A_827] : memref<96x512xf32, #tpu.memory_space<vmem>> -> memref<64x512xf32, #tpu.memory_space<vmem>>
    %dma_wait3A_829 = arith.constant 448 : i32
    %dma_wait3A_830 = arith.constant 0 : i32
    %dma_wait3A_831 = tpu.memref_slice %arg3[%add3A_665, %dma_wait3A_829, %dma_wait3A_830] : memref<96x512x512xf32, #tpu.memory_space<hbm>> -> memref<1x64x512xf32, #tpu.memory_space<hbm>>
    %dma_wait3A_832 = tpu.memref_squeeze %dma_wait3A_831 : memref<1x64x512xf32, #tpu.memory_space<hbm>> -> memref<64x512xf32, #tpu.memory_space<hbm>>
    %dma_wait3A_833 = arith.constant 448 : i32
    %dma_wait3A_834 = arith.constant 0 : i32
    %dma_wait3A_835 = tpu.memref_slice %arg3[%add3A_665, %dma_wait3A_833, %dma_wait3A_834] : memref<96x512x512xf32, #tpu.memory_space<hbm>> -> memref<1x64x512xf32, #tpu.memory_space<hbm>>
    %dma_wait3A_836 = tpu.memref_squeeze %dma_wait3A_835 : memref<1x64x512xf32, #tpu.memory_space<hbm>> -> memref<64x512xf32, #tpu.memory_space<hbm>>
    %dma_wait3A_837 = arith.constant 0 : i32
    %dma_wait3A_838 = arith.constant 0 : i32
    %dma_wait3A_839 = tpu.memref_slice %arg4[%dma_wait3A_837, %dma_wait3A_838] : memref<96x512xf32, #tpu.memory_space<vmem>> -> memref<64x512xf32, #tpu.memory_space<vmem>>
    tpu.wait_dma2 semaphore(%arg7 : memref<!tpu.dma_semaphore, #tpu.memory_space<semaphore_mem>>) src(%dma_wait3A_839 : memref<64x512xf32, #tpu.memory_space<vmem>>) dst(%dma_wait3A_836 : memref<64x512xf32, #tpu.memory_space<hbm>>)
    %dma_wait3A_840 = arith.constant 0 : i32
    %dma_wait3A_841 = arith.constant 0 : i32
    %dma_wait3A_842 = tpu.memref_slice %arg4[%dma_wait3A_840, %dma_wait3A_841] : memref<96x512xf32, #tpu.memory_space<vmem>> -> memref<96x128xf32, #tpu.memory_space<vmem>>
    %dma_wait3A_843 = arith.constant 160 : i32
    %dma_wait3A_844 = arith.constant 0 : i32
    %dma_wait3A_845 = tpu.memref_slice %arg3[%add3A_665, %dma_wait3A_843, %dma_wait3A_844] : memref<96x512x512xf32, #tpu.memory_space<hbm>> -> memref<1x96x128xf32, #tpu.memory_space<hbm>>
    %dma_wait3A_846 = tpu.memref_squeeze %dma_wait3A_845 : memref<1x96x128xf32, #tpu.memory_space<hbm>> -> memref<96x128xf32, #tpu.memory_space<hbm>>
    %dma_wait3A_847 = arith.constant 160 : i32
    %dma_wait3A_848 = arith.constant 0 : i32
    %dma_wait3A_849 = tpu.memref_slice %arg3[%add3A_665, %dma_wait3A_847, %dma_wait3A_848] : memref<96x512x512xf32, #tpu.memory_space<hbm>> -> memref<1x96x128xf32, #tpu.memory_space<hbm>>
    %dma_wait3A_850 = tpu.memref_squeeze %dma_wait3A_849 : memref<1x96x128xf32, #tpu.memory_space<hbm>> -> memref<96x128xf32, #tpu.memory_space<hbm>>
    %dma_wait3A_851 = arith.constant 0 : i32
    %dma_wait3A_852 = arith.constant 0 : i32
    %dma_wait3A_853 = tpu.memref_slice %arg4[%dma_wait3A_851, %dma_wait3A_852] : memref<96x512xf32, #tpu.memory_space<vmem>> -> memref<96x128xf32, #tpu.memory_space<vmem>>
    tpu.wait_dma2 semaphore(%arg7 : memref<!tpu.dma_semaphore, #tpu.memory_space<semaphore_mem>>) src(%dma_wait3A_853 : memref<96x128xf32, #tpu.memory_space<vmem>>) dst(%dma_wait3A_850 : memref<96x128xf32, #tpu.memory_space<hbm>>)
    %dma_wait3A_854 = arith.constant 0 : i32
    %dma_wait3A_855 = arith.constant 0 : i32
    %dma_wait3A_856 = tpu.memref_slice %arg4[%dma_wait3A_854, %dma_wait3A_855] : memref<96x512xf32, #tpu.memory_space<vmem>> -> memref<96x128xf32, #tpu.memory_space<vmem>>
    %dma_wait3A_857 = arith.constant 256 : i32
    %dma_wait3A_858 = arith.constant 0 : i32
    %dma_wait3A_859 = tpu.memref_slice %arg3[%add3A_665, %dma_wait3A_857, %dma_wait3A_858] : memref<96x512x512xf32, #tpu.memory_space<hbm>> -> memref<1x96x128xf32, #tpu.memory_space<hbm>>
    %dma_wait3A_860 = tpu.memref_squeeze %dma_wait3A_859 : memref<1x96x128xf32, #tpu.memory_space<hbm>> -> memref<96x128xf32, #tpu.memory_space<hbm>>
    %dma_wait3A_861 = arith.constant 256 : i32
    %dma_wait3A_862 = arith.constant 0 : i32
    %dma_wait3A_863 = tpu.memref_slice %arg3[%add3A_665, %dma_wait3A_861, %dma_wait3A_862] : memref<96x512x512xf32, #tpu.memory_space<hbm>> -> memref<1x96x128xf32, #tpu.memory_space<hbm>>
    %dma_wait3A_864 = tpu.memref_squeeze %dma_wait3A_863 : memref<1x96x128xf32, #tpu.memory_space<hbm>> -> memref<96x128xf32, #tpu.memory_space<hbm>>
    %dma_wait3A_865 = arith.constant 0 : i32
    %dma_wait3A_866 = arith.constant 0 : i32
    %dma_wait3A_867 = tpu.memref_slice %arg4[%dma_wait3A_865, %dma_wait3A_866] : memref<96x512xf32, #tpu.memory_space<vmem>> -> memref<96x128xf32, #tpu.memory_space<vmem>>
    tpu.wait_dma2 semaphore(%arg7 : memref<!tpu.dma_semaphore, #tpu.memory_space<semaphore_mem>>) src(%dma_wait3A_867 : memref<96x128xf32, #tpu.memory_space<vmem>>) dst(%dma_wait3A_864 : memref<96x128xf32, #tpu.memory_space<hbm>>)
    %dma_wait3A_868 = arith.constant 0 : i32
    %dma_wait3A_869 = arith.constant 0 : i32
    %dma_wait3A_870 = tpu.memref_slice %arg4[%dma_wait3A_868, %dma_wait3A_869] : memref<96x512xf32, #tpu.memory_space<vmem>> -> memref<96x128xf32, #tpu.memory_space<vmem>>
    %dma_wait3A_871 = arith.constant 160 : i32
    %dma_wait3A_872 = arith.constant 384 : i32
    %dma_wait3A_873 = tpu.memref_slice %arg3[%add3A_665, %dma_wait3A_871, %dma_wait3A_872] : memref<96x512x512xf32, #tpu.memory_space<hbm>> -> memref<1x96x128xf32, #tpu.memory_space<hbm>>
    %dma_wait3A_874 = tpu.memref_squeeze %dma_wait3A_873 : memref<1x96x128xf32, #tpu.memory_space<hbm>> -> memref<96x128xf32, #tpu.memory_space<hbm>>
    %dma_wait3A_875 = arith.constant 160 : i32
    %dma_wait3A_876 = arith.constant 384 : i32
    %dma_wait3A_877 = tpu.memref_slice %arg3[%add3A_665, %dma_wait3A_875, %dma_wait3A_876] : memref<96x512x512xf32, #tpu.memory_space<hbm>> -> memref<1x96x128xf32, #tpu.memory_space<hbm>>
    %dma_wait3A_878 = tpu.memref_squeeze %dma_wait3A_877 : memref<1x96x128xf32, #tpu.memory_space<hbm>> -> memref<96x128xf32, #tpu.memory_space<hbm>>
    %dma_wait3A_879 = arith.constant 0 : i32
    %dma_wait3A_880 = arith.constant 0 : i32
    %dma_wait3A_881 = tpu.memref_slice %arg4[%dma_wait3A_879, %dma_wait3A_880] : memref<96x512xf32, #tpu.memory_space<vmem>> -> memref<96x128xf32, #tpu.memory_space<vmem>>
    tpu.wait_dma2 semaphore(%arg7 : memref<!tpu.dma_semaphore, #tpu.memory_space<semaphore_mem>>) src(%dma_wait3A_881 : memref<96x128xf32, #tpu.memory_space<vmem>>) dst(%dma_wait3A_878 : memref<96x128xf32, #tpu.memory_space<hbm>>)
    %dma_wait3A_882 = arith.constant 0 : i32
    %dma_wait3A_883 = arith.constant 0 : i32
    %dma_wait3A_884 = tpu.memref_slice %arg4[%dma_wait3A_882, %dma_wait3A_883] : memref<96x512xf32, #tpu.memory_space<vmem>> -> memref<96x128xf32, #tpu.memory_space<vmem>>
    %dma_wait3A_885 = arith.constant 256 : i32
    %dma_wait3A_886 = arith.constant 384 : i32
    %dma_wait3A_887 = tpu.memref_slice %arg3[%add3A_665, %dma_wait3A_885, %dma_wait3A_886] : memref<96x512x512xf32, #tpu.memory_space<hbm>> -> memref<1x96x128xf32, #tpu.memory_space<hbm>>
    %dma_wait3A_888 = tpu.memref_squeeze %dma_wait3A_887 : memref<1x96x128xf32, #tpu.memory_space<hbm>> -> memref<96x128xf32, #tpu.memory_space<hbm>>
    %dma_wait3A_889 = arith.constant 256 : i32
    %dma_wait3A_890 = arith.constant 384 : i32
    %dma_wait3A_891 = tpu.memref_slice %arg3[%add3A_665, %dma_wait3A_889, %dma_wait3A_890] : memref<96x512x512xf32, #tpu.memory_space<hbm>> -> memref<1x96x128xf32, #tpu.memory_space<hbm>>
    %dma_wait3A_892 = tpu.memref_squeeze %dma_wait3A_891 : memref<1x96x128xf32, #tpu.memory_space<hbm>> -> memref<96x128xf32, #tpu.memory_space<hbm>>
    %dma_wait3A_893 = arith.constant 0 : i32
    %dma_wait3A_894 = arith.constant 0 : i32
    %dma_wait3A_895 = tpu.memref_slice %arg4[%dma_wait3A_893, %dma_wait3A_894] : memref<96x512xf32, #tpu.memory_space<vmem>> -> memref<96x128xf32, #tpu.memory_space<vmem>>
    tpu.wait_dma2 semaphore(%arg7 : memref<!tpu.dma_semaphore, #tpu.memory_space<semaphore_mem>>) src(%dma_wait3A_895 : memref<96x128xf32, #tpu.memory_space<vmem>>) dst(%dma_wait3A_892 : memref<96x128xf32, #tpu.memory_space<hbm>>)
    return
  }
}

</mosaic_0001>

<sc_bundles>
// kernel: kernel.3.cloned.1.call-start
scs
__scs_entry_jumppad:
0x0: {  	(pc) =	sbr.rel $0x88, $3  }
0x1: {  	(tag) =	ssettag $0x0;
	lr =	simm.s32 $0x1  }
0x2: {  	[smem:$0x3FA0] =	sst lr;
	_ =	strace $0xD0000000  }
0x3: {  	_ = 	snop  }
0x4: {  	_ = 	snop  }
0x5: {  	_ = 	snop  }
0x6: {  	_ = 	snop  }
0x7: {  	_ = 	snop  }
__scs_overlays_trampoline_lowered:
0x8: {  	[smem:$0x3FAF] =	sst s0  }
0x9: {  	[smem:$0x3FB0] =	sst s1  }
0xa: {  	[smem:$0x3FB1] =	sst s2  }
0xb: {  	[smem:$0x3FB2] =	sst s3  }
0xc: {  	[smem:$0x3FB3] =	sst s4  }
0xd: {  	[smem:$0x3FB4] =	sst s5  }
0xe: {  	[smem:$0x3FB5] =	sst s6  }
0xf: {  	[smem:$0x3FB6] =	sst s7  }
0x10: {  	[smem:$0x3FB7] =	sst s8  }
0x11: {  	[smem:$0x3FB8] =	sst s9;
	s0 =	simm.s32 @!p0 $0x0  }
0x12: {  	s1 =	sld [smem:$0x3F9E];
	s0 =	simm.s32 @p0 $0x1  }
0x13: {  	[smem:$0x3FB9] =	sst s0;
	s0 =	simm.s32 @!p1 $0x0  }
0x14: {  	s2 =	sld [smem:$0x3F9D];
	s0 =	simm.s32 @p1 $0x1  }
0x15: {  	[smem:$0x3FBA] =	sst s0;
	s0 =	simm.s32 @!p2 $0x0  }
0x16: {  	s3 =	sld [smem:$0x3FDB];
	s0 =	simm.s32 @p2 $0x1  }
0x17: {  	s4 =	simm.s32 $0x1BF5;
	[smem:$0x3FBC] =	sst s0  }
0x18: {  	s0 =	sld [smem:$0x3F9F];
	_ =	swait.ge [sflag:s4], $0x0  }
0x19: {  	s7 =	sld [smem:$0x3FA0]  }
0x1a: {  	s8 =	sadd.s32 $0xFFFFE003, lr  }
0x1b: {  	s9 =	sadd.s32 $0xFFFFFEF7, lr;
	s5 =	simm.s32 $0xFFFFFFFF;
	p2 =	slt.u32 s8, $0xFFFFF086  }
0x1c: {  	p1 =	slt.u32 s9, $0xF7A;
	s5 =	simm.s32 @!p2 $0x0  }
0x1d: {  	s5 =	simm.s32 @p1 $0x1;
	p0 =	seq.s32 s7, s2  }
0x1e: {  	s7 =	smul.u32 @!p0 $0xF7A, s2;
	p2 =	seq.s32 @!p0 s5, $0x0  }
0x1f: {  	s9 =	smul.u32 $0xF7A, s1;
	s8 =	simm.s32 @!p0 $0x1BF5;
	p2 =	por !p2, p0  }
0x20: {  	[sflag:s8] =	ssyncset.s32 @!p0 $0xFFFFF086;
	s6 =	sadd.s32 @!p0 s3, s7;
	s7 =	simm.s32 @!p0 $0x108  }
0x21: {  	s3 =	sadd.s32 s3, s9;
	s6 =	sadd.s32 @!p0 $0x88, s6;
	s7 =	simm.s32 @p2 $0x1082  }
0x22: {  	[simem:s7], [sflag:s8] =	dma.local @!p0 [hbm:s6], $0xF7A  }
0x23: {  	s9 =	sor.u32 $0xD0000000, s2;
	s6 =	simm.s32 $0x108;
	_ =	swait.ge @!p0 [sflag:s8], $0x0  }
0x24: {  	s3 =	sadd.s32 $0x88, s3;
	s6 =	simm.s32 @!p1 $0x1082;
	[sflag:s4] =	ssyncset.s32 $0xFFFFF086  }
0x25: {  	[simem:s6], [sflag:s4] =	dma.local [hbm:s3], $0xF7A  }
0x26: {  	[smem:$0x3FA0] =	sst s1;
	(tag) =	ssettag s2;
	_ =	strace s9  }
0x27: {  	s1 =	sld [smem:$0x3FB0]  }
0x28: {  	s2 =	sld [smem:$0x3FB1]  }
0x29: {  	s4 =	sld [smem:$0x3FB3]  }
0x2a: {  	p0 =	seq.s32 s5, $0x0;
	s5 =	sld [smem:$0x3FB4]  }
0x2b: {  	s6 =	sld [smem:$0x3FB5]  }
0x2c: {  	s7 =	sld [smem:$0x3FB6]  }
0x2d: {  	s3 =	simm.s32 $0x108;
	s8 =	sld [smem:$0x3FB7]  }
0x2e: {  	s3 =	simm.s32 @!p0 $0x1082;
	s9 =	sld [smem:$0x3FB8]  }
0x2f: {  	lr =	sadd.s32 s0, s3;
	s0 =	sld [smem:$0x3FAF]  }
0x30: {  	s3 =	sld [smem:$0x3FB2]  }
0x31: {  	[smem:$0x3FBB] =	sst s10  }
0x32: {  	s10 =	sld [smem:$0x3FB9];
	_ =	sdelay $0x3  }
0x33: {  	p0 =	seq.s32 s10, $0x1;
	s10 =	sld [smem:$0x3FBB];
	_ =	sdelay $0x3  }
0x34: {  	[smem:$0x3FBB] =	sst s10  }
0x35: {  	s10 =	sld [smem:$0x3FBA];
	_ =	sdelay $0x3  }
0x36: {  	p1 =	seq.s32 s10, $0x1;
	s10 =	sld [smem:$0x3FBB];
	_ =	sdelay $0x3  }
0x37: {  	[smem:$0x3FBB] =	sst s10  }
0x38: {  	s10 =	sld [smem:$0x3FBC]  }
0x39: {  	_ = 	snop;
	(pc) =	sbr.ind lr, $3  }
0x3a: {  	_ = 	snop  }
0x3b: {  	_ = 	snop  }
0x3c: {  	p2 =	seq.s32 s10, $0x1;
	s10 =	sld [smem:$0x3FBB]  }
0x3d: {  	_ =	shalt  }
0x3e: {  	_ =	shalt  }
0x3f: {  	_ =	shalt  }
0x40: {  	_ =	shalt  }
0x41: {  	_ =	shalt  }
0x42: {  	_ =	shalt  }
0x43: {  	_ =	shalt  }
0x44: {  	_ =	shalt  }
0x45: {  	_ =	shalt  }
0x46: {  	_ =	shalt  }
0x47: {  	_ =	shalt  }
0x48: {  	_ =	shalt  }
0x49: {  	_ =	shalt  }
0x4a: {  	_ =	shalt  }
0x4b: {  	_ =	shalt  }
0x4c: {  	_ =	shalt  }
0x4d: {  	_ =	shalt  }
0x4e: {  	_ =	shalt  }
0x4f: {  	_ =	shalt  }
0x50: {  	_ =	shalt  }
0x51: {  	_ =	shalt  }
0x52: {  	_ =	shalt  }
0x53: {  	_ =	shalt  }
0x54: {  	_ =	shalt  }
0x55: {  	_ =	shalt  }
0x56: {  	_ =	shalt  }
0x57: {  	_ =	shalt  }
0x58: {  	_ =	shalt  }
0x59: {  	_ =	shalt  }
0x5a: {  	_ =	shalt  }
0x5b: {  	_ =	shalt  }
0x5c: {  	_ =	shalt  }
0x5d: {  	_ =	shalt  }
0x5e: {  	_ =	shalt  }
0x5f: {  	_ =	shalt  }
0x60: {  	_ =	shalt  }
0x61: {  	_ =	shalt  }
0x62: {  	_ =	shalt  }
0x63: {  	_ =	shalt  }
0x64: {  	_ =	shalt  }
0x65: {  	_ =	shalt  }
0x66: {  	_ =	shalt  }
0x67: {  	_ =	shalt  }
0x68: {  	_ =	shalt  }
0x69: {  	_ =	shalt  }
0x6a: {  	_ =	shalt  }
0x6b: {  	_ =	shalt  }
0x6c: {  	_ =	shalt  }
0x6d: {  	_ =	shalt  }
0x6e: {  	_ =	shalt  }
0x6f: {  	_ =	shalt  }
0x70: {  	_ =	shalt  }
0x71: {  	_ =	shalt  }
0x72: {  	_ =	shalt  }
0x73: {  	_ =	shalt  }
0x74: {  	_ =	shalt  }
0x75: {  	_ =	shalt  }
0x76: {  	_ =	shalt  }
0x77: {  	_ =	shalt  }
0x78: {  	_ =	shalt  }
0x79: {  	_ =	shalt  }
0x7a: {  	_ =	shalt  }
0x7b: {  	_ =	shalt  }
0x7c: {  	_ =	shalt  }
0x7d: {  	_ =	shalt  }
0x7e: {  	_ =	shalt  }
0x7f: {  	_ =	shalt  }
0x80: {  	_ =	shalt  }
0x81: {  	_ =	shalt  }
0x82: {  	_ =	shalt  }
0x83: {  	_ =	shalt  }
0x84: {  	_ =	shalt  }
0x85: {  	_ =	shalt  }
0x86: {  	_ =	shalt  }
0x87: {  	_ =	shalt  }
.Lfunc_end0:
.L_simem_size_0:
called_computation_lowered:
.L_overlay_start_0:
0x88: {  	s2 =	sld [smem:$0x3FD9]  }
0x89: {  	s3 =	sld [smem:$0x3FFE];
	_ =	sdelay $0x1  }
0x8a: {  	s1 =	srdreg.scid  }
0x8b: {  	s0 =	sand.u32 $0x1, s1  }
0x8c: {  	s18 =	sshll.u32 s0, $0xA;
	s2 =	sadd.s32 s3, s2  }
0x8d: {  	s2 =	sadd.s32 s2, s18  }
0x8e: {  	[smem:$0x3FC7] =	sst s2  }
0x8f: {  	_ = 	snop  }
0x90: {  	s2 =	sld [smem:$0x3FC9]  }
0x91: {  	s19 =	sld [smem:$0x3FD0];
	(tm) =	ssettm $0x1  }
0x92: {  	s4 =	sld [smem:$0x3FFB];
	_ =	sdelay $0x3  }
0x93: {  	_ =	strace s4  }
0x94: {  	s4 =	sld [smem:$0x3FFC];
	_ =	sdelay $0x3  }
0x95: {  	_ =	strace s4  }
0x96: {  	s4 =	sld [smem:$0x3FFD];
	_ =	sdelay $0x3  }
0x97: {  	_ =	strace s4  }
0x98: {  	_ =	strace $0x8FFFFFFF  }
0x99: {  	s20 =	sld [smem:$0x3FDB];
	_ =	sdelay $0x1  }
0x9a: {  	s5 =	simm.s32 $_scs_section_size  }
0x9b: {  	s6 =	simm.s32 $_size__tile_overlayer_lowered;
	s7 =	simm.s32 $_tile_overlayer_lowered  }
0x9c: {  	s23 =	simm.s32 $0x1BFF;
	s22 =	sshll.u32 s7, $0x1;
	s4 =	sadd.s32 s5, s20  }
0x9d: {  	s8 =	simm.s32 $0x0;
	s21 =	sshll.u32 s6, $0x1;
	s6 =	sadd.s32 s22, s4  }
0x9e: {  	[timem:s8], [sflag:s23] =	dma.local [hbm:s6], s21  }
0x9f: {  	_ =	swait.ge [sflag:s23], s21  }
0xa0: {  	s5 =	ssub.s32 $0x0, s21;
	[sflag:s23] =	ssyncset.done $0x0  }
0xa1: {  	[sflag:s23] =	ssyncadd.s32 s5;
	_ =	sdelay $0x1  }
0xa2: {  	s24 =	simm.s32 $0x1B8B  }
0xa3: {  	_ =	swait.ge [sflag:s24], $0x1  }
0xa4: {  	[sflag:s24] =	ssyncset.done $0x0  }
0xa5: {  	s25 =	simm.s32 $0x1B8E;
	[sflag:s24] =	ssyncadd.s32 $0xFFFFFFFF  }
0xa6: {  	s26 =	simm.s32 $execute0_lowered;
	[smem:$0x3FD2] =	sst s25  }
0xa7: {  	s5 =	sshll.u32 s26, $0x1;
	_ =	strace $0x80000046;
	[dreg:$0x1] =	wrdreg $0xFFFFFFFF  }
0xa8: {  	s28 =	simm.s32 $_size_execute0_lowered;
	s4 =	sadd.s32 s4, s5;
	[dreg:$0x0] =	wrdreg $0x0  }
0xa9: {  	s5 =	sshll.u32 s28, $0x1;
	[dreg:$0x2] =	wrdreg s4  }
0xaa: {  	[dreg:$0x3] =	wrdreg s5  }
0xab: {  	[dreg:$0x4] =	wrdreg $0xC0  }
0xac: {  	_ =	task [dreg:s8], $0x5FFFF  }
0xad: {  	[dreg:$0x1] =	wrdreg $0xFFFFFFFF  }
0xae: {  	[dreg:$0x0] =	wrdreg $0x60  }
0xaf: {  	[dreg:$0x2] =	wrdreg s2  }
0xb0: {  	[dreg:$0x3] =	wrdreg s19  }
0xb1: {  	[dreg:$0x4] =	wrdreg $0x9  }
0xb2: {  	_ =	task.clear_ibuf [dreg:s8], $0x5FFFF;
	_ =	strace $0x90000046  }
0xb3: {  	s29 =	simm.s32 $0x9;
	_ =	strace $0x80000048  }
0xb4: {  	_ =	swait.ge [sflag:s29], $0x1  }
0xb5: {  	[sflag:s29] =	ssyncadd.s32 $0xFFFFFFFF  }
0xb6: {  	_ =	strace $0x90000048  }
0xb7: {  	_ =	sfence  }
0xb8: {  	s30 =	sld [smem:$0x0];
	_ =	sdelay $0x2  }
0xb9: {  	s31 =	sshll.u32 s1, $0xD;
	s1 =	sshrl.u32 s1, $0x2  }
0xba: {  	s3 =	sand.u32 $0x4000, s31;
	s1 =	sadd.s32 s1, s30  }
0xbb: {  	s0 =	sor.u32 s3, s0;
	s1 =	sshll.u32 s1, $0x11  }
0xbc: {  	s0 =	sor.u32 s1, s0  }
0xbd: {  	s0 =	sadd.s32 $0x8F2B, s0  }
0xbe: {  	[sflag:s0] =	ssyncadd.remote.s32 $0x1  }
0xbf: {  	_ =	sfence.sel $0xFFFF  }
0xc0: {  	[dreg:$0x0] =	wrdreg $0xFFFFFFFF;
	(pc) =	sbr.abs _section_cstart, $3  }
0xc1: {  	[dreg:$0x1] =	wrdreg $0xFFFFFFFF  }
0xc2: {  	_ =	task.clear_ibuf [dreg:s8], $0x2FFFF;
	_ =	strace $0x9FFFFFFF  }
0xc3: {  	(tm) =	ssettm $0x7FFFFFFF  }
tec
execute0_lowered:
.L_overlay_start_1:
0x0: {  	(tag) =	ssettag $0x1  }
0x1: {  	vm2 =	vcmask $0x300;
	v0 =	vimm.s32 $0x10192431;
	v1 =	vimm.s32 $0x10409  }
0x2: {  	v2 =	vimm.s32 $0x3100;
	vm1 =	vcmask $0x704;
	vm3 =	vcmask $0x1F10  }
0x3: {  	vm0 =	vcmask $0xB08;
	v4 =	vimm.s32 $0x10090401;
	vm4 =	vcmask $0xF00  }
0x4: {  	v5 =	vimm.s32 $0x40312419;
	v6 =	vimm.s32 $0x90796451;
	v7 =	vimm.s32 $0xE1C4A9  }
0x5: {  	vm12 =	vcmask $0x2F20;
	vm13 =	vcmask $0x3B30;
	v9 =	vimm.s32 $0x900  }
0x6: {  	v10 =	vimm.s32 $0x400;
	v11 =	vimm.s32 $0x100;
	v14 =	vimm.s32 $0x4000  }
0x7: {  	vm14 =	vcmask $0xF0C;
	vm15 =	vcmask $0x1310;
	vm6 =	vcmask $0x1714  }
0x8: {  	vm7 =	vcmask $0x1B18;
	vm8 =	vcmask $0x1F1C;
	vm9 =	vcmask $0x2320  }
0x9: {  	vm10 =	vcmask $0x2724;
	vm11 =	vcmask $0x2B28;
	v0 =	vunpack.c.0.s8.s32 v0  }
0xa: {  	v1 =	vunpack.c.0.s8.s32 v1;
	v3 =	vsel vm2, $0x3F01, v2;
	v4 =	vunpack.c.0.s8.s32 v4  }
0xb: {  	v5 =	vunpack.c.0.s8.s32 v5;
	v6 =	vunpack.c.0.s8.s32 v6;
	v7 =	vunpack.c.0.s8.s32 v7  }
0xc: {  	v12 =	vsel vm2, $0xF81, v9;
	v13 =	vsel vm2, $0x8A1, v10;
	v11 =	vsel vm2, $0x3C1, v11  }
0xd: {  	v10 =	vsel vm2, $0x121, v10;
	v9 =	vsel vm2, $0x441, v9;
	v2 =	vsel vm2, $0x24C1, v2  }
0xe: {  	v14 =	vsel vm2, $0x31E1, v14;
	v3 =	vsel vm1, $0x3E04, v3;
	v12 =	vsel vm1, $0xF04, v12  }
0xf: {  	s0 =	srdreg.scid;
	s1 =	stileid.u32;
	v13 =	vsel vm1, $0x844, v13;
	v11 =	vsel vm1, $0x384, v11;
	v10 =	vsel vm1, $0x144, v10  }
0x10: {  	s2 =	sand.u32 $0x1, s0;
	s1 =	sshll.u32 s1, $0x1;
	v9 =	vsel vm1, $0x484, v9;
	v2 =	vsel vm1, $0x2584, v2;
	v14 =	vsel vm1, $0x32C4, v14  }
0x11: {  	s3 =	sor.u32 s2, s1;
	v15 =	vsel vm3, v1, v0;
	v0 =	vimm.s32 $0x40516479;
	v1 =	vimm.s32 $0x90A9C4E1  }
0x12: {  	s24 =	rddreg [dreg:$0x0];
	s2 =	ssub.s32 $0x2, s2;
	v4 =	vnsel vm4, $0x100, v4;
	v12 =	vsel vm0, $0xE89, v12;
	v13 =	vsel vm0, $0x7E9, v13;
	s3 =	smul.u32 $0xC0000, s3  }
0x13: {  	s25 =	rddreg [dreg:$0x1];
	v11 =	vsel vm0, $0x349, v11;
	v10 =	vsel vm0, $0x169, v10;
	v9 =	vsel vm0, $0x4C9, v9;
	s26 =	sshrl.u32 s2, $0x1  }
0x14: {  	s4 =	simm.s32 $0x0;
	v2 =	vsel vm0, $0x2649, v2;
	v14 =	vsel vm0, $0x33A9, v14;
	v0 =	vunpack.c.0.s8.s32 v0;
	s2 =	ssub.s32 s2, s26;
	s5 =	sshrl.u32 s3, $0x3  }
0x15: {  	[smem:$0x7FF] =	sst s4;
	v1 =	vunpack.c.0.s8.s32 v1;
	v4 =	vsel vm3, v5, v4;
	v5 =	vand.u32 $0xFF, v6;
	s22 =	smax.u32 s2, $0x1;
	s3 =	sadd.s32 s25, s5  }
0x16: {  	_ =	strace $0x80000047;
	v12 =	vsel vm14, $0xE10, v12;
	v13 =	vsel vm14, $0x790, v13;
	v11 =	vsel vm14, $0x310, v11;
	[dreg:$0x14] =	wrdreg s22;
	s28 =	sadd.s32 $0x1800, s3  }
0x17: {  	v10 =	vsel vm14, $0x190, v10;
	v9 =	vsel vm14, $0x510, v9;
	v2 =	vsel vm14, $0x2710, v2;
	s29 =	sadd.s32 $0x5800, s3;
	[dreg:$0x3] =	wrdreg s28  }
0x18: {  	v14 =	vsel vm14, $0x3490, v14;
	v4 =	vsel vm12, v5, v4;
	v5 =	vand.u32 $0xFF, v7;
	s30 =	sadd.s32 $0x7000, s3;
	[dreg:$0x4] =	wrdreg s29  }
0x19: {  	v12 =	vsel vm15, $0xD99, v12;
	v13 =	vsel vm15, $0x739, v13;
	v11 =	vsel vm15, $0x2D9, v11;
	s6 =	sadd.s32 $0x2800, s3;
	[dreg:$0x5] =	wrdreg s30  }
0x1a: {  	v10 =	vsel vm15, $0x1B9, v10;
	v9 =	vsel vm15, $0x559, v9;
	v2 =	vsel vm15, $0x27D9, v2;
	s7 =	sadd.s32 $0x4000, s3;
	[dreg:$0x6] =	wrdreg s6  }
0x1b: {  	v14 =	vsel vm15, $0x3579, v14;
	vm12 =	vcmask $0x2F2C;
	v1 =	vand.u32 $0xFF, v1;
	s8 =	sor.u32 $0x2880, s5;
	s9 =	sadd.s32 $0x4180, s3;
	[dreg:$0x7] =	wrdreg s7  }
0x1c: {  	v12 =	vsel vm6, $0xD24, v12;
	v13 =	vsel vm6, $0x6E4, v13;
	v11 =	vsel vm6, $0x2A4, v11;
	s10 =	sadd.s32 s24, s8;
	[dreg:$0x9] =	wrdreg s9  }
0x1d: {  	v10 =	vsel vm6, $0x1E4, v10;
	v9 =	vsel vm6, $0x5A4, v9;
	v2 =	vsel vm6, $0x28A4, v2;
	s4 =	sadd.s32 s25, s8;
	[dreg:$0xa] =	wrdreg s10  }
0x1e: {  	v14 =	vsel vm6, $0x3664, v14;
	v16 =	vsel vm3, v0, v1;
	v0 =	vsel vm13, v5, v4;
	s11 =	sadd.s32 $0x8000, s3;
	[dreg:$0xb] =	wrdreg s4  }
0x1f: {  	v1 =	vsel vm0, $0x3D09, v3;
	v3 =	vimm.s32 $0x2400;
	v4 =	vimm.s32 $0x1900;
	s12 =	sadd.s32 $0x9800, s3;
	[dreg:$0xc] =	wrdreg s11  }
0x20: {  	v5 =	vimm.s32 $0x1000;
	v12 =	vsel vm7, $0xCB1, v12;
	v13 =	vsel vm7, $0x691, v13;
	s13 =	sadd.s32 $0xD800, s3;
	[dreg:$0xd] =	wrdreg s12  }
0x21: {  	s15 =	sadd.s32 $0xA880, s5;
	v11 =	vsel vm7, $0x271, v11;
	v10 =	vsel vm7, $0x211, v10;
	v9 =	vsel vm7, $0x5F1, v9;
	s14 =	sadd.s32 $0xF000, s3;
	[dreg:$0xe] =	wrdreg s13  }
0x22: {  	s20 =	sadd.s32 $0x12880, s5;
	v2 =	vsel vm7, $0x2971, v2;
	v14 =	vsel vm7, $0x3751, v14;
	s16 =	sadd.s32 s24, s15;
	vm13 =	vcmask $0x3330;
	[dreg:$0xf] =	wrdreg s14  }
0x23: {  	s0 =	sadd.s32 s24, s20;
	v6 =	vsel vm2, $0x3021, v3;
	v7 =	vsel vm2, $0x2341, v4;
	v8 =	vsel vm2, $0x1861, v5;
	[dreg:$0x10] =	wrdreg s16  }
0x24: {  	s21 =	sadd.s32 s25, s20;
	v5 =	vsel vm2, $0x961, v5;
	v4 =	vsel vm2, $0x1081, v4;
	v3 =	vsel vm2, $0x19A1, v3;
	[dreg:$0x12] =	wrdreg s0  }
0x25: {  	s23 =	sadd.s32 $0x10000, s3;
	v1 =	vsel vm14, $0x3C10, v1;
	v12 =	vsel vm8, $0xC40, v12;
	v13 =	vsel vm8, $0x640, v13;
	[dreg:$0x13] =	wrdreg s21  }
0x26: {  	s26 =	sadd.s32 $0x15800, s3;
	v11 =	vsel vm8, $0x240, v11;
	v10 =	vsel vm8, $0x240, v10;
	v9 =	vsel vm8, $0x640, v9;
	[dreg:$0x15] =	wrdreg s23  }
0x27: {  	s5 =	sadd.s32 $0x2E00, s3;
	v2 =	vsel vm8, $0x2A40, v2;
	v14 =	vsel vm8, $0x3840, v14;
	[dreg:$0x17] =	wrdreg s26;
	v15 =	vcombine.low v16, v15  }
0x28: {  	s8 =	sadd.s32 $0x3400, s3;
	[dreg:$0x1b] =	wrdreg s5;
	v16 =	vimm.f32 $0.0e+00;
	v6 =	vsel vm1, $0x2F44, v6;
	v7 =	vsel vm1, $0x2284, v7  }
0x29: {  	s20 =	sadd.s32 $0x4800, s3;
	[dreg:$0x1e] =	wrdreg s8;
	v8 =	vsel vm1, $0x17C4, v8;
	v5 =	vsel vm1, $0x9C4, v5;
	v4 =	vsel vm1, $0x1104, v4  }
0x2a: {  	s22 =	sadd.s32 $0x4C00, s3;
	[smem:$0x7E0] =	sst s20;
	v3 =	vsel vm1, $0x1A44, v3;
	v1 =	vsel vm15, $0x3B19, v1;
	v12 =	vsel vm9, $0xBD1, v12  }
0x2b: {  	s6 =	sadd.s32 $0x2980, s3;
	[smem:$0x7E2] =	sst s22;
	v13 =	vsel vm9, $0x5F1, v13;
	v11 =	vsel vm9, $0x211, v11;
	v10 =	vsel vm9, $0x271, v10  }
0x2c: {  	s4 =	sadd.s32 s25, s15;
	v9 =	vsel vm9, $0x691, v9;
	v2 =	vsel vm9, $0x2B11, v2;
	v14 =	vsel vm9, $0x3931, v14;
	[dreg:$0x8] =	wrdreg s6  }
0x2d: {  	s25 =	sadd.s32 $0x11800, s3;
	[dreg:$0x11] =	wrdreg s4;
	v6 =	vsel vm0, $0x2E69, v6;
	v7 =	vsel vm0, $0x21C9, v7;
	v8 =	vsel vm0, $0x1729, v8  }
0x2e: {  	s28 =	sadd.s32 $0x17000, s3;
	[dreg:$0x16] =	wrdreg s25;
	v5 =	vsel vm0, $0xA29, v5;
	v4 =	vsel vm0, $0x1189, v4;
	v3 =	vsel vm0, $0x1AE9, v3  }
0x2f: {  	s29 =	sadd.s32 $0x2A00, s3;
	[dreg:$0x18] =	wrdreg s28;
	v1 =	vsel vm6, $0x3A24, v1;
	v12 =	vsel vm10, $0xB64, v12;
	v13 =	vsel vm10, $0x5A4, v13  }
0x30: {  	s30 =	sadd.s32 $0x2C00, s3;
	[dreg:$0x19] =	wrdreg s29;
	v11 =	vsel vm10, $0x1E4, v11;
	v10 =	vsel vm10, $0x2A4, v10;
	v9 =	vsel vm10, $0x6E4, v9  }
0x31: {  	s7 =	sadd.s32 $0x3200, s3;
	[dreg:$0x1a] =	wrdreg s30;
	v2 =	vsel vm10, $0x2BE4, v2;
	v14 =	vsel vm10, $0x3A24, v14;
	v6 =	vsel vm14, $0x2D90, v6  }
0x32: {  	s9 =	sadd.s32 $0x3600, s3;
	[dreg:$0x1d] =	wrdreg s7;
	v7 =	vsel vm14, $0x2110, v7;
	v8 =	vsel vm14, $0x1690, v8;
	v5 =	vsel vm14, $0xA90, v5  }
0x33: {  	s10 =	sadd.s32 $0x3800, s3;
	[dreg:$0x1f] =	wrdreg s9;
	v4 =	vsel vm14, $0x1210, v4;
	v3 =	vsel vm14, $0x1B90, v3;
	v1 =	vsel vm7, $0x3931, v1  }
0x34: {  	s11 =	sadd.s32 $0x3A00, s3;
	[smem:$0x7D9] =	sst s10;
	v12 =	vsel vm11, $0xAF9, v12;
	v13 =	vsel vm11, $0x559, v13;
	v11 =	vsel vm11, $0x1B9, v11  }
0x35: {  	s12 =	sadd.s32 $0x3C00, s3;
	[smem:$0x7DA] =	sst s11;
	v10 =	vsel vm11, $0x2D9, v10;
	v9 =	vsel vm11, $0x739, v9;
	v2 =	vsel vm11, $0x2CB9, v2  }
0x36: {  	s13 =	sadd.s32 $0x3E00, s3;
	[smem:$0x7DB] =	sst s12;
	v14 =	vsel vm11, $0x3B19, v14;
	vm14 =	vcmask $0x3734;
	v6 =	vsel vm15, $0x2CB9, v6  }
0x37: {  	s14 =	sadd.s32 $0x4200, s3;
	[smem:$0x7DC] =	sst s13;
	v7 =	vsel vm15, $0x2059, v7;
	v8 =	vsel vm15, $0x15F9, v8;
	v5 =	vsel vm15, $0xAF9, v5  }
0x38: {  	s15 =	sadd.s32 $0x4400, s3;
	[smem:$0x7DD] =	sst s14;
	v4 =	vsel vm15, $0x1299, v4;
	v3 =	vsel vm15, $0x1C39, v3;
	v1 =	vsel vm8, $0x3840, v1  }
0x39: {  	s16 =	sadd.s32 $0x4600, s3;
	[smem:$0x7DE] =	sst s15;
	v12 =	vsel vm12, $0xA90, v12;
	v13 =	vsel vm12, $0x510, v13;
	v11 =	vsel vm12, $0x190, v11  }
0x3a: {  	s21 =	sadd.s32 $0x4A00, s3;
	[smem:$0x7DF] =	sst s16;
	v10 =	vsel vm12, $0x310, v10;
	v9 =	vsel vm12, $0x790, v9;
	v2 =	vsel vm12, $0x2D90, v2  }
0x3b: {  	s23 =	sadd.s32 $0x4E00, s3;
	[smem:$0x7E1] =	sst s21;
	v14 =	vsel vm12, $0x3C10, v14;
	vm15 =	vcmask $0x3B38;
	v6 =	vsel vm6, $0x2BE4, v6  }
0x3c: {  	s26 =	sadd.s32 $0x5200, s3;
	[smem:$0x7E3] =	sst s23;
	v7 =	vsel vm6, $0x1FA4, v7;
	v8 =	vsel vm6, $0x1564, v8;
	v5 =	vsel vm6, $0xB64, v5  }
0x3d: {  	s5 =	sadd.s32 $0x2D80, s3;
	[smem:$0x7E5] =	sst s26;
	v4 =	vsel vm6, $0x1324, v4;
	v3 =	vsel vm6, $0x1CE4, v3;
	v1 =	vsel vm9, $0x3751, v1  }
0x3e: {  	s8 =	sadd.s32 $0x3380, s3;
	[smem:$0x7E9] =	sst s5;
	v12 =	vsel vm13, $0xA29, v12;
	v13 =	vsel vm13, $0x4C9, v13;
	v11 =	vsel vm13, $0x169, v11  }
0x3f: {  	s20 =	sadd.s32 $0x4780, s3;
	[smem:$0x7EC] =	sst s8;
	v10 =	vsel vm13, $0x349, v10;
	v9 =	vsel vm13, $0x7E9, v9;
	v2 =	vsel vm13, $0x2E69, v2  }
0x40: {  	s22 =	sadd.s32 $0x4B80, s3;
	[smem:$0x7F5] =	sst s20;
	v14 =	vsel vm13, $0x3D09, v14;
	v6 =	vsel vm7, $0x2B11, v6;
	v7 =	vsel vm7, $0x1EF1, v7  }
0x41: {  	s6 =	sadd.s32 $0x3000, s3;
	[smem:$0x7F7] =	sst s22;
	v8 =	vsel vm7, $0x14D1, v8;
	v5 =	vsel vm7, $0xBD1, v5;
	v4 =	vsel vm7, $0x13B1, v4  }
0x42: {  	s25 =	sadd.s32 $0x5000, s3;
	[dreg:$0x1c] =	wrdreg s6;
	v3 =	vsel vm7, $0x1D91, v3;
	v1 =	vsel vm10, $0x3664, v1;
	v12 =	vsel vm14, $0x9C4, v12  }
0x43: {  	s28 =	sadd.s32 $0x5400, s3;
	[smem:$0x7E4] =	sst s25;
	v13 =	vsel vm14, $0x484, v13;
	v11 =	vsel vm14, $0x144, v11;
	v10 =	vsel vm14, $0x384, v10  }
0x44: {  	s17 =	sadd.s32 $0xA800, s3;
	s29 =	sadd.s32 $0x5600, s3;
	[smem:$0x7E6] =	sst s28;
	v9 =	vsel vm14, $0x844, v9;
	v20 =	vsel vm14, $0x2F44, v2;
	v14 =	vsel vm14, $0x3E04, v14  }
0x45: {  	s18 =	sadd.s32 $0xC000, s3;
	s30 =	sadd.s32 $0x2B80, s3;
	[smem:$0x7E7] =	sst s29;
	v6 =	vsel vm8, $0x2A40, v6;
	v7 =	vsel vm8, $0x1E40, v7;
	v8 =	vsel vm8, $0x1440, v8  }
0x46: {  	s19 =	sadd.s32 $0xA980, s3;
	s7 =	sadd.s32 $0x3180, s3;
	[smem:$0x7E8] =	sst s30;
	v5 =	vsel vm8, $0xC40, v5;
	v4 =	vsel vm8, $0x1440, v4;
	v3 =	vsel vm8, $0x1E40, v3  }
0x47: {  	s24 =	sadd.s32 $0xC180, s3;
	s9 =	sadd.s32 $0x3580, s3;
	[smem:$0x7EB] =	sst s7;
	v1 =	vsel vm11, $0x3579, v1;
	v9 =	vsel vm15, $0x8A1, v9;
	v14 =	vsel vm15, $0x3F01, v14  }
0x48: {  	s31 =	sadd.s32 $0x12800, s3;
	s10 =	sadd.s32 $0x3780, s3;
	[smem:$0x7ED] =	sst s9;
	v6 =	vsel vm9, $0x2971, v6;
	v7 =	vsel vm9, $0x1D91, v7;
	v8 =	vsel vm9, $0x13B1, v8  }
0x49: {  	s1 =	sadd.s32 $0x14000, s3;
	s11 =	sadd.s32 $0x3980, s3;
	[smem:$0x7EE] =	sst s10;
	v5 =	vsel vm9, $0xCB1, v5;
	v4 =	vsel vm9, $0x14D1, v4;
	v3 =	vsel vm9, $0x1EF1, v3  }
0x4a: {  	s2 =	sadd.s32 $0x14180, s3;
	s12 =	sadd.s32 $0x3B80, s3;
	[smem:$0x7EF] =	sst s11;
	v1 =	vsel vm12, $0x3490, v1;
	v6 =	vsel vm10, $0x28A4, v6;
	v7 =	vsel vm10, $0x1CE4, v7  }
0x4b: {  	s0 =	sadd.s32 $0x12980, s3;
	s13 =	sadd.s32 $0x3D80, s3;
	[smem:$0x7F0] =	sst s12;
	v8 =	vsel vm10, $0x1324, v8;
	v5 =	vsel vm10, $0xD24, v5;
	v4 =	vsel vm10, $0x1564, v4  }
0x4c: {  	s14 =	sadd.s32 $0x3F80, s3;
	s15 =	sadd.s32 $0x4380, s3;
	[smem:$0x7F1] =	sst s13;
	v3 =	vsel vm10, $0x1FA4, v3;
	v1 =	vsel vm13, $0x33A9, v1;
	v6 =	vsel vm11, $0x27D9, v6  }
0x4d: {  	s16 =	sadd.s32 $0x4580, s3;
	s21 =	sadd.s32 $0x4980, s3;
	[smem:$0x7F2] =	sst s14;
	v7 =	vsel vm11, $0x1C39, v7;
	v8 =	vsel vm11, $0x1299, v8;
	v5 =	vsel vm11, $0xD99, v5  }
0x4e: {  	s23 =	sadd.s32 $0x4D80, s3;
	s26 =	sadd.s32 $0x5180, s3;
	[smem:$0x7F3] =	sst s15;
	v4 =	vsel vm11, $0x15F9, v4;
	v3 =	vsel vm11, $0x2059, v3;
	v1 =	vsel vm14, $0x32C4, v1  }
0x4f: {  	s4 =	simm.s32 $0x1000;
	s5 =	simm.s32 $0x2000;
	[smem:$0x7F4] =	sst s16;
	v6 =	vsel vm12, $0x2710, v6;
	v7 =	vsel vm12, $0x1B90, v7;
	v8 =	vsel vm12, $0x1210, v8  }
0x50: {  	s8 =	simm.s32 $0x5000;
	s20 =	simm.s32 $0x2;
	[smem:$0x7F6] =	sst s21;
	v5 =	vsel vm12, $0xE10, v5;
	v4 =	vsel vm12, $0x1690, v4;
	v3 =	vsel vm12, $0x2110, v3  }
0x51: {  	s22 =	simm.s32 $0x0;
	s6 =	sadd.s32 $0x2F80, s3;
	[smem:$0x7F8] =	sst s23;
	v1 =	vsel vm15, $0x31E1, v1;
	v6 =	vsel vm13, $0x2649, v6;
	v7 =	vsel vm13, $0x1AE9, v7  }
0x52: {  	s25 =	sadd.s32 $0x4F80, s3;
	[smem:$0x7FA] =	sst s26;
	s28 =	sadd.s32 $0x5380, s3;
	v8 =	vsel vm13, $0x1189, v8;
	v5 =	vsel vm13, $0xE89, v5;
	v4 =	vsel vm13, $0x1729, v4  }
0x53: {  	s29 =	sadd.s32 $0x5580, s3;
	s30 =	sadd.s32 $0x5780, s3;
	s7 =	simm.s32 $0x4000;
	v3 =	vsel vm13, $0x21C9, v3;
	v6 =	vsel vm14, $0x2584, v6;
	v7 =	vsel vm14, $0x1A44, v7  }
0x54: {  	s9 =	simm.s32 $0x6000;
	s10 =	simm.s32 $0x7000;
	[smem:$0x7EA] =	sst s6;
	v8 =	vsel vm14, $0x1104, v8;
	v17 =	vsel vm14, $0xF04, v5;
	v18 =	vsel vm14, $0x17C4, v4  }
0x55: {  	s11 =	simm.s32 $0x8000;
	s12 =	simm.s32 $0x9000;
	[smem:$0x7F9] =	sst s25;
	v19 =	vsel vm14, $0x2284, v3;
	v5 =	vsel vm15, $0x961, v12;
	v2 =	vsel vm15, $0x24C1, v6  }
0x56: {  	s13 =	simm.s32 $0xA000;
	s14 =	simm.s32 $0xB000;
	[smem:$0x7FB] =	sst s28;
	v3 =	vsel vm15, $0x19A1, v7;
	v4 =	vsel vm15, $0x1081, v8;
	v6 =	vsel vm15, $0x441, v13  }
0x57: {  	s15 =	simm.s32 $0x800;
	s16 =	simm.s32 $0xC000;
	[smem:$0x7FC] =	sst s29;
	v7 =	vsel vm15, $0x121, v11;
	v8 =	vsel vm15, $0x3C1, v10;
	v10 =	vsel vm15, $0xF81, v17  }
0x58: {  	s21 =	simm.s32 $0x1;
	[smem:$0x7FD] =	sst s30;
	s6 =	simm.s32 $0x3000;
	v11 =	vsel vm15, $0x1861, v18;
	v12 =	vsel vm15, $0x2341, v19;
	v13 =	vsel vm15, $0x3021, v20  }
.LBB2_1:
0x59: {  	[tilespmem:$0x18000] =	vst v1  }
0x5a: {  	[tilespmem:$0x18010] =	vst v2  }
0x5b: {  	[tilespmem:$0x18020] =	vst v3  }
0x5c: {  	[tilespmem:$0x18030] =	vst v4  }
0x5d: {  	[tilespmem:$0x18040] =	vst v5  }
0x5e: {  	[tilespmem:$0x18050] =	vst v6  }
0x5f: {  	[tilespmem:$0x18060] =	vst v7  }
0x60: {  	[tilespmem:$0x18070] =	vst v15  }
0x61: {  	[tilespmem:$0x18080] =	vst v0  }
0x62: {  	[tilespmem:$0x18090] =	vst v8  }
0x63: {  	[tilespmem:$0x180A0] =	vst v9  }
0x64: {  	[tilespmem:$0x180B0] =	vst v10  }
0x65: {  	[tilespmem:$0x180C0] =	vst v11  }
0x66: {  	[tilespmem:$0x180D0] =	vst v12;
	s25 =	simm.s32 $0x0  }
0x67: {  	[tilespmem:$0x180E0] =	vst v13;
	s23 =	sand.u32 $0xF000, s25;
	s25 =	sand.u32 $0x380, s25  }
0x68: {  	[tilespmem:$0x180F0] =	vst v14;
	s23 =	sor.u32 s25, s23  }
0x69: {  	[tilespmem:s23+$0xC70] =	vst v16  }
0x6a: {  	[tilespmem:s23+$0x0] =	vst v16  }
0x6b: {  	[tilespmem:s23+$0x10] =	vst v16  }
0x6c: {  	[tilespmem:s23+$0x20] =	vst v16  }
0x6d: {  	[tilespmem:s23+$0x30] =	vst v16  }
0x6e: {  	[tilespmem:s23+$0x40] =	vst v16  }
0x6f: {  	[tilespmem:s23+$0x50] =	vst v16  }
0x70: {  	[tilespmem:s23+$0x60] =	vst v16  }
0x71: {  	[tilespmem:s23+$0x70] =	vst v16  }
0x72: {  	[tilespmem:s23+$0x400] =	vst v16  }
0x73: {  	[tilespmem:s23+$0x410] =	vst v16  }
0x74: {  	[tilespmem:s23+$0x420] =	vst v16  }
0x75: {  	[tilespmem:s23+$0x430] =	vst v16  }
0x76: {  	[tilespmem:s23+$0x440] =	vst v16  }
0x77: {  	[tilespmem:s23+$0x450] =	vst v16  }
0x78: {  	[tilespmem:s23+$0x460] =	vst v16  }
0x79: {  	[tilespmem:s23+$0x470] =	vst v16  }
0x7a: {  	[tilespmem:s23+$0x800] =	vst v16  }
0x7b: {  	[tilespmem:s23+$0x810] =	vst v16  }
0x7c: {  	[tilespmem:s23+$0x820] =	vst v16  }
0x7d: {  	[tilespmem:s23+$0x830] =	vst v16  }
0x7e: {  	[tilespmem:s23+$0x840] =	vst v16  }
0x7f: {  	[tilespmem:s23+$0x850] =	vst v16  }
0x80: {  	[tilespmem:s23+$0x860] =	vst v16  }
0x81: {  	[tilespmem:s23+$0x870] =	vst v16  }
0x82: {  	[tilespmem:s23+$0xC00] =	vst v16  }
0x83: {  	[tilespmem:s23+$0xC10] =	vst v16  }
0x84: {  	[tilespmem:s23+$0xC20] =	vst v16  }
0x85: {  	[tilespmem:s23+$0xC30] =	vst v16  }
0x86: {  	s26 =	simm.s32 $0x200;
	s25 =	simm.s32 $0x80;
	[tilespmem:s23+$0xC40] =	vst v16  }
0x87: {  	s28 =	sand.u32 $0xF000, s26;
	s26 =	simm.s32 $0x400;
	s29 =	sand.u32 $0x380, s25;
	[tilespmem:s23+$0xC50] =	vst v16  }
.LBB2_2:
0x88: {  	p0 =	sne.s32 s26, $0xBE00;
	[tilespmem:s23+$0xC60] =	vst v16;
	s23 =	sor.u32 s29, s28  }
0x89: {  	[tilespmem:s23+$0xC70] =	vst v16  }
0x8a: {  	[tilespmem:s23+$0x0] =	vst v16  }
0x8b: {  	[tilespmem:s23+$0x10] =	vst v16  }
0x8c: {  	[tilespmem:s23+$0x20] =	vst v16  }
0x8d: {  	[tilespmem:s23+$0x30] =	vst v16  }
0x8e: {  	[tilespmem:s23+$0x40] =	vst v16  }
0x8f: {  	[tilespmem:s23+$0x50] =	vst v16  }
0x90: {  	[tilespmem:s23+$0x60] =	vst v16  }
0x91: {  	[tilespmem:s23+$0x70] =	vst v16  }
0x92: {  	[tilespmem:s23+$0x400] =	vst v16  }
0x93: {  	[tilespmem:s23+$0x410] =	vst v16  }
0x94: {  	[tilespmem:s23+$0x420] =	vst v16  }
0x95: {  	[tilespmem:s23+$0x430] =	vst v16  }
0x96: {  	[tilespmem:s23+$0x440] =	vst v16  }
0x97: {  	[tilespmem:s23+$0x450] =	vst v16  }
0x98: {  	[tilespmem:s23+$0x460] =	vst v16  }
0x99: {  	[tilespmem:s23+$0x470] =	vst v16  }
0x9a: {  	[tilespmem:s23+$0x800] =	vst v16  }
0x9b: {  	[tilespmem:s23+$0x810] =	vst v16  }
0x9c: {  	[tilespmem:s23+$0x820] =	vst v16  }
0x9d: {  	[tilespmem:s23+$0x830] =	vst v16  }
0x9e: {  	[tilespmem:s23+$0x840] =	vst v16  }
0x9f: {  	[tilespmem:s23+$0x850] =	vst v16  }
0xa0: {  	[tilespmem:s23+$0x860] =	vst v16  }
0xa1: {  	[tilespmem:s23+$0x870] =	vst v16  }
0xa2: {  	[tilespmem:s23+$0xC00] =	vst v16  }
.Ltmp0:
0xa3: {  	[tilespmem:s23+$0xC10] =	vst v16;
	(pc) =	sbr.rel @p0 .LBB2_2-.Ltmp0, $4  }
0xa4: {  	[tilespmem:s23+$0xC20] =	vst v16  }
0xa5: {  	[tilespmem:s23+$0xC30] =	vst v16  }
0xa6: {  	s25 =	sadd.s32 $0x80, s25;
	[tilespmem:s23+$0xC40] =	vst v16  }
0xa7: {  	s28 =	sand.u32 $0xF000, s26;
	s26 =	sadd.s32 $0x200, s26;
	s29 =	sand.u32 $0x380, s25;
	[tilespmem:s23+$0xC50] =	vst v16  }
0xa8: {  	s25 =	sor.u32 s29, s28;
	[tilespmem:s23+$0xC60] =	vst v16  }
0xa9: {  	[tilespmem:s25+$0xC70] =	vst v16  }
0xaa: {  	[tilespmem:s25+$0x0] =	vst v16  }
0xab: {  	[tilespmem:s25+$0x10] =	vst v16  }
0xac: {  	[tilespmem:s25+$0x20] =	vst v16  }
0xad: {  	[tilespmem:s25+$0x30] =	vst v16  }
0xae: {  	[tilespmem:s25+$0x40] =	vst v16  }
0xaf: {  	[tilespmem:s25+$0x50] =	vst v16  }
0xb0: {  	[tilespmem:s25+$0x60] =	vst v16  }
0xb1: {  	[tilespmem:s25+$0x70] =	vst v16  }
0xb2: {  	[tilespmem:s25+$0x400] =	vst v16  }
0xb3: {  	[tilespmem:s25+$0x410] =	vst v16  }
0xb4: {  	[tilespmem:s25+$0x420] =	vst v16  }
0xb5: {  	[tilespmem:s25+$0x430] =	vst v16  }
0xb6: {  	[tilespmem:s25+$0x440] =	vst v16  }
0xb7: {  	[tilespmem:s25+$0x450] =	vst v16  }
0xb8: {  	[tilespmem:s25+$0x460] =	vst v16  }
0xb9: {  	[tilespmem:s25+$0x470] =	vst v16  }
0xba: {  	[tilespmem:s25+$0x800] =	vst v16  }
0xbb: {  	[tilespmem:s25+$0x810] =	vst v16  }
0xbc: {  	[tilespmem:s25+$0x820] =	vst v16  }
0xbd: {  	[tilespmem:s25+$0x830] =	vst v16  }
0xbe: {  	[tilespmem:s25+$0x840] =	vst v16  }
0xbf: {  	[tilespmem:s25+$0x850] =	vst v16  }
0xc0: {  	[tilespmem:s25+$0x860] =	vst v16  }
0xc1: {  	[tilespmem:s25+$0x870] =	vst v16  }
0xc2: {  	[tilespmem:s25+$0xC00] =	vst v16  }
0xc3: {  	[tilespmem:s25+$0xC10] =	vst v16  }
0xc4: {  	[tilespmem:s25+$0xC20] =	vst v16  }
0xc5: {  	[tilespmem:s25+$0xC30] =	vst v16  }
0xc6: {  	[tilespmem:s25+$0xC40] =	vst v16  }
0xc7: {  	[tilespmem:s25+$0xC50] =	vst v16  }
0xc8: {  	s23 =	simm.s32 $0x0;
	s28 =	rddreg [dreg:$0x3];
	[tilespmem:s25+$0xC60] =	vst v16  }
0xc9: {  	[hbm4b:s3+s23] =	stream.linear.scatter [tilespmem:s23], [sflag:$0x1], $0xC000, $0x38;
	[tilespmem:$0x18100] =	vst v63  }
0xca: {  	s30 =	rddreg [dreg:$0x4]  }
0xcb: {  	[hbm4b:s28+s23] =	stream.linear.scatter [tilespmem:s23], [sflag:$0x1], $0x8000, $0x38;
	[tilespmem:$0x18100] =	vst v63  }
0xcc: {  	s26 =	rddreg [dreg:$0x5]  }
0xcd: {  	[hbm4b:s30+s23] =	stream.linear.scatter [tilespmem:s23], [sflag:$0x1], $0xC000, $0x38;
	[tilespmem:$0x18100] =	vst v63  }
0xce: {  	s28 =	rddreg [dreg:$0x6]  }
0xcf: {  	[hbm4b:s26+s23] =	stream.linear.scatter [tilespmem:s23], [sflag:$0x1], $0x8000, $0x38;
	[tilespmem:$0x18100] =	vst v63  }
0xd0: {  	s30 =	rddreg [dreg:$0x19]  }
0xd1: {  	[hbm4b:s28+s23] =	stream.linear.scatter [tilespmem:s23], [sflag:$0x1], $0x400, $0x38;
	[tilespmem:$0x18100] =	vst v63  }
0xd2: {  	s26 =	rddreg [dreg:$0x1a]  }
0xd3: {  	[hbm4b:s30+s23] =	stream.linear.scatter [tilespmem:s4], [sflag:$0x1], $0x400, $0x38;
	[tilespmem:$0x18100] =	vst v63  }
0xd4: {  	s28 =	rddreg [dreg:$0x1b]  }
0xd5: {  	[hbm4b:s26+s23] =	stream.linear.scatter [tilespmem:s5], [sflag:$0x1], $0x400, $0x38;
	[tilespmem:$0x18100] =	vst v63  }
0xd6: {  	s30 =	rddreg [dreg:$0x1c]  }
0xd7: {  	[hbm4b:s28+s23] =	stream.linear.scatter [tilespmem:s6], [sflag:$0x1], $0x400, $0x38;
	[tilespmem:$0x18100] =	vst v63  }
0xd8: {  	s26 =	rddreg [dreg:$0x1d]  }
0xd9: {  	[hbm4b:s30+s23] =	stream.linear.scatter [tilespmem:s7], [sflag:$0x1], $0x400, $0x38;
	[tilespmem:$0x18100] =	vst v63  }
0xda: {  	s28 =	rddreg [dreg:$0x1e]  }
0xdb: {  	[hbm4b:s26+s23] =	stream.linear.scatter [tilespmem:s8], [sflag:$0x1], $0x400, $0x38;
	[tilespmem:$0x18100] =	vst v63  }
0xdc: {  	s30 =	rddreg [dreg:$0x1f]  }
0xdd: {  	[hbm4b:s28+s23] =	stream.linear.scatter [tilespmem:s9], [sflag:$0x1], $0x400, $0x38;
	[tilespmem:$0x18100] =	vst v63  }
0xde: {  	s26 =	sld [smem:$0x7D9]  }
0xdf: {  	[hbm4b:s30+s23] =	stream.linear.scatter [tilespmem:s10], [sflag:$0x1], $0x400, $0x38;
	[tilespmem:$0x18100] =	vst v63  }
0xe0: {  	s28 =	sld [smem:$0x7DA]  }
0xe1: {  	[hbm4b:s26+s23] =	stream.linear.scatter [tilespmem:s11], [sflag:$0x1], $0x400, $0x38;
	[tilespmem:$0x18100] =	vst v63  }
0xe2: {  	s30 =	sld [smem:$0x7DB]  }
0xe3: {  	[hbm4b:s28+s23] =	stream.linear.scatter [tilespmem:s12], [sflag:$0x1], $0x400, $0x38;
	[tilespmem:$0x18100] =	vst v63  }
0xe4: {  	s26 =	sld [smem:$0x7DC]  }
0xe5: {  	[hbm4b:s30+s23] =	stream.linear.scatter [tilespmem:s13], [sflag:$0x1], $0x400, $0x38;
	[tilespmem:$0x18100] =	vst v63  }
0xe6: {  	s28 =	rddreg [dreg:$0x7]  }
0xe7: {  	[hbm4b:s26+s23] =	stream.linear.scatter [tilespmem:s14], [sflag:$0x1], $0x400, $0x38;
	[tilespmem:$0x18100] =	vst v63  }
0xe8: {  	s30 =	sld [smem:$0x7DD]  }
0xe9: {  	[hbm4b:s28+s23] =	stream.linear.scatter [tilespmem:s23], [sflag:$0x1], $0x400, $0x38;
	[tilespmem:$0x18100] =	vst v63  }
0xea: {  	s26 =	sld [smem:$0x7DE]  }
0xeb: {  	[hbm4b:s30+s23] =	stream.linear.scatter [tilespmem:s4], [sflag:$0x1], $0x400, $0x38;
	[tilespmem:$0x18100] =	vst v63  }
0xec: {  	s28 =	sld [smem:$0x7DF]  }
0xed: {  	[hbm4b:s26+s23] =	stream.linear.scatter [tilespmem:s5], [sflag:$0x1], $0x400, $0x38;
	[tilespmem:$0x18100] =	vst v63  }
0xee: {  	s30 =	sld [smem:$0x7E0]  }
0xef: {  	[hbm4b:s28+s23] =	stream.linear.scatter [tilespmem:s6], [sflag:$0x1], $0x400, $0x38;
	[tilespmem:$0x18100] =	vst v63  }
0xf0: {  	s26 =	sld [smem:$0x7E1]  }
0xf1: {  	[hbm4b:s30+s23] =	stream.linear.scatter [tilespmem:s7], [sflag:$0x1], $0x400, $0x38;
	[tilespmem:$0x18100] =	vst v63  }
0xf2: {  	s28 =	sld [smem:$0x7E2]  }
0xf3: {  	[hbm4b:s26+s23] =	stream.linear.scatter [tilespmem:s8], [sflag:$0x1], $0x400, $0x38;
	[tilespmem:$0x18100] =	vst v63  }
0xf4: {  	s30 =	sld [smem:$0x7E3]  }
0xf5: {  	[hbm4b:s28+s23] =	stream.linear.scatter [tilespmem:s9], [sflag:$0x1], $0x400, $0x38;
	[tilespmem:$0x18100] =	vst v63  }
0xf6: {  	s26 =	sld [smem:$0x7E4]  }
0xf7: {  	[hbm4b:s30+s23] =	stream.linear.scatter [tilespmem:s10], [sflag:$0x1], $0x400, $0x38;
	[tilespmem:$0x18100] =	vst v63  }
0xf8: {  	s28 =	sld [smem:$0x7E5]  }
0xf9: {  	[hbm4b:s26+s23] =	stream.linear.scatter [tilespmem:s11], [sflag:$0x1], $0x400, $0x38;
	[tilespmem:$0x18100] =	vst v63  }
0xfa: {  	s30 =	sld [smem:$0x7E6]  }
0xfb: {  	[hbm4b:s28+s23] =	stream.linear.scatter [tilespmem:s12], [sflag:$0x1], $0x400, $0x38;
	[tilespmem:$0x18100] =	vst v63  }
0xfc: {  	s26 =	sld [smem:$0x7E7]  }
0xfd: {  	[hbm4b:s30+s23] =	stream.linear.scatter [tilespmem:s13], [sflag:$0x1], $0x400, $0x38;
	[tilespmem:$0x18100] =	vst v63  }
0xfe: {  	s28 =	rddreg [dreg:$0x8]  }
0xff: {  	[hbm4b:s26+s23] =	stream.linear.scatter [tilespmem:s14], [sflag:$0x1], $0x400, $0x38;
	[tilespmem:$0x18100] =	vst v63  }
0x100: {  	s30 =	sld [smem:$0x7E8]  }
0x101: {  	[hbm4b:s28+s23] =	stream.linear.scatter [tilespmem:s23], [sflag:$0x1], $0x400, $0x38;
	[tilespmem:$0x18100] =	vst v63  }
0x102: {  	s26 =	sld [smem:$0x7E9]  }
0x103: {  	[hbm4b:s30+s23] =	stream.linear.scatter [tilespmem:s4], [sflag:$0x1], $0x400, $0x38;
	[tilespmem:$0x18100] =	vst v63  }
0x104: {  	s28 =	sld [smem:$0x7EA]  }
0x105: {  	[hbm4b:s26+s23] =	stream.linear.scatter [tilespmem:s5], [sflag:$0x1], $0x400, $0x38;
	[tilespmem:$0x18100] =	vst v63  }
0x106: {  	s30 =	sld [smem:$0x7EB]  }
0x107: {  	[hbm4b:s28+s23] =	stream.linear.scatter [tilespmem:s6], [sflag:$0x1], $0x400, $0x38;
	[tilespmem:$0x18100] =	vst v63  }
0x108: {  	s26 =	sld [smem:$0x7EC]  }
0x109: {  	[hbm4b:s30+s23] =	stream.linear.scatter [tilespmem:s7], [sflag:$0x1], $0x400, $0x38;
	[tilespmem:$0x18100] =	vst v63  }
0x10a: {  	s28 =	sld [smem:$0x7ED]  }
0x10b: {  	[hbm4b:s26+s23] =	stream.linear.scatter [tilespmem:s8], [sflag:$0x1], $0x400, $0x38;
	[tilespmem:$0x18100] =	vst v63  }
0x10c: {  	s30 =	sld [smem:$0x7EE]  }
0x10d: {  	[hbm4b:s28+s23] =	stream.linear.scatter [tilespmem:s9], [sflag:$0x1], $0x400, $0x38;
	[tilespmem:$0x18100] =	vst v63  }
0x10e: {  	s26 =	sld [smem:$0x7EF]  }
0x10f: {  	[hbm4b:s30+s23] =	stream.linear.scatter [tilespmem:s10], [sflag:$0x1], $0x400, $0x38;
	[tilespmem:$0x18100] =	vst v63  }
0x110: {  	s28 =	sld [smem:$0x7F0]  }
0x111: {  	[hbm4b:s26+s23] =	stream.linear.scatter [tilespmem:s11], [sflag:$0x1], $0x400, $0x38;
	[tilespmem:$0x18100] =	vst v63  }
0x112: {  	s30 =	sld [smem:$0x7F1]  }
0x113: {  	[hbm4b:s28+s23] =	stream.linear.scatter [tilespmem:s12], [sflag:$0x1], $0x400, $0x38;
	[tilespmem:$0x18100] =	vst v63  }
0x114: {  	s26 =	sld [smem:$0x7F2]  }
0x115: {  	[hbm4b:s30+s23] =	stream.linear.scatter [tilespmem:s13], [sflag:$0x1], $0x400, $0x38;
	[tilespmem:$0x18100] =	vst v63  }
0x116: {  	s28 =	rddreg [dreg:$0x9]  }
0x117: {  	[hbm4b:s26+s23] =	stream.linear.scatter [tilespmem:s14], [sflag:$0x1], $0x400, $0x38;
	[tilespmem:$0x18100] =	vst v63  }
0x118: {  	s30 =	sld [smem:$0x7F3]  }
0x119: {  	[hbm4b:s28+s23] =	stream.linear.scatter [tilespmem:s23], [sflag:$0x1], $0x400, $0x38;
	[tilespmem:$0x18100] =	vst v63  }
0x11a: {  	s26 =	sld [smem:$0x7F4]  }
0x11b: {  	[hbm4b:s30+s23] =	stream.linear.scatter [tilespmem:s4], [sflag:$0x1], $0x400, $0x38;
	[tilespmem:$0x18100] =	vst v63  }
0x11c: {  	s28 =	sld [smem:$0x7F5]  }
0x11d: {  	[hbm4b:s26+s23] =	stream.linear.scatter [tilespmem:s5], [sflag:$0x1], $0x400, $0x38;
	[tilespmem:$0x18100] =	vst v63  }
0x11e: {  	s30 =	sld [smem:$0x7F6]  }
0x11f: {  	[hbm4b:s28+s23] =	stream.linear.scatter [tilespmem:s6], [sflag:$0x1], $0x400, $0x38;
	[tilespmem:$0x18100] =	vst v63  }
0x120: {  	s26 =	sld [smem:$0x7F7]  }
0x121: {  	[hbm4b:s30+s23] =	stream.linear.scatter [tilespmem:s7], [sflag:$0x1], $0x400, $0x38;
	[tilespmem:$0x18100] =	vst v63  }
0x122: {  	s28 =	sld [smem:$0x7F8]  }
0x123: {  	[hbm4b:s26+s23] =	stream.linear.scatter [tilespmem:s8], [sflag:$0x1], $0x400, $0x38;
	[tilespmem:$0x18100] =	vst v63  }
0x124: {  	s30 =	sld [smem:$0x7F9]  }
0x125: {  	[hbm4b:s28+s23] =	stream.linear.scatter [tilespmem:s9], [sflag:$0x1], $0x400, $0x38;
	[tilespmem:$0x18100] =	vst v63  }
0x126: {  	s26 =	sld [smem:$0x7FA]  }
0x127: {  	[hbm4b:s30+s23] =	stream.linear.scatter [tilespmem:s10], [sflag:$0x1], $0x400, $0x38;
	[tilespmem:$0x18100] =	vst v63  }
0x128: {  	s28 =	sld [smem:$0x7FB]  }
0x129: {  	[hbm4b:s26+s23] =	stream.linear.scatter [tilespmem:s11], [sflag:$0x1], $0x400, $0x38;
	[tilespmem:$0x18100] =	vst v63  }
0x12a: {  	s30 =	sld [smem:$0x7FC]  }
0x12b: {  	[hbm4b:s28+s23] =	stream.linear.scatter [tilespmem:s12], [sflag:$0x1], $0x400, $0x38;
	[tilespmem:$0x18100] =	vst v63  }
0x12c: {  	s26 =	sld [smem:$0x7FD]  }
0x12d: {  	[hbm4b:s30+s23] =	stream.linear.scatter [tilespmem:s13], [sflag:$0x1], $0x400, $0x38;
	[tilespmem:$0x18100] =	vst v63  }
0x12e: {  	_ = 	snop  }
0x12f: {  	[hbm4b:s26+s23] =	stream.linear.scatter [tilespmem:s14], [sflag:$0x1], $0x400, $0x38;
	[tilespmem:$0x18100] =	vst v63  }
0x130: {  	s28 =	rddreg [dreg:$0xa]  }
0x131: {  	[tilespmem:s16], [sflag:$0x2] =	stream.strided.gather [hbm4b:s28+s15], $0xC000, s4, s15, $0x38;
	[tilespmem:$0x18100] =	vst v63  }
0x132: {  	_ =	swait.ge [sflag:s20], $0xC000  }
0x133: {  	s25 =	simm.s32 $0x0;
	s30 =	simm.s32 $0xFFFFFFA1;
	[sflag:s20] =	ssyncset.done $0x0  }
0x134: {  	s29 =	smul.u32 s30, s30;
	s26 =	simm.s32 $0xFFFFFFA2;
	[sflag:s20] =	ssyncadd.s32 $0xFFFF4000  }
.LBB2_4:
0x135: {  	p0 =	sne.s32 s26, $0x60;
	v18 =	vld [tilespmem:$0x18000];
	s28 =	sand.u32 $0xF800, s23;
	s30 =	sand.u32 $0x380, s25  }
0x136: {  	v17 =	vmov s29;
	s28 =	sor.u32 s30, s28  }
0x137: {  	v17 =	vadd.s32 $0xFFFFFDC0, v17;
	v19 =	vld [tilespmem:s28+$0xC000]  }
0x138: {  	v17 =	vbroadcast v17, $0x0;
	_ =	sdelay $0x1  }
0x139: {  	v18 =	vadd.s32 v18, v17  }
0x13a: {  	vm0 =	vlt.u32 v18, $0x1D64  }
0x13b: {  	v18 =	vnsel vm0, $0x0, v19  }
0x13c: {  	[tilespmem:s28+$0xC000] =	vst v18  }
0x13d: {  	v18 =	vld [tilespmem:$0x18010];
	_ =	sdelay $0x1  }
0x13e: {  	v19 =	vld [tilespmem:s28+$0xC010];
	_ =	sdelay $0x2  }
0x13f: {  	v18 =	vadd.s32 v18, v17  }
0x140: {  	vm0 =	vlt.u32 v18, $0x1D64  }
0x141: {  	v18 =	vnsel vm0, $0x0, v19  }
0x142: {  	[tilespmem:s28+$0xC010] =	vst v18  }
0x143: {  	v18 =	vld [tilespmem:$0x18020];
	_ =	sdelay $0x1  }
0x144: {  	v19 =	vld [tilespmem:s28+$0xC020];
	_ =	sdelay $0x2  }
0x145: {  	v18 =	vadd.s32 v18, v17  }
0x146: {  	vm0 =	vlt.u32 v18, $0x1D64  }
0x147: {  	v18 =	vnsel vm0, $0x0, v19  }
0x148: {  	[tilespmem:s28+$0xC020] =	vst v18  }
0x149: {  	v18 =	vld [tilespmem:$0x18030];
	_ =	sdelay $0x1  }
0x14a: {  	v19 =	vld [tilespmem:s28+$0xC030];
	_ =	sdelay $0x2  }
0x14b: {  	v18 =	vadd.s32 v18, v17  }
0x14c: {  	vm0 =	vlt.u32 v18, $0x1D64  }
0x14d: {  	v18 =	vnsel vm0, $0x0, v19  }
0x14e: {  	[tilespmem:s28+$0xC030] =	vst v18  }
0x14f: {  	v18 =	vld [tilespmem:$0x18040];
	_ =	sdelay $0x1  }
0x150: {  	v19 =	vld [tilespmem:s28+$0xC040];
	_ =	sdelay $0x2  }
0x151: {  	v18 =	vadd.s32 v18, v17  }
0x152: {  	vm0 =	vlt.u32 v18, $0x1D64  }
0x153: {  	v18 =	vnsel vm0, $0x0, v19  }
0x154: {  	[tilespmem:s28+$0xC040] =	vst v18  }
0x155: {  	v18 =	vld [tilespmem:$0x18050];
	_ =	sdelay $0x1  }
0x156: {  	v19 =	vld [tilespmem:s28+$0xC050];
	_ =	sdelay $0x2  }
0x157: {  	v18 =	vadd.s32 v18, v17  }
0x158: {  	vm0 =	vlt.u32 v18, $0x1D64  }
0x159: {  	v18 =	vnsel vm0, $0x0, v19  }
0x15a: {  	[tilespmem:s28+$0xC050] =	vst v18  }
0x15b: {  	v18 =	vld [tilespmem:$0x18060];
	_ =	sdelay $0x1  }
0x15c: {  	v19 =	vld [tilespmem:s28+$0xC060];
	_ =	sdelay $0x2  }
0x15d: {  	v18 =	vadd.s32 v18, v17  }
0x15e: {  	vm0 =	vlt.u32 v18, $0x1D64  }
0x15f: {  	v18 =	vnsel vm0, $0x0, v19  }
0x160: {  	[tilespmem:s28+$0xC060] =	vst v18  }
0x161: {  	v18 =	vld [tilespmem:$0x18070];
	_ =	sdelay $0x1  }
0x162: {  	v19 =	vld [tilespmem:s28+$0xC070];
	_ =	sdelay $0x2  }
0x163: {  	v18 =	vadd.s32 v18, v17  }
0x164: {  	vm0 =	vlt.u32 v18, $0x1D64  }
0x165: {  	v18 =	vnsel vm0, $0x0, v19  }
0x166: {  	[tilespmem:s28+$0xC070] =	vst v18  }
0x167: {  	v18 =	vld [tilespmem:$0x18080];
	_ =	sdelay $0x1  }
0x168: {  	v19 =	vld [tilespmem:s28+$0xC400];
	_ =	sdelay $0x2  }
0x169: {  	v18 =	vadd.s32 v18, v17  }
0x16a: {  	vm0 =	vlt.u32 v18, $0x1D64  }
0x16b: {  	v18 =	vnsel vm0, $0x0, v19  }
0x16c: {  	[tilespmem:s28+$0xC400] =	vst v18  }
0x16d: {  	v18 =	vld [tilespmem:$0x18090];
	_ =	sdelay $0x1  }
0x16e: {  	v19 =	vld [tilespmem:s28+$0xC410];
	_ =	sdelay $0x2  }
0x16f: {  	v18 =	vadd.s32 v18, v17  }
0x170: {  	vm0 =	vlt.u32 v18, $0x1D64  }
0x171: {  	v18 =	vnsel vm0, $0x0, v19  }
0x172: {  	[tilespmem:s28+$0xC410] =	vst v18  }
0x173: {  	v18 =	vld [tilespmem:$0x180A0];
	_ =	sdelay $0x1  }
0x174: {  	v19 =	vld [tilespmem:s28+$0xC420];
	_ =	sdelay $0x2  }
0x175: {  	v18 =	vadd.s32 v18, v17  }
0x176: {  	vm0 =	vlt.u32 v18, $0x1D64  }
0x177: {  	v18 =	vnsel vm0, $0x0, v19  }
0x178: {  	[tilespmem:s28+$0xC420] =	vst v18  }
0x179: {  	v18 =	vld [tilespmem:$0x180B0];
	_ =	sdelay $0x1  }
0x17a: {  	v19 =	vld [tilespmem:s28+$0xC430];
	_ =	sdelay $0x2  }
0x17b: {  	v18 =	vadd.s32 v18, v17  }
0x17c: {  	vm0 =	vlt.u32 v18, $0x1D64  }
0x17d: {  	v18 =	vnsel vm0, $0x0, v19  }
0x17e: {  	[tilespmem:s28+$0xC430] =	vst v18  }
0x17f: {  	v18 =	vld [tilespmem:$0x180C0];
	_ =	sdelay $0x1  }
0x180: {  	v19 =	vld [tilespmem:s28+$0xC440];
	_ =	sdelay $0x2  }
0x181: {  	v18 =	vadd.s32 v18, v17  }
0x182: {  	vm0 =	vlt.u32 v18, $0x1D64  }
0x183: {  	v18 =	vnsel vm0, $0x0, v19  }
0x184: {  	[tilespmem:s28+$0xC440] =	vst v18  }
0x185: {  	v18 =	vld [tilespmem:$0x180D0];
	_ =	sdelay $0x1  }
0x186: {  	v19 =	vld [tilespmem:s28+$0xC450];
	_ =	sdelay $0x2  }
0x187: {  	v18 =	vadd.s32 v18, v17  }
0x188: {  	vm0 =	vlt.u32 v18, $0x1D64  }
0x189: {  	v18 =	vnsel vm0, $0x0, v19  }
0x18a: {  	[tilespmem:s28+$0xC450] =	vst v18  }
0x18b: {  	v18 =	vld [tilespmem:$0x180E0];
	_ =	sdelay $0x1  }
0x18c: {  	v19 =	vld [tilespmem:s28+$0xC460];
	_ =	sdelay $0x2  }
0x18d: {  	v18 =	vadd.s32 v18, v17  }
0x18e: {  	vm0 =	vlt.u32 v18, $0x1D64  }
0x18f: {  	v18 =	vnsel vm0, $0x0, v19  }
0x190: {  	[tilespmem:s28+$0xC460] =	vst v18  }
0x191: {  	v18 =	vld [tilespmem:$0x180F0];
	_ =	sdelay $0x1  }
0x192: {  	v19 =	vld [tilespmem:s28+$0xC470];
	_ =	sdelay $0x1  }
.Ltmp1:
0x193: {  	(pc) =	sbr.rel @p0 .LBB2_4-.Ltmp1, $4  }
0x194: {  	v17 =	vadd.s32 v18, v17  }
0x195: {  	vm0 =	vlt.u32 v17, $0x1D64  }
0x196: {  	s23 =	sadd.s32 $0x100, s23;
	v17 =	vnsel vm0, $0x0, v19  }
0x197: {  	s25 =	sadd.s32 $0x80, s25;
	s29 =	smul.u32 s26, s26;
	s26 =	sadd.s32 $0x1, s26;
	[tilespmem:s28+$0xC470] =	vst v17  }
0x198: {  	v17 =	vld [tilespmem:$0x18000];
	s23 =	sand.u32 $0xF800, s23;
	s25 =	sand.u32 $0x380, s25  }
0x199: {  	v18 =	vmov s29;
	s23 =	sor.u32 s25, s23  }
0x19a: {  	v18 =	vadd.s32 $0xFFFFFDC0, v18;
	v19 =	vld [tilespmem:s23+$0xC000]  }
0x19b: {  	v18 =	vbroadcast v18, $0x0;
	_ =	sdelay $0x1  }
0x19c: {  	v17 =	vadd.s32 v17, v18  }
0x19d: {  	vm0 =	vlt.u32 v17, $0x1D64  }
0x19e: {  	v17 =	vnsel vm0, $0x0, v19  }
0x19f: {  	[tilespmem:s23+$0xC000] =	vst v17  }
0x1a0: {  	v17 =	vld [tilespmem:$0x18010];
	_ =	sdelay $0x1  }
0x1a1: {  	v19 =	vld [tilespmem:s23+$0xC010];
	_ =	sdelay $0x2  }
0x1a2: {  	v17 =	vadd.s32 v17, v18  }
0x1a3: {  	vm13 =	vlt.u32 v17, $0x1D64  }
0x1a4: {  	v17 =	vnsel vm13, $0x0, v19  }
0x1a5: {  	[tilespmem:s23+$0xC010] =	vst v17  }
0x1a6: {  	v17 =	vld [tilespmem:$0x18020];
	_ =	sdelay $0x1  }
0x1a7: {  	v19 =	vld [tilespmem:s23+$0xC020];
	_ =	sdelay $0x2  }
0x1a8: {  	v17 =	vadd.s32 v17, v18  }
0x1a9: {  	vm14 =	vlt.u32 v17, $0x1D64  }
0x1aa: {  	v17 =	vnsel vm14, $0x0, v19  }
0x1ab: {  	[tilespmem:s23+$0xC020] =	vst v17  }
0x1ac: {  	v17 =	vld [tilespmem:$0x18030];
	_ =	sdelay $0x1  }
0x1ad: {  	v19 =	vld [tilespmem:s23+$0xC030];
	_ =	sdelay $0x2  }
0x1ae: {  	v17 =	vadd.s32 v17, v18  }
0x1af: {  	vm15 =	vlt.u32 v17, $0x1D64  }
0x1b0: {  	v17 =	vnsel vm15, $0x0, v19  }
0x1b1: {  	[tilespmem:s23+$0xC030] =	vst v17  }
0x1b2: {  	v17 =	vld [tilespmem:$0x18040];
	_ =	sdelay $0x1  }
0x1b3: {  	v19 =	vld [tilespmem:s23+$0xC040];
	_ =	sdelay $0x2  }
0x1b4: {  	v17 =	vadd.s32 v17, v18  }
0x1b5: {  	vm4 =	vlt.u32 v17, $0x1D64  }
0x1b6: {  	v17 =	vnsel vm4, $0x0, v19  }
0x1b7: {  	[tilespmem:s23+$0xC040] =	vst v17  }
0x1b8: {  	v17 =	vld [tilespmem:$0x18050];
	_ =	sdelay $0x1  }
0x1b9: {  	v19 =	vld [tilespmem:s23+$0xC050];
	_ =	sdelay $0x2  }
0x1ba: {  	v17 =	vadd.s32 v17, v18  }
0x1bb: {  	vm5 =	vlt.u32 v17, $0x1D64  }
0x1bc: {  	v17 =	vnsel vm5, $0x0, v19  }
0x1bd: {  	[tilespmem:s23+$0xC050] =	vst v17  }
0x1be: {  	v17 =	vld [tilespmem:$0x18060];
	_ =	sdelay $0x1  }
0x1bf: {  	v19 =	vld [tilespmem:s23+$0xC060];
	_ =	sdelay $0x2  }
0x1c0: {  	v17 =	vadd.s32 v17, v18  }
0x1c1: {  	vm6 =	vlt.u32 v17, $0x1D64  }
0x1c2: {  	v17 =	vnsel vm6, $0x0, v19  }
0x1c3: {  	[tilespmem:s23+$0xC060] =	vst v17  }
0x1c4: {  	v17 =	vld [tilespmem:$0x18070];
	_ =	sdelay $0x1  }
0x1c5: {  	v19 =	vld [tilespmem:s23+$0xC070];
	_ =	sdelay $0x2  }
0x1c6: {  	v17 =	vadd.s32 v17, v18  }
0x1c7: {  	vm7 =	vlt.u32 v17, $0x1D64  }
0x1c8: {  	v17 =	vnsel vm7, $0x0, v19  }
0x1c9: {  	[tilespmem:s23+$0xC070] =	vst v17  }
0x1ca: {  	v17 =	vld [tilespmem:$0x18080];
	_ =	sdelay $0x1  }
0x1cb: {  	v19 =	vld [tilespmem:s23+$0xC400];
	_ =	sdelay $0x2  }
0x1cc: {  	v17 =	vadd.s32 v17, v18  }
0x1cd: {  	vm8 =	vlt.u32 v17, $0x1D64  }
0x1ce: {  	v17 =	vnsel vm8, $0x0, v19  }
0x1cf: {  	[tilespmem:s23+$0xC400] =	vst v17  }
0x1d0: {  	v17 =	vld [tilespmem:$0x18090];
	_ =	sdelay $0x1  }
0x1d1: {  	v19 =	vld [tilespmem:s23+$0xC410];
	_ =	sdelay $0x2  }
0x1d2: {  	v17 =	vadd.s32 v17, v18  }
0x1d3: {  	vm9 =	vlt.u32 v17, $0x1D64  }
0x1d4: {  	v17 =	vnsel vm9, $0x0, v19  }
0x1d5: {  	[tilespmem:s23+$0xC410] =	vst v17  }
0x1d6: {  	v17 =	vld [tilespmem:$0x180A0];
	_ =	sdelay $0x1  }
0x1d7: {  	v19 =	vld [tilespmem:s23+$0xC420];
	_ =	sdelay $0x2  }
0x1d8: {  	v17 =	vadd.s32 v17, v18  }
0x1d9: {  	vm10 =	vlt.u32 v17, $0x1D64  }
0x1da: {  	v17 =	vnsel vm10, $0x0, v19  }
0x1db: {  	[tilespmem:s23+$0xC420] =	vst v17  }
0x1dc: {  	v17 =	vld [tilespmem:$0x180B0];
	_ =	sdelay $0x1  }
0x1dd: {  	v19 =	vld [tilespmem:s23+$0xC430];
	_ =	sdelay $0x2  }
0x1de: {  	v17 =	vadd.s32 v17, v18  }
0x1df: {  	vm11 =	vlt.u32 v17, $0x1D64  }
0x1e0: {  	v17 =	vnsel vm11, $0x0, v19  }
0x1e1: {  	[tilespmem:s23+$0xC430] =	vst v17  }
0x1e2: {  	v17 =	vld [tilespmem:$0x180C0];
	_ =	sdelay $0x1  }
0x1e3: {  	v19 =	vld [tilespmem:s23+$0xC440];
	_ =	sdelay $0x2  }
0x1e4: {  	v17 =	vadd.s32 v17, v18  }
0x1e5: {  	vm12 =	vlt.u32 v17, $0x1D64  }
0x1e6: {  	v17 =	vnsel vm12, $0x0, v19  }
0x1e7: {  	[tilespmem:s23+$0xC440] =	vst v17  }
0x1e8: {  	v17 =	vld [tilespmem:$0x180D0];
	_ =	sdelay $0x1  }
0x1e9: {  	v19 =	vld [tilespmem:s23+$0xC450];
	_ =	sdelay $0x2  }
0x1ea: {  	v17 =	vadd.s32 v17, v18  }
0x1eb: {  	vm13 =	vlt.u32 v17, $0x1D64  }
0x1ec: {  	v17 =	vnsel vm13, $0x0, v19  }
0x1ed: {  	[tilespmem:s23+$0xC450] =	vst v17  }
0x1ee: {  	v17 =	vld [tilespmem:$0x180E0];
	_ =	sdelay $0x1  }
0x1ef: {  	v19 =	vld [tilespmem:s23+$0xC460];
	_ =	sdelay $0x2  }
0x1f0: {  	v17 =	vadd.s32 v17, v18  }
0x1f1: {  	vm14 =	vlt.u32 v17, $0x1D64  }
0x1f2: {  	v17 =	vnsel vm14, $0x0, v19  }
0x1f3: {  	[tilespmem:s23+$0xC460] =	vst v17  }
0x1f4: {  	v17 =	vld [tilespmem:$0x180F0];
	_ =	sdelay $0x1  }
0x1f5: {  	v19 =	vld [tilespmem:s23+$0xC470];
	_ =	sdelay $0x2  }
0x1f6: {  	v17 =	vadd.s32 v17, v18  }
0x1f7: {  	vm15 =	vlt.u32 v17, $0x1D64  }
0x1f8: {  	v17 =	vnsel vm15, $0x0, v19  }
0x1f9: {  	s26 =	rddreg [dreg:$0xb];
	[tilespmem:s23+$0xC470] =	vst v17  }
0x1fa: {  	[hbm4b:s26+s15] =	stream.strided.scatter [tilespmem:s16], [sflag:$0x2], $0xC000, s4, s15, $0x38;
	[tilespmem:$0x18100] =	vst v63  }
0x1fb: {  	_ =	swait.ge [sflag:s20], $0xC000  }
0x1fc: {  	[sflag:s20] =	ssyncset.done $0x0  }
0x1fd: {  	[sflag:s20] =	ssyncadd.s32 $0xFFFF4000  }
0x1fe: {  	_ =	swait.ge [sflag:s21], $0xC000  }
0x1ff: {  	[sflag:s21] =	ssyncset.done $0x0  }
0x200: {  	[sflag:s21] =	ssyncadd.s32 $0xFFFF4000  }
0x201: {  	_ =	swait.ge [sflag:s21], $0x8000  }
0x202: {  	[sflag:s21] =	ssyncset.done $0x0  }
0x203: {  	[sflag:s21] =	ssyncadd.s32 $0xFFFF8000  }
0x204: {  	_ =	swait.ge [sflag:s21], $0xC000  }
0x205: {  	[sflag:s21] =	ssyncset.done $0x0  }
0x206: {  	[sflag:s21] =	ssyncadd.s32 $0xFFFF4000  }
0x207: {  	_ =	swait.ge [sflag:s21], $0x8000  }
0x208: {  	[sflag:s21] =	ssyncset.done $0x0  }
0x209: {  	[sflag:s21] =	ssyncadd.s32 $0xFFFF8000  }
0x20a: {  	_ =	swait.ge [sflag:s21], $0x3000  }
0x20b: {  	[sflag:s21] =	ssyncset.done $0x0  }
0x20c: {  	[sflag:s21] =	ssyncadd.s32 $0xFFFFD000  }
0x20d: {  	_ =	swait.ge [sflag:s21], $0x3000  }
0x20e: {  	[sflag:s21] =	ssyncset.done $0x0  }
0x20f: {  	[sflag:s21] =	ssyncadd.s32 $0xFFFFD000  }
0x210: {  	_ =	swait.ge [sflag:s21], $0x3000  }
0x211: {  	[sflag:s21] =	ssyncset.done $0x0  }
0x212: {  	[sflag:s21] =	ssyncadd.s32 $0xFFFFD000  }
0x213: {  	_ =	swait.ge [sflag:s21], $0x3000  }
0x214: {  	[sflag:s21] =	ssyncset.done $0x0  }
0x215: {  	s23 =	simm.s32 $0x0;
	s28 =	rddreg [dreg:$0xc];
	[sflag:s21] =	ssyncadd.s32 $0xFFFFD000  }
0x216: {  	[hbm4b:s28+s23] =	stream.linear.scatter [tilespmem:s23], [sflag:$0x1], $0xC000, $0x38;
	[tilespmem:$0x18100] =	vst v63  }
0x217: {  	s30 =	rddreg [dreg:$0xd]  }
0x218: {  	[hbm4b:s30+s23] =	stream.linear.scatter [tilespmem:s23], [sflag:$0x1], $0x8000, $0x38;
	[tilespmem:$0x18100] =	vst v63  }
0x219: {  	s26 =	rddreg [dreg:$0xe]  }
0x21a: {  	[hbm4b:s26+s23] =	stream.linear.scatter [tilespmem:s23], [sflag:$0x1], $0xC000, $0x38;
	[tilespmem:$0x18100] =	vst v63  }
0x21b: {  	s28 =	rddreg [dreg:$0xf]  }
0x21c: {  	[hbm4b:s28+s23] =	stream.linear.scatter [tilespmem:s23], [sflag:$0x1], $0x8000, $0x38;
	[tilespmem:$0x18100] =	vst v63  }
0x21d: {  	_ = 	snop  }
0x21e: {  	[hbm4b:s17+s23] =	stream.linear.scatter [tilespmem:s23], [sflag:$0x1], $0x400, $0x38;
	[tilespmem:$0x18100] =	vst v63  }
0x21f: {  	s30 =	sadd.s32 $0x200, s17  }
0x220: {  	[hbm4b:s30+s23] =	stream.linear.scatter [tilespmem:s4], [sflag:$0x1], $0x400, $0x38;
	[tilespmem:$0x18100] =	vst v63  }
0x221: {  	s26 =	sadd.s32 $0x400, s17  }
0x222: {  	[hbm4b:s26+s23] =	stream.linear.scatter [tilespmem:s5], [sflag:$0x1], $0x400, $0x38;
	[tilespmem:$0x18100] =	vst v63  }
0x223: {  	s28 =	sadd.s32 $0x600, s17  }
0x224: {  	[hbm4b:s28+s23] =	stream.linear.scatter [tilespmem:s6], [sflag:$0x1], $0x400, $0x38;
	[tilespmem:$0x18100] =	vst v63  }
0x225: {  	s30 =	sadd.s32 $0x800, s17  }
0x226: {  	[hbm4b:s30+s23] =	stream.linear.scatter [tilespmem:s7], [sflag:$0x1], $0x400, $0x38;
	[tilespmem:$0x18100] =	vst v63  }
0x227: {  	s26 =	sadd.s32 $0xA00, s17  }
0x228: {  	[hbm4b:s26+s23] =	stream.linear.scatter [tilespmem:s8], [sflag:$0x1], $0x400, $0x38;
	[tilespmem:$0x18100] =	vst v63  }
0x229: {  	s28 =	sadd.s32 $0xC00, s17  }
0x22a: {  	[hbm4b:s28+s23] =	stream.linear.scatter [tilespmem:s9], [sflag:$0x1], $0x400, $0x38;
	[tilespmem:$0x18100] =	vst v63  }
0x22b: {  	s30 =	sadd.s32 $0xE00, s17  }
0x22c: {  	[hbm4b:s30+s23] =	stream.linear.scatter [tilespmem:s10], [sflag:$0x1], $0x400, $0x38;
	[tilespmem:$0x18100] =	vst v63  }
0x22d: {  	s26 =	sadd.s32 $0x1000, s17  }
0x22e: {  	[hbm4b:s26+s23] =	stream.linear.scatter [tilespmem:s11], [sflag:$0x1], $0x400, $0x38;
	[tilespmem:$0x18100] =	vst v63  }
0x22f: {  	s28 =	sadd.s32 $0x1200, s17  }
0x230: {  	[hbm4b:s28+s23] =	stream.linear.scatter [tilespmem:s12], [sflag:$0x1], $0x400, $0x38;
	[tilespmem:$0x18100] =	vst v63  }
0x231: {  	s30 =	sadd.s32 $0x1400, s17  }
0x232: {  	[hbm4b:s30+s23] =	stream.linear.scatter [tilespmem:s13], [sflag:$0x1], $0x400, $0x38;
	[tilespmem:$0x18100] =	vst v63  }
0x233: {  	s26 =	sadd.s32 $0x1600, s17  }
0x234: {  	[hbm4b:s26+s23] =	stream.linear.scatter [tilespmem:s14], [sflag:$0x1], $0x400, $0x38;
	[tilespmem:$0x18100] =	vst v63  }
0x235: {  	_ = 	snop  }
0x236: {  	[hbm4b:s18+s23] =	stream.linear.scatter [tilespmem:s23], [sflag:$0x1], $0x400, $0x38;
	[tilespmem:$0x18100] =	vst v63  }
0x237: {  	s28 =	sadd.s32 $0x200, s18  }
0x238: {  	[hbm4b:s28+s23] =	stream.linear.scatter [tilespmem:s4], [sflag:$0x1], $0x400, $0x38;
	[tilespmem:$0x18100] =	vst v63  }
0x239: {  	s30 =	sadd.s32 $0x400, s18  }
0x23a: {  	[hbm4b:s30+s23] =	stream.linear.scatter [tilespmem:s5], [sflag:$0x1], $0x400, $0x38;
	[tilespmem:$0x18100] =	vst v63  }
0x23b: {  	s26 =	sadd.s32 $0x600, s18  }
0x23c: {  	[hbm4b:s26+s23] =	stream.linear.scatter [tilespmem:s6], [sflag:$0x1], $0x400, $0x38;
	[tilespmem:$0x18100] =	vst v63  }
0x23d: {  	s28 =	sadd.s32 $0x800, s18  }
0x23e: {  	[hbm4b:s28+s23] =	stream.linear.scatter [tilespmem:s7], [sflag:$0x1], $0x400, $0x38;
	[tilespmem:$0x18100] =	vst v63  }
0x23f: {  	s30 =	sadd.s32 $0xA00, s18  }
0x240: {  	[hbm4b:s30+s23] =	stream.linear.scatter [tilespmem:s8], [sflag:$0x1], $0x400, $0x38;
	[tilespmem:$0x18100] =	vst v63  }
0x241: {  	s26 =	sadd.s32 $0xC00, s18  }
0x242: {  	[hbm4b:s26+s23] =	stream.linear.scatter [tilespmem:s9], [sflag:$0x1], $0x400, $0x38;
	[tilespmem:$0x18100] =	vst v63  }
0x243: {  	s28 =	sadd.s32 $0xE00, s18  }
0x244: {  	[hbm4b:s28+s23] =	stream.linear.scatter [tilespmem:s10], [sflag:$0x1], $0x400, $0x38;
	[tilespmem:$0x18100] =	vst v63  }
0x245: {  	s30 =	sadd.s32 $0x1000, s18  }
0x246: {  	[hbm4b:s30+s23] =	stream.linear.scatter [tilespmem:s11], [sflag:$0x1], $0x400, $0x38;
	[tilespmem:$0x18100] =	vst v63  }
0x247: {  	s26 =	sadd.s32 $0x1200, s18  }
0x248: {  	[hbm4b:s26+s23] =	stream.linear.scatter [tilespmem:s12], [sflag:$0x1], $0x400, $0x38;
	[tilespmem:$0x18100] =	vst v63  }
0x249: {  	s28 =	sadd.s32 $0x1400, s18  }
0x24a: {  	[hbm4b:s28+s23] =	stream.linear.scatter [tilespmem:s13], [sflag:$0x1], $0x400, $0x38;
	[tilespmem:$0x18100] =	vst v63  }
0x24b: {  	s30 =	sadd.s32 $0x1600, s18  }
0x24c: {  	[hbm4b:s30+s23] =	stream.linear.scatter [tilespmem:s14], [sflag:$0x1], $0x400, $0x38;
	[tilespmem:$0x18100] =	vst v63  }
0x24d: {  	_ = 	snop  }
0x24e: {  	[hbm4b:s19+s23] =	stream.linear.scatter [tilespmem:s23], [sflag:$0x1], $0x400, $0x38;
	[tilespmem:$0x18100] =	vst v63  }
0x24f: {  	s26 =	sadd.s32 $0x200, s19  }
0x250: {  	[hbm4b:s26+s23] =	stream.linear.scatter [tilespmem:s4], [sflag:$0x1], $0x400, $0x38;
	[tilespmem:$0x18100] =	vst v63  }
0x251: {  	s28 =	sadd.s32 $0x400, s19  }
0x252: {  	[hbm4b:s28+s23] =	stream.linear.scatter [tilespmem:s5], [sflag:$0x1], $0x400, $0x38;
	[tilespmem:$0x18100] =	vst v63  }
0x253: {  	s30 =	sadd.s32 $0x600, s19  }
0x254: {  	[hbm4b:s30+s23] =	stream.linear.scatter [tilespmem:s6], [sflag:$0x1], $0x400, $0x38;
	[tilespmem:$0x18100] =	vst v63  }
0x255: {  	s26 =	sadd.s32 $0x800, s19  }
0x256: {  	[hbm4b:s26+s23] =	stream.linear.scatter [tilespmem:s7], [sflag:$0x1], $0x400, $0x38;
	[tilespmem:$0x18100] =	vst v63  }
0x257: {  	s28 =	sadd.s32 $0xA00, s19  }
0x258: {  	[hbm4b:s28+s23] =	stream.linear.scatter [tilespmem:s8], [sflag:$0x1], $0x400, $0x38;
	[tilespmem:$0x18100] =	vst v63  }
0x259: {  	s30 =	sadd.s32 $0xC00, s19  }
0x25a: {  	[hbm4b:s30+s23] =	stream.linear.scatter [tilespmem:s9], [sflag:$0x1], $0x400, $0x38;
	[tilespmem:$0x18100] =	vst v63  }
0x25b: {  	s26 =	sadd.s32 $0xE00, s19  }
0x25c: {  	[hbm4b:s26+s23] =	stream.linear.scatter [tilespmem:s10], [sflag:$0x1], $0x400, $0x38;
	[tilespmem:$0x18100] =	vst v63  }
0x25d: {  	s28 =	sadd.s32 $0x1000, s19  }
0x25e: {  	[hbm4b:s28+s23] =	stream.linear.scatter [tilespmem:s11], [sflag:$0x1], $0x400, $0x38;
	[tilespmem:$0x18100] =	vst v63  }
0x25f: {  	s30 =	sadd.s32 $0x1200, s19  }
0x260: {  	[hbm4b:s30+s23] =	stream.linear.scatter [tilespmem:s12], [sflag:$0x1], $0x400, $0x38;
	[tilespmem:$0x18100] =	vst v63  }
0x261: {  	s26 =	sadd.s32 $0x1400, s19  }
0x262: {  	[hbm4b:s26+s23] =	stream.linear.scatter [tilespmem:s13], [sflag:$0x1], $0x400, $0x38;
	[tilespmem:$0x18100] =	vst v63  }
0x263: {  	s28 =	sadd.s32 $0x1600, s19  }
0x264: {  	[hbm4b:s28+s23] =	stream.linear.scatter [tilespmem:s14], [sflag:$0x1], $0x400, $0x38;
	[tilespmem:$0x18100] =	vst v63  }
0x265: {  	_ = 	snop  }
0x266: {  	[hbm4b:s24+s23] =	stream.linear.scatter [tilespmem:s23], [sflag:$0x1], $0x400, $0x38;
	[tilespmem:$0x18100] =	vst v63  }
0x267: {  	s30 =	sadd.s32 $0x200, s24  }
0x268: {  	[hbm4b:s30+s23] =	stream.linear.scatter [tilespmem:s4], [sflag:$0x1], $0x400, $0x38;
	[tilespmem:$0x18100] =	vst v63  }
0x269: {  	s26 =	sadd.s32 $0x400, s24  }
0x26a: {  	[hbm4b:s26+s23] =	stream.linear.scatter [tilespmem:s5], [sflag:$0x1], $0x400, $0x38;
	[tilespmem:$0x18100] =	vst v63  }
0x26b: {  	s28 =	sadd.s32 $0x600, s24  }
0x26c: {  	[hbm4b:s28+s23] =	stream.linear.scatter [tilespmem:s6], [sflag:$0x1], $0x400, $0x38;
	[tilespmem:$0x18100] =	vst v63  }
0x26d: {  	s30 =	sadd.s32 $0x800, s24  }
0x26e: {  	[hbm4b:s30+s23] =	stream.linear.scatter [tilespmem:s7], [sflag:$0x1], $0x400, $0x38;
	[tilespmem:$0x18100] =	vst v63  }
0x26f: {  	s26 =	sadd.s32 $0xA00, s24  }
0x270: {  	[hbm4b:s26+s23] =	stream.linear.scatter [tilespmem:s8], [sflag:$0x1], $0x400, $0x38;
	[tilespmem:$0x18100] =	vst v63  }
0x271: {  	s28 =	sadd.s32 $0xC00, s24  }
0x272: {  	[hbm4b:s28+s23] =	stream.linear.scatter [tilespmem:s9], [sflag:$0x1], $0x400, $0x38;
	[tilespmem:$0x18100] =	vst v63  }
0x273: {  	s30 =	sadd.s32 $0xE00, s24  }
0x274: {  	[hbm4b:s30+s23] =	stream.linear.scatter [tilespmem:s10], [sflag:$0x1], $0x400, $0x38;
	[tilespmem:$0x18100] =	vst v63  }
0x275: {  	s26 =	sadd.s32 $0x1000, s24  }
0x276: {  	[hbm4b:s26+s23] =	stream.linear.scatter [tilespmem:s11], [sflag:$0x1], $0x400, $0x38;
	[tilespmem:$0x18100] =	vst v63  }
0x277: {  	s28 =	sadd.s32 $0x1200, s24  }
0x278: {  	[hbm4b:s28+s23] =	stream.linear.scatter [tilespmem:s12], [sflag:$0x1], $0x400, $0x38;
	[tilespmem:$0x18100] =	vst v63  }
0x279: {  	s30 =	sadd.s32 $0x1400, s24  }
0x27a: {  	[hbm4b:s30+s23] =	stream.linear.scatter [tilespmem:s13], [sflag:$0x1], $0x400, $0x38;
	[tilespmem:$0x18100] =	vst v63  }
0x27b: {  	s26 =	sadd.s32 $0x1600, s24  }
0x27c: {  	[hbm4b:s26+s23] =	stream.linear.scatter [tilespmem:s14], [sflag:$0x1], $0x400, $0x38;
	[tilespmem:$0x18100] =	vst v63  }
0x27d: {  	s28 =	rddreg [dreg:$0x10]  }
0x27e: {  	[tilespmem:s16], [sflag:$0x2] =	stream.strided.gather [hbm4b:s28+s15], $0xC000, s4, s15, $0x38;
	[tilespmem:$0x18100] =	vst v63  }
0x27f: {  	_ =	swait.ge [sflag:s20], $0xC000  }
0x280: {  	s25 =	simm.s32 $0x0;
	s30 =	simm.s32 $0xFFFFFFA1;
	[sflag:s20] =	ssyncset.done $0x0  }
0x281: {  	s29 =	smul.u32 s30, s30;
	s26 =	simm.s32 $0xFFFFFFA2;
	[sflag:s20] =	ssyncadd.s32 $0xFFFF4000  }
.LBB2_6:
0x282: {  	p0 =	sne.s32 s26, $0x60;
	v18 =	vld [tilespmem:$0x18000];
	s28 =	sand.u32 $0xF800, s23;
	s30 =	sand.u32 $0x380, s25  }
0x283: {  	v17 =	vmov s29;
	s28 =	sor.u32 s30, s28  }
0x284: {  	v17 =	vadd.s32 $0xFFFFFDC0, v17;
	v19 =	vld [tilespmem:s28+$0xC000]  }
0x285: {  	v17 =	vbroadcast v17, $0x0;
	_ =	sdelay $0x1  }
0x286: {  	v18 =	vadd.s32 v18, v17  }
0x287: {  	vm0 =	vlt.u32 v18, $0x1D64  }
0x288: {  	v18 =	vnsel vm0, $0x0, v19  }
0x289: {  	[tilespmem:s28+$0xC000] =	vst v18  }
0x28a: {  	v18 =	vld [tilespmem:$0x18010];
	_ =	sdelay $0x1  }
0x28b: {  	v19 =	vld [tilespmem:s28+$0xC010];
	_ =	sdelay $0x2  }
0x28c: {  	v18 =	vadd.s32 v18, v17  }
0x28d: {  	vm0 =	vlt.u32 v18, $0x1D64  }
0x28e: {  	v18 =	vnsel vm0, $0x0, v19  }
0x28f: {  	[tilespmem:s28+$0xC010] =	vst v18  }
0x290: {  	v18 =	vld [tilespmem:$0x18020];
	_ =	sdelay $0x1  }
0x291: {  	v19 =	vld [tilespmem:s28+$0xC020];
	_ =	sdelay $0x2  }
0x292: {  	v18 =	vadd.s32 v18, v17  }
0x293: {  	vm0 =	vlt.u32 v18, $0x1D64  }
0x294: {  	v18 =	vnsel vm0, $0x0, v19  }
0x295: {  	[tilespmem:s28+$0xC020] =	vst v18  }
0x296: {  	v18 =	vld [tilespmem:$0x18030];
	_ =	sdelay $0x1  }
0x297: {  	v19 =	vld [tilespmem:s28+$0xC030];
	_ =	sdelay $0x2  }
0x298: {  	v18 =	vadd.s32 v18, v17  }
0x299: {  	vm0 =	vlt.u32 v18, $0x1D64  }
0x29a: {  	v18 =	vnsel vm0, $0x0, v19  }
0x29b: {  	[tilespmem:s28+$0xC030] =	vst v18  }
0x29c: {  	v18 =	vld [tilespmem:$0x18040];
	_ =	sdelay $0x1  }
0x29d: {  	v19 =	vld [tilespmem:s28+$0xC040];
	_ =	sdelay $0x2  }
0x29e: {  	v18 =	vadd.s32 v18, v17  }
0x29f: {  	vm0 =	vlt.u32 v18, $0x1D64  }
0x2a0: {  	v18 =	vnsel vm0, $0x0, v19  }
0x2a1: {  	[tilespmem:s28+$0xC040] =	vst v18  }
0x2a2: {  	v18 =	vld [tilespmem:$0x18050];
	_ =	sdelay $0x1  }
0x2a3: {  	v19 =	vld [tilespmem:s28+$0xC050];
	_ =	sdelay $0x2  }
0x2a4: {  	v18 =	vadd.s32 v18, v17  }
0x2a5: {  	vm0 =	vlt.u32 v18, $0x1D64  }
0x2a6: {  	v18 =	vnsel vm0, $0x0, v19  }
0x2a7: {  	[tilespmem:s28+$0xC050] =	vst v18  }
0x2a8: {  	v18 =	vld [tilespmem:$0x18060];
	_ =	sdelay $0x1  }
0x2a9: {  	v19 =	vld [tilespmem:s28+$0xC060];
	_ =	sdelay $0x2  }
0x2aa: {  	v18 =	vadd.s32 v18, v17  }
0x2ab: {  	vm0 =	vlt.u32 v18, $0x1D64  }
0x2ac: {  	v18 =	vnsel vm0, $0x0, v19  }
0x2ad: {  	[tilespmem:s28+$0xC060] =	vst v18  }
0x2ae: {  	v18 =	vld [tilespmem:$0x18070];
	_ =	sdelay $0x1  }
0x2af: {  	v19 =	vld [tilespmem:s28+$0xC070];
	_ =	sdelay $0x2  }
0x2b0: {  	v18 =	vadd.s32 v18, v17  }
0x2b1: {  	vm0 =	vlt.u32 v18, $0x1D64  }
0x2b2: {  	v18 =	vnsel vm0, $0x0, v19  }
0x2b3: {  	[tilespmem:s28+$0xC070] =	vst v18  }
0x2b4: {  	v18 =	vld [tilespmem:$0x18080];
	_ =	sdelay $0x1  }
0x2b5: {  	v19 =	vld [tilespmem:s28+$0xC400];
	_ =	sdelay $0x2  }
0x2b6: {  	v18 =	vadd.s32 v18, v17  }
0x2b7: {  	vm0 =	vlt.u32 v18, $0x1D64  }
0x2b8: {  	v18 =	vnsel vm0, $0x0, v19  }
0x2b9: {  	[tilespmem:s28+$0xC400] =	vst v18  }
0x2ba: {  	v18 =	vld [tilespmem:$0x18090];
	_ =	sdelay $0x1  }
0x2bb: {  	v19 =	vld [tilespmem:s28+$0xC410];
	_ =	sdelay $0x2  }
0x2bc: {  	v18 =	vadd.s32 v18, v17  }
0x2bd: {  	vm0 =	vlt.u32 v18, $0x1D64  }
0x2be: {  	v18 =	vnsel vm0, $0x0, v19  }
0x2bf: {  	[tilespmem:s28+$0xC410] =	vst v18  }
0x2c0: {  	v18 =	vld [tilespmem:$0x180A0];
	_ =	sdelay $0x1  }
0x2c1: {  	v19 =	vld [tilespmem:s28+$0xC420];
	_ =	sdelay $0x2  }
0x2c2: {  	v18 =	vadd.s32 v18, v17  }
0x2c3: {  	vm0 =	vlt.u32 v18, $0x1D64  }
0x2c4: {  	v18 =	vnsel vm0, $0x0, v19  }
0x2c5: {  	[tilespmem:s28+$0xC420] =	vst v18  }
0x2c6: {  	v18 =	vld [tilespmem:$0x180B0];
	_ =	sdelay $0x1  }
0x2c7: {  	v19 =	vld [tilespmem:s28+$0xC430];
	_ =	sdelay $0x2  }
0x2c8: {  	v18 =	vadd.s32 v18, v17  }
0x2c9: {  	vm0 =	vlt.u32 v18, $0x1D64  }
0x2ca: {  	v18 =	vnsel vm0, $0x0, v19  }
0x2cb: {  	[tilespmem:s28+$0xC430] =	vst v18  }
0x2cc: {  	v18 =	vld [tilespmem:$0x180C0];
	_ =	sdelay $0x1  }
0x2cd: {  	v19 =	vld [tilespmem:s28+$0xC440];
	_ =	sdelay $0x2  }
0x2ce: {  	v18 =	vadd.s32 v18, v17  }
0x2cf: {  	vm0 =	vlt.u32 v18, $0x1D64  }
0x2d0: {  	v18 =	vnsel vm0, $0x0, v19  }
0x2d1: {  	[tilespmem:s28+$0xC440] =	vst v18  }
0x2d2: {  	v18 =	vld [tilespmem:$0x180D0];
	_ =	sdelay $0x1  }
0x2d3: {  	v19 =	vld [tilespmem:s28+$0xC450];
	_ =	sdelay $0x2  }
0x2d4: {  	v18 =	vadd.s32 v18, v17  }
0x2d5: {  	vm0 =	vlt.u32 v18, $0x1D64  }
0x2d6: {  	v18 =	vnsel vm0, $0x0, v19  }
0x2d7: {  	[tilespmem:s28+$0xC450] =	vst v18  }
0x2d8: {  	v18 =	vld [tilespmem:$0x180E0];
	_ =	sdelay $0x1  }
0x2d9: {  	v19 =	vld [tilespmem:s28+$0xC460];
	_ =	sdelay $0x2  }
0x2da: {  	v18 =	vadd.s32 v18, v17  }
0x2db: {  	vm0 =	vlt.u32 v18, $0x1D64  }
0x2dc: {  	v18 =	vnsel vm0, $0x0, v19  }
0x2dd: {  	[tilespmem:s28+$0xC460] =	vst v18  }
0x2de: {  	v18 =	vld [tilespmem:$0x180F0];
	_ =	sdelay $0x1  }
0x2df: {  	v19 =	vld [tilespmem:s28+$0xC470];
	_ =	sdelay $0x1  }
.Ltmp2:
0x2e0: {  	(pc) =	sbr.rel @p0 .LBB2_6-.Ltmp2, $4  }
0x2e1: {  	v17 =	vadd.s32 v18, v17  }
0x2e2: {  	vm0 =	vlt.u32 v17, $0x1D64  }
0x2e3: {  	s23 =	sadd.s32 $0x100, s23;
	v17 =	vnsel vm0, $0x0, v19  }
0x2e4: {  	s25 =	sadd.s32 $0x80, s25;
	s29 =	smul.u32 s26, s26;
	s26 =	sadd.s32 $0x1, s26;
	[tilespmem:s28+$0xC470] =	vst v17  }
0x2e5: {  	v17 =	vld [tilespmem:$0x18000];
	s23 =	sand.u32 $0xF800, s23;
	s25 =	sand.u32 $0x380, s25  }
0x2e6: {  	v18 =	vmov s29;
	s23 =	sor.u32 s25, s23  }
0x2e7: {  	v18 =	vadd.s32 $0xFFFFFDC0, v18;
	v19 =	vld [tilespmem:s23+$0xC000]  }
0x2e8: {  	v18 =	vbroadcast v18, $0x0;
	_ =	sdelay $0x1  }
0x2e9: {  	v17 =	vadd.s32 v17, v18  }
0x2ea: {  	vm0 =	vlt.u32 v17, $0x1D64  }
0x2eb: {  	v17 =	vnsel vm0, $0x0, v19  }
0x2ec: {  	[tilespmem:s23+$0xC000] =	vst v17  }
0x2ed: {  	v17 =	vld [tilespmem:$0x18010];
	_ =	sdelay $0x1  }
0x2ee: {  	v19 =	vld [tilespmem:s23+$0xC010];
	_ =	sdelay $0x2  }
0x2ef: {  	v17 =	vadd.s32 v17, v18  }
0x2f0: {  	vm13 =	vlt.u32 v17, $0x1D64  }
0x2f1: {  	v17 =	vnsel vm13, $0x0, v19  }
0x2f2: {  	[tilespmem:s23+$0xC010] =	vst v17  }
0x2f3: {  	v17 =	vld [tilespmem:$0x18020];
	_ =	sdelay $0x1  }
0x2f4: {  	v19 =	vld [tilespmem:s23+$0xC020];
	_ =	sdelay $0x2  }
0x2f5: {  	v17 =	vadd.s32 v17, v18  }
0x2f6: {  	vm14 =	vlt.u32 v17, $0x1D64  }
0x2f7: {  	v17 =	vnsel vm14, $0x0, v19  }
0x2f8: {  	[tilespmem:s23+$0xC020] =	vst v17  }
0x2f9: {  	v17 =	vld [tilespmem:$0x18030];
	_ =	sdelay $0x1  }
0x2fa: {  	v19 =	vld [tilespmem:s23+$0xC030];
	_ =	sdelay $0x2  }
0x2fb: {  	v17 =	vadd.s32 v17, v18  }
0x2fc: {  	vm15 =	vlt.u32 v17, $0x1D64  }
0x2fd: {  	v17 =	vnsel vm15, $0x0, v19  }
0x2fe: {  	[tilespmem:s23+$0xC030] =	vst v17  }
0x2ff: {  	v17 =	vld [tilespmem:$0x18040];
	_ =	sdelay $0x1  }
0x300: {  	v19 =	vld [tilespmem:s23+$0xC040];
	_ =	sdelay $0x2  }
0x301: {  	v17 =	vadd.s32 v17, v18  }
0x302: {  	vm4 =	vlt.u32 v17, $0x1D64  }
0x303: {  	v17 =	vnsel vm4, $0x0, v19  }
0x304: {  	[tilespmem:s23+$0xC040] =	vst v17  }
0x305: {  	v17 =	vld [tilespmem:$0x18050];
	_ =	sdelay $0x1  }
0x306: {  	v19 =	vld [tilespmem:s23+$0xC050];
	_ =	sdelay $0x2  }
0x307: {  	v17 =	vadd.s32 v17, v18  }
0x308: {  	vm5 =	vlt.u32 v17, $0x1D64  }
0x309: {  	v17 =	vnsel vm5, $0x0, v19  }
0x30a: {  	[tilespmem:s23+$0xC050] =	vst v17  }
0x30b: {  	v17 =	vld [tilespmem:$0x18060];
	_ =	sdelay $0x1  }
0x30c: {  	v19 =	vld [tilespmem:s23+$0xC060];
	_ =	sdelay $0x2  }
0x30d: {  	v17 =	vadd.s32 v17, v18  }
0x30e: {  	vm6 =	vlt.u32 v17, $0x1D64  }
0x30f: {  	v17 =	vnsel vm6, $0x0, v19  }
0x310: {  	[tilespmem:s23+$0xC060] =	vst v17  }
0x311: {  	v17 =	vld [tilespmem:$0x18070];
	_ =	sdelay $0x1  }
0x312: {  	v19 =	vld [tilespmem:s23+$0xC070];
	_ =	sdelay $0x2  }
0x313: {  	v17 =	vadd.s32 v17, v18  }
0x314: {  	vm7 =	vlt.u32 v17, $0x1D64  }
0x315: {  	v17 =	vnsel vm7, $0x0, v19  }
0x316: {  	[tilespmem:s23+$0xC070] =	vst v17  }
0x317: {  	v17 =	vld [tilespmem:$0x18080];
	_ =	sdelay $0x1  }
0x318: {  	v19 =	vld [tilespmem:s23+$0xC400];
	_ =	sdelay $0x2  }
0x319: {  	v17 =	vadd.s32 v17, v18  }
0x31a: {  	vm8 =	vlt.u32 v17, $0x1D64  }
0x31b: {  	v17 =	vnsel vm8, $0x0, v19  }
0x31c: {  	[tilespmem:s23+$0xC400] =	vst v17  }
0x31d: {  	v17 =	vld [tilespmem:$0x18090];
	_ =	sdelay $0x1  }
0x31e: {  	v19 =	vld [tilespmem:s23+$0xC410];
	_ =	sdelay $0x2  }
0x31f: {  	v17 =	vadd.s32 v17, v18  }
0x320: {  	vm9 =	vlt.u32 v17, $0x1D64  }
0x321: {  	v17 =	vnsel vm9, $0x0, v19  }
0x322: {  	[tilespmem:s23+$0xC410] =	vst v17  }
0x323: {  	v17 =	vld [tilespmem:$0x180A0];
	_ =	sdelay $0x1  }
0x324: {  	v19 =	vld [tilespmem:s23+$0xC420];
	_ =	sdelay $0x2  }
0x325: {  	v17 =	vadd.s32 v17, v18  }
0x326: {  	vm10 =	vlt.u32 v17, $0x1D64  }
0x327: {  	v17 =	vnsel vm10, $0x0, v19  }
0x328: {  	[tilespmem:s23+$0xC420] =	vst v17  }
0x329: {  	v17 =	vld [tilespmem:$0x180B0];
	_ =	sdelay $0x1  }
0x32a: {  	v19 =	vld [tilespmem:s23+$0xC430];
	_ =	sdelay $0x2  }
0x32b: {  	v17 =	vadd.s32 v17, v18  }
0x32c: {  	vm11 =	vlt.u32 v17, $0x1D64  }
0x32d: {  	v17 =	vnsel vm11, $0x0, v19  }
0x32e: {  	[tilespmem:s23+$0xC430] =	vst v17  }
0x32f: {  	v17 =	vld [tilespmem:$0x180C0];
	_ =	sdelay $0x1  }
0x330: {  	v19 =	vld [tilespmem:s23+$0xC440];
	_ =	sdelay $0x2  }
0x331: {  	v17 =	vadd.s32 v17, v18  }
0x332: {  	vm12 =	vlt.u32 v17, $0x1D64  }
0x333: {  	v17 =	vnsel vm12, $0x0, v19  }
0x334: {  	[tilespmem:s23+$0xC440] =	vst v17  }
0x335: {  	v17 =	vld [tilespmem:$0x180D0];
	_ =	sdelay $0x1  }
0x336: {  	v19 =	vld [tilespmem:s23+$0xC450];
	_ =	sdelay $0x2  }
0x337: {  	v17 =	vadd.s32 v17, v18  }
0x338: {  	vm13 =	vlt.u32 v17, $0x1D64  }
0x339: {  	v17 =	vnsel vm13, $0x0, v19  }
0x33a: {  	[tilespmem:s23+$0xC450] =	vst v17  }
0x33b: {  	v17 =	vld [tilespmem:$0x180E0];
	_ =	sdelay $0x1  }
0x33c: {  	v19 =	vld [tilespmem:s23+$0xC460];
	_ =	sdelay $0x2  }
0x33d: {  	v17 =	vadd.s32 v17, v18  }
0x33e: {  	vm14 =	vlt.u32 v17, $0x1D64  }
0x33f: {  	v17 =	vnsel vm14, $0x0, v19  }
0x340: {  	[tilespmem:s23+$0xC460] =	vst v17  }
0x341: {  	v17 =	vld [tilespmem:$0x180F0];
	_ =	sdelay $0x1  }
0x342: {  	v19 =	vld [tilespmem:s23+$0xC470];
	_ =	sdelay $0x2  }
0x343: {  	v17 =	vadd.s32 v17, v18  }
0x344: {  	vm15 =	vlt.u32 v17, $0x1D64  }
0x345: {  	v17 =	vnsel vm15, $0x0, v19  }
0x346: {  	s26 =	rddreg [dreg:$0x11];
	[tilespmem:s23+$0xC470] =	vst v17  }
0x347: {  	[hbm4b:s26+s15] =	stream.strided.scatter [tilespmem:s16], [sflag:$0x2], $0xC000, s4, s15, $0x38;
	[tilespmem:$0x18100] =	vst v63  }
0x348: {  	_ =	swait.ge [sflag:s20], $0xC000  }
0x349: {  	[sflag:s20] =	ssyncset.done $0x0  }
0x34a: {  	[sflag:s20] =	ssyncadd.s32 $0xFFFF4000  }
0x34b: {  	_ =	swait.ge [sflag:s21], $0xC000  }
0x34c: {  	[sflag:s21] =	ssyncset.done $0x0  }
0x34d: {  	[sflag:s21] =	ssyncadd.s32 $0xFFFF4000  }
0x34e: {  	_ =	swait.ge [sflag:s21], $0x8000  }
0x34f: {  	[sflag:s21] =	ssyncset.done $0x0  }
0x350: {  	[sflag:s21] =	ssyncadd.s32 $0xFFFF8000  }
0x351: {  	_ =	swait.ge [sflag:s21], $0xC000  }
0x352: {  	[sflag:s21] =	ssyncset.done $0x0  }
0x353: {  	[sflag:s21] =	ssyncadd.s32 $0xFFFF4000  }
0x354: {  	_ =	swait.ge [sflag:s21], $0x8000  }
0x355: {  	[sflag:s21] =	ssyncset.done $0x0  }
0x356: {  	[sflag:s21] =	ssyncadd.s32 $0xFFFF8000  }
0x357: {  	_ =	swait.ge [sflag:s21], $0x3000  }
0x358: {  	[sflag:s21] =	ssyncset.done $0x0  }
0x359: {  	[sflag:s21] =	ssyncadd.s32 $0xFFFFD000  }
0x35a: {  	_ =	swait.ge [sflag:s21], $0x3000  }
0x35b: {  	[sflag:s21] =	ssyncset.done $0x0  }
0x35c: {  	[sflag:s21] =	ssyncadd.s32 $0xFFFFD000  }
0x35d: {  	_ =	swait.ge [sflag:s21], $0x3000  }
0x35e: {  	[sflag:s21] =	ssyncset.done $0x0  }
0x35f: {  	[sflag:s21] =	ssyncadd.s32 $0xFFFFD000  }
0x360: {  	_ =	swait.ge [sflag:s21], $0x3000  }
0x361: {  	[sflag:s21] =	ssyncset.done $0x0  }
0x362: {  	s23 =	simm.s32 $0x0;
	s28 =	rddreg [dreg:$0x15];
	[sflag:s21] =	ssyncadd.s32 $0xFFFFD000  }
0x363: {  	[hbm4b:s28+s23] =	stream.linear.scatter [tilespmem:s23], [sflag:$0x1], $0xC000, $0x38;
	[tilespmem:$0x18100] =	vst v63  }
0x364: {  	s30 =	rddreg [dreg:$0x16]  }
0x365: {  	[hbm4b:s30+s23] =	stream.linear.scatter [tilespmem:s23], [sflag:$0x1], $0x8000, $0x38;
	[tilespmem:$0x18100] =	vst v63  }
0x366: {  	s26 =	rddreg [dreg:$0x17]  }
0x367: {  	[hbm4b:s26+s23] =	stream.linear.scatter [tilespmem:s23], [sflag:$0x1], $0xC000, $0x38;
	[tilespmem:$0x18100] =	vst v63  }
0x368: {  	s28 =	rddreg [dreg:$0x18]  }
0x369: {  	[hbm4b:s28+s23] =	stream.linear.scatter [tilespmem:s23], [sflag:$0x1], $0x8000, $0x38;
	[tilespmem:$0x18100] =	vst v63  }
0x36a: {  	_ = 	snop  }
0x36b: {  	[hbm4b:s31+s23] =	stream.linear.scatter [tilespmem:s23], [sflag:$0x1], $0x400, $0x38;
	[tilespmem:$0x18100] =	vst v63  }
0x36c: {  	s30 =	sadd.s32 $0x200, s31  }
0x36d: {  	[hbm4b:s30+s23] =	stream.linear.scatter [tilespmem:s4], [sflag:$0x1], $0x400, $0x38;
	[tilespmem:$0x18100] =	vst v63  }
0x36e: {  	s26 =	sadd.s32 $0x400, s31  }
0x36f: {  	[hbm4b:s26+s23] =	stream.linear.scatter [tilespmem:s5], [sflag:$0x1], $0x400, $0x38;
	[tilespmem:$0x18100] =	vst v63  }
0x370: {  	s28 =	sadd.s32 $0x600, s31  }
0x371: {  	[hbm4b:s28+s23] =	stream.linear.scatter [tilespmem:s6], [sflag:$0x1], $0x400, $0x38;
	[tilespmem:$0x18100] =	vst v63  }
0x372: {  	s30 =	sadd.s32 $0x800, s31  }
0x373: {  	[hbm4b:s30+s23] =	stream.linear.scatter [tilespmem:s7], [sflag:$0x1], $0x400, $0x38;
	[tilespmem:$0x18100] =	vst v63  }
0x374: {  	s26 =	sadd.s32 $0xA00, s31  }
0x375: {  	[hbm4b:s26+s23] =	stream.linear.scatter [tilespmem:s8], [sflag:$0x1], $0x400, $0x38;
	[tilespmem:$0x18100] =	vst v63  }
0x376: {  	s28 =	sadd.s32 $0xC00, s31  }
0x377: {  	[hbm4b:s28+s23] =	stream.linear.scatter [tilespmem:s9], [sflag:$0x1], $0x400, $0x38;
	[tilespmem:$0x18100] =	vst v63  }
0x378: {  	s30 =	sadd.s32 $0xE00, s31  }
0x379: {  	[hbm4b:s30+s23] =	stream.linear.scatter [tilespmem:s10], [sflag:$0x1], $0x400, $0x38;
	[tilespmem:$0x18100] =	vst v63  }
0x37a: {  	s26 =	sadd.s32 $0x1000, s31  }
0x37b: {  	[hbm4b:s26+s23] =	stream.linear.scatter [tilespmem:s11], [sflag:$0x1], $0x400, $0x38;
	[tilespmem:$0x18100] =	vst v63  }
0x37c: {  	s28 =	sadd.s32 $0x1200, s31  }
0x37d: {  	[hbm4b:s28+s23] =	stream.linear.scatter [tilespmem:s12], [sflag:$0x1], $0x400, $0x38;
	[tilespmem:$0x18100] =	vst v63  }
0x37e: {  	s30 =	sadd.s32 $0x1400, s31  }
0x37f: {  	[hbm4b:s30+s23] =	stream.linear.scatter [tilespmem:s13], [sflag:$0x1], $0x400, $0x38;
	[tilespmem:$0x18100] =	vst v63  }
0x380: {  	s26 =	sadd.s32 $0x1600, s31  }
0x381: {  	[hbm4b:s26+s23] =	stream.linear.scatter [tilespmem:s14], [sflag:$0x1], $0x400, $0x38;
	[tilespmem:$0x18100] =	vst v63  }
0x382: {  	_ = 	snop  }
0x383: {  	[hbm4b:s1+s23] =	stream.linear.scatter [tilespmem:s23], [sflag:$0x1], $0x400, $0x38;
	[tilespmem:$0x18100] =	vst v63  }
0x384: {  	s28 =	sadd.s32 $0x200, s1  }
0x385: {  	[hbm4b:s28+s23] =	stream.linear.scatter [tilespmem:s4], [sflag:$0x1], $0x400, $0x38;
	[tilespmem:$0x18100] =	vst v63  }
0x386: {  	s30 =	sadd.s32 $0x400, s1  }
0x387: {  	[hbm4b:s30+s23] =	stream.linear.scatter [tilespmem:s5], [sflag:$0x1], $0x400, $0x38;
	[tilespmem:$0x18100] =	vst v63  }
0x388: {  	s26 =	sadd.s32 $0x600, s1  }
0x389: {  	[hbm4b:s26+s23] =	stream.linear.scatter [tilespmem:s6], [sflag:$0x1], $0x400, $0x38;
	[tilespmem:$0x18100] =	vst v63  }
0x38a: {  	s28 =	sadd.s32 $0x800, s1  }
0x38b: {  	[hbm4b:s28+s23] =	stream.linear.scatter [tilespmem:s7], [sflag:$0x1], $0x400, $0x38;
	[tilespmem:$0x18100] =	vst v63  }
0x38c: {  	s30 =	sadd.s32 $0xA00, s1  }
0x38d: {  	[hbm4b:s30+s23] =	stream.linear.scatter [tilespmem:s8], [sflag:$0x1], $0x400, $0x38;
	[tilespmem:$0x18100] =	vst v63  }
0x38e: {  	s26 =	sadd.s32 $0xC00, s1  }
0x38f: {  	[hbm4b:s26+s23] =	stream.linear.scatter [tilespmem:s9], [sflag:$0x1], $0x400, $0x38;
	[tilespmem:$0x18100] =	vst v63  }
0x390: {  	s28 =	sadd.s32 $0xE00, s1  }
0x391: {  	[hbm4b:s28+s23] =	stream.linear.scatter [tilespmem:s10], [sflag:$0x1], $0x400, $0x38;
	[tilespmem:$0x18100] =	vst v63  }
0x392: {  	s30 =	sadd.s32 $0x1000, s1  }
0x393: {  	[hbm4b:s30+s23] =	stream.linear.scatter [tilespmem:s11], [sflag:$0x1], $0x400, $0x38;
	[tilespmem:$0x18100] =	vst v63  }
0x394: {  	s26 =	sadd.s32 $0x1200, s1  }
0x395: {  	[hbm4b:s26+s23] =	stream.linear.scatter [tilespmem:s12], [sflag:$0x1], $0x400, $0x38;
	[tilespmem:$0x18100] =	vst v63  }
0x396: {  	s28 =	sadd.s32 $0x1400, s1  }
0x397: {  	[hbm4b:s28+s23] =	stream.linear.scatter [tilespmem:s13], [sflag:$0x1], $0x400, $0x38;
	[tilespmem:$0x18100] =	vst v63  }
0x398: {  	s30 =	sadd.s32 $0x1600, s1  }
0x399: {  	[hbm4b:s30+s23] =	stream.linear.scatter [tilespmem:s14], [sflag:$0x1], $0x400, $0x38;
	[tilespmem:$0x18100] =	vst v63  }
0x39a: {  	_ = 	snop  }
0x39b: {  	[hbm4b:s0+s23] =	stream.linear.scatter [tilespmem:s23], [sflag:$0x1], $0x400, $0x38;
	[tilespmem:$0x18100] =	vst v63  }
0x39c: {  	s26 =	sadd.s32 $0x200, s0  }
0x39d: {  	[hbm4b:s26+s23] =	stream.linear.scatter [tilespmem:s4], [sflag:$0x1], $0x400, $0x38;
	[tilespmem:$0x18100] =	vst v63  }
0x39e: {  	s28 =	sadd.s32 $0x400, s0  }
0x39f: {  	[hbm4b:s28+s23] =	stream.linear.scatter [tilespmem:s5], [sflag:$0x1], $0x400, $0x38;
	[tilespmem:$0x18100] =	vst v63  }
0x3a0: {  	s30 =	sadd.s32 $0x600, s0  }
0x3a1: {  	[hbm4b:s30+s23] =	stream.linear.scatter [tilespmem:s6], [sflag:$0x1], $0x400, $0x38;
	[tilespmem:$0x18100] =	vst v63  }
0x3a2: {  	s26 =	sadd.s32 $0x800, s0  }
0x3a3: {  	[hbm4b:s26+s23] =	stream.linear.scatter [tilespmem:s7], [sflag:$0x1], $0x400, $0x38;
	[tilespmem:$0x18100] =	vst v63  }
0x3a4: {  	s28 =	sadd.s32 $0xA00, s0  }
0x3a5: {  	[hbm4b:s28+s23] =	stream.linear.scatter [tilespmem:s8], [sflag:$0x1], $0x400, $0x38;
	[tilespmem:$0x18100] =	vst v63  }
0x3a6: {  	s30 =	sadd.s32 $0xC00, s0  }
0x3a7: {  	[hbm4b:s30+s23] =	stream.linear.scatter [tilespmem:s9], [sflag:$0x1], $0x400, $0x38;
	[tilespmem:$0x18100] =	vst v63  }
0x3a8: {  	s26 =	sadd.s32 $0xE00, s0  }
0x3a9: {  	[hbm4b:s26+s23] =	stream.linear.scatter [tilespmem:s10], [sflag:$0x1], $0x400, $0x38;
	[tilespmem:$0x18100] =	vst v63  }
0x3aa: {  	s28 =	sadd.s32 $0x1000, s0  }
0x3ab: {  	[hbm4b:s28+s23] =	stream.linear.scatter [tilespmem:s11], [sflag:$0x1], $0x400, $0x38;
	[tilespmem:$0x18100] =	vst v63  }
0x3ac: {  	s30 =	sadd.s32 $0x1200, s0  }
0x3ad: {  	[hbm4b:s30+s23] =	stream.linear.scatter [tilespmem:s12], [sflag:$0x1], $0x400, $0x38;
	[tilespmem:$0x18100] =	vst v63  }
0x3ae: {  	s26 =	sadd.s32 $0x1400, s0  }
0x3af: {  	[hbm4b:s26+s23] =	stream.linear.scatter [tilespmem:s13], [sflag:$0x1], $0x400, $0x38;
	[tilespmem:$0x18100] =	vst v63  }
0x3b0: {  	s28 =	sadd.s32 $0x1600, s0  }
0x3b1: {  	[hbm4b:s28+s23] =	stream.linear.scatter [tilespmem:s14], [sflag:$0x1], $0x400, $0x38;
	[tilespmem:$0x18100] =	vst v63  }
0x3b2: {  	_ = 	snop  }
0x3b3: {  	[hbm4b:s2+s23] =	stream.linear.scatter [tilespmem:s23], [sflag:$0x1], $0x400, $0x38;
	[tilespmem:$0x18100] =	vst v63  }
0x3b4: {  	s30 =	sadd.s32 $0x200, s2  }
0x3b5: {  	[hbm4b:s30+s23] =	stream.linear.scatter [tilespmem:s4], [sflag:$0x1], $0x400, $0x38;
	[tilespmem:$0x18100] =	vst v63  }
0x3b6: {  	s26 =	sadd.s32 $0x400, s2  }
0x3b7: {  	[hbm4b:s26+s23] =	stream.linear.scatter [tilespmem:s5], [sflag:$0x1], $0x400, $0x38;
	[tilespmem:$0x18100] =	vst v63  }
0x3b8: {  	s28 =	sadd.s32 $0x600, s2  }
0x3b9: {  	[hbm4b:s28+s23] =	stream.linear.scatter [tilespmem:s6], [sflag:$0x1], $0x400, $0x38;
	[tilespmem:$0x18100] =	vst v63  }
0x3ba: {  	s30 =	sadd.s32 $0x800, s2  }
0x3bb: {  	[hbm4b:s30+s23] =	stream.linear.scatter [tilespmem:s7], [sflag:$0x1], $0x400, $0x38;
	[tilespmem:$0x18100] =	vst v63  }
0x3bc: {  	s26 =	sadd.s32 $0xA00, s2  }
0x3bd: {  	[hbm4b:s26+s23] =	stream.linear.scatter [tilespmem:s8], [sflag:$0x1], $0x400, $0x38;
	[tilespmem:$0x18100] =	vst v63  }
0x3be: {  	s28 =	sadd.s32 $0xC00, s2  }
0x3bf: {  	[hbm4b:s28+s23] =	stream.linear.scatter [tilespmem:s9], [sflag:$0x1], $0x400, $0x38;
	[tilespmem:$0x18100] =	vst v63  }
0x3c0: {  	s30 =	sadd.s32 $0xE00, s2  }
0x3c1: {  	[hbm4b:s30+s23] =	stream.linear.scatter [tilespmem:s10], [sflag:$0x1], $0x400, $0x38;
	[tilespmem:$0x18100] =	vst v63  }
0x3c2: {  	s26 =	sadd.s32 $0x1000, s2  }
0x3c3: {  	[hbm4b:s26+s23] =	stream.linear.scatter [tilespmem:s11], [sflag:$0x1], $0x400, $0x38;
	[tilespmem:$0x18100] =	vst v63  }
0x3c4: {  	s28 =	sadd.s32 $0x1200, s2  }
0x3c5: {  	[hbm4b:s28+s23] =	stream.linear.scatter [tilespmem:s12], [sflag:$0x1], $0x400, $0x38;
	[tilespmem:$0x18100] =	vst v63  }
0x3c6: {  	s30 =	sadd.s32 $0x1400, s2  }
0x3c7: {  	[hbm4b:s30+s23] =	stream.linear.scatter [tilespmem:s13], [sflag:$0x1], $0x400, $0x38;
	[tilespmem:$0x18100] =	vst v63  }
0x3c8: {  	s26 =	sadd.s32 $0x1600, s2  }
0x3c9: {  	[hbm4b:s26+s23] =	stream.linear.scatter [tilespmem:s14], [sflag:$0x1], $0x400, $0x38;
	[tilespmem:$0x18100] =	vst v63  }
0x3ca: {  	s28 =	rddreg [dreg:$0x12]  }
0x3cb: {  	[tilespmem:s16], [sflag:$0x2] =	stream.strided.gather [hbm4b:s28+s15], $0xC000, s4, s15, $0x38;
	[tilespmem:$0x18100] =	vst v63  }
0x3cc: {  	_ =	swait.ge [sflag:s20], $0xC000  }
0x3cd: {  	s25 =	simm.s32 $0x0;
	s30 =	simm.s32 $0xFFFFFFA1;
	[sflag:s20] =	ssyncset.done $0x0  }
0x3ce: {  	s29 =	smul.u32 s30, s30;
	s26 =	simm.s32 $0xFFFFFFA2;
	[sflag:s20] =	ssyncadd.s32 $0xFFFF4000  }
.LBB2_8:
0x3cf: {  	p0 =	sne.s32 s26, $0x60;
	v18 =	vld [tilespmem:$0x18000];
	s28 =	sand.u32 $0xF800, s23;
	s30 =	sand.u32 $0x380, s25  }
0x3d0: {  	v17 =	vmov s29;
	s28 =	sor.u32 s30, s28  }
0x3d1: {  	v17 =	vadd.s32 $0xFFFFFDC0, v17;
	v19 =	vld [tilespmem:s28+$0xC000]  }
0x3d2: {  	v17 =	vbroadcast v17, $0x0;
	_ =	sdelay $0x1  }
0x3d3: {  	v18 =	vadd.s32 v18, v17  }
0x3d4: {  	vm0 =	vlt.u32 v18, $0x1D64  }
0x3d5: {  	v18 =	vnsel vm0, $0x0, v19  }
0x3d6: {  	[tilespmem:s28+$0xC000] =	vst v18  }
0x3d7: {  	v18 =	vld [tilespmem:$0x18010];
	_ =	sdelay $0x1  }
0x3d8: {  	v19 =	vld [tilespmem:s28+$0xC010];
	_ =	sdelay $0x2  }
0x3d9: {  	v18 =	vadd.s32 v18, v17  }
0x3da: {  	vm0 =	vlt.u32 v18, $0x1D64  }
0x3db: {  	v18 =	vnsel vm0, $0x0, v19  }
0x3dc: {  	[tilespmem:s28+$0xC010] =	vst v18  }
0x3dd: {  	v18 =	vld [tilespmem:$0x18020];
	_ =	sdelay $0x1  }
0x3de: {  	v19 =	vld [tilespmem:s28+$0xC020];
	_ =	sdelay $0x2  }
0x3df: {  	v18 =	vadd.s32 v18, v17  }
0x3e0: {  	vm0 =	vlt.u32 v18, $0x1D64  }
0x3e1: {  	v18 =	vnsel vm0, $0x0, v19  }
0x3e2: {  	[tilespmem:s28+$0xC020] =	vst v18  }
0x3e3: {  	v18 =	vld [tilespmem:$0x18030];
	_ =	sdelay $0x1  }
0x3e4: {  	v19 =	vld [tilespmem:s28+$0xC030];
	_ =	sdelay $0x2  }
0x3e5: {  	v18 =	vadd.s32 v18, v17  }
0x3e6: {  	vm0 =	vlt.u32 v18, $0x1D64  }
0x3e7: {  	v18 =	vnsel vm0, $0x0, v19  }
0x3e8: {  	[tilespmem:s28+$0xC030] =	vst v18  }
0x3e9: {  	v18 =	vld [tilespmem:$0x18040];
	_ =	sdelay $0x1  }
0x3ea: {  	v19 =	vld [tilespmem:s28+$0xC040];
	_ =	sdelay $0x2  }
0x3eb: {  	v18 =	vadd.s32 v18, v17  }
0x3ec: {  	vm0 =	vlt.u32 v18, $0x1D64  }
0x3ed: {  	v18 =	vnsel vm0, $0x0, v19  }
0x3ee: {  	[tilespmem:s28+$0xC040] =	vst v18  }
0x3ef: {  	v18 =	vld [tilespmem:$0x18050];
	_ =	sdelay $0x1  }
0x3f0: {  	v19 =	vld [tilespmem:s28+$0xC050];
	_ =	sdelay $0x2  }
0x3f1: {  	v18 =	vadd.s32 v18, v17  }
0x3f2: {  	vm0 =	vlt.u32 v18, $0x1D64  }
0x3f3: {  	v18 =	vnsel vm0, $0x0, v19  }
0x3f4: {  	[tilespmem:s28+$0xC050] =	vst v18  }
0x3f5: {  	v18 =	vld [tilespmem:$0x18060];
	_ =	sdelay $0x1  }
0x3f6: {  	v19 =	vld [tilespmem:s28+$0xC060];
	_ =	sdelay $0x2  }
0x3f7: {  	v18 =	vadd.s32 v18, v17  }
0x3f8: {  	vm0 =	vlt.u32 v18, $0x1D64  }
0x3f9: {  	v18 =	vnsel vm0, $0x0, v19  }
0x3fa: {  	[tilespmem:s28+$0xC060] =	vst v18  }
0x3fb: {  	v18 =	vld [tilespmem:$0x18070];
	_ =	sdelay $0x1  }
0x3fc: {  	v19 =	vld [tilespmem:s28+$0xC070];
	_ =	sdelay $0x2  }
0x3fd: {  	v18 =	vadd.s32 v18, v17  }
0x3fe: {  	vm0 =	vlt.u32 v18, $0x1D64  }
0x3ff: {  	v18 =	vnsel vm0, $0x0, v19  }
0x400: {  	[tilespmem:s28+$0xC070] =	vst v18  }
0x401: {  	v18 =	vld [tilespmem:$0x18080];
	_ =	sdelay $0x1  }
0x402: {  	v19 =	vld [tilespmem:s28+$0xC400];
	_ =	sdelay $0x2  }
0x403: {  	v18 =	vadd.s32 v18, v17  }
0x404: {  	vm0 =	vlt.u32 v18, $0x1D64  }
0x405: {  	v18 =	vnsel vm0, $0x0, v19  }
0x406: {  	[tilespmem:s28+$0xC400] =	vst v18  }
0x407: {  	v18 =	vld [tilespmem:$0x18090];
	_ =	sdelay $0x1  }
0x408: {  	v19 =	vld [tilespmem:s28+$0xC410];
	_ =	sdelay $0x2  }
0x409: {  	v18 =	vadd.s32 v18, v17  }
0x40a: {  	vm0 =	vlt.u32 v18, $0x1D64  }
0x40b: {  	v18 =	vnsel vm0, $0x0, v19  }
0x40c: {  	[tilespmem:s28+$0xC410] =	vst v18  }
0x40d: {  	v18 =	vld [tilespmem:$0x180A0];
	_ =	sdelay $0x1  }
0x40e: {  	v19 =	vld [tilespmem:s28+$0xC420];
	_ =	sdelay $0x2  }
0x40f: {  	v18 =	vadd.s32 v18, v17  }
0x410: {  	vm0 =	vlt.u32 v18, $0x1D64  }
0x411: {  	v18 =	vnsel vm0, $0x0, v19  }
0x412: {  	[tilespmem:s28+$0xC420] =	vst v18  }
0x413: {  	v18 =	vld [tilespmem:$0x180B0];
	_ =	sdelay $0x1  }
0x414: {  	v19 =	vld [tilespmem:s28+$0xC430];
	_ =	sdelay $0x2  }
0x415: {  	v18 =	vadd.s32 v18, v17  }
0x416: {  	vm0 =	vlt.u32 v18, $0x1D64  }
0x417: {  	v18 =	vnsel vm0, $0x0, v19  }
0x418: {  	[tilespmem:s28+$0xC430] =	vst v18  }
0x419: {  	v18 =	vld [tilespmem:$0x180C0];
	_ =	sdelay $0x1  }
0x41a: {  	v19 =	vld [tilespmem:s28+$0xC440];
	_ =	sdelay $0x2  }
0x41b: {  	v18 =	vadd.s32 v18, v17  }
0x41c: {  	vm0 =	vlt.u32 v18, $0x1D64  }
0x41d: {  	v18 =	vnsel vm0, $0x0, v19  }
0x41e: {  	[tilespmem:s28+$0xC440] =	vst v18  }
0x41f: {  	v18 =	vld [tilespmem:$0x180D0];
	_ =	sdelay $0x1  }
0x420: {  	v19 =	vld [tilespmem:s28+$0xC450];
	_ =	sdelay $0x2  }
0x421: {  	v18 =	vadd.s32 v18, v17  }
0x422: {  	vm0 =	vlt.u32 v18, $0x1D64  }
0x423: {  	v18 =	vnsel vm0, $0x0, v19  }
0x424: {  	[tilespmem:s28+$0xC450] =	vst v18  }
0x425: {  	v18 =	vld [tilespmem:$0x180E0];
	_ =	sdelay $0x1  }
0x426: {  	v19 =	vld [tilespmem:s28+$0xC460];
	_ =	sdelay $0x2  }
0x427: {  	v18 =	vadd.s32 v18, v17  }
0x428: {  	vm0 =	vlt.u32 v18, $0x1D64  }
0x429: {  	v18 =	vnsel vm0, $0x0, v19  }
0x42a: {  	[tilespmem:s28+$0xC460] =	vst v18  }
0x42b: {  	v18 =	vld [tilespmem:$0x180F0];
	_ =	sdelay $0x1  }
0x42c: {  	v19 =	vld [tilespmem:s28+$0xC470];
	_ =	sdelay $0x1  }
.Ltmp3:
0x42d: {  	(pc) =	sbr.rel @p0 .LBB2_8-.Ltmp3, $4  }
0x42e: {  	v17 =	vadd.s32 v18, v17  }
0x42f: {  	vm0 =	vlt.u32 v17, $0x1D64  }
0x430: {  	s23 =	sadd.s32 $0x100, s23;
	v17 =	vnsel vm0, $0x0, v19  }
0x431: {  	s25 =	sadd.s32 $0x80, s25;
	s29 =	smul.u32 s26, s26;
	s26 =	sadd.s32 $0x1, s26;
	[tilespmem:s28+$0xC470] =	vst v17  }
0x432: {  	v17 =	vld [tilespmem:$0x18000];
	s23 =	sand.u32 $0xF800, s23;
	s25 =	sand.u32 $0x380, s25  }
0x433: {  	v18 =	vmov s29;
	s23 =	sor.u32 s25, s23  }
0x434: {  	v18 =	vadd.s32 $0xFFFFFDC0, v18;
	v19 =	vld [tilespmem:s23+$0xC000]  }
0x435: {  	v18 =	vbroadcast v18, $0x0;
	_ =	sdelay $0x1  }
0x436: {  	v17 =	vadd.s32 v17, v18  }
0x437: {  	vm0 =	vlt.u32 v17, $0x1D64  }
0x438: {  	v17 =	vnsel vm0, $0x0, v19  }
0x439: {  	[tilespmem:s23+$0xC000] =	vst v17  }
0x43a: {  	v17 =	vld [tilespmem:$0x18010];
	_ =	sdelay $0x1  }
0x43b: {  	v19 =	vld [tilespmem:s23+$0xC010];
	_ =	sdelay $0x2  }
0x43c: {  	v17 =	vadd.s32 v17, v18  }
0x43d: {  	vm13 =	vlt.u32 v17, $0x1D64  }
0x43e: {  	v17 =	vnsel vm13, $0x0, v19  }
0x43f: {  	[tilespmem:s23+$0xC010] =	vst v17  }
0x440: {  	v17 =	vld [tilespmem:$0x18020];
	_ =	sdelay $0x1  }
0x441: {  	v19 =	vld [tilespmem:s23+$0xC020];
	_ =	sdelay $0x2  }
0x442: {  	v17 =	vadd.s32 v17, v18  }
0x443: {  	vm14 =	vlt.u32 v17, $0x1D64  }
0x444: {  	v17 =	vnsel vm14, $0x0, v19  }
0x445: {  	[tilespmem:s23+$0xC020] =	vst v17  }
0x446: {  	v17 =	vld [tilespmem:$0x18030];
	_ =	sdelay $0x1  }
0x447: {  	v19 =	vld [tilespmem:s23+$0xC030];
	_ =	sdelay $0x2  }
0x448: {  	v17 =	vadd.s32 v17, v18  }
0x449: {  	vm15 =	vlt.u32 v17, $0x1D64  }
0x44a: {  	v17 =	vnsel vm15, $0x0, v19  }
0x44b: {  	[tilespmem:s23+$0xC030] =	vst v17  }
0x44c: {  	v17 =	vld [tilespmem:$0x18040];
	_ =	sdelay $0x1  }
0x44d: {  	v19 =	vld [tilespmem:s23+$0xC040];
	_ =	sdelay $0x2  }
0x44e: {  	v17 =	vadd.s32 v17, v18  }
0x44f: {  	vm4 =	vlt.u32 v17, $0x1D64  }
0x450: {  	v17 =	vnsel vm4, $0x0, v19  }
0x451: {  	[tilespmem:s23+$0xC040] =	vst v17  }
0x452: {  	v17 =	vld [tilespmem:$0x18050];
	_ =	sdelay $0x1  }
0x453: {  	v19 =	vld [tilespmem:s23+$0xC050];
	_ =	sdelay $0x2  }
0x454: {  	v17 =	vadd.s32 v17, v18  }
0x455: {  	vm5 =	vlt.u32 v17, $0x1D64  }
0x456: {  	v17 =	vnsel vm5, $0x0, v19  }
0x457: {  	[tilespmem:s23+$0xC050] =	vst v17  }
0x458: {  	v17 =	vld [tilespmem:$0x18060];
	_ =	sdelay $0x1  }
0x459: {  	v19 =	vld [tilespmem:s23+$0xC060];
	_ =	sdelay $0x2  }
0x45a: {  	v17 =	vadd.s32 v17, v18  }
0x45b: {  	vm6 =	vlt.u32 v17, $0x1D64  }
0x45c: {  	v17 =	vnsel vm6, $0x0, v19  }
0x45d: {  	[tilespmem:s23+$0xC060] =	vst v17  }
0x45e: {  	v17 =	vld [tilespmem:$0x18070];
	_ =	sdelay $0x1  }
0x45f: {  	v19 =	vld [tilespmem:s23+$0xC070];
	_ =	sdelay $0x2  }
0x460: {  	v17 =	vadd.s32 v17, v18  }
0x461: {  	vm7 =	vlt.u32 v17, $0x1D64  }
0x462: {  	v17 =	vnsel vm7, $0x0, v19  }
0x463: {  	[tilespmem:s23+$0xC070] =	vst v17  }
0x464: {  	v17 =	vld [tilespmem:$0x18080];
	_ =	sdelay $0x1  }
0x465: {  	v19 =	vld [tilespmem:s23+$0xC400];
	_ =	sdelay $0x2  }
0x466: {  	v17 =	vadd.s32 v17, v18  }
0x467: {  	vm8 =	vlt.u32 v17, $0x1D64  }
0x468: {  	v17 =	vnsel vm8, $0x0, v19  }
0x469: {  	[tilespmem:s23+$0xC400] =	vst v17  }
0x46a: {  	v17 =	vld [tilespmem:$0x18090];
	_ =	sdelay $0x1  }
0x46b: {  	v19 =	vld [tilespmem:s23+$0xC410];
	_ =	sdelay $0x2  }
0x46c: {  	v17 =	vadd.s32 v17, v18  }
0x46d: {  	vm9 =	vlt.u32 v17, $0x1D64  }
0x46e: {  	v17 =	vnsel vm9, $0x0, v19  }
0x46f: {  	[tilespmem:s23+$0xC410] =	vst v17  }
0x470: {  	v17 =	vld [tilespmem:$0x180A0];
	_ =	sdelay $0x1  }
0x471: {  	v19 =	vld [tilespmem:s23+$0xC420];
	_ =	sdelay $0x2  }
0x472: {  	v17 =	vadd.s32 v17, v18  }
0x473: {  	vm10 =	vlt.u32 v17, $0x1D64  }
0x474: {  	v17 =	vnsel vm10, $0x0, v19  }
0x475: {  	[tilespmem:s23+$0xC420] =	vst v17  }
0x476: {  	v17 =	vld [tilespmem:$0x180B0];
	_ =	sdelay $0x1  }
0x477: {  	v19 =	vld [tilespmem:s23+$0xC430];
	_ =	sdelay $0x2  }
0x478: {  	v17 =	vadd.s32 v17, v18  }
0x479: {  	vm11 =	vlt.u32 v17, $0x1D64  }
0x47a: {  	v17 =	vnsel vm11, $0x0, v19  }
0x47b: {  	[tilespmem:s23+$0xC430] =	vst v17  }
0x47c: {  	v17 =	vld [tilespmem:$0x180C0];
	_ =	sdelay $0x1  }
0x47d: {  	v19 =	vld [tilespmem:s23+$0xC440];
	_ =	sdelay $0x2  }
0x47e: {  	v17 =	vadd.s32 v17, v18  }
0x47f: {  	vm12 =	vlt.u32 v17, $0x1D64  }
0x480: {  	v17 =	vnsel vm12, $0x0, v19  }
0x481: {  	[tilespmem:s23+$0xC440] =	vst v17  }
0x482: {  	v17 =	vld [tilespmem:$0x180D0];
	_ =	sdelay $0x1  }
0x483: {  	v19 =	vld [tilespmem:s23+$0xC450];
	_ =	sdelay $0x2  }
0x484: {  	v17 =	vadd.s32 v17, v18  }
0x485: {  	vm13 =	vlt.u32 v17, $0x1D64  }
0x486: {  	v17 =	vnsel vm13, $0x0, v19  }
0x487: {  	[tilespmem:s23+$0xC450] =	vst v17  }
0x488: {  	v17 =	vld [tilespmem:$0x180E0];
	_ =	sdelay $0x1  }
0x489: {  	v19 =	vld [tilespmem:s23+$0xC460];
	_ =	sdelay $0x2  }
0x48a: {  	v17 =	vadd.s32 v17, v18  }
0x48b: {  	vm14 =	vlt.u32 v17, $0x1D64  }
0x48c: {  	v17 =	vnsel vm14, $0x0, v19  }
0x48d: {  	[tilespmem:s23+$0xC460] =	vst v17  }
0x48e: {  	v17 =	vld [tilespmem:$0x180F0];
	_ =	sdelay $0x1  }
0x48f: {  	v19 =	vld [tilespmem:s23+$0xC470];
	_ =	sdelay $0x2  }
0x490: {  	v17 =	vadd.s32 v17, v18  }
0x491: {  	vm15 =	vlt.u32 v17, $0x1D64  }
0x492: {  	v17 =	vnsel vm15, $0x0, v19  }
0x493: {  	s29 =	rddreg [dreg:$0x13];
	[tilespmem:s23+$0xC470] =	vst v17  }
0x494: {  	[hbm4b:s29+s15] =	stream.strided.scatter [tilespmem:s16], [sflag:$0x2], $0xC000, s4, s15, $0x38;
	[tilespmem:$0x18100] =	vst v63  }
0x495: {  	_ =	swait.ge [sflag:s20], $0xC000  }
0x496: {  	[sflag:s20] =	ssyncset.done $0x0  }
0x497: {  	[sflag:s20] =	ssyncadd.s32 $0xFFFF4000  }
0x498: {  	_ =	swait.ge [sflag:s21], $0xC000  }
0x499: {  	[sflag:s21] =	ssyncset.done $0x0  }
0x49a: {  	[sflag:s21] =	ssyncadd.s32 $0xFFFF4000  }
0x49b: {  	_ =	swait.ge [sflag:s21], $0x8000  }
0x49c: {  	[sflag:s21] =	ssyncset.done $0x0  }
0x49d: {  	[sflag:s21] =	ssyncadd.s32 $0xFFFF8000  }
0x49e: {  	_ =	swait.ge [sflag:s21], $0xC000  }
0x49f: {  	[sflag:s21] =	ssyncset.done $0x0  }
0x4a0: {  	[sflag:s21] =	ssyncadd.s32 $0xFFFF4000  }
0x4a1: {  	_ =	swait.ge [sflag:s21], $0x8000  }
0x4a2: {  	[sflag:s21] =	ssyncset.done $0x0  }
0x4a3: {  	[sflag:s21] =	ssyncadd.s32 $0xFFFF8000  }
0x4a4: {  	_ =	swait.ge [sflag:s21], $0x3000  }
0x4a5: {  	[sflag:s21] =	ssyncset.done $0x0  }
0x4a6: {  	[sflag:s21] =	ssyncadd.s32 $0xFFFFD000  }
0x4a7: {  	_ =	swait.ge [sflag:s21], $0x3000  }
0x4a8: {  	[sflag:s21] =	ssyncset.done $0x0  }
0x4a9: {  	[sflag:s21] =	ssyncadd.s32 $0xFFFFD000  }
0x4aa: {  	_ =	swait.ge [sflag:s21], $0x3000  }
0x4ab: {  	[sflag:s21] =	ssyncset.done $0x0  }
0x4ac: {  	[sflag:s21] =	ssyncadd.s32 $0xFFFFD000  }
0x4ad: {  	_ =	swait.ge [sflag:s21], $0x3000  }
0x4ae: {  	s22 =	sadd.s32 $0x1, s22;
	s30 =	rddreg [dreg:$0x14]  }
0x4af: {  	p0 =	sne.s32 s22, s30  }
.Ltmp4:
0x4b0: {  	_ = 	snop;
	(pc) =	sbr.rel @p0 .LBB2_1-.Ltmp4, $3  }
0x4b1: {  	_ =	sdelay $0x1  }
0x4b2: {  	[sflag:s21] =	ssyncset.done $0x0  }
0x4b3: {  	[sflag:s21] =	ssyncadd.s32 $0xFFFFD000  }
0x4b4: {  	_ =	sfence.sel $0x180000  }
0x4b5: {  	[bflag:$0x0] =	sbarrier.arrive $0xFFFF  }
0x4b6: {  	_ =	strace $0x90000047  }
0x4b7: {  	s0 =	stileid.u32;
	[bflag:$0x2] =	sbarrier.arrive $0xFFFF  }
0x4b8: {  	p0 =	sne.s32 s0, $0x0;
	s0 =	rddreg [dreg:$0x2]  }
0x4b9: {  	s0 =	sadd.s32 @!p0 $0x100000, s0  }
0x4ba: {  	[sflag:s0] =	ssyncadd.tile.s32 @!p0 $0x1;
	_ =	shalt  }
.Lfunc_end2:
_tile_overlayer_lowered:
.L_overlay_start_2:
0x4bb: {  	(tag) =	ssettag $0x2  }
0x4bc: {  	s0 =	rddreg [dreg:$0x0];
	s2 =	stileid.u32  }
0x4bd: {  	s1 =	rddreg [dreg:$0x1];
	p0 =	sne.s32 s2, $0x0  }
0x4be: {  	s3 =	rddreg [dreg:$0x2];
	[bflag:$0x3] =	sbarrier.arrive $0xFFFF;
	s2 =	simm.s32 @!p0 $0x1C02  }
0x4bf: {  	[timem:s3], [sflag:s2] =	dma.local @!p0 [hbm:s0], s1  }
0x4c0: {  	s0 =	simm.s32 @!p0 $0x2  }
0x4c1: {  	_ =	swait.ge @!p0 [sflag:s0], s1  }
0x4c2: {  	s1 =	ssub.s32 @!p0 $0x0, s1;
	[sflag:s0] =	ssyncset.done @!p0 $0x0  }
0x4c3: {  	[sflag:s0] =	ssyncadd.s32 @!p0 s1  }
0x4c4: {  	[bflag:$0x3] =	sbarrier.arrive $0xFFFF  }
0x4c5: {  	_ =	shalt  }

</sc_bundles>
